<compile_context>
chip_gen: v7x
topology: tpu7x:2x2x1
jax: 0.10.2.dev20260603
libtpu: 0.0.44.dev20260713+nightly
codegen_flags: <defaults>
</compile_context>

<pallas_src>
import functools

import jax
import jax.numpy as jnp
from jax import lax
from jax.experimental import pallas as pl
from jax.experimental.pallas import tpu as pltpu
from jax.experimental.pallas import tpu_sc as plsc

B = 16384
D = 32
L = 16
NC, NS = 2, 16
NW = NC * NS
BW = B // NW
CH = 128
NCH = BW // CH
NPASS = 2
BP = BW // NPASS
NGP = BP // L

_mesh = plsc.VectorSubcoreMesh(
    core_axis_name="c", subcore_axis_name="s", num_cores=NC, num_subcores=NS
)


@functools.partial(
    pl.kernel,
    out_type=jax.ShapeDtypeStruct((B,), jnp.float32),
    mesh=_mesh,
    compiler_params=pltpu.CompilerParams(needs_layout_passes=False),
    scratch_types=[
        pltpu.VMEM((NCH, CH), jnp.int32),
        pltpu.VMEM((NCH, CH), jnp.int32),
        pltpu.VMEM((BP, D), jnp.float32),
        pltpu.VMEM((BP, D), jnp.float32),
        pltpu.VMEM((BW,), jnp.float32),
        pltpu.VMEM((BW,), jnp.float32),
        pltpu.VMEM((L,), jnp.float32),
        pltpu.VMEM((BW,), jnp.float32),
        pltpu.SemaphoreType.DMA,
        pltpu.SemaphoreType.DMA,
    ],
)
def _mf_sc(uid_hbm, iid_hbm, ubias_hbm, ibias_hbm, gb_hbm, uemb_hbm, vemb_hbm,
           out_hbm, uid_v, iid_v, urows, vrows, ub_v, ib_v, gb_v, out_v,
           sem_rows, sem_bias):
    wid = lax.axis_index("s") * NC + lax.axis_index("c")
    base = wid * BW

    for j in range(NCH):
        pltpu.sync_copy(uid_hbm.at[pl.ds(base + j * CH, CH)], uid_v.at[j])
        pltpu.sync_copy(iid_hbm.at[pl.ds(base + j * CH, CH)], iid_v.at[j])
    pltpu.sync_copy(gb_hbm, gb_v)

    bias_copies = []
    for j in range(NCH):
        bias_copies.append(pltpu.async_copy(
            ubias_hbm.at[uid_v.at[j]], ub_v.at[pl.ds(j * CH, CH)], sem_bias))
        bias_copies.append(pltpu.async_copy(
            ibias_hbm.at[iid_v.at[j]], ib_v.at[pl.ds(j * CH, CH)], sem_bias))

    gb = gb_v[...]
    iota = lax.iota(jnp.int32, L)
    perm = {m: jnp.bitwise_xor(iota, m) for m in (1, 2, 4, 8)}
    low = {m: jnp.bitwise_and(iota, m) == 0 for m in (1, 2, 4, 8)}

    def fire(g, carry):
        j = g >> 3
        k = jnp.bitwise_and(g, 7) * L
        uids = uid_v[j, pl.ds(k, L)]
        iids = iid_v[j, pl.ds(k, L)]
        rl = jnp.bitwise_and(g, NGP - 1) * L
        for i in range(L):
            pltpu.async_copy(uemb_hbm.at[uids[i]], urows.at[rl + i], sem_rows)
            pltpu.async_copy(vemb_hbm.at[iids[i]], vrows.at[rl + i], sem_rows)
        return carry

    def group(g, carry):
        r0 = g * L
        rl = jnp.bitwise_and(g, NGP - 1) * L
        vecs = []
        for i in range(L):
            r = rl + i
            u0 = urows[r, pl.ds(0, L)]
            u1 = urows[r, pl.ds(L, L)]
            v0 = vrows[r, pl.ds(0, L)]
            v1 = vrows[r, pl.ds(L, L)]
            vecs.append(u0 * v0 + u1 * v1)
        for m in (1, 2, 4, 8):
            nxt = []
            for j2 in range(0, len(vecs), 2):
                a, b = vecs[j2], vecs[j2 + 1]
                nxt.append(jnp.where(low[m], a, b[perm[m]]) +
                           jnp.where(low[m], a[perm[m]], b))
            vecs = nxt
        dots = vecs[0]
        out_v[pl.ds(r0, L)] = (dots + ub_v[pl.ds(r0, L)] +
                               ib_v[pl.ds(r0, L)] + gb)
        return carry

    for p in range(NPASS):
        lax.fori_loop(p * NGP, (p + 1) * NGP, fire, 0)
        pltpu.make_async_copy(uemb_hbm.at[pl.ds(0, BP), :], urows,
                              sem_rows).wait()
        pltpu.make_async_copy(vemb_hbm.at[pl.ds(0, BP), :], vrows,
                              sem_rows).wait()
        if p == 0:
            for c in bias_copies:
                c.wait()
        lax.fori_loop(p * NGP, (p + 1) * NGP, group, 0)

    pltpu.sync_copy(out_v, out_hbm.at[pl.ds(base, BW)])


def kernel(user_id, item_id, user_bias, item_bias, global_bias, user_emb,
           item_emb):
    uid = jnp.asarray(user_id, jnp.int32)
    iid = jnp.asarray(item_id, jnp.int32)
    gb16 = jnp.broadcast_to(global_bias.astype(jnp.float32), (L,))
    return _mf_sc(uid, iid, user_bias, item_bias, gb16, user_emb, item_emb)

# --- scband reference (transcript-rebuilt; emitter-appended) ---
"""Pipeline reference for scband-mf-41575283425874 (READ-ONLY COPY).

The authoritative reference and input builder live on the scoring server;
editing this copy changes nothing except your own understanding.
"""

import jax, jax.numpy as jnp
import numpy as np

B = 16384
V = 1000000  # total_users == total_items
D = 32       # latent_size


def setup_inputs(seed: int = 0) -> dict:
    key = jax.random.key(seed)
    k1, k2, k3, k4 = jax.random.split(key, 4)
    user_id = jax.random.randint(k1, (B,), 0, V + 1)
    item_id = jax.random.randint(k2, (B,), 0, V + 1)
    user_bias = jnp.full((V + 1,), 0.1, dtype=jnp.float32)
    item_bias = jnp.full((V + 1,), 0.1, dtype=jnp.float32)
    global_bias = jnp.array([4.0], dtype=jnp.float32)
    user_emb = jax.random.normal(k3, (V + 1, D), dtype=jnp.float32)
    item_emb = jax.random.normal(k4, (V + 1, D), dtype=jnp.float32)
    return {
        "user_id": user_id,
        "item_id": item_id,
        "user_bias": user_bias,
        "item_bias": item_bias,
        "global_bias": global_bias,
        "user_emb": user_emb,
        "item_emb": item_emb,
    }


def reference(user_id, item_id, user_bias, item_bias, global_bias, user_emb, item_emb):
    # MF_dot path: bias gathers + embedding lookups + elementwise dot
    ub = jnp.take(user_bias, user_id, axis=0)          # [B]
    ib = jnp.take(item_bias, item_id, axis=0)          # [B]
    u = jnp.take(user_emb, user_id, axis=0)            # [B, D] (dropout p=0.0 -> identity)
    v = jnp.take(item_emb, item_id, axis=0)            # [B, D]
    rating = jnp.sum(u * v, axis=-1)                   # [B]
    return ub + ib + global_bias + rating              # [B]

if __name__ == "__main__":
    import jax
    _d = setup_inputs()
    print(jax.jit(kernel)(*tuple(_d.values())))

</pallas_src>

<mosaic_0001>
#map = affine_map<(d0, d1) -> (0)>
#map1 = affine_map<(d0, d1) -> (0, 0)>
module attributes {stable_mosaic.version = 14 : i64} {
  func.func @_mf_sc(%arg0: i32, %arg1: i32, %arg2: memref<16384xi32, #tpu.memory_space<hbm>>, %arg3: memref<16384xi32, #tpu.memory_space<hbm>>, %arg4: memref<1000001xf32, #tpu.memory_space<hbm>>, %arg5: memref<1000001xf32, #tpu.memory_space<hbm>>, %arg6: memref<16xf32, #tpu.memory_space<hbm>>, %arg7: memref<1000001x32xf32, #tpu.memory_space<hbm>>, %arg8: memref<1000001x32xf32, #tpu.memory_space<hbm>>, %arg9: memref<16384xf32, #tpu.memory_space<hbm>>, %arg10: memref<4x128xi32, #tpu.memory_space<vmem>>, %arg11: memref<4x128xi32, #tpu.memory_space<vmem>>, %arg12: memref<256x32xf32, #tpu.memory_space<vmem>>, %arg13: memref<256x32xf32, #tpu.memory_space<vmem>>, %arg14: memref<512xf32, #tpu.memory_space<vmem>>, %arg15: memref<512xf32, #tpu.memory_space<vmem>>, %arg16: memref<16xf32, #tpu.memory_space<vmem>>, %arg17: memref<512xf32, #tpu.memory_space<vmem>>, %arg18: memref<!tpu.dma_semaphore, #tpu.memory_space<semaphore_mem>>, %arg19: memref<!tpu.dma_semaphore, #tpu.memory_space<semaphore_mem>>) attributes {dimension_semantics = [#tpu.dimension_semantics<core_parallel>, #tpu.dimension_semantics<subcore_parallel>], iteration_bounds = array<i64: 2, 16>, scalar_prefetch = 0 : i64, scratch_operands = 10 : i64, tpu.core_type = #tpu.core_type<sc_vector_subcore>, window_params = [{transform_indices = #map}, {transform_indices = #map}, {transform_indices = #map}, {transform_indices = #map}, {transform_indices = #map}, {transform_indices = #map1}, {transform_indices = #map1}, {transform_indices = #map}]} {
    %mul3A = arith.constant 2 : i32
    %mul3A_0 = arith.muli %arg1, %mul3A : i32
    %add3A = arith.addi %mul3A_0, %arg0 : i32
    %mul3A_1 = arith.constant 512 : i32
    %mul3A_2 = arith.muli %add3A, %mul3A_1 : i32
    %add3A_3 = arith.constant 0 : i32
    %add3A_4 = arith.addi %mul3A_2, %add3A_3 : i32
    %run_scoped3A = arith.constant 0 : i32
    "tpu.region"() ({
      %run_scoped3A_233 = tpu.sem_alloc : memref<!tpu.dma_semaphore, #tpu.memory_space<semaphore_mem>>
      %dma_start3A_234 = arith.constant 0 : i32
      %dma_start3A_235 = tpu.memref_slice %arg10[%run_scoped3A, %dma_start3A_234] : memref<4x128xi32, #tpu.memory_space<vmem>> -> memref<1x128xi32, #tpu.memory_space<vmem>>
      %dma_start3A_236 = tpu.memref_squeeze %dma_start3A_235 : memref<1x128xi32, #tpu.memory_space<vmem>> -> memref<128xi32, #tpu.memory_space<vmem>>
      %dma_start3A_237 = tpu.memref_slice %arg2[%add3A_4] : memref<16384xi32, #tpu.memory_space<hbm>> -> memref<128xi32, #tpu.memory_space<hbm>>
      %dma_start3A_238 = arith.constant 0 : i32
      %dma_start3A_239 = tpu.memref_slice %arg10[%run_scoped3A, %dma_start3A_238] : memref<4x128xi32, #tpu.memory_space<vmem>> -> memref<1x128xi32, #tpu.memory_space<vmem>>
      %dma_start3A_240 = tpu.memref_squeeze %dma_start3A_239 : memref<1x128xi32, #tpu.memory_space<vmem>> -> memref<128xi32, #tpu.memory_space<vmem>>
      %dma_start3A_241 = tpu.memref_slice %arg2[%add3A_4] : memref<16384xi32, #tpu.memory_space<hbm>> -> memref<128xi32, #tpu.memory_space<hbm>>
      tpu.enqueue_dma source(%dma_start3A_241 : memref<128xi32, #tpu.memory_space<hbm>>) target(%dma_start3A_240 : memref<128xi32, #tpu.memory_space<vmem>>) target_semaphore(%run_scoped3A_233 : memref<!tpu.dma_semaphore, #tpu.memory_space<semaphore_mem>>)
      %dma_wait3A_242 = arith.constant 0 : i32
      %dma_wait3A_243 = tpu.memref_slice %arg10[%run_scoped3A, %dma_wait3A_242] : memref<4x128xi32, #tpu.memory_space<vmem>> -> memref<1x128xi32, #tpu.memory_space<vmem>>
      %dma_wait3A_244 = tpu.memref_squeeze %dma_wait3A_243 : memref<1x128xi32, #tpu.memory_space<vmem>> -> memref<128xi32, #tpu.memory_space<vmem>>
      %dma_wait3A_245 = tpu.memref_slice %arg2[%add3A_4] : memref<16384xi32, #tpu.memory_space<hbm>> -> memref<128xi32, #tpu.memory_space<hbm>>
      %dma_wait3A_246 = arith.constant 0 : i32
      %dma_wait3A_247 = tpu.memref_slice %arg10[%run_scoped3A, %dma_wait3A_246] : memref<4x128xi32, #tpu.memory_space<vmem>> -> memref<1x128xi32, #tpu.memory_space<vmem>>
      %dma_wait3A_248 = tpu.memref_squeeze %dma_wait3A_247 : memref<1x128xi32, #tpu.memory_space<vmem>> -> memref<128xi32, #tpu.memory_space<vmem>>
      %dma_wait3A_249 = tpu.memref_slice %arg2[%add3A_4] : memref<16384xi32, #tpu.memory_space<hbm>> -> memref<128xi32, #tpu.memory_space<hbm>>
      tpu.wait_dma2 semaphore(%run_scoped3A_233 : memref<!tpu.dma_semaphore, #tpu.memory_space<semaphore_mem>>) src(%dma_wait3A_249 : memref<128xi32, #tpu.memory_space<hbm>>) dst(%dma_wait3A_248 : memref<128xi32, #tpu.memory_space<vmem>>)
      tpu.yield
    }) : () -> ()
    %add3A_5 = arith.constant 0 : i32
    %add3A_6 = arith.addi %mul3A_2, %add3A_5 : i32
    %run_scoped3A_7 = arith.constant 0 : i32
    "tpu.region"() ({
      %run_scoped3A_233 = tpu.sem_alloc : memref<!tpu.dma_semaphore, #tpu.memory_space<semaphore_mem>>
      %dma_start3A_234 = arith.constant 0 : i32
      %dma_start3A_235 = tpu.memref_slice %arg11[%run_scoped3A_7, %dma_start3A_234] : memref<4x128xi32, #tpu.memory_space<vmem>> -> memref<1x128xi32, #tpu.memory_space<vmem>>
      %dma_start3A_236 = tpu.memref_squeeze %dma_start3A_235 : memref<1x128xi32, #tpu.memory_space<vmem>> -> memref<128xi32, #tpu.memory_space<vmem>>
      %dma_start3A_237 = tpu.memref_slice %arg3[%add3A_6] : memref<16384xi32, #tpu.memory_space<hbm>> -> memref<128xi32, #tpu.memory_space<hbm>>
      %dma_start3A_238 = arith.constant 0 : i32
      %dma_start3A_239 = tpu.memref_slice %arg11[%run_scoped3A_7, %dma_start3A_238] : memref<4x128xi32, #tpu.memory_space<vmem>> -> memref<1x128xi32, #tpu.memory_space<vmem>>
      %dma_start3A_240 = tpu.memref_squeeze %dma_start3A_239 : memref<1x128xi32, #tpu.memory_space<vmem>> -> memref<128xi32, #tpu.memory_space<vmem>>
      %dma_start3A_241 = tpu.memref_slice %arg3[%add3A_6] : memref<16384xi32, #tpu.memory_space<hbm>> -> memref<128xi32, #tpu.memory_space<hbm>>
      tpu.enqueue_dma source(%dma_start3A_241 : memref<128xi32, #tpu.memory_space<hbm>>) target(%dma_start3A_240 : memref<128xi32, #tpu.memory_space<vmem>>) target_semaphore(%run_scoped3A_233 : memref<!tpu.dma_semaphore, #tpu.memory_space<semaphore_mem>>)
      %dma_wait3A_242 = arith.constant 0 : i32
      %dma_wait3A_243 = tpu.memref_slice %arg11[%run_scoped3A_7, %dma_wait3A_242] : memref<4x128xi32, #tpu.memory_space<vmem>> -> memref<1x128xi32, #tpu.memory_space<vmem>>
      %dma_wait3A_244 = tpu.memref_squeeze %dma_wait3A_243 : memref<1x128xi32, #tpu.memory_space<vmem>> -> memref<128xi32, #tpu.memory_space<vmem>>
      %dma_wait3A_245 = tpu.memref_slice %arg3[%add3A_6] : memref<16384xi32, #tpu.memory_space<hbm>> -> memref<128xi32, #tpu.memory_space<hbm>>
      %dma_wait3A_246 = arith.constant 0 : i32
      %dma_wait3A_247 = tpu.memref_slice %arg11[%run_scoped3A_7, %dma_wait3A_246] : memref<4x128xi32, #tpu.memory_space<vmem>> -> memref<1x128xi32, #tpu.memory_space<vmem>>
      %dma_wait3A_248 = tpu.memref_squeeze %dma_wait3A_247 : memref<1x128xi32, #tpu.memory_space<vmem>> -> memref<128xi32, #tpu.memory_space<vmem>>
      %dma_wait3A_249 = tpu.memref_slice %arg3[%add3A_6] : memref<16384xi32, #tpu.memory_space<hbm>> -> memref<128xi32, #tpu.memory_space<hbm>>
      tpu.wait_dma2 semaphore(%run_scoped3A_233 : memref<!tpu.dma_semaphore, #tpu.memory_space<semaphore_mem>>) src(%dma_wait3A_249 : memref<128xi32, #tpu.memory_space<hbm>>) dst(%dma_wait3A_248 : memref<128xi32, #tpu.memory_space<vmem>>)
      tpu.yield
    }) : () -> ()
    %add3A_8 = arith.constant 128 : i32
    %add3A_9 = arith.addi %mul3A_2, %add3A_8 : i32
    %run_scoped3A_10 = arith.constant 1 : i32
    "tpu.region"() ({
      %run_scoped3A_233 = tpu.sem_alloc : memref<!tpu.dma_semaphore, #tpu.memory_space<semaphore_mem>>
      %dma_start3A_234 = arith.constant 0 : i32
      %dma_start3A_235 = tpu.memref_slice %arg10[%run_scoped3A_10, %dma_start3A_234] : memref<4x128xi32, #tpu.memory_space<vmem>> -> memref<1x128xi32, #tpu.memory_space<vmem>>
      %dma_start3A_236 = tpu.memref_squeeze %dma_start3A_235 : memref<1x128xi32, #tpu.memory_space<vmem>> -> memref<128xi32, #tpu.memory_space<vmem>>
      %dma_start3A_237 = tpu.memref_slice %arg2[%add3A_9] : memref<16384xi32, #tpu.memory_space<hbm>> -> memref<128xi32, #tpu.memory_space<hbm>>
      %dma_start3A_238 = arith.constant 0 : i32
      %dma_start3A_239 = tpu.memref_slice %arg10[%run_scoped3A_10, %dma_start3A_238] : memref<4x128xi32, #tpu.memory_space<vmem>> -> memref<1x128xi32, #tpu.memory_space<vmem>>
      %dma_start3A_240 = tpu.memref_squeeze %dma_start3A_239 : memref<1x128xi32, #tpu.memory_space<vmem>> -> memref<128xi32, #tpu.memory_space<vmem>>
      %dma_start3A_241 = tpu.memref_slice %arg2[%add3A_9] : memref<16384xi32, #tpu.memory_space<hbm>> -> memref<128xi32, #tpu.memory_space<hbm>>
      tpu.enqueue_dma source(%dma_start3A_241 : memref<128xi32, #tpu.memory_space<hbm>>) target(%dma_start3A_240 : memref<128xi32, #tpu.memory_space<vmem>>) target_semaphore(%run_scoped3A_233 : memref<!tpu.dma_semaphore, #tpu.memory_space<semaphore_mem>>)
      %dma_wait3A_242 = arith.constant 0 : i32
      %dma_wait3A_243 = tpu.memref_slice %arg10[%run_scoped3A_10, %dma_wait3A_242] : memref<4x128xi32, #tpu.memory_space<vmem>> -> memref<1x128xi32, #tpu.memory_space<vmem>>
      %dma_wait3A_244 = tpu.memref_squeeze %dma_wait3A_243 : memref<1x128xi32, #tpu.memory_space<vmem>> -> memref<128xi32, #tpu.memory_space<vmem>>
      %dma_wait3A_245 = tpu.memref_slice %arg2[%add3A_9] : memref<16384xi32, #tpu.memory_space<hbm>> -> memref<128xi32, #tpu.memory_space<hbm>>
      %dma_wait3A_246 = arith.constant 0 : i32
      %dma_wait3A_247 = tpu.memref_slice %arg10[%run_scoped3A_10, %dma_wait3A_246] : memref<4x128xi32, #tpu.memory_space<vmem>> -> memref<1x128xi32, #tpu.memory_space<vmem>>
      %dma_wait3A_248 = tpu.memref_squeeze %dma_wait3A_247 : memref<1x128xi32, #tpu.memory_space<vmem>> -> memref<128xi32, #tpu.memory_space<vmem>>
      %dma_wait3A_249 = tpu.memref_slice %arg2[%add3A_9] : memref<16384xi32, #tpu.memory_space<hbm>> -> memref<128xi32, #tpu.memory_space<hbm>>
      tpu.wait_dma2 semaphore(%run_scoped3A_233 : memref<!tpu.dma_semaphore, #tpu.memory_space<semaphore_mem>>) src(%dma_wait3A_249 : memref<128xi32, #tpu.memory_space<hbm>>) dst(%dma_wait3A_248 : memref<128xi32, #tpu.memory_space<vmem>>)
      tpu.yield
    }) : () -> ()
    %add3A_11 = arith.constant 128 : i32
    %add3A_12 = arith.addi %mul3A_2, %add3A_11 : i32
    %run_scoped3A_13 = arith.constant 1 : i32
    "tpu.region"() ({
      %run_scoped3A_233 = tpu.sem_alloc : memref<!tpu.dma_semaphore, #tpu.memory_space<semaphore_mem>>
      %dma_start3A_234 = arith.constant 0 : i32
      %dma_start3A_235 = tpu.memref_slice %arg11[%run_scoped3A_13, %dma_start3A_234] : memref<4x128xi32, #tpu.memory_space<vmem>> -> memref<1x128xi32, #tpu.memory_space<vmem>>
      %dma_start3A_236 = tpu.memref_squeeze %dma_start3A_235 : memref<1x128xi32, #tpu.memory_space<vmem>> -> memref<128xi32, #tpu.memory_space<vmem>>
      %dma_start3A_237 = tpu.memref_slice %arg3[%add3A_12] : memref<16384xi32, #tpu.memory_space<hbm>> -> memref<128xi32, #tpu.memory_space<hbm>>
      %dma_start3A_238 = arith.constant 0 : i32
      %dma_start3A_239 = tpu.memref_slice %arg11[%run_scoped3A_13, %dma_start3A_238] : memref<4x128xi32, #tpu.memory_space<vmem>> -> memref<1x128xi32, #tpu.memory_space<vmem>>
      %dma_start3A_240 = tpu.memref_squeeze %dma_start3A_239 : memref<1x128xi32, #tpu.memory_space<vmem>> -> memref<128xi32, #tpu.memory_space<vmem>>
      %dma_start3A_241 = tpu.memref_slice %arg3[%add3A_12] : memref<16384xi32, #tpu.memory_space<hbm>> -> memref<128xi32, #tpu.memory_space<hbm>>
      tpu.enqueue_dma source(%dma_start3A_241 : memref<128xi32, #tpu.memory_space<hbm>>) target(%dma_start3A_240 : memref<128xi32, #tpu.memory_space<vmem>>) target_semaphore(%run_scoped3A_233 : memref<!tpu.dma_semaphore, #tpu.memory_space<semaphore_mem>>)
      %dma_wait3A_242 = arith.constant 0 : i32
      %dma_wait3A_243 = tpu.memref_slice %arg11[%run_scoped3A_13, %dma_wait3A_242] : memref<4x128xi32, #tpu.memory_space<vmem>> -> memref<1x128xi32, #tpu.memory_space<vmem>>
      %dma_wait3A_244 = tpu.memref_squeeze %dma_wait3A_243 : memref<1x128xi32, #tpu.memory_space<vmem>> -> memref<128xi32, #tpu.memory_space<vmem>>
      %dma_wait3A_245 = tpu.memref_slice %arg3[%add3A_12] : memref<16384xi32, #tpu.memory_space<hbm>> -> memref<128xi32, #tpu.memory_space<hbm>>
      %dma_wait3A_246 = arith.constant 0 : i32
      %dma_wait3A_247 = tpu.memref_slice %arg11[%run_scoped3A_13, %dma_wait3A_246] : memref<4x128xi32, #tpu.memory_space<vmem>> -> memref<1x128xi32, #tpu.memory_space<vmem>>
      %dma_wait3A_248 = tpu.memref_squeeze %dma_wait3A_247 : memref<1x128xi32, #tpu.memory_space<vmem>> -> memref<128xi32, #tpu.memory_space<vmem>>
      %dma_wait3A_249 = tpu.memref_slice %arg3[%add3A_12] : memref<16384xi32, #tpu.memory_space<hbm>> -> memref<128xi32, #tpu.memory_space<hbm>>
      tpu.wait_dma2 semaphore(%run_scoped3A_233 : memref<!tpu.dma_semaphore, #tpu.memory_space<semaphore_mem>>) src(%dma_wait3A_249 : memref<128xi32, #tpu.memory_space<hbm>>) dst(%dma_wait3A_248 : memref<128xi32, #tpu.memory_space<vmem>>)
      tpu.yield
    }) : () -> ()
    %add3A_14 = arith.constant 256 : i32
    %add3A_15 = arith.addi %mul3A_2, %add3A_14 : i32
    %run_scoped3A_16 = arith.constant 2 : i32
    "tpu.region"() ({
      %run_scoped3A_233 = tpu.sem_alloc : memref<!tpu.dma_semaphore, #tpu.memory_space<semaphore_mem>>
      %dma_start3A_234 = arith.constant 0 : i32
      %dma_start3A_235 = tpu.memref_slice %arg10[%run_scoped3A_16, %dma_start3A_234] : memref<4x128xi32, #tpu.memory_space<vmem>> -> memref<1x128xi32, #tpu.memory_space<vmem>>
      %dma_start3A_236 = tpu.memref_squeeze %dma_start3A_235 : memref<1x128xi32, #tpu.memory_space<vmem>> -> memref<128xi32, #tpu.memory_space<vmem>>
      %dma_start3A_237 = tpu.memref_slice %arg2[%add3A_15] : memref<16384xi32, #tpu.memory_space<hbm>> -> memref<128xi32, #tpu.memory_space<hbm>>
      %dma_start3A_238 = arith.constant 0 : i32
      %dma_start3A_239 = tpu.memref_slice %arg10[%run_scoped3A_16, %dma_start3A_238] : memref<4x128xi32, #tpu.memory_space<vmem>> -> memref<1x128xi32, #tpu.memory_space<vmem>>
      %dma_start3A_240 = tpu.memref_squeeze %dma_start3A_239 : memref<1x128xi32, #tpu.memory_space<vmem>> -> memref<128xi32, #tpu.memory_space<vmem>>
      %dma_start3A_241 = tpu.memref_slice %arg2[%add3A_15] : memref<16384xi32, #tpu.memory_space<hbm>> -> memref<128xi32, #tpu.memory_space<hbm>>
      tpu.enqueue_dma source(%dma_start3A_241 : memref<128xi32, #tpu.memory_space<hbm>>) target(%dma_start3A_240 : memref<128xi32, #tpu.memory_space<vmem>>) target_semaphore(%run_scoped3A_233 : memref<!tpu.dma_semaphore, #tpu.memory_space<semaphore_mem>>)
      %dma_wait3A_242 = arith.constant 0 : i32
      %dma_wait3A_243 = tpu.memref_slice %arg10[%run_scoped3A_16, %dma_wait3A_242] : memref<4x128xi32, #tpu.memory_space<vmem>> -> memref<1x128xi32, #tpu.memory_space<vmem>>
      %dma_wait3A_244 = tpu.memref_squeeze %dma_wait3A_243 : memref<1x128xi32, #tpu.memory_space<vmem>> -> memref<128xi32, #tpu.memory_space<vmem>>
      %dma_wait3A_245 = tpu.memref_slice %arg2[%add3A_15] : memref<16384xi32, #tpu.memory_space<hbm>> -> memref<128xi32, #tpu.memory_space<hbm>>
      %dma_wait3A_246 = arith.constant 0 : i32
      %dma_wait3A_247 = tpu.memref_slice %arg10[%run_scoped3A_16, %dma_wait3A_246] : memref<4x128xi32, #tpu.memory_space<vmem>> -> memref<1x128xi32, #tpu.memory_space<vmem>>
      %dma_wait3A_248 = tpu.memref_squeeze %dma_wait3A_247 : memref<1x128xi32, #tpu.memory_space<vmem>> -> memref<128xi32, #tpu.memory_space<vmem>>
      %dma_wait3A_249 = tpu.memref_slice %arg2[%add3A_15] : memref<16384xi32, #tpu.memory_space<hbm>> -> memref<128xi32, #tpu.memory_space<hbm>>
      tpu.wait_dma2 semaphore(%run_scoped3A_233 : memref<!tpu.dma_semaphore, #tpu.memory_space<semaphore_mem>>) src(%dma_wait3A_249 : memref<128xi32, #tpu.memory_space<hbm>>) dst(%dma_wait3A_248 : memref<128xi32, #tpu.memory_space<vmem>>)
      tpu.yield
    }) : () -> ()
    %add3A_17 = arith.constant 256 : i32
    %add3A_18 = arith.addi %mul3A_2, %add3A_17 : i32
    %run_scoped3A_19 = arith.constant 2 : i32
    "tpu.region"() ({
      %run_scoped3A_233 = tpu.sem_alloc : memref<!tpu.dma_semaphore, #tpu.memory_space<semaphore_mem>>
      %dma_start3A_234 = arith.constant 0 : i32
      %dma_start3A_235 = tpu.memref_slice %arg11[%run_scoped3A_19, %dma_start3A_234] : memref<4x128xi32, #tpu.memory_space<vmem>> -> memref<1x128xi32, #tpu.memory_space<vmem>>
      %dma_start3A_236 = tpu.memref_squeeze %dma_start3A_235 : memref<1x128xi32, #tpu.memory_space<vmem>> -> memref<128xi32, #tpu.memory_space<vmem>>
      %dma_start3A_237 = tpu.memref_slice %arg3[%add3A_18] : memref<16384xi32, #tpu.memory_space<hbm>> -> memref<128xi32, #tpu.memory_space<hbm>>
      %dma_start3A_238 = arith.constant 0 : i32
      %dma_start3A_239 = tpu.memref_slice %arg11[%run_scoped3A_19, %dma_start3A_238] : memref<4x128xi32, #tpu.memory_space<vmem>> -> memref<1x128xi32, #tpu.memory_space<vmem>>
      %dma_start3A_240 = tpu.memref_squeeze %dma_start3A_239 : memref<1x128xi32, #tpu.memory_space<vmem>> -> memref<128xi32, #tpu.memory_space<vmem>>
      %dma_start3A_241 = tpu.memref_slice %arg3[%add3A_18] : memref<16384xi32, #tpu.memory_space<hbm>> -> memref<128xi32, #tpu.memory_space<hbm>>
      tpu.enqueue_dma source(%dma_start3A_241 : memref<128xi32, #tpu.memory_space<hbm>>) target(%dma_start3A_240 : memref<128xi32, #tpu.memory_space<vmem>>) target_semaphore(%run_scoped3A_233 : memref<!tpu.dma_semaphore, #tpu.memory_space<semaphore_mem>>)
      %dma_wait3A_242 = arith.constant 0 : i32
      %dma_wait3A_243 = tpu.memref_slice %arg11[%run_scoped3A_19, %dma_wait3A_242] : memref<4x128xi32, #tpu.memory_space<vmem>> -> memref<1x128xi32, #tpu.memory_space<vmem>>
      %dma_wait3A_244 = tpu.memref_squeeze %dma_wait3A_243 : memref<1x128xi32, #tpu.memory_space<vmem>> -> memref<128xi32, #tpu.memory_space<vmem>>
      %dma_wait3A_245 = tpu.memref_slice %arg3[%add3A_18] : memref<16384xi32, #tpu.memory_space<hbm>> -> memref<128xi32, #tpu.memory_space<hbm>>
      %dma_wait3A_246 = arith.constant 0 : i32
      %dma_wait3A_247 = tpu.memref_slice %arg11[%run_scoped3A_19, %dma_wait3A_246] : memref<4x128xi32, #tpu.memory_space<vmem>> -> memref<1x128xi32, #tpu.memory_space<vmem>>
      %dma_wait3A_248 = tpu.memref_squeeze %dma_wait3A_247 : memref<1x128xi32, #tpu.memory_space<vmem>> -> memref<128xi32, #tpu.memory_space<vmem>>
      %dma_wait3A_249 = tpu.memref_slice %arg3[%add3A_18] : memref<16384xi32, #tpu.memory_space<hbm>> -> memref<128xi32, #tpu.memory_space<hbm>>
      tpu.wait_dma2 semaphore(%run_scoped3A_233 : memref<!tpu.dma_semaphore, #tpu.memory_space<semaphore_mem>>) src(%dma_wait3A_249 : memref<128xi32, #tpu.memory_space<hbm>>) dst(%dma_wait3A_248 : memref<128xi32, #tpu.memory_space<vmem>>)
      tpu.yield
    }) : () -> ()
    %add3A_20 = arith.constant 384 : i32
    %add3A_21 = arith.addi %mul3A_2, %add3A_20 : i32
    %run_scoped3A_22 = arith.constant 3 : i32
    "tpu.region"() ({
      %run_scoped3A_233 = tpu.sem_alloc : memref<!tpu.dma_semaphore, #tpu.memory_space<semaphore_mem>>
      %dma_start3A_234 = arith.constant 0 : i32
      %dma_start3A_235 = tpu.memref_slice %arg10[%run_scoped3A_22, %dma_start3A_234] : memref<4x128xi32, #tpu.memory_space<vmem>> -> memref<1x128xi32, #tpu.memory_space<vmem>>
      %dma_start3A_236 = tpu.memref_squeeze %dma_start3A_235 : memref<1x128xi32, #tpu.memory_space<vmem>> -> memref<128xi32, #tpu.memory_space<vmem>>
      %dma_start3A_237 = tpu.memref_slice %arg2[%add3A_21] : memref<16384xi32, #tpu.memory_space<hbm>> -> memref<128xi32, #tpu.memory_space<hbm>>
      %dma_start3A_238 = arith.constant 0 : i32
      %dma_start3A_239 = tpu.memref_slice %arg10[%run_scoped3A_22, %dma_start3A_238] : memref<4x128xi32, #tpu.memory_space<vmem>> -> memref<1x128xi32, #tpu.memory_space<vmem>>
      %dma_start3A_240 = tpu.memref_squeeze %dma_start3A_239 : memref<1x128xi32, #tpu.memory_space<vmem>> -> memref<128xi32, #tpu.memory_space<vmem>>
      %dma_start3A_241 = tpu.memref_slice %arg2[%add3A_21] : memref<16384xi32, #tpu.memory_space<hbm>> -> memref<128xi32, #tpu.memory_space<hbm>>
      tpu.enqueue_dma source(%dma_start3A_241 : memref<128xi32, #tpu.memory_space<hbm>>) target(%dma_start3A_240 : memref<128xi32, #tpu.memory_space<vmem>>) target_semaphore(%run_scoped3A_233 : memref<!tpu.dma_semaphore, #tpu.memory_space<semaphore_mem>>)
      %dma_wait3A_242 = arith.constant 0 : i32
      %dma_wait3A_243 = tpu.memref_slice %arg10[%run_scoped3A_22, %dma_wait3A_242] : memref<4x128xi32, #tpu.memory_space<vmem>> -> memref<1x128xi32, #tpu.memory_space<vmem>>
      %dma_wait3A_244 = tpu.memref_squeeze %dma_wait3A_243 : memref<1x128xi32, #tpu.memory_space<vmem>> -> memref<128xi32, #tpu.memory_space<vmem>>
      %dma_wait3A_245 = tpu.memref_slice %arg2[%add3A_21] : memref<16384xi32, #tpu.memory_space<hbm>> -> memref<128xi32, #tpu.memory_space<hbm>>
      %dma_wait3A_246 = arith.constant 0 : i32
      %dma_wait3A_247 = tpu.memref_slice %arg10[%run_scoped3A_22, %dma_wait3A_246] : memref<4x128xi32, #tpu.memory_space<vmem>> -> memref<1x128xi32, #tpu.memory_space<vmem>>
      %dma_wait3A_248 = tpu.memref_squeeze %dma_wait3A_247 : memref<1x128xi32, #tpu.memory_space<vmem>> -> memref<128xi32, #tpu.memory_space<vmem>>
      %dma_wait3A_249 = tpu.memref_slice %arg2[%add3A_21] : memref<16384xi32, #tpu.memory_space<hbm>> -> memref<128xi32, #tpu.memory_space<hbm>>
      tpu.wait_dma2 semaphore(%run_scoped3A_233 : memref<!tpu.dma_semaphore, #tpu.memory_space<semaphore_mem>>) src(%dma_wait3A_249 : memref<128xi32, #tpu.memory_space<hbm>>) dst(%dma_wait3A_248 : memref<128xi32, #tpu.memory_space<vmem>>)
      tpu.yield
    }) : () -> ()
    %add3A_23 = arith.constant 384 : i32
    %add3A_24 = arith.addi %mul3A_2, %add3A_23 : i32
    %run_scoped3A_25 = arith.constant 3 : i32
    "tpu.region"() ({
      %run_scoped3A_233 = tpu.sem_alloc : memref<!tpu.dma_semaphore, #tpu.memory_space<semaphore_mem>>
      %dma_start3A_234 = arith.constant 0 : i32
      %dma_start3A_235 = tpu.memref_slice %arg11[%run_scoped3A_25, %dma_start3A_234] : memref<4x128xi32, #tpu.memory_space<vmem>> -> memref<1x128xi32, #tpu.memory_space<vmem>>
      %dma_start3A_236 = tpu.memref_squeeze %dma_start3A_235 : memref<1x128xi32, #tpu.memory_space<vmem>> -> memref<128xi32, #tpu.memory_space<vmem>>
      %dma_start3A_237 = tpu.memref_slice %arg3[%add3A_24] : memref<16384xi32, #tpu.memory_space<hbm>> -> memref<128xi32, #tpu.memory_space<hbm>>
      %dma_start3A_238 = arith.constant 0 : i32
      %dma_start3A_239 = tpu.memref_slice %arg11[%run_scoped3A_25, %dma_start3A_238] : memref<4x128xi32, #tpu.memory_space<vmem>> -> memref<1x128xi32, #tpu.memory_space<vmem>>
      %dma_start3A_240 = tpu.memref_squeeze %dma_start3A_239 : memref<1x128xi32, #tpu.memory_space<vmem>> -> memref<128xi32, #tpu.memory_space<vmem>>
      %dma_start3A_241 = tpu.memref_slice %arg3[%add3A_24] : memref<16384xi32, #tpu.memory_space<hbm>> -> memref<128xi32, #tpu.memory_space<hbm>>
      tpu.enqueue_dma source(%dma_start3A_241 : memref<128xi32, #tpu.memory_space<hbm>>) target(%dma_start3A_240 : memref<128xi32, #tpu.memory_space<vmem>>) target_semaphore(%run_scoped3A_233 : memref<!tpu.dma_semaphore, #tpu.memory_space<semaphore_mem>>)
      %dma_wait3A_242 = arith.constant 0 : i32
      %dma_wait3A_243 = tpu.memref_slice %arg11[%run_scoped3A_25, %dma_wait3A_242] : memref<4x128xi32, #tpu.memory_space<vmem>> -> memref<1x128xi32, #tpu.memory_space<vmem>>
      %dma_wait3A_244 = tpu.memref_squeeze %dma_wait3A_243 : memref<1x128xi32, #tpu.memory_space<vmem>> -> memref<128xi32, #tpu.memory_space<vmem>>
      %dma_wait3A_245 = tpu.memref_slice %arg3[%add3A_24] : memref<16384xi32, #tpu.memory_space<hbm>> -> memref<128xi32, #tpu.memory_space<hbm>>
      %dma_wait3A_246 = arith.constant 0 : i32
      %dma_wait3A_247 = tpu.memref_slice %arg11[%run_scoped3A_25, %dma_wait3A_246] : memref<4x128xi32, #tpu.memory_space<vmem>> -> memref<1x128xi32, #tpu.memory_space<vmem>>
      %dma_wait3A_248 = tpu.memref_squeeze %dma_wait3A_247 : memref<1x128xi32, #tpu.memory_space<vmem>> -> memref<128xi32, #tpu.memory_space<vmem>>
      %dma_wait3A_249 = tpu.memref_slice %arg3[%add3A_24] : memref<16384xi32, #tpu.memory_space<hbm>> -> memref<128xi32, #tpu.memory_space<hbm>>
      tpu.wait_dma2 semaphore(%run_scoped3A_233 : memref<!tpu.dma_semaphore, #tpu.memory_space<semaphore_mem>>) src(%dma_wait3A_249 : memref<128xi32, #tpu.memory_space<hbm>>) dst(%dma_wait3A_248 : memref<128xi32, #tpu.memory_space<vmem>>)
      tpu.yield
    }) : () -> ()
    "tpu.region"() ({
      %run_scoped3A_233 = tpu.sem_alloc : memref<!tpu.dma_semaphore, #tpu.memory_space<semaphore_mem>>
      tpu.enqueue_dma source(%arg6 : memref<16xf32, #tpu.memory_space<hbm>>) target(%arg16 : memref<16xf32, #tpu.memory_space<vmem>>) target_semaphore(%run_scoped3A_233 : memref<!tpu.dma_semaphore, #tpu.memory_space<semaphore_mem>>)
      tpu.wait_dma2 semaphore(%run_scoped3A_233 : memref<!tpu.dma_semaphore, #tpu.memory_space<semaphore_mem>>) src(%arg6 : memref<16xf32, #tpu.memory_space<hbm>>) dst(%arg16 : memref<16xf32, #tpu.memory_space<vmem>>)
      tpu.yield
    }) : () -> ()
    %dma_start3A = arith.constant 0 : i32
    %dma_start3A_26 = arith.constant 0 : i32
    %dma_start3A_27 = tpu.memref_slice %arg14[%dma_start3A_26] : memref<512xf32, #tpu.memory_space<vmem>> -> memref<128xf32, #tpu.memory_space<vmem>>
    %dma_start3A_28 = arith.constant 0 : i32
    %dma_start3A_29 = tpu.memref_slice %arg10[%dma_start3A, %dma_start3A_28] : memref<4x128xi32, #tpu.memory_space<vmem>> -> memref<1x128xi32, #tpu.memory_space<vmem>>
    %dma_start3A_30 = tpu.memref_squeeze %dma_start3A_29 : memref<1x128xi32, #tpu.memory_space<vmem>> -> memref<128xi32, #tpu.memory_space<vmem>>
    %dma_start3A_31 = arith.constant 0 : i32
    %dma_start3A_32 = tpu.memref_slice %arg4[%dma_start3A_31] : memref<1000001xf32, #tpu.memory_space<hbm>> -> memref<1000001xf32, #tpu.memory_space<hbm>>
    tpu.enqueue_indirect_dma source(%dma_start3A_32 : memref<1000001xf32, #tpu.memory_space<hbm>>) target(%dma_start3A_27 : memref<128xf32, #tpu.memory_space<vmem>>) offsets(%dma_start3A_30 : memref<128xi32, #tpu.memory_space<vmem>>) semaphore(%arg19 : memref<!tpu.dma_semaphore, #tpu.memory_space<semaphore_mem>>)
    %dma_start3A_33 = arith.constant 0 : i32
    %dma_start3A_34 = arith.constant 0 : i32
    %dma_start3A_35 = tpu.memref_slice %arg15[%dma_start3A_34] : memref<512xf32, #tpu.memory_space<vmem>> -> memref<128xf32, #tpu.memory_space<vmem>>
    %dma_start3A_36 = arith.constant 0 : i32
    %dma_start3A_37 = tpu.memref_slice %arg11[%dma_start3A_33, %dma_start3A_36] : memref<4x128xi32, #tpu.memory_space<vmem>> -> memref<1x128xi32, #tpu.memory_space<vmem>>
    %dma_start3A_38 = tpu.memref_squeeze %dma_start3A_37 : memref<1x128xi32, #tpu.memory_space<vmem>> -> memref<128xi32, #tpu.memory_space<vmem>>
    %dma_start3A_39 = arith.constant 0 : i32
    %dma_start3A_40 = tpu.memref_slice %arg5[%dma_start3A_39] : memref<1000001xf32, #tpu.memory_space<hbm>> -> memref<1000001xf32, #tpu.memory_space<hbm>>
    tpu.enqueue_indirect_dma source(%dma_start3A_40 : memref<1000001xf32, #tpu.memory_space<hbm>>) target(%dma_start3A_35 : memref<128xf32, #tpu.memory_space<vmem>>) offsets(%dma_start3A_38 : memref<128xi32, #tpu.memory_space<vmem>>) semaphore(%arg19 : memref<!tpu.dma_semaphore, #tpu.memory_space<semaphore_mem>>)
    %dma_start3A_41 = arith.constant 1 : i32
    %dma_start3A_42 = arith.constant 128 : i32
    %dma_start3A_43 = tpu.memref_slice %arg14[%dma_start3A_42] : memref<512xf32, #tpu.memory_space<vmem>> -> memref<128xf32, #tpu.memory_space<vmem>>
    %dma_start3A_44 = arith.constant 0 : i32
    %dma_start3A_45 = tpu.memref_slice %arg10[%dma_start3A_41, %dma_start3A_44] : memref<4x128xi32, #tpu.memory_space<vmem>> -> memref<1x128xi32, #tpu.memory_space<vmem>>
    %dma_start3A_46 = tpu.memref_squeeze %dma_start3A_45 : memref<1x128xi32, #tpu.memory_space<vmem>> -> memref<128xi32, #tpu.memory_space<vmem>>
    %dma_start3A_47 = arith.constant 0 : i32
    %dma_start3A_48 = tpu.memref_slice %arg4[%dma_start3A_47] : memref<1000001xf32, #tpu.memory_space<hbm>> -> memref<1000001xf32, #tpu.memory_space<hbm>>
    tpu.enqueue_indirect_dma source(%dma_start3A_48 : memref<1000001xf32, #tpu.memory_space<hbm>>) target(%dma_start3A_43 : memref<128xf32, #tpu.memory_space<vmem>>) offsets(%dma_start3A_46 : memref<128xi32, #tpu.memory_space<vmem>>) semaphore(%arg19 : memref<!tpu.dma_semaphore, #tpu.memory_space<semaphore_mem>>)
    %dma_start3A_49 = arith.constant 1 : i32
    %dma_start3A_50 = arith.constant 128 : i32
    %dma_start3A_51 = tpu.memref_slice %arg15[%dma_start3A_50] : memref<512xf32, #tpu.memory_space<vmem>> -> memref<128xf32, #tpu.memory_space<vmem>>
    %dma_start3A_52 = arith.constant 0 : i32
    %dma_start3A_53 = tpu.memref_slice %arg11[%dma_start3A_49, %dma_start3A_52] : memref<4x128xi32, #tpu.memory_space<vmem>> -> memref<1x128xi32, #tpu.memory_space<vmem>>
    %dma_start3A_54 = tpu.memref_squeeze %dma_start3A_53 : memref<1x128xi32, #tpu.memory_space<vmem>> -> memref<128xi32, #tpu.memory_space<vmem>>
    %dma_start3A_55 = arith.constant 0 : i32
    %dma_start3A_56 = tpu.memref_slice %arg5[%dma_start3A_55] : memref<1000001xf32, #tpu.memory_space<hbm>> -> memref<1000001xf32, #tpu.memory_space<hbm>>
    tpu.enqueue_indirect_dma source(%dma_start3A_56 : memref<1000001xf32, #tpu.memory_space<hbm>>) target(%dma_start3A_51 : memref<128xf32, #tpu.memory_space<vmem>>) offsets(%dma_start3A_54 : memref<128xi32, #tpu.memory_space<vmem>>) semaphore(%arg19 : memref<!tpu.dma_semaphore, #tpu.memory_space<semaphore_mem>>)
    %dma_start3A_57 = arith.constant 2 : i32
    %dma_start3A_58 = arith.constant 256 : i32
    %dma_start3A_59 = tpu.memref_slice %arg14[%dma_start3A_58] : memref<512xf32, #tpu.memory_space<vmem>> -> memref<128xf32, #tpu.memory_space<vmem>>
    %dma_start3A_60 = arith.constant 0 : i32
    %dma_start3A_61 = tpu.memref_slice %arg10[%dma_start3A_57, %dma_start3A_60] : memref<4x128xi32, #tpu.memory_space<vmem>> -> memref<1x128xi32, #tpu.memory_space<vmem>>
    %dma_start3A_62 = tpu.memref_squeeze %dma_start3A_61 : memref<1x128xi32, #tpu.memory_space<vmem>> -> memref<128xi32, #tpu.memory_space<vmem>>
    %dma_start3A_63 = arith.constant 0 : i32
    %dma_start3A_64 = tpu.memref_slice %arg4[%dma_start3A_63] : memref<1000001xf32, #tpu.memory_space<hbm>> -> memref<1000001xf32, #tpu.memory_space<hbm>>
    tpu.enqueue_indirect_dma source(%dma_start3A_64 : memref<1000001xf32, #tpu.memory_space<hbm>>) target(%dma_start3A_59 : memref<128xf32, #tpu.memory_space<vmem>>) offsets(%dma_start3A_62 : memref<128xi32, #tpu.memory_space<vmem>>) semaphore(%arg19 : memref<!tpu.dma_semaphore, #tpu.memory_space<semaphore_mem>>)
    %dma_start3A_65 = arith.constant 2 : i32
    %dma_start3A_66 = arith.constant 256 : i32
    %dma_start3A_67 = tpu.memref_slice %arg15[%dma_start3A_66] : memref<512xf32, #tpu.memory_space<vmem>> -> memref<128xf32, #tpu.memory_space<vmem>>
    %dma_start3A_68 = arith.constant 0 : i32
    %dma_start3A_69 = tpu.memref_slice %arg11[%dma_start3A_65, %dma_start3A_68] : memref<4x128xi32, #tpu.memory_space<vmem>> -> memref<1x128xi32, #tpu.memory_space<vmem>>
    %dma_start3A_70 = tpu.memref_squeeze %dma_start3A_69 : memref<1x128xi32, #tpu.memory_space<vmem>> -> memref<128xi32, #tpu.memory_space<vmem>>
    %dma_start3A_71 = arith.constant 0 : i32
    %dma_start3A_72 = tpu.memref_slice %arg5[%dma_start3A_71] : memref<1000001xf32, #tpu.memory_space<hbm>> -> memref<1000001xf32, #tpu.memory_space<hbm>>
    tpu.enqueue_indirect_dma source(%dma_start3A_72 : memref<1000001xf32, #tpu.memory_space<hbm>>) target(%dma_start3A_67 : memref<128xf32, #tpu.memory_space<vmem>>) offsets(%dma_start3A_70 : memref<128xi32, #tpu.memory_space<vmem>>) semaphore(%arg19 : memref<!tpu.dma_semaphore, #tpu.memory_space<semaphore_mem>>)
    %dma_start3A_73 = arith.constant 3 : i32
    %dma_start3A_74 = arith.constant 384 : i32
    %dma_start3A_75 = tpu.memref_slice %arg14[%dma_start3A_74] : memref<512xf32, #tpu.memory_space<vmem>> -> memref<128xf32, #tpu.memory_space<vmem>>
    %dma_start3A_76 = arith.constant 0 : i32
    %dma_start3A_77 = tpu.memref_slice %arg10[%dma_start3A_73, %dma_start3A_76] : memref<4x128xi32, #tpu.memory_space<vmem>> -> memref<1x128xi32, #tpu.memory_space<vmem>>
    %dma_start3A_78 = tpu.memref_squeeze %dma_start3A_77 : memref<1x128xi32, #tpu.memory_space<vmem>> -> memref<128xi32, #tpu.memory_space<vmem>>
    %dma_start3A_79 = arith.constant 0 : i32
    %dma_start3A_80 = tpu.memref_slice %arg4[%dma_start3A_79] : memref<1000001xf32, #tpu.memory_space<hbm>> -> memref<1000001xf32, #tpu.memory_space<hbm>>
    tpu.enqueue_indirect_dma source(%dma_start3A_80 : memref<1000001xf32, #tpu.memory_space<hbm>>) target(%dma_start3A_75 : memref<128xf32, #tpu.memory_space<vmem>>) offsets(%dma_start3A_78 : memref<128xi32, #tpu.memory_space<vmem>>) semaphore(%arg19 : memref<!tpu.dma_semaphore, #tpu.memory_space<semaphore_mem>>)
    %dma_start3A_81 = arith.constant 3 : i32
    %dma_start3A_82 = arith.constant 384 : i32
    %dma_start3A_83 = tpu.memref_slice %arg15[%dma_start3A_82] : memref<512xf32, #tpu.memory_space<vmem>> -> memref<128xf32, #tpu.memory_space<vmem>>
    %dma_start3A_84 = arith.constant 0 : i32
    %dma_start3A_85 = tpu.memref_slice %arg11[%dma_start3A_81, %dma_start3A_84] : memref<4x128xi32, #tpu.memory_space<vmem>> -> memref<1x128xi32, #tpu.memory_space<vmem>>
    %dma_start3A_86 = tpu.memref_squeeze %dma_start3A_85 : memref<1x128xi32, #tpu.memory_space<vmem>> -> memref<128xi32, #tpu.memory_space<vmem>>
    %dma_start3A_87 = arith.constant 0 : i32
    %dma_start3A_88 = tpu.memref_slice %arg5[%dma_start3A_87] : memref<1000001xf32, #tpu.memory_space<hbm>> -> memref<1000001xf32, #tpu.memory_space<hbm>>
    tpu.enqueue_indirect_dma source(%dma_start3A_88 : memref<1000001xf32, #tpu.memory_space<hbm>>) target(%dma_start3A_83 : memref<128xf32, #tpu.memory_space<vmem>>) offsets(%dma_start3A_86 : memref<128xi32, #tpu.memory_space<vmem>>) semaphore(%arg19 : memref<!tpu.dma_semaphore, #tpu.memory_space<semaphore_mem>>)
    %get3A = arith.constant 0 : index
    %get3A_89 = tpu.vector_load %arg16[%get3A] {strides = array<i32>} : memref<16xf32, #tpu.memory_space<vmem>>, vector<16xf32>,
    %iota3A = tpu.iota {dimensions = array<i32: 0>} : vector<16xi32>
    %xor3A = arith.constant 1 : i32
    %xor3A_90 = vector.broadcast %xor3A : i32 to vector<16xi32>
    %xor3A_91 = arith.xori %iota3A, %xor3A_90 : vector<16xi32>
    %xor3A_92 = arith.constant 2 : i32
    %xor3A_93 = vector.broadcast %xor3A_92 : i32 to vector<16xi32>
    %xor3A_94 = arith.xori %iota3A, %xor3A_93 : vector<16xi32>
    %xor3A_95 = arith.constant 4 : i32
    %xor3A_96 = vector.broadcast %xor3A_95 : i32 to vector<16xi32>
    %xor3A_97 = arith.xori %iota3A, %xor3A_96 : vector<16xi32>
    %xor3A_98 = arith.constant 8 : i32
    %xor3A_99 = vector.broadcast %xor3A_98 : i32 to vector<16xi32>
    %xor3A_100 = arith.xori %iota3A, %xor3A_99 : vector<16xi32>
    %and3A = arith.constant 1 : i32
    %and3A_101 = vector.broadcast %and3A : i32 to vector<16xi32>
    %and3A_102 = arith.andi %iota3A, %and3A_101 : vector<16xi32>
    %eq3A = arith.constant 0 : i32
    %eq3A_103 = vector.broadcast %eq3A : i32 to vector<16xi32>
    %eq3A_104 = arith.cmpi eq, %and3A_102, %eq3A_103 : vector<16xi32>
    %and3A_105 = arith.constant 2 : i32
    %and3A_106 = vector.broadcast %and3A_105 : i32 to vector<16xi32>
    %and3A_107 = arith.andi %iota3A, %and3A_106 : vector<16xi32>
    %eq3A_108 = arith.constant 0 : i32
    %eq3A_109 = vector.broadcast %eq3A_108 : i32 to vector<16xi32>
    %eq3A_110 = arith.cmpi eq, %and3A_107, %eq3A_109 : vector<16xi32>
    %and3A_111 = arith.constant 4 : i32
    %and3A_112 = vector.broadcast %and3A_111 : i32 to vector<16xi32>
    %and3A_113 = arith.andi %iota3A, %and3A_112 : vector<16xi32>
    %eq3A_114 = arith.constant 0 : i32
    %eq3A_115 = vector.broadcast %eq3A_114 : i32 to vector<16xi32>
    %eq3A_116 = arith.cmpi eq, %and3A_113, %eq3A_115 : vector<16xi32>
    %and3A_117 = arith.constant 8 : i32
    %and3A_118 = vector.broadcast %and3A_117 : i32 to vector<16xi32>
    %and3A_119 = arith.andi %iota3A, %and3A_118 : vector<16xi32>
    %eq3A_120 = arith.constant 0 : i32
    %eq3A_121 = vector.broadcast %eq3A_120 : i32 to vector<16xi32>
    %eq3A_122 = arith.cmpi eq, %and3A_119, %eq3A_121 : vector<16xi32>
    %scan3A = arith.constant 0 : i32
    %scan3A_123 = arith.constant 0 : i32
    %scan3A_124 = arith.constant 16 : i32
    %scan3A_125 = arith.addi %scan3A_123, %scan3A_124 : i32
    %scan3A_126 = arith.constant 1 : i32
    scf.for %scan3A_233 = %scan3A_123 to %scan3A_125 step %scan3A_126  : i32 {
      %shift_right_arithmetic3A = arith.constant 3 : i32
      %shift_right_arithmetic3A_234 = arith.shrsi %scan3A_233, %shift_right_arithmetic3A : i32
      %and3A_235 = arith.constant 7 : i32
      %and3A_236 = arith.andi %scan3A_233, %and3A_235 : i32
      %mul3A_237 = arith.constant 16 : i32
      %mul3A_238 = arith.muli %and3A_236, %mul3A_237 : i32
      %get3A_239 = arith.index_cast %shift_right_arithmetic3A_234 : i32 to index
      %get3A_240 = arith.index_cast %mul3A_238 : i32 to index
      %get3A_241 = tpu.vector_load %arg10[%get3A_239, %get3A_240] {strides = array<i32>} : memref<4x128xi32, #tpu.memory_space<vmem>>, vector<16xi32>,
      %get3A_242 = arith.index_cast %shift_right_arithmetic3A_234 : i32 to index
      %get3A_243 = arith.index_cast %mul3A_238 : i32 to index
      %get3A_244 = tpu.vector_load %arg11[%get3A_242, %get3A_243] {strides = array<i32>} : memref<4x128xi32, #tpu.memory_space<vmem>>, vector<16xi32>,
      %and3A_245 = arith.constant 15 : i32
      %and3A_246 = arith.andi %scan3A_233, %and3A_245 : i32
      %mul3A_247 = arith.constant 16 : i32
      %mul3A_248 = arith.muli %and3A_246, %mul3A_247 : i32
      %slice3A = vector.extract_strided_slice %get3A_241 {offsets = [0], sizes = [1], strides = [1]} : vector<16xi32> to vector<1xi32>
      %squeeze3A = vector.extract %slice3A[0] : i32 from vector<1xi32>
      %add3A_249 = arith.constant 0 : i32
      %add3A_250 = arith.addi %mul3A_248, %add3A_249 : i32
      %dma_start3A_251 = arith.constant 0 : i32
      %dma_start3A_252 = tpu.memref_slice %arg12[%add3A_250, %dma_start3A_251] : memref<256x32xf32, #tpu.memory_space<vmem>> -> memref<1x32xf32, #tpu.memory_space<vmem>>
      %dma_start3A_253 = tpu.memref_squeeze %dma_start3A_252 : memref<1x32xf32, #tpu.memory_space<vmem>> -> memref<32xf32, #tpu.memory_space<vmem>>
      %dma_start3A_254 = arith.constant 0 : i32
      %dma_start3A_255 = tpu.memref_slice %arg7[%squeeze3A, %dma_start3A_254] : memref<1000001x32xf32, #tpu.memory_space<hbm>> -> memref<1x32xf32, #tpu.memory_space<hbm>>
      %dma_start3A_256 = tpu.memref_squeeze %dma_start3A_255 : memref<1x32xf32, #tpu.memory_space<hbm>> -> memref<32xf32, #tpu.memory_space<hbm>>
      %dma_start3A_257 = arith.constant 0 : i32
      %dma_start3A_258 = tpu.memref_slice %arg12[%add3A_250, %dma_start3A_257] : memref<256x32xf32, #tpu.memory_space<vmem>> -> memref<1x32xf32, #tpu.memory_space<vmem>>
      %dma_start3A_259 = tpu.memref_squeeze %dma_start3A_258 : memref<1x32xf32, #tpu.memory_space<vmem>> -> memref<32xf32, #tpu.memory_space<vmem>>
      %dma_start3A_260 = arith.constant 0 : i32
      %dma_start3A_261 = tpu.memref_slice %arg7[%squeeze3A, %dma_start3A_260] : memref<1000001x32xf32, #tpu.memory_space<hbm>> -> memref<1x32xf32, #tpu.memory_space<hbm>>
      %dma_start3A_262 = tpu.memref_squeeze %dma_start3A_261 : memref<1x32xf32, #tpu.memory_space<hbm>> -> memref<32xf32, #tpu.memory_space<hbm>>
      tpu.enqueue_dma source(%dma_start3A_262 : memref<32xf32, #tpu.memory_space<hbm>>) target(%dma_start3A_259 : memref<32xf32, #tpu.memory_space<vmem>>) target_semaphore(%arg18 : memref<!tpu.dma_semaphore, #tpu.memory_space<semaphore_mem>>)
      %slice3A_263 = vector.extract_strided_slice %get3A_244 {offsets = [0], sizes = [1], strides = [1]} : vector<16xi32> to vector<1xi32>
      %squeeze3A_264 = vector.extract %slice3A_263[0] : i32 from vector<1xi32>
      %add3A_265 = arith.constant 0 : i32
      %add3A_266 = arith.addi %mul3A_248, %add3A_265 : i32
      %dma_start3A_267 = arith.constant 0 : i32
      %dma_start3A_268 = tpu.memref_slice %arg13[%add3A_266, %dma_start3A_267] : memref<256x32xf32, #tpu.memory_space<vmem>> -> memref<1x32xf32, #tpu.memory_space<vmem>>
      %dma_start3A_269 = tpu.memref_squeeze %dma_start3A_268 : memref<1x32xf32, #tpu.memory_space<vmem>> -> memref<32xf32, #tpu.memory_space<vmem>>
      %dma_start3A_270 = arith.constant 0 : i32
      %dma_start3A_271 = tpu.memref_slice %arg8[%squeeze3A_264, %dma_start3A_270] : memref<1000001x32xf32, #tpu.memory_space<hbm>> -> memref<1x32xf32, #tpu.memory_space<hbm>>
      %dma_start3A_272 = tpu.memref_squeeze %dma_start3A_271 : memref<1x32xf32, #tpu.memory_space<hbm>> -> memref<32xf32, #tpu.memory_space<hbm>>
      %dma_start3A_273 = arith.constant 0 : i32
      %dma_start3A_274 = tpu.memref_slice %arg13[%add3A_266, %dma_start3A_273] : memref<256x32xf32, #tpu.memory_space<vmem>> -> memref<1x32xf32, #tpu.memory_space<vmem>>
      %dma_start3A_275 = tpu.memref_squeeze %dma_start3A_274 : memref<1x32xf32, #tpu.memory_space<vmem>> -> memref<32xf32, #tpu.memory_space<vmem>>
      %dma_start3A_276 = arith.constant 0 : i32
      %dma_start3A_277 = tpu.memref_slice %arg8[%squeeze3A_264, %dma_start3A_276] : memref<1000001x32xf32, #tpu.memory_space<hbm>> -> memref<1x32xf32, #tpu.memory_space<hbm>>
      %dma_start3A_278 = tpu.memref_squeeze %dma_start3A_277 : memref<1x32xf32, #tpu.memory_space<hbm>> -> memref<32xf32, #tpu.memory_space<hbm>>
      tpu.enqueue_dma source(%dma_start3A_278 : memref<32xf32, #tpu.memory_space<hbm>>) target(%dma_start3A_275 : memref<32xf32, #tpu.memory_space<vmem>>) target_semaphore(%arg18 : memref<!tpu.dma_semaphore, #tpu.memory_space<semaphore_mem>>)
      %slice3A_279 = vector.extract_strided_slice %get3A_241 {offsets = [1], sizes = [1], strides = [1]} : vector<16xi32> to vector<1xi32>
      %squeeze3A_280 = vector.extract %slice3A_279[0] : i32 from vector<1xi32>
      %add3A_281 = arith.constant 1 : i32
      %add3A_282 = arith.addi %mul3A_248, %add3A_281 : i32
      %dma_start3A_283 = arith.constant 0 : i32
      %dma_start3A_284 = tpu.memref_slice %arg12[%add3A_282, %dma_start3A_283] : memref<256x32xf32, #tpu.memory_space<vmem>> -> memref<1x32xf32, #tpu.memory_space<vmem>>
      %dma_start3A_285 = tpu.memref_squeeze %dma_start3A_284 : memref<1x32xf32, #tpu.memory_space<vmem>> -> memref<32xf32, #tpu.memory_space<vmem>>
      %dma_start3A_286 = arith.constant 0 : i32
      %dma_start3A_287 = tpu.memref_slice %arg7[%squeeze3A_280, %dma_start3A_286] : memref<1000001x32xf32, #tpu.memory_space<hbm>> -> memref<1x32xf32, #tpu.memory_space<hbm>>
      %dma_start3A_288 = tpu.memref_squeeze %dma_start3A_287 : memref<1x32xf32, #tpu.memory_space<hbm>> -> memref<32xf32, #tpu.memory_space<hbm>>
      %dma_start3A_289 = arith.constant 0 : i32
      %dma_start3A_290 = tpu.memref_slice %arg12[%add3A_282, %dma_start3A_289] : memref<256x32xf32, #tpu.memory_space<vmem>> -> memref<1x32xf32, #tpu.memory_space<vmem>>
      %dma_start3A_291 = tpu.memref_squeeze %dma_start3A_290 : memref<1x32xf32, #tpu.memory_space<vmem>> -> memref<32xf32, #tpu.memory_space<vmem>>
      %dma_start3A_292 = arith.constant 0 : i32
      %dma_start3A_293 = tpu.memref_slice %arg7[%squeeze3A_280, %dma_start3A_292] : memref<1000001x32xf32, #tpu.memory_space<hbm>> -> memref<1x32xf32, #tpu.memory_space<hbm>>
      %dma_start3A_294 = tpu.memref_squeeze %dma_start3A_293 : memref<1x32xf32, #tpu.memory_space<hbm>> -> memref<32xf32, #tpu.memory_space<hbm>>
      tpu.enqueue_dma source(%dma_start3A_294 : memref<32xf32, #tpu.memory_space<hbm>>) target(%dma_start3A_291 : memref<32xf32, #tpu.memory_space<vmem>>) target_semaphore(%arg18 : memref<!tpu.dma_semaphore, #tpu.memory_space<semaphore_mem>>)
      %slice3A_295 = vector.extract_strided_slice %get3A_244 {offsets = [1], sizes = [1], strides = [1]} : vector<16xi32> to vector<1xi32>
      %squeeze3A_296 = vector.extract %slice3A_295[0] : i32 from vector<1xi32>
      %add3A_297 = arith.constant 1 : i32
      %add3A_298 = arith.addi %mul3A_248, %add3A_297 : i32
      %dma_start3A_299 = arith.constant 0 : i32
      %dma_start3A_300 = tpu.memref_slice %arg13[%add3A_298, %dma_start3A_299] : memref<256x32xf32, #tpu.memory_space<vmem>> -> memref<1x32xf32, #tpu.memory_space<vmem>>
      %dma_start3A_301 = tpu.memref_squeeze %dma_start3A_300 : memref<1x32xf32, #tpu.memory_space<vmem>> -> memref<32xf32, #tpu.memory_space<vmem>>
      %dma_start3A_302 = arith.constant 0 : i32
      %dma_start3A_303 = tpu.memref_slice %arg8[%squeeze3A_296, %dma_start3A_302] : memref<1000001x32xf32, #tpu.memory_space<hbm>> -> memref<1x32xf32, #tpu.memory_space<hbm>>
      %dma_start3A_304 = tpu.memref_squeeze %dma_start3A_303 : memref<1x32xf32, #tpu.memory_space<hbm>> -> memref<32xf32, #tpu.memory_space<hbm>>
      %dma_start3A_305 = arith.constant 0 : i32
      %dma_start3A_306 = tpu.memref_slice %arg13[%add3A_298, %dma_start3A_305] : memref<256x32xf32, #tpu.memory_space<vmem>> -> memref<1x32xf32, #tpu.memory_space<vmem>>
      %dma_start3A_307 = tpu.memref_squeeze %dma_start3A_306 : memref<1x32xf32, #tpu.memory_space<vmem>> -> memref<32xf32, #tpu.memory_space<vmem>>
      %dma_start3A_308 = arith.constant 0 : i32
      %dma_start3A_309 = tpu.memref_slice %arg8[%squeeze3A_296, %dma_start3A_308] : memref<1000001x32xf32, #tpu.memory_space<hbm>> -> memref<1x32xf32, #tpu.memory_space<hbm>>
      %dma_start3A_310 = tpu.memref_squeeze %dma_start3A_309 : memref<1x32xf32, #tpu.memory_space<hbm>> -> memref<32xf32, #tpu.memory_space<hbm>>
      tpu.enqueue_dma source(%dma_start3A_310 : memref<32xf32, #tpu.memory_space<hbm>>) target(%dma_start3A_307 : memref<32xf32, #tpu.memory_space<vmem>>) target_semaphore(%arg18 : memref<!tpu.dma_semaphore, #tpu.memory_space<semaphore_mem>>)
      %slice3A_311 = vector.extract_strided_slice %get3A_241 {offsets = [2], sizes = [1], strides = [1]} : vector<16xi32> to vector<1xi32>
      %squeeze3A_312 = vector.extract %slice3A_311[0] : i32 from vector<1xi32>
      %add3A_313 = arith.constant 2 : i32
      %add3A_314 = arith.addi %mul3A_248, %add3A_313 : i32
      %dma_start3A_315 = arith.constant 0 : i32
      %dma_start3A_316 = tpu.memref_slice %arg12[%add3A_314, %dma_start3A_315] : memref<256x32xf32, #tpu.memory_space<vmem>> -> memref<1x32xf32, #tpu.memory_space<vmem>>
      %dma_start3A_317 = tpu.memref_squeeze %dma_start3A_316 : memref<1x32xf32, #tpu.memory_space<vmem>> -> memref<32xf32, #tpu.memory_space<vmem>>
      %dma_start3A_318 = arith.constant 0 : i32
      %dma_start3A_319 = tpu.memref_slice %arg7[%squeeze3A_312, %dma_start3A_318] : memref<1000001x32xf32, #tpu.memory_space<hbm>> -> memref<1x32xf32, #tpu.memory_space<hbm>>
      %dma_start3A_320 = tpu.memref_squeeze %dma_start3A_319 : memref<1x32xf32, #tpu.memory_space<hbm>> -> memref<32xf32, #tpu.memory_space<hbm>>
      %dma_start3A_321 = arith.constant 0 : i32
      %dma_start3A_322 = tpu.memref_slice %arg12[%add3A_314, %dma_start3A_321] : memref<256x32xf32, #tpu.memory_space<vmem>> -> memref<1x32xf32, #tpu.memory_space<vmem>>
      %dma_start3A_323 = tpu.memref_squeeze %dma_start3A_322 : memref<1x32xf32, #tpu.memory_space<vmem>> -> memref<32xf32, #tpu.memory_space<vmem>>
      %dma_start3A_324 = arith.constant 0 : i32
      %dma_start3A_325 = tpu.memref_slice %arg7[%squeeze3A_312, %dma_start3A_324] : memref<1000001x32xf32, #tpu.memory_space<hbm>> -> memref<1x32xf32, #tpu.memory_space<hbm>>
      %dma_start3A_326 = tpu.memref_squeeze %dma_start3A_325 : memref<1x32xf32, #tpu.memory_space<hbm>> -> memref<32xf32, #tpu.memory_space<hbm>>
      tpu.enqueue_dma source(%dma_start3A_326 : memref<32xf32, #tpu.memory_space<hbm>>) target(%dma_start3A_323 : memref<32xf32, #tpu.memory_space<vmem>>) target_semaphore(%arg18 : memref<!tpu.dma_semaphore, #tpu.memory_space<semaphore_mem>>)
      %slice3A_327 = vector.extract_strided_slice %get3A_244 {offsets = [2], sizes = [1], strides = [1]} : vector<16xi32> to vector<1xi32>
      %squeeze3A_328 = vector.extract %slice3A_327[0] : i32 from vector<1xi32>
      %add3A_329 = arith.constant 2 : i32
      %add3A_330 = arith.addi %mul3A_248, %add3A_329 : i32
      %dma_start3A_331 = arith.constant 0 : i32
      %dma_start3A_332 = tpu.memref_slice %arg13[%add3A_330, %dma_start3A_331] : memref<256x32xf32, #tpu.memory_space<vmem>> -> memref<1x32xf32, #tpu.memory_space<vmem>>
      %dma_start3A_333 = tpu.memref_squeeze %dma_start3A_332 : memref<1x32xf32, #tpu.memory_space<vmem>> -> memref<32xf32, #tpu.memory_space<vmem>>
      %dma_start3A_334 = arith.constant 0 : i32
      %dma_start3A_335 = tpu.memref_slice %arg8[%squeeze3A_328, %dma_start3A_334] : memref<1000001x32xf32, #tpu.memory_space<hbm>> -> memref<1x32xf32, #tpu.memory_space<hbm>>
      %dma_start3A_336 = tpu.memref_squeeze %dma_start3A_335 : memref<1x32xf32, #tpu.memory_space<hbm>> -> memref<32xf32, #tpu.memory_space<hbm>>
      %dma_start3A_337 = arith.constant 0 : i32
      %dma_start3A_338 = tpu.memref_slice %arg13[%add3A_330, %dma_start3A_337] : memref<256x32xf32, #tpu.memory_space<vmem>> -> memref<1x32xf32, #tpu.memory_space<vmem>>
      %dma_start3A_339 = tpu.memref_squeeze %dma_start3A_338 : memref<1x32xf32, #tpu.memory_space<vmem>> -> memref<32xf32, #tpu.memory_space<vmem>>
      %dma_start3A_340 = arith.constant 0 : i32
      %dma_start3A_341 = tpu.memref_slice %arg8[%squeeze3A_328, %dma_start3A_340] : memref<1000001x32xf32, #tpu.memory_space<hbm>> -> memref<1x32xf32, #tpu.memory_space<hbm>>
      %dma_start3A_342 = tpu.memref_squeeze %dma_start3A_341 : memref<1x32xf32, #tpu.memory_space<hbm>> -> memref<32xf32, #tpu.memory_space<hbm>>
      tpu.enqueue_dma source(%dma_start3A_342 : memref<32xf32, #tpu.memory_space<hbm>>) target(%dma_start3A_339 : memref<32xf32, #tpu.memory_space<vmem>>) target_semaphore(%arg18 : memref<!tpu.dma_semaphore, #tpu.memory_space<semaphore_mem>>)
      %slice3A_343 = vector.extract_strided_slice %get3A_241 {offsets = [3], sizes = [1], strides = [1]} : vector<16xi32> to vector<1xi32>
      %squeeze3A_344 = vector.extract %slice3A_343[0] : i32 from vector<1xi32>
      %add3A_345 = arith.constant 3 : i32
      %add3A_346 = arith.addi %mul3A_248, %add3A_345 : i32
      %dma_start3A_347 = arith.constant 0 : i32
      %dma_start3A_348 = tpu.memref_slice %arg12[%add3A_346, %dma_start3A_347] : memref<256x32xf32, #tpu.memory_space<vmem>> -> memref<1x32xf32, #tpu.memory_space<vmem>>
      %dma_start3A_349 = tpu.memref_squeeze %dma_start3A_348 : memref<1x32xf32, #tpu.memory_space<vmem>> -> memref<32xf32, #tpu.memory_space<vmem>>
      %dma_start3A_350 = arith.constant 0 : i32
      %dma_start3A_351 = tpu.memref_slice %arg7[%squeeze3A_344, %dma_start3A_350] : memref<1000001x32xf32, #tpu.memory_space<hbm>> -> memref<1x32xf32, #tpu.memory_space<hbm>>
      %dma_start3A_352 = tpu.memref_squeeze %dma_start3A_351 : memref<1x32xf32, #tpu.memory_space<hbm>> -> memref<32xf32, #tpu.memory_space<hbm>>
      %dma_start3A_353 = arith.constant 0 : i32
      %dma_start3A_354 = tpu.memref_slice %arg12[%add3A_346, %dma_start3A_353] : memref<256x32xf32, #tpu.memory_space<vmem>> -> memref<1x32xf32, #tpu.memory_space<vmem>>
      %dma_start3A_355 = tpu.memref_squeeze %dma_start3A_354 : memref<1x32xf32, #tpu.memory_space<vmem>> -> memref<32xf32, #tpu.memory_space<vmem>>
      %dma_start3A_356 = arith.constant 0 : i32
      %dma_start3A_357 = tpu.memref_slice %arg7[%squeeze3A_344, %dma_start3A_356] : memref<1000001x32xf32, #tpu.memory_space<hbm>> -> memref<1x32xf32, #tpu.memory_space<hbm>>
      %dma_start3A_358 = tpu.memref_squeeze %dma_start3A_357 : memref<1x32xf32, #tpu.memory_space<hbm>> -> memref<32xf32, #tpu.memory_space<hbm>>
      tpu.enqueue_dma source(%dma_start3A_358 : memref<32xf32, #tpu.memory_space<hbm>>) target(%dma_start3A_355 : memref<32xf32, #tpu.memory_space<vmem>>) target_semaphore(%arg18 : memref<!tpu.dma_semaphore, #tpu.memory_space<semaphore_mem>>)
      %slice3A_359 = vector.extract_strided_slice %get3A_244 {offsets = [3], sizes = [1], strides = [1]} : vector<16xi32> to vector<1xi32>
      %squeeze3A_360 = vector.extract %slice3A_359[0] : i32 from vector<1xi32>
      %add3A_361 = arith.constant 3 : i32
      %add3A_362 = arith.addi %mul3A_248, %add3A_361 : i32
      %dma_start3A_363 = arith.constant 0 : i32
      %dma_start3A_364 = tpu.memref_slice %arg13[%add3A_362, %dma_start3A_363] : memref<256x32xf32, #tpu.memory_space<vmem>> -> memref<1x32xf32, #tpu.memory_space<vmem>>
      %dma_start3A_365 = tpu.memref_squeeze %dma_start3A_364 : memref<1x32xf32, #tpu.memory_space<vmem>> -> memref<32xf32, #tpu.memory_space<vmem>>
      %dma_start3A_366 = arith.constant 0 : i32
      %dma_start3A_367 = tpu.memref_slice %arg8[%squeeze3A_360, %dma_start3A_366] : memref<1000001x32xf32, #tpu.memory_space<hbm>> -> memref<1x32xf32, #tpu.memory_space<hbm>>
      %dma_start3A_368 = tpu.memref_squeeze %dma_start3A_367 : memref<1x32xf32, #tpu.memory_space<hbm>> -> memref<32xf32, #tpu.memory_space<hbm>>
      %dma_start3A_369 = arith.constant 0 : i32
      %dma_start3A_370 = tpu.memref_slice %arg13[%add3A_362, %dma_start3A_369] : memref<256x32xf32, #tpu.memory_space<vmem>> -> memref<1x32xf32, #tpu.memory_space<vmem>>
      %dma_start3A_371 = tpu.memref_squeeze %dma_start3A_370 : memref<1x32xf32, #tpu.memory_space<vmem>> -> memref<32xf32, #tpu.memory_space<vmem>>
      %dma_start3A_372 = arith.constant 0 : i32
      %dma_start3A_373 = tpu.memref_slice %arg8[%squeeze3A_360, %dma_start3A_372] : memref<1000001x32xf32, #tpu.memory_space<hbm>> -> memref<1x32xf32, #tpu.memory_space<hbm>>
      %dma_start3A_374 = tpu.memref_squeeze %dma_start3A_373 : memref<1x32xf32, #tpu.memory_space<hbm>> -> memref<32xf32, #tpu.memory_space<hbm>>
      tpu.enqueue_dma source(%dma_start3A_374 : memref<32xf32, #tpu.memory_space<hbm>>) target(%dma_start3A_371 : memref<32xf32, #tpu.memory_space<vmem>>) target_semaphore(%arg18 : memref<!tpu.dma_semaphore, #tpu.memory_space<semaphore_mem>>)
      %slice3A_375 = vector.extract_strided_slice %get3A_241 {offsets = [4], sizes = [1], strides = [1]} : vector<16xi32> to vector<1xi32>
      %squeeze3A_376 = vector.extract %slice3A_375[0] : i32 from vector<1xi32>
      %add3A_377 = arith.constant 4 : i32
      %add3A_378 = arith.addi %mul3A_248, %add3A_377 : i32
      %dma_start3A_379 = arith.constant 0 : i32
      %dma_start3A_380 = tpu.memref_slice %arg12[%add3A_378, %dma_start3A_379] : memref<256x32xf32, #tpu.memory_space<vmem>> -> memref<1x32xf32, #tpu.memory_space<vmem>>
      %dma_start3A_381 = tpu.memref_squeeze %dma_start3A_380 : memref<1x32xf32, #tpu.memory_space<vmem>> -> memref<32xf32, #tpu.memory_space<vmem>>
      %dma_start3A_382 = arith.constant 0 : i32
      %dma_start3A_383 = tpu.memref_slice %arg7[%squeeze3A_376, %dma_start3A_382] : memref<1000001x32xf32, #tpu.memory_space<hbm>> -> memref<1x32xf32, #tpu.memory_space<hbm>>
      %dma_start3A_384 = tpu.memref_squeeze %dma_start3A_383 : memref<1x32xf32, #tpu.memory_space<hbm>> -> memref<32xf32, #tpu.memory_space<hbm>>
      %dma_start3A_385 = arith.constant 0 : i32
      %dma_start3A_386 = tpu.memref_slice %arg12[%add3A_378, %dma_start3A_385] : memref<256x32xf32, #tpu.memory_space<vmem>> -> memref<1x32xf32, #tpu.memory_space<vmem>>
      %dma_start3A_387 = tpu.memref_squeeze %dma_start3A_386 : memref<1x32xf32, #tpu.memory_space<vmem>> -> memref<32xf32, #tpu.memory_space<vmem>>
      %dma_start3A_388 = arith.constant 0 : i32
      %dma_start3A_389 = tpu.memref_slice %arg7[%squeeze3A_376, %dma_start3A_388] : memref<1000001x32xf32, #tpu.memory_space<hbm>> -> memref<1x32xf32, #tpu.memory_space<hbm>>
      %dma_start3A_390 = tpu.memref_squeeze %dma_start3A_389 : memref<1x32xf32, #tpu.memory_space<hbm>> -> memref<32xf32, #tpu.memory_space<hbm>>
      tpu.enqueue_dma source(%dma_start3A_390 : memref<32xf32, #tpu.memory_space<hbm>>) target(%dma_start3A_387 : memref<32xf32, #tpu.memory_space<vmem>>) target_semaphore(%arg18 : memref<!tpu.dma_semaphore, #tpu.memory_space<semaphore_mem>>)
      %slice3A_391 = vector.extract_strided_slice %get3A_244 {offsets = [4], sizes = [1], strides = [1]} : vector<16xi32> to vector<1xi32>
      %squeeze3A_392 = vector.extract %slice3A_391[0] : i32 from vector<1xi32>
      %add3A_393 = arith.constant 4 : i32
      %add3A_394 = arith.addi %mul3A_248, %add3A_393 : i32
      %dma_start3A_395 = arith.constant 0 : i32
      %dma_start3A_396 = tpu.memref_slice %arg13[%add3A_394, %dma_start3A_395] : memref<256x32xf32, #tpu.memory_space<vmem>> -> memref<1x32xf32, #tpu.memory_space<vmem>>
      %dma_start3A_397 = tpu.memref_squeeze %dma_start3A_396 : memref<1x32xf32, #tpu.memory_space<vmem>> -> memref<32xf32, #tpu.memory_space<vmem>>
      %dma_start3A_398 = arith.constant 0 : i32
      %dma_start3A_399 = tpu.memref_slice %arg8[%squeeze3A_392, %dma_start3A_398] : memref<1000001x32xf32, #tpu.memory_space<hbm>> -> memref<1x32xf32, #tpu.memory_space<hbm>>
      %dma_start3A_400 = tpu.memref_squeeze %dma_start3A_399 : memref<1x32xf32, #tpu.memory_space<hbm>> -> memref<32xf32, #tpu.memory_space<hbm>>
      %dma_start3A_401 = arith.constant 0 : i32
      %dma_start3A_402 = tpu.memref_slice %arg13[%add3A_394, %dma_start3A_401] : memref<256x32xf32, #tpu.memory_space<vmem>> -> memref<1x32xf32, #tpu.memory_space<vmem>>
      %dma_start3A_403 = tpu.memref_squeeze %dma_start3A_402 : memref<1x32xf32, #tpu.memory_space<vmem>> -> memref<32xf32, #tpu.memory_space<vmem>>
      %dma_start3A_404 = arith.constant 0 : i32
      %dma_start3A_405 = tpu.memref_slice %arg8[%squeeze3A_392, %dma_start3A_404] : memref<1000001x32xf32, #tpu.memory_space<hbm>> -> memref<1x32xf32, #tpu.memory_space<hbm>>
      %dma_start3A_406 = tpu.memref_squeeze %dma_start3A_405 : memref<1x32xf32, #tpu.memory_space<hbm>> -> memref<32xf32, #tpu.memory_space<hbm>>
      tpu.enqueue_dma source(%dma_start3A_406 : memref<32xf32, #tpu.memory_space<hbm>>) target(%dma_start3A_403 : memref<32xf32, #tpu.memory_space<vmem>>) target_semaphore(%arg18 : memref<!tpu.dma_semaphore, #tpu.memory_space<semaphore_mem>>)
      %slice3A_407 = vector.extract_strided_slice %get3A_241 {offsets = [5], sizes = [1], strides = [1]} : vector<16xi32> to vector<1xi32>
      %squeeze3A_408 = vector.extract %slice3A_407[0] : i32 from vector<1xi32>
      %add3A_409 = arith.constant 5 : i32
      %add3A_410 = arith.addi %mul3A_248, %add3A_409 : i32
      %dma_start3A_411 = arith.constant 0 : i32
      %dma_start3A_412 = tpu.memref_slice %arg12[%add3A_410, %dma_start3A_411] : memref<256x32xf32, #tpu.memory_space<vmem>> -> memref<1x32xf32, #tpu.memory_space<vmem>>
      %dma_start3A_413 = tpu.memref_squeeze %dma_start3A_412 : memref<1x32xf32, #tpu.memory_space<vmem>> -> memref<32xf32, #tpu.memory_space<vmem>>
      %dma_start3A_414 = arith.constant 0 : i32
      %dma_start3A_415 = tpu.memref_slice %arg7[%squeeze3A_408, %dma_start3A_414] : memref<1000001x32xf32, #tpu.memory_space<hbm>> -> memref<1x32xf32, #tpu.memory_space<hbm>>
      %dma_start3A_416 = tpu.memref_squeeze %dma_start3A_415 : memref<1x32xf32, #tpu.memory_space<hbm>> -> memref<32xf32, #tpu.memory_space<hbm>>
      %dma_start3A_417 = arith.constant 0 : i32
      %dma_start3A_418 = tpu.memref_slice %arg12[%add3A_410, %dma_start3A_417] : memref<256x32xf32, #tpu.memory_space<vmem>> -> memref<1x32xf32, #tpu.memory_space<vmem>>
      %dma_start3A_419 = tpu.memref_squeeze %dma_start3A_418 : memref<1x32xf32, #tpu.memory_space<vmem>> -> memref<32xf32, #tpu.memory_space<vmem>>
      %dma_start3A_420 = arith.constant 0 : i32
      %dma_start3A_421 = tpu.memref_slice %arg7[%squeeze3A_408, %dma_start3A_420] : memref<1000001x32xf32, #tpu.memory_space<hbm>> -> memref<1x32xf32, #tpu.memory_space<hbm>>
      %dma_start3A_422 = tpu.memref_squeeze %dma_start3A_421 : memref<1x32xf32, #tpu.memory_space<hbm>> -> memref<32xf32, #tpu.memory_space<hbm>>
      tpu.enqueue_dma source(%dma_start3A_422 : memref<32xf32, #tpu.memory_space<hbm>>) target(%dma_start3A_419 : memref<32xf32, #tpu.memory_space<vmem>>) target_semaphore(%arg18 : memref<!tpu.dma_semaphore, #tpu.memory_space<semaphore_mem>>)
      %slice3A_423 = vector.extract_strided_slice %get3A_244 {offsets = [5], sizes = [1], strides = [1]} : vector<16xi32> to vector<1xi32>
      %squeeze3A_424 = vector.extract %slice3A_423[0] : i32 from vector<1xi32>
      %add3A_425 = arith.constant 5 : i32
      %add3A_426 = arith.addi %mul3A_248, %add3A_425 : i32
      %dma_start3A_427 = arith.constant 0 : i32
      %dma_start3A_428 = tpu.memref_slice %arg13[%add3A_426, %dma_start3A_427] : memref<256x32xf32, #tpu.memory_space<vmem>> -> memref<1x32xf32, #tpu.memory_space<vmem>>
      %dma_start3A_429 = tpu.memref_squeeze %dma_start3A_428 : memref<1x32xf32, #tpu.memory_space<vmem>> -> memref<32xf32, #tpu.memory_space<vmem>>
      %dma_start3A_430 = arith.constant 0 : i32
      %dma_start3A_431 = tpu.memref_slice %arg8[%squeeze3A_424, %dma_start3A_430] : memref<1000001x32xf32, #tpu.memory_space<hbm>> -> memref<1x32xf32, #tpu.memory_space<hbm>>
      %dma_start3A_432 = tpu.memref_squeeze %dma_start3A_431 : memref<1x32xf32, #tpu.memory_space<hbm>> -> memref<32xf32, #tpu.memory_space<hbm>>
      %dma_start3A_433 = arith.constant 0 : i32
      %dma_start3A_434 = tpu.memref_slice %arg13[%add3A_426, %dma_start3A_433] : memref<256x32xf32, #tpu.memory_space<vmem>> -> memref<1x32xf32, #tpu.memory_space<vmem>>
      %dma_start3A_435 = tpu.memref_squeeze %dma_start3A_434 : memref<1x32xf32, #tpu.memory_space<vmem>> -> memref<32xf32, #tpu.memory_space<vmem>>
      %dma_start3A_436 = arith.constant 0 : i32
      %dma_start3A_437 = tpu.memref_slice %arg8[%squeeze3A_424, %dma_start3A_436] : memref<1000001x32xf32, #tpu.memory_space<hbm>> -> memref<1x32xf32, #tpu.memory_space<hbm>>
      %dma_start3A_438 = tpu.memref_squeeze %dma_start3A_437 : memref<1x32xf32, #tpu.memory_space<hbm>> -> memref<32xf32, #tpu.memory_space<hbm>>
      tpu.enqueue_dma source(%dma_start3A_438 : memref<32xf32, #tpu.memory_space<hbm>>) target(%dma_start3A_435 : memref<32xf32, #tpu.memory_space<vmem>>) target_semaphore(%arg18 : memref<!tpu.dma_semaphore, #tpu.memory_space<semaphore_mem>>)
      %slice3A_439 = vector.extract_strided_slice %get3A_241 {offsets = [6], sizes = [1], strides = [1]} : vector<16xi32> to vector<1xi32>
      %squeeze3A_440 = vector.extract %slice3A_439[0] : i32 from vector<1xi32>
      %add3A_441 = arith.constant 6 : i32
      %add3A_442 = arith.addi %mul3A_248, %add3A_441 : i32
      %dma_start3A_443 = arith.constant 0 : i32
      %dma_start3A_444 = tpu.memref_slice %arg12[%add3A_442, %dma_start3A_443] : memref<256x32xf32, #tpu.memory_space<vmem>> -> memref<1x32xf32, #tpu.memory_space<vmem>>
      %dma_start3A_445 = tpu.memref_squeeze %dma_start3A_444 : memref<1x32xf32, #tpu.memory_space<vmem>> -> memref<32xf32, #tpu.memory_space<vmem>>
      %dma_start3A_446 = arith.constant 0 : i32
      %dma_start3A_447 = tpu.memref_slice %arg7[%squeeze3A_440, %dma_start3A_446] : memref<1000001x32xf32, #tpu.memory_space<hbm>> -> memref<1x32xf32, #tpu.memory_space<hbm>>
      %dma_start3A_448 = tpu.memref_squeeze %dma_start3A_447 : memref<1x32xf32, #tpu.memory_space<hbm>> -> memref<32xf32, #tpu.memory_space<hbm>>
      %dma_start3A_449 = arith.constant 0 : i32
      %dma_start3A_450 = tpu.memref_slice %arg12[%add3A_442, %dma_start3A_449] : memref<256x32xf32, #tpu.memory_space<vmem>> -> memref<1x32xf32, #tpu.memory_space<vmem>>
      %dma_start3A_451 = tpu.memref_squeeze %dma_start3A_450 : memref<1x32xf32, #tpu.memory_space<vmem>> -> memref<32xf32, #tpu.memory_space<vmem>>
      %dma_start3A_452 = arith.constant 0 : i32
      %dma_start3A_453 = tpu.memref_slice %arg7[%squeeze3A_440, %dma_start3A_452] : memref<1000001x32xf32, #tpu.memory_space<hbm>> -> memref<1x32xf32, #tpu.memory_space<hbm>>
      %dma_start3A_454 = tpu.memref_squeeze %dma_start3A_453 : memref<1x32xf32, #tpu.memory_space<hbm>> -> memref<32xf32, #tpu.memory_space<hbm>>
      tpu.enqueue_dma source(%dma_start3A_454 : memref<32xf32, #tpu.memory_space<hbm>>) target(%dma_start3A_451 : memref<32xf32, #tpu.memory_space<vmem>>) target_semaphore(%arg18 : memref<!tpu.dma_semaphore, #tpu.memory_space<semaphore_mem>>)
      %slice3A_455 = vector.extract_strided_slice %get3A_244 {offsets = [6], sizes = [1], strides = [1]} : vector<16xi32> to vector<1xi32>
      %squeeze3A_456 = vector.extract %slice3A_455[0] : i32 from vector<1xi32>
      %add3A_457 = arith.constant 6 : i32
      %add3A_458 = arith.addi %mul3A_248, %add3A_457 : i32
      %dma_start3A_459 = arith.constant 0 : i32
      %dma_start3A_460 = tpu.memref_slice %arg13[%add3A_458, %dma_start3A_459] : memref<256x32xf32, #tpu.memory_space<vmem>> -> memref<1x32xf32, #tpu.memory_space<vmem>>
      %dma_start3A_461 = tpu.memref_squeeze %dma_start3A_460 : memref<1x32xf32, #tpu.memory_space<vmem>> -> memref<32xf32, #tpu.memory_space<vmem>>
      %dma_start3A_462 = arith.constant 0 : i32
      %dma_start3A_463 = tpu.memref_slice %arg8[%squeeze3A_456, %dma_start3A_462] : memref<1000001x32xf32, #tpu.memory_space<hbm>> -> memref<1x32xf32, #tpu.memory_space<hbm>>
      %dma_start3A_464 = tpu.memref_squeeze %dma_start3A_463 : memref<1x32xf32, #tpu.memory_space<hbm>> -> memref<32xf32, #tpu.memory_space<hbm>>
      %dma_start3A_465 = arith.constant 0 : i32
      %dma_start3A_466 = tpu.memref_slice %arg13[%add3A_458, %dma_start3A_465] : memref<256x32xf32, #tpu.memory_space<vmem>> -> memref<1x32xf32, #tpu.memory_space<vmem>>
      %dma_start3A_467 = tpu.memref_squeeze %dma_start3A_466 : memref<1x32xf32, #tpu.memory_space<vmem>> -> memref<32xf32, #tpu.memory_space<vmem>>
      %dma_start3A_468 = arith.constant 0 : i32
      %dma_start3A_469 = tpu.memref_slice %arg8[%squeeze3A_456, %dma_start3A_468] : memref<1000001x32xf32, #tpu.memory_space<hbm>> -> memref<1x32xf32, #tpu.memory_space<hbm>>
      %dma_start3A_470 = tpu.memref_squeeze %dma_start3A_469 : memref<1x32xf32, #tpu.memory_space<hbm>> -> memref<32xf32, #tpu.memory_space<hbm>>
      tpu.enqueue_dma source(%dma_start3A_470 : memref<32xf32, #tpu.memory_space<hbm>>) target(%dma_start3A_467 : memref<32xf32, #tpu.memory_space<vmem>>) target_semaphore(%arg18 : memref<!tpu.dma_semaphore, #tpu.memory_space<semaphore_mem>>)
      %slice3A_471 = vector.extract_strided_slice %get3A_241 {offsets = [7], sizes = [1], strides = [1]} : vector<16xi32> to vector<1xi32>
      %squeeze3A_472 = vector.extract %slice3A_471[0] : i32 from vector<1xi32>
      %add3A_473 = arith.constant 7 : i32
      %add3A_474 = arith.addi %mul3A_248, %add3A_473 : i32
      %dma_start3A_475 = arith.constant 0 : i32
      %dma_start3A_476 = tpu.memref_slice %arg12[%add3A_474, %dma_start3A_475] : memref<256x32xf32, #tpu.memory_space<vmem>> -> memref<1x32xf32, #tpu.memory_space<vmem>>
      %dma_start3A_477 = tpu.memref_squeeze %dma_start3A_476 : memref<1x32xf32, #tpu.memory_space<vmem>> -> memref<32xf32, #tpu.memory_space<vmem>>
      %dma_start3A_478 = arith.constant 0 : i32
      %dma_start3A_479 = tpu.memref_slice %arg7[%squeeze3A_472, %dma_start3A_478] : memref<1000001x32xf32, #tpu.memory_space<hbm>> -> memref<1x32xf32, #tpu.memory_space<hbm>>
      %dma_start3A_480 = tpu.memref_squeeze %dma_start3A_479 : memref<1x32xf32, #tpu.memory_space<hbm>> -> memref<32xf32, #tpu.memory_space<hbm>>
      %dma_start3A_481 = arith.constant 0 : i32
      %dma_start3A_482 = tpu.memref_slice %arg12[%add3A_474, %dma_start3A_481] : memref<256x32xf32, #tpu.memory_space<vmem>> -> memref<1x32xf32, #tpu.memory_space<vmem>>
      %dma_start3A_483 = tpu.memref_squeeze %dma_start3A_482 : memref<1x32xf32, #tpu.memory_space<vmem>> -> memref<32xf32, #tpu.memory_space<vmem>>
      %dma_start3A_484 = arith.constant 0 : i32
      %dma_start3A_485 = tpu.memref_slice %arg7[%squeeze3A_472, %dma_start3A_484] : memref<1000001x32xf32, #tpu.memory_space<hbm>> -> memref<1x32xf32, #tpu.memory_space<hbm>>
      %dma_start3A_486 = tpu.memref_squeeze %dma_start3A_485 : memref<1x32xf32, #tpu.memory_space<hbm>> -> memref<32xf32, #tpu.memory_space<hbm>>
      tpu.enqueue_dma source(%dma_start3A_486 : memref<32xf32, #tpu.memory_space<hbm>>) target(%dma_start3A_483 : memref<32xf32, #tpu.memory_space<vmem>>) target_semaphore(%arg18 : memref<!tpu.dma_semaphore, #tpu.memory_space<semaphore_mem>>)
      %slice3A_487 = vector.extract_strided_slice %get3A_244 {offsets = [7], sizes = [1], strides = [1]} : vector<16xi32> to vector<1xi32>
      %squeeze3A_488 = vector.extract %slice3A_487[0] : i32 from vector<1xi32>
      %add3A_489 = arith.constant 7 : i32
      %add3A_490 = arith.addi %mul3A_248, %add3A_489 : i32
      %dma_start3A_491 = arith.constant 0 : i32
      %dma_start3A_492 = tpu.memref_slice %arg13[%add3A_490, %dma_start3A_491] : memref<256x32xf32, #tpu.memory_space<vmem>> -> memref<1x32xf32, #tpu.memory_space<vmem>>
      %dma_start3A_493 = tpu.memref_squeeze %dma_start3A_492 : memref<1x32xf32, #tpu.memory_space<vmem>> -> memref<32xf32, #tpu.memory_space<vmem>>
      %dma_start3A_494 = arith.constant 0 : i32
      %dma_start3A_495 = tpu.memref_slice %arg8[%squeeze3A_488, %dma_start3A_494] : memref<1000001x32xf32, #tpu.memory_space<hbm>> -> memref<1x32xf32, #tpu.memory_space<hbm>>
      %dma_start3A_496 = tpu.memref_squeeze %dma_start3A_495 : memref<1x32xf32, #tpu.memory_space<hbm>> -> memref<32xf32, #tpu.memory_space<hbm>>
      %dma_start3A_497 = arith.constant 0 : i32
      %dma_start3A_498 = tpu.memref_slice %arg13[%add3A_490, %dma_start3A_497] : memref<256x32xf32, #tpu.memory_space<vmem>> -> memref<1x32xf32, #tpu.memory_space<vmem>>
      %dma_start3A_499 = tpu.memref_squeeze %dma_start3A_498 : memref<1x32xf32, #tpu.memory_space<vmem>> -> memref<32xf32, #tpu.memory_space<vmem>>
      %dma_start3A_500 = arith.constant 0 : i32
      %dma_start3A_501 = tpu.memref_slice %arg8[%squeeze3A_488, %dma_start3A_500] : memref<1000001x32xf32, #tpu.memory_space<hbm>> -> memref<1x32xf32, #tpu.memory_space<hbm>>
      %dma_start3A_502 = tpu.memref_squeeze %dma_start3A_501 : memref<1x32xf32, #tpu.memory_space<hbm>> -> memref<32xf32, #tpu.memory_space<hbm>>
      tpu.enqueue_dma source(%dma_start3A_502 : memref<32xf32, #tpu.memory_space<hbm>>) target(%dma_start3A_499 : memref<32xf32, #tpu.memory_space<vmem>>) target_semaphore(%arg18 : memref<!tpu.dma_semaphore, #tpu.memory_space<semaphore_mem>>)
      %slice3A_503 = vector.extract_strided_slice %get3A_241 {offsets = [8], sizes = [1], strides = [1]} : vector<16xi32> to vector<1xi32>
      %squeeze3A_504 = vector.extract %slice3A_503[0] : i32 from vector<1xi32>
      %add3A_505 = arith.constant 8 : i32
      %add3A_506 = arith.addi %mul3A_248, %add3A_505 : i32
      %dma_start3A_507 = arith.constant 0 : i32
      %dma_start3A_508 = tpu.memref_slice %arg12[%add3A_506, %dma_start3A_507] : memref<256x32xf32, #tpu.memory_space<vmem>> -> memref<1x32xf32, #tpu.memory_space<vmem>>
      %dma_start3A_509 = tpu.memref_squeeze %dma_start3A_508 : memref<1x32xf32, #tpu.memory_space<vmem>> -> memref<32xf32, #tpu.memory_space<vmem>>
      %dma_start3A_510 = arith.constant 0 : i32
      %dma_start3A_511 = tpu.memref_slice %arg7[%squeeze3A_504, %dma_start3A_510] : memref<1000001x32xf32, #tpu.memory_space<hbm>> -> memref<1x32xf32, #tpu.memory_space<hbm>>
      %dma_start3A_512 = tpu.memref_squeeze %dma_start3A_511 : memref<1x32xf32, #tpu.memory_space<hbm>> -> memref<32xf32, #tpu.memory_space<hbm>>
      %dma_start3A_513 = arith.constant 0 : i32
      %dma_start3A_514 = tpu.memref_slice %arg12[%add3A_506, %dma_start3A_513] : memref<256x32xf32, #tpu.memory_space<vmem>> -> memref<1x32xf32, #tpu.memory_space<vmem>>
      %dma_start3A_515 = tpu.memref_squeeze %dma_start3A_514 : memref<1x32xf32, #tpu.memory_space<vmem>> -> memref<32xf32, #tpu.memory_space<vmem>>
      %dma_start3A_516 = arith.constant 0 : i32
      %dma_start3A_517 = tpu.memref_slice %arg7[%squeeze3A_504, %dma_start3A_516] : memref<1000001x32xf32, #tpu.memory_space<hbm>> -> memref<1x32xf32, #tpu.memory_space<hbm>>
      %dma_start3A_518 = tpu.memref_squeeze %dma_start3A_517 : memref<1x32xf32, #tpu.memory_space<hbm>> -> memref<32xf32, #tpu.memory_space<hbm>>
      tpu.enqueue_dma source(%dma_start3A_518 : memref<32xf32, #tpu.memory_space<hbm>>) target(%dma_start3A_515 : memref<32xf32, #tpu.memory_space<vmem>>) target_semaphore(%arg18 : memref<!tpu.dma_semaphore, #tpu.memory_space<semaphore_mem>>)
      %slice3A_519 = vector.extract_strided_slice %get3A_244 {offsets = [8], sizes = [1], strides = [1]} : vector<16xi32> to vector<1xi32>
      %squeeze3A_520 = vector.extract %slice3A_519[0] : i32 from vector<1xi32>
      %add3A_521 = arith.constant 8 : i32
      %add3A_522 = arith.addi %mul3A_248, %add3A_521 : i32
      %dma_start3A_523 = arith.constant 0 : i32
      %dma_start3A_524 = tpu.memref_slice %arg13[%add3A_522, %dma_start3A_523] : memref<256x32xf32, #tpu.memory_space<vmem>> -> memref<1x32xf32, #tpu.memory_space<vmem>>
      %dma_start3A_525 = tpu.memref_squeeze %dma_start3A_524 : memref<1x32xf32, #tpu.memory_space<vmem>> -> memref<32xf32, #tpu.memory_space<vmem>>
      %dma_start3A_526 = arith.constant 0 : i32
      %dma_start3A_527 = tpu.memref_slice %arg8[%squeeze3A_520, %dma_start3A_526] : memref<1000001x32xf32, #tpu.memory_space<hbm>> -> memref<1x32xf32, #tpu.memory_space<hbm>>
      %dma_start3A_528 = tpu.memref_squeeze %dma_start3A_527 : memref<1x32xf32, #tpu.memory_space<hbm>> -> memref<32xf32, #tpu.memory_space<hbm>>
      %dma_start3A_529 = arith.constant 0 : i32
      %dma_start3A_530 = tpu.memref_slice %arg13[%add3A_522, %dma_start3A_529] : memref<256x32xf32, #tpu.memory_space<vmem>> -> memref<1x32xf32, #tpu.memory_space<vmem>>
      %dma_start3A_531 = tpu.memref_squeeze %dma_start3A_530 : memref<1x32xf32, #tpu.memory_space<vmem>> -> memref<32xf32, #tpu.memory_space<vmem>>
      %dma_start3A_532 = arith.constant 0 : i32
      %dma_start3A_533 = tpu.memref_slice %arg8[%squeeze3A_520, %dma_start3A_532] : memref<1000001x32xf32, #tpu.memory_space<hbm>> -> memref<1x32xf32, #tpu.memory_space<hbm>>
      %dma_start3A_534 = tpu.memref_squeeze %dma_start3A_533 : memref<1x32xf32, #tpu.memory_space<hbm>> -> memref<32xf32, #tpu.memory_space<hbm>>
      tpu.enqueue_dma source(%dma_start3A_534 : memref<32xf32, #tpu.memory_space<hbm>>) target(%dma_start3A_531 : memref<32xf32, #tpu.memory_space<vmem>>) target_semaphore(%arg18 : memref<!tpu.dma_semaphore, #tpu.memory_space<semaphore_mem>>)
      %slice3A_535 = vector.extract_strided_slice %get3A_241 {offsets = [9], sizes = [1], strides = [1]} : vector<16xi32> to vector<1xi32>
      %squeeze3A_536 = vector.extract %slice3A_535[0] : i32 from vector<1xi32>
      %add3A_537 = arith.constant 9 : i32
      %add3A_538 = arith.addi %mul3A_248, %add3A_537 : i32
      %dma_start3A_539 = arith.constant 0 : i32
      %dma_start3A_540 = tpu.memref_slice %arg12[%add3A_538, %dma_start3A_539] : memref<256x32xf32, #tpu.memory_space<vmem>> -> memref<1x32xf32, #tpu.memory_space<vmem>>
      %dma_start3A_541 = tpu.memref_squeeze %dma_start3A_540 : memref<1x32xf32, #tpu.memory_space<vmem>> -> memref<32xf32, #tpu.memory_space<vmem>>
      %dma_start3A_542 = arith.constant 0 : i32
      %dma_start3A_543 = tpu.memref_slice %arg7[%squeeze3A_536, %dma_start3A_542] : memref<1000001x32xf32, #tpu.memory_space<hbm>> -> memref<1x32xf32, #tpu.memory_space<hbm>>
      %dma_start3A_544 = tpu.memref_squeeze %dma_start3A_543 : memref<1x32xf32, #tpu.memory_space<hbm>> -> memref<32xf32, #tpu.memory_space<hbm>>
      %dma_start3A_545 = arith.constant 0 : i32
      %dma_start3A_546 = tpu.memref_slice %arg12[%add3A_538, %dma_start3A_545] : memref<256x32xf32, #tpu.memory_space<vmem>> -> memref<1x32xf32, #tpu.memory_space<vmem>>
      %dma_start3A_547 = tpu.memref_squeeze %dma_start3A_546 : memref<1x32xf32, #tpu.memory_space<vmem>> -> memref<32xf32, #tpu.memory_space<vmem>>
      %dma_start3A_548 = arith.constant 0 : i32
      %dma_start3A_549 = tpu.memref_slice %arg7[%squeeze3A_536, %dma_start3A_548] : memref<1000001x32xf32, #tpu.memory_space<hbm>> -> memref<1x32xf32, #tpu.memory_space<hbm>>
      %dma_start3A_550 = tpu.memref_squeeze %dma_start3A_549 : memref<1x32xf32, #tpu.memory_space<hbm>> -> memref<32xf32, #tpu.memory_space<hbm>>
      tpu.enqueue_dma source(%dma_start3A_550 : memref<32xf32, #tpu.memory_space<hbm>>) target(%dma_start3A_547 : memref<32xf32, #tpu.memory_space<vmem>>) target_semaphore(%arg18 : memref<!tpu.dma_semaphore, #tpu.memory_space<semaphore_mem>>)
      %slice3A_551 = vector.extract_strided_slice %get3A_244 {offsets = [9], sizes = [1], strides = [1]} : vector<16xi32> to vector<1xi32>
      %squeeze3A_552 = vector.extract %slice3A_551[0] : i32 from vector<1xi32>
      %add3A_553 = arith.constant 9 : i32
      %add3A_554 = arith.addi %mul3A_248, %add3A_553 : i32
      %dma_start3A_555 = arith.constant 0 : i32
      %dma_start3A_556 = tpu.memref_slice %arg13[%add3A_554, %dma_start3A_555] : memref<256x32xf32, #tpu.memory_space<vmem>> -> memref<1x32xf32, #tpu.memory_space<vmem>>
      %dma_start3A_557 = tpu.memref_squeeze %dma_start3A_556 : memref<1x32xf32, #tpu.memory_space<vmem>> -> memref<32xf32, #tpu.memory_space<vmem>>
      %dma_start3A_558 = arith.constant 0 : i32
      %dma_start3A_559 = tpu.memref_slice %arg8[%squeeze3A_552, %dma_start3A_558] : memref<1000001x32xf32, #tpu.memory_space<hbm>> -> memref<1x32xf32, #tpu.memory_space<hbm>>
      %dma_start3A_560 = tpu.memref_squeeze %dma_start3A_559 : memref<1x32xf32, #tpu.memory_space<hbm>> -> memref<32xf32, #tpu.memory_space<hbm>>
      %dma_start3A_561 = arith.constant 0 : i32
      %dma_start3A_562 = tpu.memref_slice %arg13[%add3A_554, %dma_start3A_561] : memref<256x32xf32, #tpu.memory_space<vmem>> -> memref<1x32xf32, #tpu.memory_space<vmem>>
      %dma_start3A_563 = tpu.memref_squeeze %dma_start3A_562 : memref<1x32xf32, #tpu.memory_space<vmem>> -> memref<32xf32, #tpu.memory_space<vmem>>
      %dma_start3A_564 = arith.constant 0 : i32
      %dma_start3A_565 = tpu.memref_slice %arg8[%squeeze3A_552, %dma_start3A_564] : memref<1000001x32xf32, #tpu.memory_space<hbm>> -> memref<1x32xf32, #tpu.memory_space<hbm>>
      %dma_start3A_566 = tpu.memref_squeeze %dma_start3A_565 : memref<1x32xf32, #tpu.memory_space<hbm>> -> memref<32xf32, #tpu.memory_space<hbm>>
      tpu.enqueue_dma source(%dma_start3A_566 : memref<32xf32, #tpu.memory_space<hbm>>) target(%dma_start3A_563 : memref<32xf32, #tpu.memory_space<vmem>>) target_semaphore(%arg18 : memref<!tpu.dma_semaphore, #tpu.memory_space<semaphore_mem>>)
      %slice3A_567 = vector.extract_strided_slice %get3A_241 {offsets = [10], sizes = [1], strides = [1]} : vector<16xi32> to vector<1xi32>
      %squeeze3A_568 = vector.extract %slice3A_567[0] : i32 from vector<1xi32>
      %add3A_569 = arith.constant 10 : i32
      %add3A_570 = arith.addi %mul3A_248, %add3A_569 : i32
      %dma_start3A_571 = arith.constant 0 : i32
      %dma_start3A_572 = tpu.memref_slice %arg12[%add3A_570, %dma_start3A_571] : memref<256x32xf32, #tpu.memory_space<vmem>> -> memref<1x32xf32, #tpu.memory_space<vmem>>
      %dma_start3A_573 = tpu.memref_squeeze %dma_start3A_572 : memref<1x32xf32, #tpu.memory_space<vmem>> -> memref<32xf32, #tpu.memory_space<vmem>>
      %dma_start3A_574 = arith.constant 0 : i32
      %dma_start3A_575 = tpu.memref_slice %arg7[%squeeze3A_568, %dma_start3A_574] : memref<1000001x32xf32, #tpu.memory_space<hbm>> -> memref<1x32xf32, #tpu.memory_space<hbm>>
      %dma_start3A_576 = tpu.memref_squeeze %dma_start3A_575 : memref<1x32xf32, #tpu.memory_space<hbm>> -> memref<32xf32, #tpu.memory_space<hbm>>
      %dma_start3A_577 = arith.constant 0 : i32
      %dma_start3A_578 = tpu.memref_slice %arg12[%add3A_570, %dma_start3A_577] : memref<256x32xf32, #tpu.memory_space<vmem>> -> memref<1x32xf32, #tpu.memory_space<vmem>>
      %dma_start3A_579 = tpu.memref_squeeze %dma_start3A_578 : memref<1x32xf32, #tpu.memory_space<vmem>> -> memref<32xf32, #tpu.memory_space<vmem>>
      %dma_start3A_580 = arith.constant 0 : i32
      %dma_start3A_581 = tpu.memref_slice %arg7[%squeeze3A_568, %dma_start3A_580] : memref<1000001x32xf32, #tpu.memory_space<hbm>> -> memref<1x32xf32, #tpu.memory_space<hbm>>
      %dma_start3A_582 = tpu.memref_squeeze %dma_start3A_581 : memref<1x32xf32, #tpu.memory_space<hbm>> -> memref<32xf32, #tpu.memory_space<hbm>>
      tpu.enqueue_dma source(%dma_start3A_582 : memref<32xf32, #tpu.memory_space<hbm>>) target(%dma_start3A_579 : memref<32xf32, #tpu.memory_space<vmem>>) target_semaphore(%arg18 : memref<!tpu.dma_semaphore, #tpu.memory_space<semaphore_mem>>)
      %slice3A_583 = vector.extract_strided_slice %get3A_244 {offsets = [10], sizes = [1], strides = [1]} : vector<16xi32> to vector<1xi32>
      %squeeze3A_584 = vector.extract %slice3A_583[0] : i32 from vector<1xi32>
      %add3A_585 = arith.constant 10 : i32
      %add3A_586 = arith.addi %mul3A_248, %add3A_585 : i32
      %dma_start3A_587 = arith.constant 0 : i32
      %dma_start3A_588 = tpu.memref_slice %arg13[%add3A_586, %dma_start3A_587] : memref<256x32xf32, #tpu.memory_space<vmem>> -> memref<1x32xf32, #tpu.memory_space<vmem>>
      %dma_start3A_589 = tpu.memref_squeeze %dma_start3A_588 : memref<1x32xf32, #tpu.memory_space<vmem>> -> memref<32xf32, #tpu.memory_space<vmem>>
      %dma_start3A_590 = arith.constant 0 : i32
      %dma_start3A_591 = tpu.memref_slice %arg8[%squeeze3A_584, %dma_start3A_590] : memref<1000001x32xf32, #tpu.memory_space<hbm>> -> memref<1x32xf32, #tpu.memory_space<hbm>>
      %dma_start3A_592 = tpu.memref_squeeze %dma_start3A_591 : memref<1x32xf32, #tpu.memory_space<hbm>> -> memref<32xf32, #tpu.memory_space<hbm>>
      %dma_start3A_593 = arith.constant 0 : i32
      %dma_start3A_594 = tpu.memref_slice %arg13[%add3A_586, %dma_start3A_593] : memref<256x32xf32, #tpu.memory_space<vmem>> -> memref<1x32xf32, #tpu.memory_space<vmem>>
      %dma_start3A_595 = tpu.memref_squeeze %dma_start3A_594 : memref<1x32xf32, #tpu.memory_space<vmem>> -> memref<32xf32, #tpu.memory_space<vmem>>
      %dma_start3A_596 = arith.constant 0 : i32
      %dma_start3A_597 = tpu.memref_slice %arg8[%squeeze3A_584, %dma_start3A_596] : memref<1000001x32xf32, #tpu.memory_space<hbm>> -> memref<1x32xf32, #tpu.memory_space<hbm>>
      %dma_start3A_598 = tpu.memref_squeeze %dma_start3A_597 : memref<1x32xf32, #tpu.memory_space<hbm>> -> memref<32xf32, #tpu.memory_space<hbm>>
      tpu.enqueue_dma source(%dma_start3A_598 : memref<32xf32, #tpu.memory_space<hbm>>) target(%dma_start3A_595 : memref<32xf32, #tpu.memory_space<vmem>>) target_semaphore(%arg18 : memref<!tpu.dma_semaphore, #tpu.memory_space<semaphore_mem>>)
      %slice3A_599 = vector.extract_strided_slice %get3A_241 {offsets = [11], sizes = [1], strides = [1]} : vector<16xi32> to vector<1xi32>
      %squeeze3A_600 = vector.extract %slice3A_599[0] : i32 from vector<1xi32>
      %add3A_601 = arith.constant 11 : i32
      %add3A_602 = arith.addi %mul3A_248, %add3A_601 : i32
      %dma_start3A_603 = arith.constant 0 : i32
      %dma_start3A_604 = tpu.memref_slice %arg12[%add3A_602, %dma_start3A_603] : memref<256x32xf32, #tpu.memory_space<vmem>> -> memref<1x32xf32, #tpu.memory_space<vmem>>
      %dma_start3A_605 = tpu.memref_squeeze %dma_start3A_604 : memref<1x32xf32, #tpu.memory_space<vmem>> -> memref<32xf32, #tpu.memory_space<vmem>>
      %dma_start3A_606 = arith.constant 0 : i32
      %dma_start3A_607 = tpu.memref_slice %arg7[%squeeze3A_600, %dma_start3A_606] : memref<1000001x32xf32, #tpu.memory_space<hbm>> -> memref<1x32xf32, #tpu.memory_space<hbm>>
      %dma_start3A_608 = tpu.memref_squeeze %dma_start3A_607 : memref<1x32xf32, #tpu.memory_space<hbm>> -> memref<32xf32, #tpu.memory_space<hbm>>
      %dma_start3A_609 = arith.constant 0 : i32
      %dma_start3A_610 = tpu.memref_slice %arg12[%add3A_602, %dma_start3A_609] : memref<256x32xf32, #tpu.memory_space<vmem>> -> memref<1x32xf32, #tpu.memory_space<vmem>>
      %dma_start3A_611 = tpu.memref_squeeze %dma_start3A_610 : memref<1x32xf32, #tpu.memory_space<vmem>> -> memref<32xf32, #tpu.memory_space<vmem>>
      %dma_start3A_612 = arith.constant 0 : i32
      %dma_start3A_613 = tpu.memref_slice %arg7[%squeeze3A_600, %dma_start3A_612] : memref<1000001x32xf32, #tpu.memory_space<hbm>> -> memref<1x32xf32, #tpu.memory_space<hbm>>
      %dma_start3A_614 = tpu.memref_squeeze %dma_start3A_613 : memref<1x32xf32, #tpu.memory_space<hbm>> -> memref<32xf32, #tpu.memory_space<hbm>>
      tpu.enqueue_dma source(%dma_start3A_614 : memref<32xf32, #tpu.memory_space<hbm>>) target(%dma_start3A_611 : memref<32xf32, #tpu.memory_space<vmem>>) target_semaphore(%arg18 : memref<!tpu.dma_semaphore, #tpu.memory_space<semaphore_mem>>)
      %slice3A_615 = vector.extract_strided_slice %get3A_244 {offsets = [11], sizes = [1], strides = [1]} : vector<16xi32> to vector<1xi32>
      %squeeze3A_616 = vector.extract %slice3A_615[0] : i32 from vector<1xi32>
      %add3A_617 = arith.constant 11 : i32
      %add3A_618 = arith.addi %mul3A_248, %add3A_617 : i32
      %dma_start3A_619 = arith.constant 0 : i32
      %dma_start3A_620 = tpu.memref_slice %arg13[%add3A_618, %dma_start3A_619] : memref<256x32xf32, #tpu.memory_space<vmem>> -> memref<1x32xf32, #tpu.memory_space<vmem>>
      %dma_start3A_621 = tpu.memref_squeeze %dma_start3A_620 : memref<1x32xf32, #tpu.memory_space<vmem>> -> memref<32xf32, #tpu.memory_space<vmem>>
      %dma_start3A_622 = arith.constant 0 : i32
      %dma_start3A_623 = tpu.memref_slice %arg8[%squeeze3A_616, %dma_start3A_622] : memref<1000001x32xf32, #tpu.memory_space<hbm>> -> memref<1x32xf32, #tpu.memory_space<hbm>>
      %dma_start3A_624 = tpu.memref_squeeze %dma_start3A_623 : memref<1x32xf32, #tpu.memory_space<hbm>> -> memref<32xf32, #tpu.memory_space<hbm>>
      %dma_start3A_625 = arith.constant 0 : i32
      %dma_start3A_626 = tpu.memref_slice %arg13[%add3A_618, %dma_start3A_625] : memref<256x32xf32, #tpu.memory_space<vmem>> -> memref<1x32xf32, #tpu.memory_space<vmem>>
      %dma_start3A_627 = tpu.memref_squeeze %dma_start3A_626 : memref<1x32xf32, #tpu.memory_space<vmem>> -> memref<32xf32, #tpu.memory_space<vmem>>
      %dma_start3A_628 = arith.constant 0 : i32
      %dma_start3A_629 = tpu.memref_slice %arg8[%squeeze3A_616, %dma_start3A_628] : memref<1000001x32xf32, #tpu.memory_space<hbm>> -> memref<1x32xf32, #tpu.memory_space<hbm>>
      %dma_start3A_630 = tpu.memref_squeeze %dma_start3A_629 : memref<1x32xf32, #tpu.memory_space<hbm>> -> memref<32xf32, #tpu.memory_space<hbm>>
      tpu.enqueue_dma source(%dma_start3A_630 : memref<32xf32, #tpu.memory_space<hbm>>) target(%dma_start3A_627 : memref<32xf32, #tpu.memory_space<vmem>>) target_semaphore(%arg18 : memref<!tpu.dma_semaphore, #tpu.memory_space<semaphore_mem>>)
      %slice3A_631 = vector.extract_strided_slice %get3A_241 {offsets = [12], sizes = [1], strides = [1]} : vector<16xi32> to vector<1xi32>
      %squeeze3A_632 = vector.extract %slice3A_631[0] : i32 from vector<1xi32>
      %add3A_633 = arith.constant 12 : i32
      %add3A_634 = arith.addi %mul3A_248, %add3A_633 : i32
      %dma_start3A_635 = arith.constant 0 : i32
      %dma_start3A_636 = tpu.memref_slice %arg12[%add3A_634, %dma_start3A_635] : memref<256x32xf32, #tpu.memory_space<vmem>> -> memref<1x32xf32, #tpu.memory_space<vmem>>
      %dma_start3A_637 = tpu.memref_squeeze %dma_start3A_636 : memref<1x32xf32, #tpu.memory_space<vmem>> -> memref<32xf32, #tpu.memory_space<vmem>>
      %dma_start3A_638 = arith.constant 0 : i32
      %dma_start3A_639 = tpu.memref_slice %arg7[%squeeze3A_632, %dma_start3A_638] : memref<1000001x32xf32, #tpu.memory_space<hbm>> -> memref<1x32xf32, #tpu.memory_space<hbm>>
      %dma_start3A_640 = tpu.memref_squeeze %dma_start3A_639 : memref<1x32xf32, #tpu.memory_space<hbm>> -> memref<32xf32, #tpu.memory_space<hbm>>
      %dma_start3A_641 = arith.constant 0 : i32
      %dma_start3A_642 = tpu.memref_slice %arg12[%add3A_634, %dma_start3A_641] : memref<256x32xf32, #tpu.memory_space<vmem>> -> memref<1x32xf32, #tpu.memory_space<vmem>>
      %dma_start3A_643 = tpu.memref_squeeze %dma_start3A_642 : memref<1x32xf32, #tpu.memory_space<vmem>> -> memref<32xf32, #tpu.memory_space<vmem>>
      %dma_start3A_644 = arith.constant 0 : i32
      %dma_start3A_645 = tpu.memref_slice %arg7[%squeeze3A_632, %dma_start3A_644] : memref<1000001x32xf32, #tpu.memory_space<hbm>> -> memref<1x32xf32, #tpu.memory_space<hbm>>
      %dma_start3A_646 = tpu.memref_squeeze %dma_start3A_645 : memref<1x32xf32, #tpu.memory_space<hbm>> -> memref<32xf32, #tpu.memory_space<hbm>>
      tpu.enqueue_dma source(%dma_start3A_646 : memref<32xf32, #tpu.memory_space<hbm>>) target(%dma_start3A_643 : memref<32xf32, #tpu.memory_space<vmem>>) target_semaphore(%arg18 : memref<!tpu.dma_semaphore, #tpu.memory_space<semaphore_mem>>)
      %slice3A_647 = vector.extract_strided_slice %get3A_244 {offsets = [12], sizes = [1], strides = [1]} : vector<16xi32> to vector<1xi32>
      %squeeze3A_648 = vector.extract %slice3A_647[0] : i32 from vector<1xi32>
      %add3A_649 = arith.constant 12 : i32
      %add3A_650 = arith.addi %mul3A_248, %add3A_649 : i32
      %dma_start3A_651 = arith.constant 0 : i32
      %dma_start3A_652 = tpu.memref_slice %arg13[%add3A_650, %dma_start3A_651] : memref<256x32xf32, #tpu.memory_space<vmem>> -> memref<1x32xf32, #tpu.memory_space<vmem>>
      %dma_start3A_653 = tpu.memref_squeeze %dma_start3A_652 : memref<1x32xf32, #tpu.memory_space<vmem>> -> memref<32xf32, #tpu.memory_space<vmem>>
      %dma_start3A_654 = arith.constant 0 : i32
      %dma_start3A_655 = tpu.memref_slice %arg8[%squeeze3A_648, %dma_start3A_654] : memref<1000001x32xf32, #tpu.memory_space<hbm>> -> memref<1x32xf32, #tpu.memory_space<hbm>>
      %dma_start3A_656 = tpu.memref_squeeze %dma_start3A_655 : memref<1x32xf32, #tpu.memory_space<hbm>> -> memref<32xf32, #tpu.memory_space<hbm>>
      %dma_start3A_657 = arith.constant 0 : i32
      %dma_start3A_658 = tpu.memref_slice %arg13[%add3A_650, %dma_start3A_657] : memref<256x32xf32, #tpu.memory_space<vmem>> -> memref<1x32xf32, #tpu.memory_space<vmem>>
      %dma_start3A_659 = tpu.memref_squeeze %dma_start3A_658 : memref<1x32xf32, #tpu.memory_space<vmem>> -> memref<32xf32, #tpu.memory_space<vmem>>
      %dma_start3A_660 = arith.constant 0 : i32
      %dma_start3A_661 = tpu.memref_slice %arg8[%squeeze3A_648, %dma_start3A_660] : memref<1000001x32xf32, #tpu.memory_space<hbm>> -> memref<1x32xf32, #tpu.memory_space<hbm>>
      %dma_start3A_662 = tpu.memref_squeeze %dma_start3A_661 : memref<1x32xf32, #tpu.memory_space<hbm>> -> memref<32xf32, #tpu.memory_space<hbm>>
      tpu.enqueue_dma source(%dma_start3A_662 : memref<32xf32, #tpu.memory_space<hbm>>) target(%dma_start3A_659 : memref<32xf32, #tpu.memory_space<vmem>>) target_semaphore(%arg18 : memref<!tpu.dma_semaphore, #tpu.memory_space<semaphore_mem>>)
      %slice3A_663 = vector.extract_strided_slice %get3A_241 {offsets = [13], sizes = [1], strides = [1]} : vector<16xi32> to vector<1xi32>
      %squeeze3A_664 = vector.extract %slice3A_663[0] : i32 from vector<1xi32>
      %add3A_665 = arith.constant 13 : i32
      %add3A_666 = arith.addi %mul3A_248, %add3A_665 : i32
      %dma_start3A_667 = arith.constant 0 : i32
      %dma_start3A_668 = tpu.memref_slice %arg12[%add3A_666, %dma_start3A_667] : memref<256x32xf32, #tpu.memory_space<vmem>> -> memref<1x32xf32, #tpu.memory_space<vmem>>
      %dma_start3A_669 = tpu.memref_squeeze %dma_start3A_668 : memref<1x32xf32, #tpu.memory_space<vmem>> -> memref<32xf32, #tpu.memory_space<vmem>>
      %dma_start3A_670 = arith.constant 0 : i32
      %dma_start3A_671 = tpu.memref_slice %arg7[%squeeze3A_664, %dma_start3A_670] : memref<1000001x32xf32, #tpu.memory_space<hbm>> -> memref<1x32xf32, #tpu.memory_space<hbm>>
      %dma_start3A_672 = tpu.memref_squeeze %dma_start3A_671 : memref<1x32xf32, #tpu.memory_space<hbm>> -> memref<32xf32, #tpu.memory_space<hbm>>
      %dma_start3A_673 = arith.constant 0 : i32
      %dma_start3A_674 = tpu.memref_slice %arg12[%add3A_666, %dma_start3A_673] : memref<256x32xf32, #tpu.memory_space<vmem>> -> memref<1x32xf32, #tpu.memory_space<vmem>>
      %dma_start3A_675 = tpu.memref_squeeze %dma_start3A_674 : memref<1x32xf32, #tpu.memory_space<vmem>> -> memref<32xf32, #tpu.memory_space<vmem>>
      %dma_start3A_676 = arith.constant 0 : i32
      %dma_start3A_677 = tpu.memref_slice %arg7[%squeeze3A_664, %dma_start3A_676] : memref<1000001x32xf32, #tpu.memory_space<hbm>> -> memref<1x32xf32, #tpu.memory_space<hbm>>
      %dma_start3A_678 = tpu.memref_squeeze %dma_start3A_677 : memref<1x32xf32, #tpu.memory_space<hbm>> -> memref<32xf32, #tpu.memory_space<hbm>>
      tpu.enqueue_dma source(%dma_start3A_678 : memref<32xf32, #tpu.memory_space<hbm>>) target(%dma_start3A_675 : memref<32xf32, #tpu.memory_space<vmem>>) target_semaphore(%arg18 : memref<!tpu.dma_semaphore, #tpu.memory_space<semaphore_mem>>)
      %slice3A_679 = vector.extract_strided_slice %get3A_244 {offsets = [13], sizes = [1], strides = [1]} : vector<16xi32> to vector<1xi32>
      %squeeze3A_680 = vector.extract %slice3A_679[0] : i32 from vector<1xi32>
      %add3A_681 = arith.constant 13 : i32
      %add3A_682 = arith.addi %mul3A_248, %add3A_681 : i32
      %dma_start3A_683 = arith.constant 0 : i32
      %dma_start3A_684 = tpu.memref_slice %arg13[%add3A_682, %dma_start3A_683] : memref<256x32xf32, #tpu.memory_space<vmem>> -> memref<1x32xf32, #tpu.memory_space<vmem>>
      %dma_start3A_685 = tpu.memref_squeeze %dma_start3A_684 : memref<1x32xf32, #tpu.memory_space<vmem>> -> memref<32xf32, #tpu.memory_space<vmem>>
      %dma_start3A_686 = arith.constant 0 : i32
      %dma_start3A_687 = tpu.memref_slice %arg8[%squeeze3A_680, %dma_start3A_686] : memref<1000001x32xf32, #tpu.memory_space<hbm>> -> memref<1x32xf32, #tpu.memory_space<hbm>>
      %dma_start3A_688 = tpu.memref_squeeze %dma_start3A_687 : memref<1x32xf32, #tpu.memory_space<hbm>> -> memref<32xf32, #tpu.memory_space<hbm>>
      %dma_start3A_689 = arith.constant 0 : i32
      %dma_start3A_690 = tpu.memref_slice %arg13[%add3A_682, %dma_start3A_689] : memref<256x32xf32, #tpu.memory_space<vmem>> -> memref<1x32xf32, #tpu.memory_space<vmem>>
      %dma_start3A_691 = tpu.memref_squeeze %dma_start3A_690 : memref<1x32xf32, #tpu.memory_space<vmem>> -> memref<32xf32, #tpu.memory_space<vmem>>
      %dma_start3A_692 = arith.constant 0 : i32
      %dma_start3A_693 = tpu.memref_slice %arg8[%squeeze3A_680, %dma_start3A_692] : memref<1000001x32xf32, #tpu.memory_space<hbm>> -> memref<1x32xf32, #tpu.memory_space<hbm>>
      %dma_start3A_694 = tpu.memref_squeeze %dma_start3A_693 : memref<1x32xf32, #tpu.memory_space<hbm>> -> memref<32xf32, #tpu.memory_space<hbm>>
      tpu.enqueue_dma source(%dma_start3A_694 : memref<32xf32, #tpu.memory_space<hbm>>) target(%dma_start3A_691 : memref<32xf32, #tpu.memory_space<vmem>>) target_semaphore(%arg18 : memref<!tpu.dma_semaphore, #tpu.memory_space<semaphore_mem>>)
      %slice3A_695 = vector.extract_strided_slice %get3A_241 {offsets = [14], sizes = [1], strides = [1]} : vector<16xi32> to vector<1xi32>
      %squeeze3A_696 = vector.extract %slice3A_695[0] : i32 from vector<1xi32>
      %add3A_697 = arith.constant 14 : i32
      %add3A_698 = arith.addi %mul3A_248, %add3A_697 : i32
      %dma_start3A_699 = arith.constant 0 : i32
      %dma_start3A_700 = tpu.memref_slice %arg12[%add3A_698, %dma_start3A_699] : memref<256x32xf32, #tpu.memory_space<vmem>> -> memref<1x32xf32, #tpu.memory_space<vmem>>
      %dma_start3A_701 = tpu.memref_squeeze %dma_start3A_700 : memref<1x32xf32, #tpu.memory_space<vmem>> -> memref<32xf32, #tpu.memory_space<vmem>>
      %dma_start3A_702 = arith.constant 0 : i32
      %dma_start3A_703 = tpu.memref_slice %arg7[%squeeze3A_696, %dma_start3A_702] : memref<1000001x32xf32, #tpu.memory_space<hbm>> -> memref<1x32xf32, #tpu.memory_space<hbm>>
      %dma_start3A_704 = tpu.memref_squeeze %dma_start3A_703 : memref<1x32xf32, #tpu.memory_space<hbm>> -> memref<32xf32, #tpu.memory_space<hbm>>
      %dma_start3A_705 = arith.constant 0 : i32
      %dma_start3A_706 = tpu.memref_slice %arg12[%add3A_698, %dma_start3A_705] : memref<256x32xf32, #tpu.memory_space<vmem>> -> memref<1x32xf32, #tpu.memory_space<vmem>>
      %dma_start3A_707 = tpu.memref_squeeze %dma_start3A_706 : memref<1x32xf32, #tpu.memory_space<vmem>> -> memref<32xf32, #tpu.memory_space<vmem>>
      %dma_start3A_708 = arith.constant 0 : i32
      %dma_start3A_709 = tpu.memref_slice %arg7[%squeeze3A_696, %dma_start3A_708] : memref<1000001x32xf32, #tpu.memory_space<hbm>> -> memref<1x32xf32, #tpu.memory_space<hbm>>
      %dma_start3A_710 = tpu.memref_squeeze %dma_start3A_709 : memref<1x32xf32, #tpu.memory_space<hbm>> -> memref<32xf32, #tpu.memory_space<hbm>>
      tpu.enqueue_dma source(%dma_start3A_710 : memref<32xf32, #tpu.memory_space<hbm>>) target(%dma_start3A_707 : memref<32xf32, #tpu.memory_space<vmem>>) target_semaphore(%arg18 : memref<!tpu.dma_semaphore, #tpu.memory_space<semaphore_mem>>)
      %slice3A_711 = vector.extract_strided_slice %get3A_244 {offsets = [14], sizes = [1], strides = [1]} : vector<16xi32> to vector<1xi32>
      %squeeze3A_712 = vector.extract %slice3A_711[0] : i32 from vector<1xi32>
      %add3A_713 = arith.constant 14 : i32
      %add3A_714 = arith.addi %mul3A_248, %add3A_713 : i32
      %dma_start3A_715 = arith.constant 0 : i32
      %dma_start3A_716 = tpu.memref_slice %arg13[%add3A_714, %dma_start3A_715] : memref<256x32xf32, #tpu.memory_space<vmem>> -> memref<1x32xf32, #tpu.memory_space<vmem>>
      %dma_start3A_717 = tpu.memref_squeeze %dma_start3A_716 : memref<1x32xf32, #tpu.memory_space<vmem>> -> memref<32xf32, #tpu.memory_space<vmem>>
      %dma_start3A_718 = arith.constant 0 : i32
      %dma_start3A_719 = tpu.memref_slice %arg8[%squeeze3A_712, %dma_start3A_718] : memref<1000001x32xf32, #tpu.memory_space<hbm>> -> memref<1x32xf32, #tpu.memory_space<hbm>>
      %dma_start3A_720 = tpu.memref_squeeze %dma_start3A_719 : memref<1x32xf32, #tpu.memory_space<hbm>> -> memref<32xf32, #tpu.memory_space<hbm>>
      %dma_start3A_721 = arith.constant 0 : i32
      %dma_start3A_722 = tpu.memref_slice %arg13[%add3A_714, %dma_start3A_721] : memref<256x32xf32, #tpu.memory_space<vmem>> -> memref<1x32xf32, #tpu.memory_space<vmem>>
      %dma_start3A_723 = tpu.memref_squeeze %dma_start3A_722 : memref<1x32xf32, #tpu.memory_space<vmem>> -> memref<32xf32, #tpu.memory_space<vmem>>
      %dma_start3A_724 = arith.constant 0 : i32
      %dma_start3A_725 = tpu.memref_slice %arg8[%squeeze3A_712, %dma_start3A_724] : memref<1000001x32xf32, #tpu.memory_space<hbm>> -> memref<1x32xf32, #tpu.memory_space<hbm>>
      %dma_start3A_726 = tpu.memref_squeeze %dma_start3A_725 : memref<1x32xf32, #tpu.memory_space<hbm>> -> memref<32xf32, #tpu.memory_space<hbm>>
      tpu.enqueue_dma source(%dma_start3A_726 : memref<32xf32, #tpu.memory_space<hbm>>) target(%dma_start3A_723 : memref<32xf32, #tpu.memory_space<vmem>>) target_semaphore(%arg18 : memref<!tpu.dma_semaphore, #tpu.memory_space<semaphore_mem>>)
      %slice3A_727 = vector.extract_strided_slice %get3A_241 {offsets = [15], sizes = [1], strides = [1]} : vector<16xi32> to vector<1xi32>
      %squeeze3A_728 = vector.extract %slice3A_727[0] : i32 from vector<1xi32>
      %add3A_729 = arith.constant 15 : i32
      %add3A_730 = arith.addi %mul3A_248, %add3A_729 : i32
      %dma_start3A_731 = arith.constant 0 : i32
      %dma_start3A_732 = tpu.memref_slice %arg12[%add3A_730, %dma_start3A_731] : memref<256x32xf32, #tpu.memory_space<vmem>> -> memref<1x32xf32, #tpu.memory_space<vmem>>
      %dma_start3A_733 = tpu.memref_squeeze %dma_start3A_732 : memref<1x32xf32, #tpu.memory_space<vmem>> -> memref<32xf32, #tpu.memory_space<vmem>>
      %dma_start3A_734 = arith.constant 0 : i32
      %dma_start3A_735 = tpu.memref_slice %arg7[%squeeze3A_728, %dma_start3A_734] : memref<1000001x32xf32, #tpu.memory_space<hbm>> -> memref<1x32xf32, #tpu.memory_space<hbm>>
      %dma_start3A_736 = tpu.memref_squeeze %dma_start3A_735 : memref<1x32xf32, #tpu.memory_space<hbm>> -> memref<32xf32, #tpu.memory_space<hbm>>
      %dma_start3A_737 = arith.constant 0 : i32
      %dma_start3A_738 = tpu.memref_slice %arg12[%add3A_730, %dma_start3A_737] : memref<256x32xf32, #tpu.memory_space<vmem>> -> memref<1x32xf32, #tpu.memory_space<vmem>>
      %dma_start3A_739 = tpu.memref_squeeze %dma_start3A_738 : memref<1x32xf32, #tpu.memory_space<vmem>> -> memref<32xf32, #tpu.memory_space<vmem>>
      %dma_start3A_740 = arith.constant 0 : i32
      %dma_start3A_741 = tpu.memref_slice %arg7[%squeeze3A_728, %dma_start3A_740] : memref<1000001x32xf32, #tpu.memory_space<hbm>> -> memref<1x32xf32, #tpu.memory_space<hbm>>
      %dma_start3A_742 = tpu.memref_squeeze %dma_start3A_741 : memref<1x32xf32, #tpu.memory_space<hbm>> -> memref<32xf32, #tpu.memory_space<hbm>>
      tpu.enqueue_dma source(%dma_start3A_742 : memref<32xf32, #tpu.memory_space<hbm>>) target(%dma_start3A_739 : memref<32xf32, #tpu.memory_space<vmem>>) target_semaphore(%arg18 : memref<!tpu.dma_semaphore, #tpu.memory_space<semaphore_mem>>)
      %slice3A_743 = vector.extract_strided_slice %get3A_244 {offsets = [15], sizes = [1], strides = [1]} : vector<16xi32> to vector<1xi32>
      %squeeze3A_744 = vector.extract %slice3A_743[0] : i32 from vector<1xi32>
      %add3A_745 = arith.constant 15 : i32
      %add3A_746 = arith.addi %mul3A_248, %add3A_745 : i32
      %dma_start3A_747 = arith.constant 0 : i32
      %dma_start3A_748 = tpu.memref_slice %arg13[%add3A_746, %dma_start3A_747] : memref<256x32xf32, #tpu.memory_space<vmem>> -> memref<1x32xf32, #tpu.memory_space<vmem>>
      %dma_start3A_749 = tpu.memref_squeeze %dma_start3A_748 : memref<1x32xf32, #tpu.memory_space<vmem>> -> memref<32xf32, #tpu.memory_space<vmem>>
      %dma_start3A_750 = arith.constant 0 : i32
      %dma_start3A_751 = tpu.memref_slice %arg8[%squeeze3A_744, %dma_start3A_750] : memref<1000001x32xf32, #tpu.memory_space<hbm>> -> memref<1x32xf32, #tpu.memory_space<hbm>>
      %dma_start3A_752 = tpu.memref_squeeze %dma_start3A_751 : memref<1x32xf32, #tpu.memory_space<hbm>> -> memref<32xf32, #tpu.memory_space<hbm>>
      %dma_start3A_753 = arith.constant 0 : i32
      %dma_start3A_754 = tpu.memref_slice %arg13[%add3A_746, %dma_start3A_753] : memref<256x32xf32, #tpu.memory_space<vmem>> -> memref<1x32xf32, #tpu.memory_space<vmem>>
      %dma_start3A_755 = tpu.memref_squeeze %dma_start3A_754 : memref<1x32xf32, #tpu.memory_space<vmem>> -> memref<32xf32, #tpu.memory_space<vmem>>
      %dma_start3A_756 = arith.constant 0 : i32
      %dma_start3A_757 = tpu.memref_slice %arg8[%squeeze3A_744, %dma_start3A_756] : memref<1000001x32xf32, #tpu.memory_space<hbm>> -> memref<1x32xf32, #tpu.memory_space<hbm>>
      %dma_start3A_758 = tpu.memref_squeeze %dma_start3A_757 : memref<1x32xf32, #tpu.memory_space<hbm>> -> memref<32xf32, #tpu.memory_space<hbm>>
      tpu.enqueue_dma source(%dma_start3A_758 : memref<32xf32, #tpu.memory_space<hbm>>) target(%dma_start3A_755 : memref<32xf32, #tpu.memory_space<vmem>>) target_semaphore(%arg18 : memref<!tpu.dma_semaphore, #tpu.memory_space<semaphore_mem>>)
    }
    %scan3A_127 = arith.constant 16 : i32
    %dma_wait3A = arith.constant 0 : i32
    %dma_wait3A_128 = arith.constant 0 : i32
    %dma_wait3A_129 = tpu.memref_slice %arg7[%dma_wait3A, %dma_wait3A_128] : memref<1000001x32xf32, #tpu.memory_space<hbm>> -> memref<256x32xf32, #tpu.memory_space<hbm>>
    %dma_wait3A_130 = arith.constant 0 : i32
    %dma_wait3A_131 = arith.constant 0 : i32
    %dma_wait3A_132 = tpu.memref_slice %arg7[%dma_wait3A_130, %dma_wait3A_131] : memref<1000001x32xf32, #tpu.memory_space<hbm>> -> memref<256x32xf32, #tpu.memory_space<hbm>>
    tpu.wait_dma2 semaphore(%arg18 : memref<!tpu.dma_semaphore, #tpu.memory_space<semaphore_mem>>) src(%dma_wait3A_132 : memref<256x32xf32, #tpu.memory_space<hbm>>) dst(%arg12 : memref<256x32xf32, #tpu.memory_space<vmem>>)
    %dma_wait3A_133 = arith.constant 0 : i32
    %dma_wait3A_134 = arith.constant 0 : i32
    %dma_wait3A_135 = tpu.memref_slice %arg8[%dma_wait3A_133, %dma_wait3A_134] : memref<1000001x32xf32, #tpu.memory_space<hbm>> -> memref<256x32xf32, #tpu.memory_space<hbm>>
    %dma_wait3A_136 = arith.constant 0 : i32
    %dma_wait3A_137 = arith.constant 0 : i32
    %dma_wait3A_138 = tpu.memref_slice %arg8[%dma_wait3A_136, %dma_wait3A_137] : memref<1000001x32xf32, #tpu.memory_space<hbm>> -> memref<256x32xf32, #tpu.memory_space<hbm>>
    tpu.wait_dma2 semaphore(%arg18 : memref<!tpu.dma_semaphore, #tpu.memory_space<semaphore_mem>>) src(%dma_wait3A_138 : memref<256x32xf32, #tpu.memory_space<hbm>>) dst(%arg13 : memref<256x32xf32, #tpu.memory_space<vmem>>)
    %dma_wait3A_139 = arith.constant 0 : i32
    %dma_wait3A_140 = arith.constant 0 : i32
    %dma_wait3A_141 = tpu.memref_slice %arg14[%dma_wait3A_140] : memref<512xf32, #tpu.memory_space<vmem>> -> memref<128xf32, #tpu.memory_space<vmem>>
    %dma_wait3A_142 = arith.constant 0 : i32
    %dma_wait3A_143 = tpu.memref_slice %arg10[%dma_wait3A_139, %dma_wait3A_142] : memref<4x128xi32, #tpu.memory_space<vmem>> -> memref<1x128xi32, #tpu.memory_space<vmem>>
    %dma_wait3A_144 = tpu.memref_squeeze %dma_wait3A_143 : memref<1x128xi32, #tpu.memory_space<vmem>> -> memref<128xi32, #tpu.memory_space<vmem>>
    %dma_wait3A_145 = arith.constant 0 : i32
    %dma_wait3A_146 = tpu.memref_slice %arg4[%dma_wait3A_145] : memref<1000001xf32, #tpu.memory_space<hbm>> -> memref<1000001xf32, #tpu.memory_space<hbm>>
    tpu.wait_indirect_dma semaphore(%arg19 : memref<!tpu.dma_semaphore, #tpu.memory_space<semaphore_mem>>) src(%dma_wait3A_146 : memref<1000001xf32, #tpu.memory_space<hbm>>) dst(%dma_wait3A_141 : memref<128xf32, #tpu.memory_space<vmem>>)
    %dma_wait3A_147 = arith.constant 0 : i32
    %dma_wait3A_148 = arith.constant 0 : i32
    %dma_wait3A_149 = tpu.memref_slice %arg15[%dma_wait3A_148] : memref<512xf32, #tpu.memory_space<vmem>> -> memref<128xf32, #tpu.memory_space<vmem>>
    %dma_wait3A_150 = arith.constant 0 : i32
    %dma_wait3A_151 = tpu.memref_slice %arg11[%dma_wait3A_147, %dma_wait3A_150] : memref<4x128xi32, #tpu.memory_space<vmem>> -> memref<1x128xi32, #tpu.memory_space<vmem>>
    %dma_wait3A_152 = tpu.memref_squeeze %dma_wait3A_151 : memref<1x128xi32, #tpu.memory_space<vmem>> -> memref<128xi32, #tpu.memory_space<vmem>>
    %dma_wait3A_153 = arith.constant 0 : i32
    %dma_wait3A_154 = tpu.memref_slice %arg5[%dma_wait3A_153] : memref<1000001xf32, #tpu.memory_space<hbm>> -> memref<1000001xf32, #tpu.memory_space<hbm>>
    tpu.wait_indirect_dma semaphore(%arg19 : memref<!tpu.dma_semaphore, #tpu.memory_space<semaphore_mem>>) src(%dma_wait3A_154 : memref<1000001xf32, #tpu.memory_space<hbm>>) dst(%dma_wait3A_149 : memref<128xf32, #tpu.memory_space<vmem>>)
    %dma_wait3A_155 = arith.constant 1 : i32
    %dma_wait3A_156 = arith.constant 128 : i32
    %dma_wait3A_157 = tpu.memref_slice %arg14[%dma_wait3A_156] : memref<512xf32, #tpu.memory_space<vmem>> -> memref<128xf32, #tpu.memory_space<vmem>>
    %dma_wait3A_158 = arith.constant 0 : i32
    %dma_wait3A_159 = tpu.memref_slice %arg10[%dma_wait3A_155, %dma_wait3A_158] : memref<4x128xi32, #tpu.memory_space<vmem>> -> memref<1x128xi32, #tpu.memory_space<vmem>>
    %dma_wait3A_160 = tpu.memref_squeeze %dma_wait3A_159 : memref<1x128xi32, #tpu.memory_space<vmem>> -> memref<128xi32, #tpu.memory_space<vmem>>
    %dma_wait3A_161 = arith.constant 0 : i32
    %dma_wait3A_162 = tpu.memref_slice %arg4[%dma_wait3A_161] : memref<1000001xf32, #tpu.memory_space<hbm>> -> memref<1000001xf32, #tpu.memory_space<hbm>>
    tpu.wait_indirect_dma semaphore(%arg19 : memref<!tpu.dma_semaphore, #tpu.memory_space<semaphore_mem>>) src(%dma_wait3A_162 : memref<1000001xf32, #tpu.memory_space<hbm>>) dst(%dma_wait3A_157 : memref<128xf32, #tpu.memory_space<vmem>>)
    %dma_wait3A_163 = arith.constant 1 : i32
    %dma_wait3A_164 = arith.constant 128 : i32
    %dma_wait3A_165 = tpu.memref_slice %arg15[%dma_wait3A_164] : memref<512xf32, #tpu.memory_space<vmem>> -> memref<128xf32, #tpu.memory_space<vmem>>
    %dma_wait3A_166 = arith.constant 0 : i32
    %dma_wait3A_167 = tpu.memref_slice %arg11[%dma_wait3A_163, %dma_wait3A_166] : memref<4x128xi32, #tpu.memory_space<vmem>> -> memref<1x128xi32, #tpu.memory_space<vmem>>
    %dma_wait3A_168 = tpu.memref_squeeze %dma_wait3A_167 : memref<1x128xi32, #tpu.memory_space<vmem>> -> memref<128xi32, #tpu.memory_space<vmem>>
    %dma_wait3A_169 = arith.constant 0 : i32
    %dma_wait3A_170 = tpu.memref_slice %arg5[%dma_wait3A_169] : memref<1000001xf32, #tpu.memory_space<hbm>> -> memref<1000001xf32, #tpu.memory_space<hbm>>
    tpu.wait_indirect_dma semaphore(%arg19 : memref<!tpu.dma_semaphore, #tpu.memory_space<semaphore_mem>>) src(%dma_wait3A_170 : memref<1000001xf32, #tpu.memory_space<hbm>>) dst(%dma_wait3A_165 : memref<128xf32, #tpu.memory_space<vmem>>)
    %dma_wait3A_171 = arith.constant 2 : i32
    %dma_wait3A_172 = arith.constant 256 : i32
    %dma_wait3A_173 = tpu.memref_slice %arg14[%dma_wait3A_172] : memref<512xf32, #tpu.memory_space<vmem>> -> memref<128xf32, #tpu.memory_space<vmem>>
    %dma_wait3A_174 = arith.constant 0 : i32
    %dma_wait3A_175 = tpu.memref_slice %arg10[%dma_wait3A_171, %dma_wait3A_174] : memref<4x128xi32, #tpu.memory_space<vmem>> -> memref<1x128xi32, #tpu.memory_space<vmem>>
    %dma_wait3A_176 = tpu.memref_squeeze %dma_wait3A_175 : memref<1x128xi32, #tpu.memory_space<vmem>> -> memref<128xi32, #tpu.memory_space<vmem>>
    %dma_wait3A_177 = arith.constant 0 : i32
    %dma_wait3A_178 = tpu.memref_slice %arg4[%dma_wait3A_177] : memref<1000001xf32, #tpu.memory_space<hbm>> -> memref<1000001xf32, #tpu.memory_space<hbm>>
    tpu.wait_indirect_dma semaphore(%arg19 : memref<!tpu.dma_semaphore, #tpu.memory_space<semaphore_mem>>) src(%dma_wait3A_178 : memref<1000001xf32, #tpu.memory_space<hbm>>) dst(%dma_wait3A_173 : memref<128xf32, #tpu.memory_space<vmem>>)
    %dma_wait3A_179 = arith.constant 2 : i32
    %dma_wait3A_180 = arith.constant 256 : i32
    %dma_wait3A_181 = tpu.memref_slice %arg15[%dma_wait3A_180] : memref<512xf32, #tpu.memory_space<vmem>> -> memref<128xf32, #tpu.memory_space<vmem>>
    %dma_wait3A_182 = arith.constant 0 : i32
    %dma_wait3A_183 = tpu.memref_slice %arg11[%dma_wait3A_179, %dma_wait3A_182] : memref<4x128xi32, #tpu.memory_space<vmem>> -> memref<1x128xi32, #tpu.memory_space<vmem>>
    %dma_wait3A_184 = tpu.memref_squeeze %dma_wait3A_183 : memref<1x128xi32, #tpu.memory_space<vmem>> -> memref<128xi32, #tpu.memory_space<vmem>>
    %dma_wait3A_185 = arith.constant 0 : i32
    %dma_wait3A_186 = tpu.memref_slice %arg5[%dma_wait3A_185] : memref<1000001xf32, #tpu.memory_space<hbm>> -> memref<1000001xf32, #tpu.memory_space<hbm>>
    tpu.wait_indirect_dma semaphore(%arg19 : memref<!tpu.dma_semaphore, #tpu.memory_space<semaphore_mem>>) src(%dma_wait3A_186 : memref<1000001xf32, #tpu.memory_space<hbm>>) dst(%dma_wait3A_181 : memref<128xf32, #tpu.memory_space<vmem>>)
    %dma_wait3A_187 = arith.constant 3 : i32
    %dma_wait3A_188 = arith.constant 384 : i32
    %dma_wait3A_189 = tpu.memref_slice %arg14[%dma_wait3A_188] : memref<512xf32, #tpu.memory_space<vmem>> -> memref<128xf32, #tpu.memory_space<vmem>>
    %dma_wait3A_190 = arith.constant 0 : i32
    %dma_wait3A_191 = tpu.memref_slice %arg10[%dma_wait3A_187, %dma_wait3A_190] : memref<4x128xi32, #tpu.memory_space<vmem>> -> memref<1x128xi32, #tpu.memory_space<vmem>>
    %dma_wait3A_192 = tpu.memref_squeeze %dma_wait3A_191 : memref<1x128xi32, #tpu.memory_space<vmem>> -> memref<128xi32, #tpu.memory_space<vmem>>
    %dma_wait3A_193 = arith.constant 0 : i32
    %dma_wait3A_194 = tpu.memref_slice %arg4[%dma_wait3A_193] : memref<1000001xf32, #tpu.memory_space<hbm>> -> memref<1000001xf32, #tpu.memory_space<hbm>>
    tpu.wait_indirect_dma semaphore(%arg19 : memref<!tpu.dma_semaphore, #tpu.memory_space<semaphore_mem>>) src(%dma_wait3A_194 : memref<1000001xf32, #tpu.memory_space<hbm>>) dst(%dma_wait3A_189 : memref<128xf32, #tpu.memory_space<vmem>>)
    %dma_wait3A_195 = arith.constant 3 : i32
    %dma_wait3A_196 = arith.constant 384 : i32
    %dma_wait3A_197 = tpu.memref_slice %arg15[%dma_wait3A_196] : memref<512xf32, #tpu.memory_space<vmem>> -> memref<128xf32, #tpu.memory_space<vmem>>
    %dma_wait3A_198 = arith.constant 0 : i32
    %dma_wait3A_199 = tpu.memref_slice %arg11[%dma_wait3A_195, %dma_wait3A_198] : memref<4x128xi32, #tpu.memory_space<vmem>> -> memref<1x128xi32, #tpu.memory_space<vmem>>
    %dma_wait3A_200 = tpu.memref_squeeze %dma_wait3A_199 : memref<1x128xi32, #tpu.memory_space<vmem>> -> memref<128xi32, #tpu.memory_space<vmem>>
    %dma_wait3A_201 = arith.constant 0 : i32
    %dma_wait3A_202 = tpu.memref_slice %arg5[%dma_wait3A_201] : memref<1000001xf32, #tpu.memory_space<hbm>> -> memref<1000001xf32, #tpu.memory_space<hbm>>
    tpu.wait_indirect_dma semaphore(%arg19 : memref<!tpu.dma_semaphore, #tpu.memory_space<semaphore_mem>>) src(%dma_wait3A_202 : memref<1000001xf32, #tpu.memory_space<hbm>>) dst(%dma_wait3A_197 : memref<128xf32, #tpu.memory_space<vmem>>)
    %scan3A_203 = arith.constant 0 : i32
    %scan3A_204 = arith.constant 0 : i32
    %scan3A_205 = arith.constant 16 : i32
    %scan3A_206 = arith.addi %scan3A_204, %scan3A_205 : i32
    %scan3A_207 = arith.constant 1 : i32
    scf.for %scan3A_233 = %scan3A_204 to %scan3A_206 step %scan3A_207  : i32 {
      %mul3A_234 = arith.constant 16 : i32
      %mul3A_235 = arith.muli %scan3A_233, %mul3A_234 : i32
      %and3A_236 = arith.constant 15 : i32
      %and3A_237 = arith.andi %scan3A_233, %and3A_236 : i32
      %mul3A_238 = arith.constant 16 : i32
      %mul3A_239 = arith.muli %and3A_237, %mul3A_238 : i32
      %add3A_240 = arith.constant 0 : i32
      %add3A_241 = arith.addi %mul3A_239, %add3A_240 : i32
      %get3A_242 = arith.index_cast %add3A_241 : i32 to index
      %get3A_243 = arith.constant 0 : index
      %get3A_244 = tpu.vector_load %arg12[%get3A_242, %get3A_243] {strides = array<i32>} : memref<256x32xf32, #tpu.memory_space<vmem>>, vector<16xf32>,
      %get3A_245 = arith.index_cast %add3A_241 : i32 to index
      %get3A_246 = arith.constant 16 : index
      %get3A_247 = tpu.vector_load %arg12[%get3A_245, %get3A_246] {strides = array<i32>} : memref<256x32xf32, #tpu.memory_space<vmem>>, vector<16xf32>,
      %get3A_248 = arith.index_cast %add3A_241 : i32 to index
      %get3A_249 = arith.constant 0 : index
      %get3A_250 = tpu.vector_load %arg13[%get3A_248, %get3A_249] {strides = array<i32>} : memref<256x32xf32, #tpu.memory_space<vmem>>, vector<16xf32>,
      %get3A_251 = arith.index_cast %add3A_241 : i32 to index
      %get3A_252 = arith.constant 16 : index
      %get3A_253 = tpu.vector_load %arg13[%get3A_251, %get3A_252] {strides = array<i32>} : memref<256x32xf32, #tpu.memory_space<vmem>>, vector<16xf32>,
      %mul3A_254 = arith.mulf %get3A_244, %get3A_250 : vector<16xf32>
      %mul3A_255 = arith.mulf %get3A_247, %get3A_253 : vector<16xf32>
      %add3A_256 = arith.addf %mul3A_254, %mul3A_255 : vector<16xf32>
      %add3A_257 = arith.constant 1 : i32
      %add3A_258 = arith.addi %mul3A_239, %add3A_257 : i32
      %get3A_259 = arith.index_cast %add3A_258 : i32 to index
      %get3A_260 = arith.constant 0 : index
      %get3A_261 = tpu.vector_load %arg12[%get3A_259, %get3A_260] {strides = array<i32>} : memref<256x32xf32, #tpu.memory_space<vmem>>, vector<16xf32>,
      %get3A_262 = arith.index_cast %add3A_258 : i32 to index
      %get3A_263 = arith.constant 16 : index
      %get3A_264 = tpu.vector_load %arg12[%get3A_262, %get3A_263] {strides = array<i32>} : memref<256x32xf32, #tpu.memory_space<vmem>>, vector<16xf32>,
      %get3A_265 = arith.index_cast %add3A_258 : i32 to index
      %get3A_266 = arith.constant 0 : index
      %get3A_267 = tpu.vector_load %arg13[%get3A_265, %get3A_266] {strides = array<i32>} : memref<256x32xf32, #tpu.memory_space<vmem>>, vector<16xf32>,
      %get3A_268 = arith.index_cast %add3A_258 : i32 to index
      %get3A_269 = arith.constant 16 : index
      %get3A_270 = tpu.vector_load %arg13[%get3A_268, %get3A_269] {strides = array<i32>} : memref<256x32xf32, #tpu.memory_space<vmem>>, vector<16xf32>,
      %mul3A_271 = arith.mulf %get3A_261, %get3A_267 : vector<16xf32>
      %mul3A_272 = arith.mulf %get3A_264, %get3A_270 : vector<16xf32>
      %add3A_273 = arith.addf %mul3A_271, %mul3A_272 : vector<16xf32>
      %add3A_274 = arith.constant 2 : i32
      %add3A_275 = arith.addi %mul3A_239, %add3A_274 : i32
      %get3A_276 = arith.index_cast %add3A_275 : i32 to index
      %get3A_277 = arith.constant 0 : index
      %get3A_278 = tpu.vector_load %arg12[%get3A_276, %get3A_277] {strides = array<i32>} : memref<256x32xf32, #tpu.memory_space<vmem>>, vector<16xf32>,
      %get3A_279 = arith.index_cast %add3A_275 : i32 to index
      %get3A_280 = arith.constant 16 : index
      %get3A_281 = tpu.vector_load %arg12[%get3A_279, %get3A_280] {strides = array<i32>} : memref<256x32xf32, #tpu.memory_space<vmem>>, vector<16xf32>,
      %get3A_282 = arith.index_cast %add3A_275 : i32 to index
      %get3A_283 = arith.constant 0 : index
      %get3A_284 = tpu.vector_load %arg13[%get3A_282, %get3A_283] {strides = array<i32>} : memref<256x32xf32, #tpu.memory_space<vmem>>, vector<16xf32>,
      %get3A_285 = arith.index_cast %add3A_275 : i32 to index
      %get3A_286 = arith.constant 16 : index
      %get3A_287 = tpu.vector_load %arg13[%get3A_285, %get3A_286] {strides = array<i32>} : memref<256x32xf32, #tpu.memory_space<vmem>>, vector<16xf32>,
      %mul3A_288 = arith.mulf %get3A_278, %get3A_284 : vector<16xf32>
      %mul3A_289 = arith.mulf %get3A_281, %get3A_287 : vector<16xf32>
      %add3A_290 = arith.addf %mul3A_288, %mul3A_289 : vector<16xf32>
      %add3A_291 = arith.constant 3 : i32
      %add3A_292 = arith.addi %mul3A_239, %add3A_291 : i32
      %get3A_293 = arith.index_cast %add3A_292 : i32 to index
      %get3A_294 = arith.constant 0 : index
      %get3A_295 = tpu.vector_load %arg12[%get3A_293, %get3A_294] {strides = array<i32>} : memref<256x32xf32, #tpu.memory_space<vmem>>, vector<16xf32>,
      %get3A_296 = arith.index_cast %add3A_292 : i32 to index
      %get3A_297 = arith.constant 16 : index
      %get3A_298 = tpu.vector_load %arg12[%get3A_296, %get3A_297] {strides = array<i32>} : memref<256x32xf32, #tpu.memory_space<vmem>>, vector<16xf32>,
      %get3A_299 = arith.index_cast %add3A_292 : i32 to index
      %get3A_300 = arith.constant 0 : index
      %get3A_301 = tpu.vector_load %arg13[%get3A_299, %get3A_300] {strides = array<i32>} : memref<256x32xf32, #tpu.memory_space<vmem>>, vector<16xf32>,
      %get3A_302 = arith.index_cast %add3A_292 : i32 to index
      %get3A_303 = arith.constant 16 : index
      %get3A_304 = tpu.vector_load %arg13[%get3A_302, %get3A_303] {strides = array<i32>} : memref<256x32xf32, #tpu.memory_space<vmem>>, vector<16xf32>,
      %mul3A_305 = arith.mulf %get3A_295, %get3A_301 : vector<16xf32>
      %mul3A_306 = arith.mulf %get3A_298, %get3A_304 : vector<16xf32>
      %add3A_307 = arith.addf %mul3A_305, %mul3A_306 : vector<16xf32>
      %add3A_308 = arith.constant 4 : i32
      %add3A_309 = arith.addi %mul3A_239, %add3A_308 : i32
      %get3A_310 = arith.index_cast %add3A_309 : i32 to index
      %get3A_311 = arith.constant 0 : index
      %get3A_312 = tpu.vector_load %arg12[%get3A_310, %get3A_311] {strides = array<i32>} : memref<256x32xf32, #tpu.memory_space<vmem>>, vector<16xf32>,
      %get3A_313 = arith.index_cast %add3A_309 : i32 to index
      %get3A_314 = arith.constant 16 : index
      %get3A_315 = tpu.vector_load %arg12[%get3A_313, %get3A_314] {strides = array<i32>} : memref<256x32xf32, #tpu.memory_space<vmem>>, vector<16xf32>,
      %get3A_316 = arith.index_cast %add3A_309 : i32 to index
      %get3A_317 = arith.constant 0 : index
      %get3A_318 = tpu.vector_load %arg13[%get3A_316, %get3A_317] {strides = array<i32>} : memref<256x32xf32, #tpu.memory_space<vmem>>, vector<16xf32>,
      %get3A_319 = arith.index_cast %add3A_309 : i32 to index
      %get3A_320 = arith.constant 16 : index
      %get3A_321 = tpu.vector_load %arg13[%get3A_319, %get3A_320] {strides = array<i32>} : memref<256x32xf32, #tpu.memory_space<vmem>>, vector<16xf32>,
      %mul3A_322 = arith.mulf %get3A_312, %get3A_318 : vector<16xf32>
      %mul3A_323 = arith.mulf %get3A_315, %get3A_321 : vector<16xf32>
      %add3A_324 = arith.addf %mul3A_322, %mul3A_323 : vector<16xf32>
      %add3A_325 = arith.constant 5 : i32
      %add3A_326 = arith.addi %mul3A_239, %add3A_325 : i32
      %get3A_327 = arith.index_cast %add3A_326 : i32 to index
      %get3A_328 = arith.constant 0 : index
      %get3A_329 = tpu.vector_load %arg12[%get3A_327, %get3A_328] {strides = array<i32>} : memref<256x32xf32, #tpu.memory_space<vmem>>, vector<16xf32>,
      %get3A_330 = arith.index_cast %add3A_326 : i32 to index
      %get3A_331 = arith.constant 16 : index
      %get3A_332 = tpu.vector_load %arg12[%get3A_330, %get3A_331] {strides = array<i32>} : memref<256x32xf32, #tpu.memory_space<vmem>>, vector<16xf32>,
      %get3A_333 = arith.index_cast %add3A_326 : i32 to index
      %get3A_334 = arith.constant 0 : index
      %get3A_335 = tpu.vector_load %arg13[%get3A_333, %get3A_334] {strides = array<i32>} : memref<256x32xf32, #tpu.memory_space<vmem>>, vector<16xf32>,
      %get3A_336 = arith.index_cast %add3A_326 : i32 to index
      %get3A_337 = arith.constant 16 : index
      %get3A_338 = tpu.vector_load %arg13[%get3A_336, %get3A_337] {strides = array<i32>} : memref<256x32xf32, #tpu.memory_space<vmem>>, vector<16xf32>,
      %mul3A_339 = arith.mulf %get3A_329, %get3A_335 : vector<16xf32>
      %mul3A_340 = arith.mulf %get3A_332, %get3A_338 : vector<16xf32>
      %add3A_341 = arith.addf %mul3A_339, %mul3A_340 : vector<16xf32>
      %add3A_342 = arith.constant 6 : i32
      %add3A_343 = arith.addi %mul3A_239, %add3A_342 : i32
      %get3A_344 = arith.index_cast %add3A_343 : i32 to index
      %get3A_345 = arith.constant 0 : index
      %get3A_346 = tpu.vector_load %arg12[%get3A_344, %get3A_345] {strides = array<i32>} : memref<256x32xf32, #tpu.memory_space<vmem>>, vector<16xf32>,
      %get3A_347 = arith.index_cast %add3A_343 : i32 to index
      %get3A_348 = arith.constant 16 : index
      %get3A_349 = tpu.vector_load %arg12[%get3A_347, %get3A_348] {strides = array<i32>} : memref<256x32xf32, #tpu.memory_space<vmem>>, vector<16xf32>,
      %get3A_350 = arith.index_cast %add3A_343 : i32 to index
      %get3A_351 = arith.constant 0 : index
      %get3A_352 = tpu.vector_load %arg13[%get3A_350, %get3A_351] {strides = array<i32>} : memref<256x32xf32, #tpu.memory_space<vmem>>, vector<16xf32>,
      %get3A_353 = arith.index_cast %add3A_343 : i32 to index
      %get3A_354 = arith.constant 16 : index
      %get3A_355 = tpu.vector_load %arg13[%get3A_353, %get3A_354] {strides = array<i32>} : memref<256x32xf32, #tpu.memory_space<vmem>>, vector<16xf32>,
      %mul3A_356 = arith.mulf %get3A_346, %get3A_352 : vector<16xf32>
      %mul3A_357 = arith.mulf %get3A_349, %get3A_355 : vector<16xf32>
      %add3A_358 = arith.addf %mul3A_356, %mul3A_357 : vector<16xf32>
      %add3A_359 = arith.constant 7 : i32
      %add3A_360 = arith.addi %mul3A_239, %add3A_359 : i32
      %get3A_361 = arith.index_cast %add3A_360 : i32 to index
      %get3A_362 = arith.constant 0 : index
      %get3A_363 = tpu.vector_load %arg12[%get3A_361, %get3A_362] {strides = array<i32>} : memref<256x32xf32, #tpu.memory_space<vmem>>, vector<16xf32>,
      %get3A_364 = arith.index_cast %add3A_360 : i32 to index
      %get3A_365 = arith.constant 16 : index
      %get3A_366 = tpu.vector_load %arg12[%get3A_364, %get3A_365] {strides = array<i32>} : memref<256x32xf32, #tpu.memory_space<vmem>>, vector<16xf32>,
      %get3A_367 = arith.index_cast %add3A_360 : i32 to index
      %get3A_368 = arith.constant 0 : index
      %get3A_369 = tpu.vector_load %arg13[%get3A_367, %get3A_368] {strides = array<i32>} : memref<256x32xf32, #tpu.memory_space<vmem>>, vector<16xf32>,
      %get3A_370 = arith.index_cast %add3A_360 : i32 to index
      %get3A_371 = arith.constant 16 : index
      %get3A_372 = tpu.vector_load %arg13[%get3A_370, %get3A_371] {strides = array<i32>} : memref<256x32xf32, #tpu.memory_space<vmem>>, vector<16xf32>,
      %mul3A_373 = arith.mulf %get3A_363, %get3A_369 : vector<16xf32>
      %mul3A_374 = arith.mulf %get3A_366, %get3A_372 : vector<16xf32>
      %add3A_375 = arith.addf %mul3A_373, %mul3A_374 : vector<16xf32>
      %add3A_376 = arith.constant 8 : i32
      %add3A_377 = arith.addi %mul3A_239, %add3A_376 : i32
      %get3A_378 = arith.index_cast %add3A_377 : i32 to index
      %get3A_379 = arith.constant 0 : index
      %get3A_380 = tpu.vector_load %arg12[%get3A_378, %get3A_379] {strides = array<i32>} : memref<256x32xf32, #tpu.memory_space<vmem>>, vector<16xf32>,
      %get3A_381 = arith.index_cast %add3A_377 : i32 to index
      %get3A_382 = arith.constant 16 : index
      %get3A_383 = tpu.vector_load %arg12[%get3A_381, %get3A_382] {strides = array<i32>} : memref<256x32xf32, #tpu.memory_space<vmem>>, vector<16xf32>,
      %get3A_384 = arith.index_cast %add3A_377 : i32 to index
      %get3A_385 = arith.constant 0 : index
      %get3A_386 = tpu.vector_load %arg13[%get3A_384, %get3A_385] {strides = array<i32>} : memref<256x32xf32, #tpu.memory_space<vmem>>, vector<16xf32>,
      %get3A_387 = arith.index_cast %add3A_377 : i32 to index
      %get3A_388 = arith.constant 16 : index
      %get3A_389 = tpu.vector_load %arg13[%get3A_387, %get3A_388] {strides = array<i32>} : memref<256x32xf32, #tpu.memory_space<vmem>>, vector<16xf32>,
      %mul3A_390 = arith.mulf %get3A_380, %get3A_386 : vector<16xf32>
      %mul3A_391 = arith.mulf %get3A_383, %get3A_389 : vector<16xf32>
      %add3A_392 = arith.addf %mul3A_390, %mul3A_391 : vector<16xf32>
      %add3A_393 = arith.constant 9 : i32
      %add3A_394 = arith.addi %mul3A_239, %add3A_393 : i32
      %get3A_395 = arith.index_cast %add3A_394 : i32 to index
      %get3A_396 = arith.constant 0 : index
      %get3A_397 = tpu.vector_load %arg12[%get3A_395, %get3A_396] {strides = array<i32>} : memref<256x32xf32, #tpu.memory_space<vmem>>, vector<16xf32>,
      %get3A_398 = arith.index_cast %add3A_394 : i32 to index
      %get3A_399 = arith.constant 16 : index
      %get3A_400 = tpu.vector_load %arg12[%get3A_398, %get3A_399] {strides = array<i32>} : memref<256x32xf32, #tpu.memory_space<vmem>>, vector<16xf32>,
      %get3A_401 = arith.index_cast %add3A_394 : i32 to index
      %get3A_402 = arith.constant 0 : index
      %get3A_403 = tpu.vector_load %arg13[%get3A_401, %get3A_402] {strides = array<i32>} : memref<256x32xf32, #tpu.memory_space<vmem>>, vector<16xf32>,
      %get3A_404 = arith.index_cast %add3A_394 : i32 to index
      %get3A_405 = arith.constant 16 : index
      %get3A_406 = tpu.vector_load %arg13[%get3A_404, %get3A_405] {strides = array<i32>} : memref<256x32xf32, #tpu.memory_space<vmem>>, vector<16xf32>,
      %mul3A_407 = arith.mulf %get3A_397, %get3A_403 : vector<16xf32>
      %mul3A_408 = arith.mulf %get3A_400, %get3A_406 : vector<16xf32>
      %add3A_409 = arith.addf %mul3A_407, %mul3A_408 : vector<16xf32>
      %add3A_410 = arith.constant 10 : i32
      %add3A_411 = arith.addi %mul3A_239, %add3A_410 : i32
      %get3A_412 = arith.index_cast %add3A_411 : i32 to index
      %get3A_413 = arith.constant 0 : index
      %get3A_414 = tpu.vector_load %arg12[%get3A_412, %get3A_413] {strides = array<i32>} : memref<256x32xf32, #tpu.memory_space<vmem>>, vector<16xf32>,
      %get3A_415 = arith.index_cast %add3A_411 : i32 to index
      %get3A_416 = arith.constant 16 : index
      %get3A_417 = tpu.vector_load %arg12[%get3A_415, %get3A_416] {strides = array<i32>} : memref<256x32xf32, #tpu.memory_space<vmem>>, vector<16xf32>,
      %get3A_418 = arith.index_cast %add3A_411 : i32 to index
      %get3A_419 = arith.constant 0 : index
      %get3A_420 = tpu.vector_load %arg13[%get3A_418, %get3A_419] {strides = array<i32>} : memref<256x32xf32, #tpu.memory_space<vmem>>, vector<16xf32>,
      %get3A_421 = arith.index_cast %add3A_411 : i32 to index
      %get3A_422 = arith.constant 16 : index
      %get3A_423 = tpu.vector_load %arg13[%get3A_421, %get3A_422] {strides = array<i32>} : memref<256x32xf32, #tpu.memory_space<vmem>>, vector<16xf32>,
      %mul3A_424 = arith.mulf %get3A_414, %get3A_420 : vector<16xf32>
      %mul3A_425 = arith.mulf %get3A_417, %get3A_423 : vector<16xf32>
      %add3A_426 = arith.addf %mul3A_424, %mul3A_425 : vector<16xf32>
      %add3A_427 = arith.constant 11 : i32
      %add3A_428 = arith.addi %mul3A_239, %add3A_427 : i32
      %get3A_429 = arith.index_cast %add3A_428 : i32 to index
      %get3A_430 = arith.constant 0 : index
      %get3A_431 = tpu.vector_load %arg12[%get3A_429, %get3A_430] {strides = array<i32>} : memref<256x32xf32, #tpu.memory_space<vmem>>, vector<16xf32>,
      %get3A_432 = arith.index_cast %add3A_428 : i32 to index
      %get3A_433 = arith.constant 16 : index
      %get3A_434 = tpu.vector_load %arg12[%get3A_432, %get3A_433] {strides = array<i32>} : memref<256x32xf32, #tpu.memory_space<vmem>>, vector<16xf32>,
      %get3A_435 = arith.index_cast %add3A_428 : i32 to index
      %get3A_436 = arith.constant 0 : index
      %get3A_437 = tpu.vector_load %arg13[%get3A_435, %get3A_436] {strides = array<i32>} : memref<256x32xf32, #tpu.memory_space<vmem>>, vector<16xf32>,
      %get3A_438 = arith.index_cast %add3A_428 : i32 to index
      %get3A_439 = arith.constant 16 : index
      %get3A_440 = tpu.vector_load %arg13[%get3A_438, %get3A_439] {strides = array<i32>} : memref<256x32xf32, #tpu.memory_space<vmem>>, vector<16xf32>,
      %mul3A_441 = arith.mulf %get3A_431, %get3A_437 : vector<16xf32>
      %mul3A_442 = arith.mulf %get3A_434, %get3A_440 : vector<16xf32>
      %add3A_443 = arith.addf %mul3A_441, %mul3A_442 : vector<16xf32>
      %add3A_444 = arith.constant 12 : i32
      %add3A_445 = arith.addi %mul3A_239, %add3A_444 : i32
      %get3A_446 = arith.index_cast %add3A_445 : i32 to index
      %get3A_447 = arith.constant 0 : index
      %get3A_448 = tpu.vector_load %arg12[%get3A_446, %get3A_447] {strides = array<i32>} : memref<256x32xf32, #tpu.memory_space<vmem>>, vector<16xf32>,
      %get3A_449 = arith.index_cast %add3A_445 : i32 to index
      %get3A_450 = arith.constant 16 : index
      %get3A_451 = tpu.vector_load %arg12[%get3A_449, %get3A_450] {strides = array<i32>} : memref<256x32xf32, #tpu.memory_space<vmem>>, vector<16xf32>,
      %get3A_452 = arith.index_cast %add3A_445 : i32 to index
      %get3A_453 = arith.constant 0 : index
      %get3A_454 = tpu.vector_load %arg13[%get3A_452, %get3A_453] {strides = array<i32>} : memref<256x32xf32, #tpu.memory_space<vmem>>, vector<16xf32>,
      %get3A_455 = arith.index_cast %add3A_445 : i32 to index
      %get3A_456 = arith.constant 16 : index
      %get3A_457 = tpu.vector_load %arg13[%get3A_455, %get3A_456] {strides = array<i32>} : memref<256x32xf32, #tpu.memory_space<vmem>>, vector<16xf32>,
      %mul3A_458 = arith.mulf %get3A_448, %get3A_454 : vector<16xf32>
      %mul3A_459 = arith.mulf %get3A_451, %get3A_457 : vector<16xf32>
      %add3A_460 = arith.addf %mul3A_458, %mul3A_459 : vector<16xf32>
      %add3A_461 = arith.constant 13 : i32
      %add3A_462 = arith.addi %mul3A_239, %add3A_461 : i32
      %get3A_463 = arith.index_cast %add3A_462 : i32 to index
      %get3A_464 = arith.constant 0 : index
      %get3A_465 = tpu.vector_load %arg12[%get3A_463, %get3A_464] {strides = array<i32>} : memref<256x32xf32, #tpu.memory_space<vmem>>, vector<16xf32>,
      %get3A_466 = arith.index_cast %add3A_462 : i32 to index
      %get3A_467 = arith.constant 16 : index
      %get3A_468 = tpu.vector_load %arg12[%get3A_466, %get3A_467] {strides = array<i32>} : memref<256x32xf32, #tpu.memory_space<vmem>>, vector<16xf32>,
      %get3A_469 = arith.index_cast %add3A_462 : i32 to index
      %get3A_470 = arith.constant 0 : index
      %get3A_471 = tpu.vector_load %arg13[%get3A_469, %get3A_470] {strides = array<i32>} : memref<256x32xf32, #tpu.memory_space<vmem>>, vector<16xf32>,
      %get3A_472 = arith.index_cast %add3A_462 : i32 to index
      %get3A_473 = arith.constant 16 : index
      %get3A_474 = tpu.vector_load %arg13[%get3A_472, %get3A_473] {strides = array<i32>} : memref<256x32xf32, #tpu.memory_space<vmem>>, vector<16xf32>,
      %mul3A_475 = arith.mulf %get3A_465, %get3A_471 : vector<16xf32>
      %mul3A_476 = arith.mulf %get3A_468, %get3A_474 : vector<16xf32>
      %add3A_477 = arith.addf %mul3A_475, %mul3A_476 : vector<16xf32>
      %add3A_478 = arith.constant 14 : i32
      %add3A_479 = arith.addi %mul3A_239, %add3A_478 : i32
      %get3A_480 = arith.index_cast %add3A_479 : i32 to index
      %get3A_481 = arith.constant 0 : index
      %get3A_482 = tpu.vector_load %arg12[%get3A_480, %get3A_481] {strides = array<i32>} : memref<256x32xf32, #tpu.memory_space<vmem>>, vector<16xf32>,
      %get3A_483 = arith.index_cast %add3A_479 : i32 to index
      %get3A_484 = arith.constant 16 : index
      %get3A_485 = tpu.vector_load %arg12[%get3A_483, %get3A_484] {strides = array<i32>} : memref<256x32xf32, #tpu.memory_space<vmem>>, vector<16xf32>,
      %get3A_486 = arith.index_cast %add3A_479 : i32 to index
      %get3A_487 = arith.constant 0 : index
      %get3A_488 = tpu.vector_load %arg13[%get3A_486, %get3A_487] {strides = array<i32>} : memref<256x32xf32, #tpu.memory_space<vmem>>, vector<16xf32>,
      %get3A_489 = arith.index_cast %add3A_479 : i32 to index
      %get3A_490 = arith.constant 16 : index
      %get3A_491 = tpu.vector_load %arg13[%get3A_489, %get3A_490] {strides = array<i32>} : memref<256x32xf32, #tpu.memory_space<vmem>>, vector<16xf32>,
      %mul3A_492 = arith.mulf %get3A_482, %get3A_488 : vector<16xf32>
      %mul3A_493 = arith.mulf %get3A_485, %get3A_491 : vector<16xf32>
      %add3A_494 = arith.addf %mul3A_492, %mul3A_493 : vector<16xf32>
      %add3A_495 = arith.constant 15 : i32
      %add3A_496 = arith.addi %mul3A_239, %add3A_495 : i32
      %get3A_497 = arith.index_cast %add3A_496 : i32 to index
      %get3A_498 = arith.constant 0 : index
      %get3A_499 = tpu.vector_load %arg12[%get3A_497, %get3A_498] {strides = array<i32>} : memref<256x32xf32, #tpu.memory_space<vmem>>, vector<16xf32>,
      %get3A_500 = arith.index_cast %add3A_496 : i32 to index
      %get3A_501 = arith.constant 16 : index
      %get3A_502 = tpu.vector_load %arg12[%get3A_500, %get3A_501] {strides = array<i32>} : memref<256x32xf32, #tpu.memory_space<vmem>>, vector<16xf32>,
      %get3A_503 = arith.index_cast %add3A_496 : i32 to index
      %get3A_504 = arith.constant 0 : index
      %get3A_505 = tpu.vector_load %arg13[%get3A_503, %get3A_504] {strides = array<i32>} : memref<256x32xf32, #tpu.memory_space<vmem>>, vector<16xf32>,
      %get3A_506 = arith.index_cast %add3A_496 : i32 to index
      %get3A_507 = arith.constant 16 : index
      %get3A_508 = tpu.vector_load %arg13[%get3A_506, %get3A_507] {strides = array<i32>} : memref<256x32xf32, #tpu.memory_space<vmem>>, vector<16xf32>,
      %mul3A_509 = arith.mulf %get3A_499, %get3A_505 : vector<16xf32>
      %mul3A_510 = arith.mulf %get3A_502, %get3A_508 : vector<16xf32>
      %add3A_511 = arith.addf %mul3A_509, %mul3A_510 : vector<16xf32>
      %lt3A = arith.constant 0 : i32
      %lt3A_512 = vector.broadcast %lt3A : i32 to vector<16xi32>
      %lt3A_513 = arith.cmpi slt, %xor3A_91, %lt3A_512 : vector<16xi32>
      %add3A_514 = arith.constant 16 : i32
      %add3A_515 = vector.broadcast %add3A_514 : i32 to vector<16xi32>
      %add3A_516 = arith.addi %xor3A_91, %add3A_515 : vector<16xi32>
      %select_n3A = arith.select %lt3A_513, %add3A_516, %xor3A_91 : vector<16xi1>, vector<16xi32>
      %broadcast_in_dim3A = vector.shape_cast %select_n3A : vector<16xi32> to vector<16x1xi32>
      %gather3A = vector.shape_cast %broadcast_in_dim3A : vector<16x1xi32> to vector<16xi32>
      %gather3A_517 = tpu.dynamic_gather %add3A_273[%gather3A] in [0] : vector<16xf32>, vector<16xi32> -> vector<16xf32>
      %select_n3A_518 = arith.select %eq3A_104, %add3A_256, %gather3A_517 : vector<16xi1>, vector<16xf32>
      %lt3A_519 = arith.constant 0 : i32
      %lt3A_520 = vector.broadcast %lt3A_519 : i32 to vector<16xi32>
      %lt3A_521 = arith.cmpi slt, %xor3A_91, %lt3A_520 : vector<16xi32>
      %add3A_522 = arith.constant 16 : i32
      %add3A_523 = vector.broadcast %add3A_522 : i32 to vector<16xi32>
      %add3A_524 = arith.addi %xor3A_91, %add3A_523 : vector<16xi32>
      %select_n3A_525 = arith.select %lt3A_521, %add3A_524, %xor3A_91 : vector<16xi1>, vector<16xi32>
      %broadcast_in_dim3A_526 = vector.shape_cast %select_n3A_525 : vector<16xi32> to vector<16x1xi32>
      %gather3A_527 = vector.shape_cast %broadcast_in_dim3A_526 : vector<16x1xi32> to vector<16xi32>
      %gather3A_528 = tpu.dynamic_gather %add3A_256[%gather3A_527] in [0] : vector<16xf32>, vector<16xi32> -> vector<16xf32>
      %select_n3A_529 = arith.select %eq3A_104, %gather3A_528, %add3A_273 : vector<16xi1>, vector<16xf32>
      %add3A_530 = arith.addf %select_n3A_518, %select_n3A_529 : vector<16xf32>
      %lt3A_531 = arith.constant 0 : i32
      %lt3A_532 = vector.broadcast %lt3A_531 : i32 to vector<16xi32>
      %lt3A_533 = arith.cmpi slt, %xor3A_91, %lt3A_532 : vector<16xi32>
      %add3A_534 = arith.constant 16 : i32
      %add3A_535 = vector.broadcast %add3A_534 : i32 to vector<16xi32>
      %add3A_536 = arith.addi %xor3A_91, %add3A_535 : vector<16xi32>
      %select_n3A_537 = arith.select %lt3A_533, %add3A_536, %xor3A_91 : vector<16xi1>, vector<16xi32>
      %broadcast_in_dim3A_538 = vector.shape_cast %select_n3A_537 : vector<16xi32> to vector<16x1xi32>
      %gather3A_539 = vector.shape_cast %broadcast_in_dim3A_538 : vector<16x1xi32> to vector<16xi32>
      %gather3A_540 = tpu.dynamic_gather %add3A_307[%gather3A_539] in [0] : vector<16xf32>, vector<16xi32> -> vector<16xf32>
      %select_n3A_541 = arith.select %eq3A_104, %add3A_290, %gather3A_540 : vector<16xi1>, vector<16xf32>
      %lt3A_542 = arith.constant 0 : i32
      %lt3A_543 = vector.broadcast %lt3A_542 : i32 to vector<16xi32>
      %lt3A_544 = arith.cmpi slt, %xor3A_91, %lt3A_543 : vector<16xi32>
      %add3A_545 = arith.constant 16 : i32
      %add3A_546 = vector.broadcast %add3A_545 : i32 to vector<16xi32>
      %add3A_547 = arith.addi %xor3A_91, %add3A_546 : vector<16xi32>
      %select_n3A_548 = arith.select %lt3A_544, %add3A_547, %xor3A_91 : vector<16xi1>, vector<16xi32>
      %broadcast_in_dim3A_549 = vector.shape_cast %select_n3A_548 : vector<16xi32> to vector<16x1xi32>
      %gather3A_550 = vector.shape_cast %broadcast_in_dim3A_549 : vector<16x1xi32> to vector<16xi32>
      %gather3A_551 = tpu.dynamic_gather %add3A_290[%gather3A_550] in [0] : vector<16xf32>, vector<16xi32> -> vector<16xf32>
      %select_n3A_552 = arith.select %eq3A_104, %gather3A_551, %add3A_307 : vector<16xi1>, vector<16xf32>
      %add3A_553 = arith.addf %select_n3A_541, %select_n3A_552 : vector<16xf32>
      %lt3A_554 = arith.constant 0 : i32
      %lt3A_555 = vector.broadcast %lt3A_554 : i32 to vector<16xi32>
      %lt3A_556 = arith.cmpi slt, %xor3A_91, %lt3A_555 : vector<16xi32>
      %add3A_557 = arith.constant 16 : i32
      %add3A_558 = vector.broadcast %add3A_557 : i32 to vector<16xi32>
      %add3A_559 = arith.addi %xor3A_91, %add3A_558 : vector<16xi32>
      %select_n3A_560 = arith.select %lt3A_556, %add3A_559, %xor3A_91 : vector<16xi1>, vector<16xi32>
      %broadcast_in_dim3A_561 = vector.shape_cast %select_n3A_560 : vector<16xi32> to vector<16x1xi32>
      %gather3A_562 = vector.shape_cast %broadcast_in_dim3A_561 : vector<16x1xi32> to vector<16xi32>
      %gather3A_563 = tpu.dynamic_gather %add3A_341[%gather3A_562] in [0] : vector<16xf32>, vector<16xi32> -> vector<16xf32>
      %select_n3A_564 = arith.select %eq3A_104, %add3A_324, %gather3A_563 : vector<16xi1>, vector<16xf32>
      %lt3A_565 = arith.constant 0 : i32
      %lt3A_566 = vector.broadcast %lt3A_565 : i32 to vector<16xi32>
      %lt3A_567 = arith.cmpi slt, %xor3A_91, %lt3A_566 : vector<16xi32>
      %add3A_568 = arith.constant 16 : i32
      %add3A_569 = vector.broadcast %add3A_568 : i32 to vector<16xi32>
      %add3A_570 = arith.addi %xor3A_91, %add3A_569 : vector<16xi32>
      %select_n3A_571 = arith.select %lt3A_567, %add3A_570, %xor3A_91 : vector<16xi1>, vector<16xi32>
      %broadcast_in_dim3A_572 = vector.shape_cast %select_n3A_571 : vector<16xi32> to vector<16x1xi32>
      %gather3A_573 = vector.shape_cast %broadcast_in_dim3A_572 : vector<16x1xi32> to vector<16xi32>
      %gather3A_574 = tpu.dynamic_gather %add3A_324[%gather3A_573] in [0] : vector<16xf32>, vector<16xi32> -> vector<16xf32>
      %select_n3A_575 = arith.select %eq3A_104, %gather3A_574, %add3A_341 : vector<16xi1>, vector<16xf32>
      %add3A_576 = arith.addf %select_n3A_564, %select_n3A_575 : vector<16xf32>
      %lt3A_577 = arith.constant 0 : i32
      %lt3A_578 = vector.broadcast %lt3A_577 : i32 to vector<16xi32>
      %lt3A_579 = arith.cmpi slt, %xor3A_91, %lt3A_578 : vector<16xi32>
      %add3A_580 = arith.constant 16 : i32
      %add3A_581 = vector.broadcast %add3A_580 : i32 to vector<16xi32>
      %add3A_582 = arith.addi %xor3A_91, %add3A_581 : vector<16xi32>
      %select_n3A_583 = arith.select %lt3A_579, %add3A_582, %xor3A_91 : vector<16xi1>, vector<16xi32>
      %broadcast_in_dim3A_584 = vector.shape_cast %select_n3A_583 : vector<16xi32> to vector<16x1xi32>
      %gather3A_585 = vector.shape_cast %broadcast_in_dim3A_584 : vector<16x1xi32> to vector<16xi32>
      %gather3A_586 = tpu.dynamic_gather %add3A_375[%gather3A_585] in [0] : vector<16xf32>, vector<16xi32> -> vector<16xf32>
      %select_n3A_587 = arith.select %eq3A_104, %add3A_358, %gather3A_586 : vector<16xi1>, vector<16xf32>
      %lt3A_588 = arith.constant 0 : i32
      %lt3A_589 = vector.broadcast %lt3A_588 : i32 to vector<16xi32>
      %lt3A_590 = arith.cmpi slt, %xor3A_91, %lt3A_589 : vector<16xi32>
      %add3A_591 = arith.constant 16 : i32
      %add3A_592 = vector.broadcast %add3A_591 : i32 to vector<16xi32>
      %add3A_593 = arith.addi %xor3A_91, %add3A_592 : vector<16xi32>
      %select_n3A_594 = arith.select %lt3A_590, %add3A_593, %xor3A_91 : vector<16xi1>, vector<16xi32>
      %broadcast_in_dim3A_595 = vector.shape_cast %select_n3A_594 : vector<16xi32> to vector<16x1xi32>
      %gather3A_596 = vector.shape_cast %broadcast_in_dim3A_595 : vector<16x1xi32> to vector<16xi32>
      %gather3A_597 = tpu.dynamic_gather %add3A_358[%gather3A_596] in [0] : vector<16xf32>, vector<16xi32> -> vector<16xf32>
      %select_n3A_598 = arith.select %eq3A_104, %gather3A_597, %add3A_375 : vector<16xi1>, vector<16xf32>
      %add3A_599 = arith.addf %select_n3A_587, %select_n3A_598 : vector<16xf32>
      %lt3A_600 = arith.constant 0 : i32
      %lt3A_601 = vector.broadcast %lt3A_600 : i32 to vector<16xi32>
      %lt3A_602 = arith.cmpi slt, %xor3A_91, %lt3A_601 : vector<16xi32>
      %add3A_603 = arith.constant 16 : i32
      %add3A_604 = vector.broadcast %add3A_603 : i32 to vector<16xi32>
      %add3A_605 = arith.addi %xor3A_91, %add3A_604 : vector<16xi32>
      %select_n3A_606 = arith.select %lt3A_602, %add3A_605, %xor3A_91 : vector<16xi1>, vector<16xi32>
      %broadcast_in_dim3A_607 = vector.shape_cast %select_n3A_606 : vector<16xi32> to vector<16x1xi32>
      %gather3A_608 = vector.shape_cast %broadcast_in_dim3A_607 : vector<16x1xi32> to vector<16xi32>
      %gather3A_609 = tpu.dynamic_gather %add3A_409[%gather3A_608] in [0] : vector<16xf32>, vector<16xi32> -> vector<16xf32>
      %select_n3A_610 = arith.select %eq3A_104, %add3A_392, %gather3A_609 : vector<16xi1>, vector<16xf32>
      %lt3A_611 = arith.constant 0 : i32
      %lt3A_612 = vector.broadcast %lt3A_611 : i32 to vector<16xi32>
      %lt3A_613 = arith.cmpi slt, %xor3A_91, %lt3A_612 : vector<16xi32>
      %add3A_614 = arith.constant 16 : i32
      %add3A_615 = vector.broadcast %add3A_614 : i32 to vector<16xi32>
      %add3A_616 = arith.addi %xor3A_91, %add3A_615 : vector<16xi32>
      %select_n3A_617 = arith.select %lt3A_613, %add3A_616, %xor3A_91 : vector<16xi1>, vector<16xi32>
      %broadcast_in_dim3A_618 = vector.shape_cast %select_n3A_617 : vector<16xi32> to vector<16x1xi32>
      %gather3A_619 = vector.shape_cast %broadcast_in_dim3A_618 : vector<16x1xi32> to vector<16xi32>
      %gather3A_620 = tpu.dynamic_gather %add3A_392[%gather3A_619] in [0] : vector<16xf32>, vector<16xi32> -> vector<16xf32>
      %select_n3A_621 = arith.select %eq3A_104, %gather3A_620, %add3A_409 : vector<16xi1>, vector<16xf32>
      %add3A_622 = arith.addf %select_n3A_610, %select_n3A_621 : vector<16xf32>
      %lt3A_623 = arith.constant 0 : i32
      %lt3A_624 = vector.broadcast %lt3A_623 : i32 to vector<16xi32>
      %lt3A_625 = arith.cmpi slt, %xor3A_91, %lt3A_624 : vector<16xi32>
      %add3A_626 = arith.constant 16 : i32
      %add3A_627 = vector.broadcast %add3A_626 : i32 to vector<16xi32>
      %add3A_628 = arith.addi %xor3A_91, %add3A_627 : vector<16xi32>
      %select_n3A_629 = arith.select %lt3A_625, %add3A_628, %xor3A_91 : vector<16xi1>, vector<16xi32>
      %broadcast_in_dim3A_630 = vector.shape_cast %select_n3A_629 : vector<16xi32> to vector<16x1xi32>
      %gather3A_631 = vector.shape_cast %broadcast_in_dim3A_630 : vector<16x1xi32> to vector<16xi32>
      %gather3A_632 = tpu.dynamic_gather %add3A_443[%gather3A_631] in [0] : vector<16xf32>, vector<16xi32> -> vector<16xf32>
      %select_n3A_633 = arith.select %eq3A_104, %add3A_426, %gather3A_632 : vector<16xi1>, vector<16xf32>
      %lt3A_634 = arith.constant 0 : i32
      %lt3A_635 = vector.broadcast %lt3A_634 : i32 to vector<16xi32>
      %lt3A_636 = arith.cmpi slt, %xor3A_91, %lt3A_635 : vector<16xi32>
      %add3A_637 = arith.constant 16 : i32
      %add3A_638 = vector.broadcast %add3A_637 : i32 to vector<16xi32>
      %add3A_639 = arith.addi %xor3A_91, %add3A_638 : vector<16xi32>
      %select_n3A_640 = arith.select %lt3A_636, %add3A_639, %xor3A_91 : vector<16xi1>, vector<16xi32>
      %broadcast_in_dim3A_641 = vector.shape_cast %select_n3A_640 : vector<16xi32> to vector<16x1xi32>
      %gather3A_642 = vector.shape_cast %broadcast_in_dim3A_641 : vector<16x1xi32> to vector<16xi32>
      %gather3A_643 = tpu.dynamic_gather %add3A_426[%gather3A_642] in [0] : vector<16xf32>, vector<16xi32> -> vector<16xf32>
      %select_n3A_644 = arith.select %eq3A_104, %gather3A_643, %add3A_443 : vector<16xi1>, vector<16xf32>
      %add3A_645 = arith.addf %select_n3A_633, %select_n3A_644 : vector<16xf32>
      %lt3A_646 = arith.constant 0 : i32
      %lt3A_647 = vector.broadcast %lt3A_646 : i32 to vector<16xi32>
      %lt3A_648 = arith.cmpi slt, %xor3A_91, %lt3A_647 : vector<16xi32>
      %add3A_649 = arith.constant 16 : i32
      %add3A_650 = vector.broadcast %add3A_649 : i32 to vector<16xi32>
      %add3A_651 = arith.addi %xor3A_91, %add3A_650 : vector<16xi32>
      %select_n3A_652 = arith.select %lt3A_648, %add3A_651, %xor3A_91 : vector<16xi1>, vector<16xi32>
      %broadcast_in_dim3A_653 = vector.shape_cast %select_n3A_652 : vector<16xi32> to vector<16x1xi32>
      %gather3A_654 = vector.shape_cast %broadcast_in_dim3A_653 : vector<16x1xi32> to vector<16xi32>
      %gather3A_655 = tpu.dynamic_gather %add3A_477[%gather3A_654] in [0] : vector<16xf32>, vector<16xi32> -> vector<16xf32>
      %select_n3A_656 = arith.select %eq3A_104, %add3A_460, %gather3A_655 : vector<16xi1>, vector<16xf32>
      %lt3A_657 = arith.constant 0 : i32
      %lt3A_658 = vector.broadcast %lt3A_657 : i32 to vector<16xi32>
      %lt3A_659 = arith.cmpi slt, %xor3A_91, %lt3A_658 : vector<16xi32>
      %add3A_660 = arith.constant 16 : i32
      %add3A_661 = vector.broadcast %add3A_660 : i32 to vector<16xi32>
      %add3A_662 = arith.addi %xor3A_91, %add3A_661 : vector<16xi32>
      %select_n3A_663 = arith.select %lt3A_659, %add3A_662, %xor3A_91 : vector<16xi1>, vector<16xi32>
      %broadcast_in_dim3A_664 = vector.shape_cast %select_n3A_663 : vector<16xi32> to vector<16x1xi32>
      %gather3A_665 = vector.shape_cast %broadcast_in_dim3A_664 : vector<16x1xi32> to vector<16xi32>
      %gather3A_666 = tpu.dynamic_gather %add3A_460[%gather3A_665] in [0] : vector<16xf32>, vector<16xi32> -> vector<16xf32>
      %select_n3A_667 = arith.select %eq3A_104, %gather3A_666, %add3A_477 : vector<16xi1>, vector<16xf32>
      %add3A_668 = arith.addf %select_n3A_656, %select_n3A_667 : vector<16xf32>
      %lt3A_669 = arith.constant 0 : i32
      %lt3A_670 = vector.broadcast %lt3A_669 : i32 to vector<16xi32>
      %lt3A_671 = arith.cmpi slt, %xor3A_91, %lt3A_670 : vector<16xi32>
      %add3A_672 = arith.constant 16 : i32
      %add3A_673 = vector.broadcast %add3A_672 : i32 to vector<16xi32>
      %add3A_674 = arith.addi %xor3A_91, %add3A_673 : vector<16xi32>
      %select_n3A_675 = arith.select %lt3A_671, %add3A_674, %xor3A_91 : vector<16xi1>, vector<16xi32>
      %broadcast_in_dim3A_676 = vector.shape_cast %select_n3A_675 : vector<16xi32> to vector<16x1xi32>
      %gather3A_677 = vector.shape_cast %broadcast_in_dim3A_676 : vector<16x1xi32> to vector<16xi32>
      %gather3A_678 = tpu.dynamic_gather %add3A_511[%gather3A_677] in [0] : vector<16xf32>, vector<16xi32> -> vector<16xf32>
      %select_n3A_679 = arith.select %eq3A_104, %add3A_494, %gather3A_678 : vector<16xi1>, vector<16xf32>
      %lt3A_680 = arith.constant 0 : i32
      %lt3A_681 = vector.broadcast %lt3A_680 : i32 to vector<16xi32>
      %lt3A_682 = arith.cmpi slt, %xor3A_91, %lt3A_681 : vector<16xi32>
      %add3A_683 = arith.constant 16 : i32
      %add3A_684 = vector.broadcast %add3A_683 : i32 to vector<16xi32>
      %add3A_685 = arith.addi %xor3A_91, %add3A_684 : vector<16xi32>
      %select_n3A_686 = arith.select %lt3A_682, %add3A_685, %xor3A_91 : vector<16xi1>, vector<16xi32>
      %broadcast_in_dim3A_687 = vector.shape_cast %select_n3A_686 : vector<16xi32> to vector<16x1xi32>
      %gather3A_688 = vector.shape_cast %broadcast_in_dim3A_687 : vector<16x1xi32> to vector<16xi32>
      %gather3A_689 = tpu.dynamic_gather %add3A_494[%gather3A_688] in [0] : vector<16xf32>, vector<16xi32> -> vector<16xf32>
      %select_n3A_690 = arith.select %eq3A_104, %gather3A_689, %add3A_511 : vector<16xi1>, vector<16xf32>
      %add3A_691 = arith.addf %select_n3A_679, %select_n3A_690 : vector<16xf32>
      %lt3A_692 = arith.constant 0 : i32
      %lt3A_693 = vector.broadcast %lt3A_692 : i32 to vector<16xi32>
      %lt3A_694 = arith.cmpi slt, %xor3A_94, %lt3A_693 : vector<16xi32>
      %add3A_695 = arith.constant 16 : i32
      %add3A_696 = vector.broadcast %add3A_695 : i32 to vector<16xi32>
      %add3A_697 = arith.addi %xor3A_94, %add3A_696 : vector<16xi32>
      %select_n3A_698 = arith.select %lt3A_694, %add3A_697, %xor3A_94 : vector<16xi1>, vector<16xi32>
      %broadcast_in_dim3A_699 = vector.shape_cast %select_n3A_698 : vector<16xi32> to vector<16x1xi32>
      %gather3A_700 = vector.shape_cast %broadcast_in_dim3A_699 : vector<16x1xi32> to vector<16xi32>
      %gather3A_701 = tpu.dynamic_gather %add3A_553[%gather3A_700] in [0] : vector<16xf32>, vector<16xi32> -> vector<16xf32>
      %select_n3A_702 = arith.select %eq3A_110, %add3A_530, %gather3A_701 : vector<16xi1>, vector<16xf32>
      %lt3A_703 = arith.constant 0 : i32
      %lt3A_704 = vector.broadcast %lt3A_703 : i32 to vector<16xi32>
      %lt3A_705 = arith.cmpi slt, %xor3A_94, %lt3A_704 : vector<16xi32>
      %add3A_706 = arith.constant 16 : i32
      %add3A_707 = vector.broadcast %add3A_706 : i32 to vector<16xi32>
      %add3A_708 = arith.addi %xor3A_94, %add3A_707 : vector<16xi32>
      %select_n3A_709 = arith.select %lt3A_705, %add3A_708, %xor3A_94 : vector<16xi1>, vector<16xi32>
      %broadcast_in_dim3A_710 = vector.shape_cast %select_n3A_709 : vector<16xi32> to vector<16x1xi32>
      %gather3A_711 = vector.shape_cast %broadcast_in_dim3A_710 : vector<16x1xi32> to vector<16xi32>
      %gather3A_712 = tpu.dynamic_gather %add3A_530[%gather3A_711] in [0] : vector<16xf32>, vector<16xi32> -> vector<16xf32>
      %select_n3A_713 = arith.select %eq3A_110, %gather3A_712, %add3A_553 : vector<16xi1>, vector<16xf32>
      %add3A_714 = arith.addf %select_n3A_702, %select_n3A_713 : vector<16xf32>
      %lt3A_715 = arith.constant 0 : i32
      %lt3A_716 = vector.broadcast %lt3A_715 : i32 to vector<16xi32>
      %lt3A_717 = arith.cmpi slt, %xor3A_94, %lt3A_716 : vector<16xi32>
      %add3A_718 = arith.constant 16 : i32
      %add3A_719 = vector.broadcast %add3A_718 : i32 to vector<16xi32>
      %add3A_720 = arith.addi %xor3A_94, %add3A_719 : vector<16xi32>
      %select_n3A_721 = arith.select %lt3A_717, %add3A_720, %xor3A_94 : vector<16xi1>, vector<16xi32>
      %broadcast_in_dim3A_722 = vector.shape_cast %select_n3A_721 : vector<16xi32> to vector<16x1xi32>
      %gather3A_723 = vector.shape_cast %broadcast_in_dim3A_722 : vector<16x1xi32> to vector<16xi32>
      %gather3A_724 = tpu.dynamic_gather %add3A_599[%gather3A_723] in [0] : vector<16xf32>, vector<16xi32> -> vector<16xf32>
      %select_n3A_725 = arith.select %eq3A_110, %add3A_576, %gather3A_724 : vector<16xi1>, vector<16xf32>
      %lt3A_726 = arith.constant 0 : i32
      %lt3A_727 = vector.broadcast %lt3A_726 : i32 to vector<16xi32>
      %lt3A_728 = arith.cmpi slt, %xor3A_94, %lt3A_727 : vector<16xi32>
      %add3A_729 = arith.constant 16 : i32
      %add3A_730 = vector.broadcast %add3A_729 : i32 to vector<16xi32>
      %add3A_731 = arith.addi %xor3A_94, %add3A_730 : vector<16xi32>
      %select_n3A_732 = arith.select %lt3A_728, %add3A_731, %xor3A_94 : vector<16xi1>, vector<16xi32>
      %broadcast_in_dim3A_733 = vector.shape_cast %select_n3A_732 : vector<16xi32> to vector<16x1xi32>
      %gather3A_734 = vector.shape_cast %broadcast_in_dim3A_733 : vector<16x1xi32> to vector<16xi32>
      %gather3A_735 = tpu.dynamic_gather %add3A_576[%gather3A_734] in [0] : vector<16xf32>, vector<16xi32> -> vector<16xf32>
      %select_n3A_736 = arith.select %eq3A_110, %gather3A_735, %add3A_599 : vector<16xi1>, vector<16xf32>
      %add3A_737 = arith.addf %select_n3A_725, %select_n3A_736 : vector<16xf32>
      %lt3A_738 = arith.constant 0 : i32
      %lt3A_739 = vector.broadcast %lt3A_738 : i32 to vector<16xi32>
      %lt3A_740 = arith.cmpi slt, %xor3A_94, %lt3A_739 : vector<16xi32>
      %add3A_741 = arith.constant 16 : i32
      %add3A_742 = vector.broadcast %add3A_741 : i32 to vector<16xi32>
      %add3A_743 = arith.addi %xor3A_94, %add3A_742 : vector<16xi32>
      %select_n3A_744 = arith.select %lt3A_740, %add3A_743, %xor3A_94 : vector<16xi1>, vector<16xi32>
      %broadcast_in_dim3A_745 = vector.shape_cast %select_n3A_744 : vector<16xi32> to vector<16x1xi32>
      %gather3A_746 = vector.shape_cast %broadcast_in_dim3A_745 : vector<16x1xi32> to vector<16xi32>
      %gather3A_747 = tpu.dynamic_gather %add3A_645[%gather3A_746] in [0] : vector<16xf32>, vector<16xi32> -> vector<16xf32>
      %select_n3A_748 = arith.select %eq3A_110, %add3A_622, %gather3A_747 : vector<16xi1>, vector<16xf32>
      %lt3A_749 = arith.constant 0 : i32
      %lt3A_750 = vector.broadcast %lt3A_749 : i32 to vector<16xi32>
      %lt3A_751 = arith.cmpi slt, %xor3A_94, %lt3A_750 : vector<16xi32>
      %add3A_752 = arith.constant 16 : i32
      %add3A_753 = vector.broadcast %add3A_752 : i32 to vector<16xi32>
      %add3A_754 = arith.addi %xor3A_94, %add3A_753 : vector<16xi32>
      %select_n3A_755 = arith.select %lt3A_751, %add3A_754, %xor3A_94 : vector<16xi1>, vector<16xi32>
      %broadcast_in_dim3A_756 = vector.shape_cast %select_n3A_755 : vector<16xi32> to vector<16x1xi32>
      %gather3A_757 = vector.shape_cast %broadcast_in_dim3A_756 : vector<16x1xi32> to vector<16xi32>
      %gather3A_758 = tpu.dynamic_gather %add3A_622[%gather3A_757] in [0] : vector<16xf32>, vector<16xi32> -> vector<16xf32>
      %select_n3A_759 = arith.select %eq3A_110, %gather3A_758, %add3A_645 : vector<16xi1>, vector<16xf32>
      %add3A_760 = arith.addf %select_n3A_748, %select_n3A_759 : vector<16xf32>
      %lt3A_761 = arith.constant 0 : i32
      %lt3A_762 = vector.broadcast %lt3A_761 : i32 to vector<16xi32>
      %lt3A_763 = arith.cmpi slt, %xor3A_94, %lt3A_762 : vector<16xi32>
      %add3A_764 = arith.constant 16 : i32
      %add3A_765 = vector.broadcast %add3A_764 : i32 to vector<16xi32>
      %add3A_766 = arith.addi %xor3A_94, %add3A_765 : vector<16xi32>
      %select_n3A_767 = arith.select %lt3A_763, %add3A_766, %xor3A_94 : vector<16xi1>, vector<16xi32>
      %broadcast_in_dim3A_768 = vector.shape_cast %select_n3A_767 : vector<16xi32> to vector<16x1xi32>
      %gather3A_769 = vector.shape_cast %broadcast_in_dim3A_768 : vector<16x1xi32> to vector<16xi32>
      %gather3A_770 = tpu.dynamic_gather %add3A_691[%gather3A_769] in [0] : vector<16xf32>, vector<16xi32> -> vector<16xf32>
      %select_n3A_771 = arith.select %eq3A_110, %add3A_668, %gather3A_770 : vector<16xi1>, vector<16xf32>
      %lt3A_772 = arith.constant 0 : i32
      %lt3A_773 = vector.broadcast %lt3A_772 : i32 to vector<16xi32>
      %lt3A_774 = arith.cmpi slt, %xor3A_94, %lt3A_773 : vector<16xi32>
      %add3A_775 = arith.constant 16 : i32
      %add3A_776 = vector.broadcast %add3A_775 : i32 to vector<16xi32>
      %add3A_777 = arith.addi %xor3A_94, %add3A_776 : vector<16xi32>
      %select_n3A_778 = arith.select %lt3A_774, %add3A_777, %xor3A_94 : vector<16xi1>, vector<16xi32>
      %broadcast_in_dim3A_779 = vector.shape_cast %select_n3A_778 : vector<16xi32> to vector<16x1xi32>
      %gather3A_780 = vector.shape_cast %broadcast_in_dim3A_779 : vector<16x1xi32> to vector<16xi32>
      %gather3A_781 = tpu.dynamic_gather %add3A_668[%gather3A_780] in [0] : vector<16xf32>, vector<16xi32> -> vector<16xf32>
      %select_n3A_782 = arith.select %eq3A_110, %gather3A_781, %add3A_691 : vector<16xi1>, vector<16xf32>
      %add3A_783 = arith.addf %select_n3A_771, %select_n3A_782 : vector<16xf32>
      %lt3A_784 = arith.constant 0 : i32
      %lt3A_785 = vector.broadcast %lt3A_784 : i32 to vector<16xi32>
      %lt3A_786 = arith.cmpi slt, %xor3A_97, %lt3A_785 : vector<16xi32>
      %add3A_787 = arith.constant 16 : i32
      %add3A_788 = vector.broadcast %add3A_787 : i32 to vector<16xi32>
      %add3A_789 = arith.addi %xor3A_97, %add3A_788 : vector<16xi32>
      %select_n3A_790 = arith.select %lt3A_786, %add3A_789, %xor3A_97 : vector<16xi1>, vector<16xi32>
      %broadcast_in_dim3A_791 = vector.shape_cast %select_n3A_790 : vector<16xi32> to vector<16x1xi32>
      %gather3A_792 = vector.shape_cast %broadcast_in_dim3A_791 : vector<16x1xi32> to vector<16xi32>
      %gather3A_793 = tpu.dynamic_gather %add3A_737[%gather3A_792] in [0] : vector<16xf32>, vector<16xi32> -> vector<16xf32>
      %select_n3A_794 = arith.select %eq3A_116, %add3A_714, %gather3A_793 : vector<16xi1>, vector<16xf32>
      %lt3A_795 = arith.constant 0 : i32
      %lt3A_796 = vector.broadcast %lt3A_795 : i32 to vector<16xi32>
      %lt3A_797 = arith.cmpi slt, %xor3A_97, %lt3A_796 : vector<16xi32>
      %add3A_798 = arith.constant 16 : i32
      %add3A_799 = vector.broadcast %add3A_798 : i32 to vector<16xi32>
      %add3A_800 = arith.addi %xor3A_97, %add3A_799 : vector<16xi32>
      %select_n3A_801 = arith.select %lt3A_797, %add3A_800, %xor3A_97 : vector<16xi1>, vector<16xi32>
      %broadcast_in_dim3A_802 = vector.shape_cast %select_n3A_801 : vector<16xi32> to vector<16x1xi32>
      %gather3A_803 = vector.shape_cast %broadcast_in_dim3A_802 : vector<16x1xi32> to vector<16xi32>
      %gather3A_804 = tpu.dynamic_gather %add3A_714[%gather3A_803] in [0] : vector<16xf32>, vector<16xi32> -> vector<16xf32>
      %select_n3A_805 = arith.select %eq3A_116, %gather3A_804, %add3A_737 : vector<16xi1>, vector<16xf32>
      %add3A_806 = arith.addf %select_n3A_794, %select_n3A_805 : vector<16xf32>
      %lt3A_807 = arith.constant 0 : i32
      %lt3A_808 = vector.broadcast %lt3A_807 : i32 to vector<16xi32>
      %lt3A_809 = arith.cmpi slt, %xor3A_97, %lt3A_808 : vector<16xi32>
      %add3A_810 = arith.constant 16 : i32
      %add3A_811 = vector.broadcast %add3A_810 : i32 to vector<16xi32>
      %add3A_812 = arith.addi %xor3A_97, %add3A_811 : vector<16xi32>
      %select_n3A_813 = arith.select %lt3A_809, %add3A_812, %xor3A_97 : vector<16xi1>, vector<16xi32>
      %broadcast_in_dim3A_814 = vector.shape_cast %select_n3A_813 : vector<16xi32> to vector<16x1xi32>
      %gather3A_815 = vector.shape_cast %broadcast_in_dim3A_814 : vector<16x1xi32> to vector<16xi32>
      %gather3A_816 = tpu.dynamic_gather %add3A_783[%gather3A_815] in [0] : vector<16xf32>, vector<16xi32> -> vector<16xf32>
      %select_n3A_817 = arith.select %eq3A_116, %add3A_760, %gather3A_816 : vector<16xi1>, vector<16xf32>
      %lt3A_818 = arith.constant 0 : i32
      %lt3A_819 = vector.broadcast %lt3A_818 : i32 to vector<16xi32>
      %lt3A_820 = arith.cmpi slt, %xor3A_97, %lt3A_819 : vector<16xi32>
      %add3A_821 = arith.constant 16 : i32
      %add3A_822 = vector.broadcast %add3A_821 : i32 to vector<16xi32>
      %add3A_823 = arith.addi %xor3A_97, %add3A_822 : vector<16xi32>
      %select_n3A_824 = arith.select %lt3A_820, %add3A_823, %xor3A_97 : vector<16xi1>, vector<16xi32>
      %broadcast_in_dim3A_825 = vector.shape_cast %select_n3A_824 : vector<16xi32> to vector<16x1xi32>
      %gather3A_826 = vector.shape_cast %broadcast_in_dim3A_825 : vector<16x1xi32> to vector<16xi32>
      %gather3A_827 = tpu.dynamic_gather %add3A_760[%gather3A_826] in [0] : vector<16xf32>, vector<16xi32> -> vector<16xf32>
      %select_n3A_828 = arith.select %eq3A_116, %gather3A_827, %add3A_783 : vector<16xi1>, vector<16xf32>
      %add3A_829 = arith.addf %select_n3A_817, %select_n3A_828 : vector<16xf32>
      %lt3A_830 = arith.constant 0 : i32
      %lt3A_831 = vector.broadcast %lt3A_830 : i32 to vector<16xi32>
      %lt3A_832 = arith.cmpi slt, %xor3A_100, %lt3A_831 : vector<16xi32>
      %add3A_833 = arith.constant 16 : i32
      %add3A_834 = vector.broadcast %add3A_833 : i32 to vector<16xi32>
      %add3A_835 = arith.addi %xor3A_100, %add3A_834 : vector<16xi32>
      %select_n3A_836 = arith.select %lt3A_832, %add3A_835, %xor3A_100 : vector<16xi1>, vector<16xi32>
      %broadcast_in_dim3A_837 = vector.shape_cast %select_n3A_836 : vector<16xi32> to vector<16x1xi32>
      %gather3A_838 = vector.shape_cast %broadcast_in_dim3A_837 : vector<16x1xi32> to vector<16xi32>
      %gather3A_839 = tpu.dynamic_gather %add3A_829[%gather3A_838] in [0] : vector<16xf32>, vector<16xi32> -> vector<16xf32>
      %select_n3A_840 = arith.select %eq3A_122, %add3A_806, %gather3A_839 : vector<16xi1>, vector<16xf32>
      %lt3A_841 = arith.constant 0 : i32
      %lt3A_842 = vector.broadcast %lt3A_841 : i32 to vector<16xi32>
      %lt3A_843 = arith.cmpi slt, %xor3A_100, %lt3A_842 : vector<16xi32>
      %add3A_844 = arith.constant 16 : i32
      %add3A_845 = vector.broadcast %add3A_844 : i32 to vector<16xi32>
      %add3A_846 = arith.addi %xor3A_100, %add3A_845 : vector<16xi32>
      %select_n3A_847 = arith.select %lt3A_843, %add3A_846, %xor3A_100 : vector<16xi1>, vector<16xi32>
      %broadcast_in_dim3A_848 = vector.shape_cast %select_n3A_847 : vector<16xi32> to vector<16x1xi32>
      %gather3A_849 = vector.shape_cast %broadcast_in_dim3A_848 : vector<16x1xi32> to vector<16xi32>
      %gather3A_850 = tpu.dynamic_gather %add3A_806[%gather3A_849] in [0] : vector<16xf32>, vector<16xi32> -> vector<16xf32>
      %select_n3A_851 = arith.select %eq3A_122, %gather3A_850, %add3A_829 : vector<16xi1>, vector<16xf32>
      %add3A_852 = arith.addf %select_n3A_840, %select_n3A_851 : vector<16xf32>
      %get3A_853 = arith.index_cast %mul3A_235 : i32 to index
      %get3A_854 = tpu.vector_load %arg14[%get3A_853] {strides = array<i32>} : memref<512xf32, #tpu.memory_space<vmem>>, vector<16xf32>,
      %add3A_855 = arith.addf %add3A_852, %get3A_854 : vector<16xf32>
      %get3A_856 = arith.index_cast %mul3A_235 : i32 to index
      %get3A_857 = tpu.vector_load %arg15[%get3A_856] {strides = array<i32>} : memref<512xf32, #tpu.memory_space<vmem>>, vector<16xf32>,
      %add3A_858 = arith.addf %add3A_855, %get3A_857 : vector<16xf32>
      %add3A_859 = arith.addf %add3A_858, %get3A_89 : vector<16xf32>
      %swap3A = arith.index_cast %mul3A_235 : i32 to index
      %swap3A_860 = tpu.vector_load %arg17[%swap3A] {strides = array<i32>} : memref<512xf32, #tpu.memory_space<vmem>>, vector<16xf32>,
      tpu.vector_store %arg17[%swap3A], %add3A_859 {strides = array<i32>} : memref<512xf32, #tpu.memory_space<vmem>>, vector<16xf32>,
    }
    %scan3A_208 = arith.constant 16 : i32
    %scan3A_209 = arith.constant 0 : i32
    %scan3A_210 = arith.constant 16 : i32
    %scan3A_211 = arith.constant 16 : i32
    %scan3A_212 = arith.addi %scan3A_210, %scan3A_211 : i32
    %scan3A_213 = arith.constant 1 : i32
    scf.for %scan3A_233 = %scan3A_210 to %scan3A_212 step %scan3A_213  : i32 {
      %shift_right_arithmetic3A = arith.constant 3 : i32
      %shift_right_arithmetic3A_234 = arith.shrsi %scan3A_233, %shift_right_arithmetic3A : i32
      %and3A_235 = arith.constant 7 : i32
      %and3A_236 = arith.andi %scan3A_233, %and3A_235 : i32
      %mul3A_237 = arith.constant 16 : i32
      %mul3A_238 = arith.muli %and3A_236, %mul3A_237 : i32
      %get3A_239 = arith.index_cast %shift_right_arithmetic3A_234 : i32 to index
      %get3A_240 = arith.index_cast %mul3A_238 : i32 to index
      %get3A_241 = tpu.vector_load %arg10[%get3A_239, %get3A_240] {strides = array<i32>} : memref<4x128xi32, #tpu.memory_space<vmem>>, vector<16xi32>,
      %get3A_242 = arith.index_cast %shift_right_arithmetic3A_234 : i32 to index
      %get3A_243 = arith.index_cast %mul3A_238 : i32 to index
      %get3A_244 = tpu.vector_load %arg11[%get3A_242, %get3A_243] {strides = array<i32>} : memref<4x128xi32, #tpu.memory_space<vmem>>, vector<16xi32>,
      %and3A_245 = arith.constant 15 : i32
      %and3A_246 = arith.andi %scan3A_233, %and3A_245 : i32
      %mul3A_247 = arith.constant 16 : i32
      %mul3A_248 = arith.muli %and3A_246, %mul3A_247 : i32
      %slice3A = vector.extract_strided_slice %get3A_241 {offsets = [0], sizes = [1], strides = [1]} : vector<16xi32> to vector<1xi32>
      %squeeze3A = vector.extract %slice3A[0] : i32 from vector<1xi32>
      %add3A_249 = arith.constant 0 : i32
      %add3A_250 = arith.addi %mul3A_248, %add3A_249 : i32
      %dma_start3A_251 = arith.constant 0 : i32
      %dma_start3A_252 = tpu.memref_slice %arg12[%add3A_250, %dma_start3A_251] : memref<256x32xf32, #tpu.memory_space<vmem>> -> memref<1x32xf32, #tpu.memory_space<vmem>>
      %dma_start3A_253 = tpu.memref_squeeze %dma_start3A_252 : memref<1x32xf32, #tpu.memory_space<vmem>> -> memref<32xf32, #tpu.memory_space<vmem>>
      %dma_start3A_254 = arith.constant 0 : i32
      %dma_start3A_255 = tpu.memref_slice %arg7[%squeeze3A, %dma_start3A_254] : memref<1000001x32xf32, #tpu.memory_space<hbm>> -> memref<1x32xf32, #tpu.memory_space<hbm>>
      %dma_start3A_256 = tpu.memref_squeeze %dma_start3A_255 : memref<1x32xf32, #tpu.memory_space<hbm>> -> memref<32xf32, #tpu.memory_space<hbm>>
      %dma_start3A_257 = arith.constant 0 : i32
      %dma_start3A_258 = tpu.memref_slice %arg12[%add3A_250, %dma_start3A_257] : memref<256x32xf32, #tpu.memory_space<vmem>> -> memref<1x32xf32, #tpu.memory_space<vmem>>
      %dma_start3A_259 = tpu.memref_squeeze %dma_start3A_258 : memref<1x32xf32, #tpu.memory_space<vmem>> -> memref<32xf32, #tpu.memory_space<vmem>>
      %dma_start3A_260 = arith.constant 0 : i32
      %dma_start3A_261 = tpu.memref_slice %arg7[%squeeze3A, %dma_start3A_260] : memref<1000001x32xf32, #tpu.memory_space<hbm>> -> memref<1x32xf32, #tpu.memory_space<hbm>>
      %dma_start3A_262 = tpu.memref_squeeze %dma_start3A_261 : memref<1x32xf32, #tpu.memory_space<hbm>> -> memref<32xf32, #tpu.memory_space<hbm>>
      tpu.enqueue_dma source(%dma_start3A_262 : memref<32xf32, #tpu.memory_space<hbm>>) target(%dma_start3A_259 : memref<32xf32, #tpu.memory_space<vmem>>) target_semaphore(%arg18 : memref<!tpu.dma_semaphore, #tpu.memory_space<semaphore_mem>>)
      %slice3A_263 = vector.extract_strided_slice %get3A_244 {offsets = [0], sizes = [1], strides = [1]} : vector<16xi32> to vector<1xi32>
      %squeeze3A_264 = vector.extract %slice3A_263[0] : i32 from vector<1xi32>
      %add3A_265 = arith.constant 0 : i32
      %add3A_266 = arith.addi %mul3A_248, %add3A_265 : i32
      %dma_start3A_267 = arith.constant 0 : i32
      %dma_start3A_268 = tpu.memref_slice %arg13[%add3A_266, %dma_start3A_267] : memref<256x32xf32, #tpu.memory_space<vmem>> -> memref<1x32xf32, #tpu.memory_space<vmem>>
      %dma_start3A_269 = tpu.memref_squeeze %dma_start3A_268 : memref<1x32xf32, #tpu.memory_space<vmem>> -> memref<32xf32, #tpu.memory_space<vmem>>
      %dma_start3A_270 = arith.constant 0 : i32
      %dma_start3A_271 = tpu.memref_slice %arg8[%squeeze3A_264, %dma_start3A_270] : memref<1000001x32xf32, #tpu.memory_space<hbm>> -> memref<1x32xf32, #tpu.memory_space<hbm>>
      %dma_start3A_272 = tpu.memref_squeeze %dma_start3A_271 : memref<1x32xf32, #tpu.memory_space<hbm>> -> memref<32xf32, #tpu.memory_space<hbm>>
      %dma_start3A_273 = arith.constant 0 : i32
      %dma_start3A_274 = tpu.memref_slice %arg13[%add3A_266, %dma_start3A_273] : memref<256x32xf32, #tpu.memory_space<vmem>> -> memref<1x32xf32, #tpu.memory_space<vmem>>
      %dma_start3A_275 = tpu.memref_squeeze %dma_start3A_274 : memref<1x32xf32, #tpu.memory_space<vmem>> -> memref<32xf32, #tpu.memory_space<vmem>>
      %dma_start3A_276 = arith.constant 0 : i32
      %dma_start3A_277 = tpu.memref_slice %arg8[%squeeze3A_264, %dma_start3A_276] : memref<1000001x32xf32, #tpu.memory_space<hbm>> -> memref<1x32xf32, #tpu.memory_space<hbm>>
      %dma_start3A_278 = tpu.memref_squeeze %dma_start3A_277 : memref<1x32xf32, #tpu.memory_space<hbm>> -> memref<32xf32, #tpu.memory_space<hbm>>
      tpu.enqueue_dma source(%dma_start3A_278 : memref<32xf32, #tpu.memory_space<hbm>>) target(%dma_start3A_275 : memref<32xf32, #tpu.memory_space<vmem>>) target_semaphore(%arg18 : memref<!tpu.dma_semaphore, #tpu.memory_space<semaphore_mem>>)
      %slice3A_279 = vector.extract_strided_slice %get3A_241 {offsets = [1], sizes = [1], strides = [1]} : vector<16xi32> to vector<1xi32>
      %squeeze3A_280 = vector.extract %slice3A_279[0] : i32 from vector<1xi32>
      %add3A_281 = arith.constant 1 : i32
      %add3A_282 = arith.addi %mul3A_248, %add3A_281 : i32
      %dma_start3A_283 = arith.constant 0 : i32
      %dma_start3A_284 = tpu.memref_slice %arg12[%add3A_282, %dma_start3A_283] : memref<256x32xf32, #tpu.memory_space<vmem>> -> memref<1x32xf32, #tpu.memory_space<vmem>>
      %dma_start3A_285 = tpu.memref_squeeze %dma_start3A_284 : memref<1x32xf32, #tpu.memory_space<vmem>> -> memref<32xf32, #tpu.memory_space<vmem>>
      %dma_start3A_286 = arith.constant 0 : i32
      %dma_start3A_287 = tpu.memref_slice %arg7[%squeeze3A_280, %dma_start3A_286] : memref<1000001x32xf32, #tpu.memory_space<hbm>> -> memref<1x32xf32, #tpu.memory_space<hbm>>
      %dma_start3A_288 = tpu.memref_squeeze %dma_start3A_287 : memref<1x32xf32, #tpu.memory_space<hbm>> -> memref<32xf32, #tpu.memory_space<hbm>>
      %dma_start3A_289 = arith.constant 0 : i32
      %dma_start3A_290 = tpu.memref_slice %arg12[%add3A_282, %dma_start3A_289] : memref<256x32xf32, #tpu.memory_space<vmem>> -> memref<1x32xf32, #tpu.memory_space<vmem>>
      %dma_start3A_291 = tpu.memref_squeeze %dma_start3A_290 : memref<1x32xf32, #tpu.memory_space<vmem>> -> memref<32xf32, #tpu.memory_space<vmem>>
      %dma_start3A_292 = arith.constant 0 : i32
      %dma_start3A_293 = tpu.memref_slice %arg7[%squeeze3A_280, %dma_start3A_292] : memref<1000001x32xf32, #tpu.memory_space<hbm>> -> memref<1x32xf32, #tpu.memory_space<hbm>>
      %dma_start3A_294 = tpu.memref_squeeze %dma_start3A_293 : memref<1x32xf32, #tpu.memory_space<hbm>> -> memref<32xf32, #tpu.memory_space<hbm>>
      tpu.enqueue_dma source(%dma_start3A_294 : memref<32xf32, #tpu.memory_space<hbm>>) target(%dma_start3A_291 : memref<32xf32, #tpu.memory_space<vmem>>) target_semaphore(%arg18 : memref<!tpu.dma_semaphore, #tpu.memory_space<semaphore_mem>>)
      %slice3A_295 = vector.extract_strided_slice %get3A_244 {offsets = [1], sizes = [1], strides = [1]} : vector<16xi32> to vector<1xi32>
      %squeeze3A_296 = vector.extract %slice3A_295[0] : i32 from vector<1xi32>
      %add3A_297 = arith.constant 1 : i32
      %add3A_298 = arith.addi %mul3A_248, %add3A_297 : i32
      %dma_start3A_299 = arith.constant 0 : i32
      %dma_start3A_300 = tpu.memref_slice %arg13[%add3A_298, %dma_start3A_299] : memref<256x32xf32, #tpu.memory_space<vmem>> -> memref<1x32xf32, #tpu.memory_space<vmem>>
      %dma_start3A_301 = tpu.memref_squeeze %dma_start3A_300 : memref<1x32xf32, #tpu.memory_space<vmem>> -> memref<32xf32, #tpu.memory_space<vmem>>
      %dma_start3A_302 = arith.constant 0 : i32
      %dma_start3A_303 = tpu.memref_slice %arg8[%squeeze3A_296, %dma_start3A_302] : memref<1000001x32xf32, #tpu.memory_space<hbm>> -> memref<1x32xf32, #tpu.memory_space<hbm>>
      %dma_start3A_304 = tpu.memref_squeeze %dma_start3A_303 : memref<1x32xf32, #tpu.memory_space<hbm>> -> memref<32xf32, #tpu.memory_space<hbm>>
      %dma_start3A_305 = arith.constant 0 : i32
      %dma_start3A_306 = tpu.memref_slice %arg13[%add3A_298, %dma_start3A_305] : memref<256x32xf32, #tpu.memory_space<vmem>> -> memref<1x32xf32, #tpu.memory_space<vmem>>
      %dma_start3A_307 = tpu.memref_squeeze %dma_start3A_306 : memref<1x32xf32, #tpu.memory_space<vmem>> -> memref<32xf32, #tpu.memory_space<vmem>>
      %dma_start3A_308 = arith.constant 0 : i32
      %dma_start3A_309 = tpu.memref_slice %arg8[%squeeze3A_296, %dma_start3A_308] : memref<1000001x32xf32, #tpu.memory_space<hbm>> -> memref<1x32xf32, #tpu.memory_space<hbm>>
      %dma_start3A_310 = tpu.memref_squeeze %dma_start3A_309 : memref<1x32xf32, #tpu.memory_space<hbm>> -> memref<32xf32, #tpu.memory_space<hbm>>
      tpu.enqueue_dma source(%dma_start3A_310 : memref<32xf32, #tpu.memory_space<hbm>>) target(%dma_start3A_307 : memref<32xf32, #tpu.memory_space<vmem>>) target_semaphore(%arg18 : memref<!tpu.dma_semaphore, #tpu.memory_space<semaphore_mem>>)
      %slice3A_311 = vector.extract_strided_slice %get3A_241 {offsets = [2], sizes = [1], strides = [1]} : vector<16xi32> to vector<1xi32>
      %squeeze3A_312 = vector.extract %slice3A_311[0] : i32 from vector<1xi32>
      %add3A_313 = arith.constant 2 : i32
      %add3A_314 = arith.addi %mul3A_248, %add3A_313 : i32
      %dma_start3A_315 = arith.constant 0 : i32
      %dma_start3A_316 = tpu.memref_slice %arg12[%add3A_314, %dma_start3A_315] : memref<256x32xf32, #tpu.memory_space<vmem>> -> memref<1x32xf32, #tpu.memory_space<vmem>>
      %dma_start3A_317 = tpu.memref_squeeze %dma_start3A_316 : memref<1x32xf32, #tpu.memory_space<vmem>> -> memref<32xf32, #tpu.memory_space<vmem>>
      %dma_start3A_318 = arith.constant 0 : i32
      %dma_start3A_319 = tpu.memref_slice %arg7[%squeeze3A_312, %dma_start3A_318] : memref<1000001x32xf32, #tpu.memory_space<hbm>> -> memref<1x32xf32, #tpu.memory_space<hbm>>
      %dma_start3A_320 = tpu.memref_squeeze %dma_start3A_319 : memref<1x32xf32, #tpu.memory_space<hbm>> -> memref<32xf32, #tpu.memory_space<hbm>>
      %dma_start3A_321 = arith.constant 0 : i32
      %dma_start3A_322 = tpu.memref_slice %arg12[%add3A_314, %dma_start3A_321] : memref<256x32xf32, #tpu.memory_space<vmem>> -> memref<1x32xf32, #tpu.memory_space<vmem>>
      %dma_start3A_323 = tpu.memref_squeeze %dma_start3A_322 : memref<1x32xf32, #tpu.memory_space<vmem>> -> memref<32xf32, #tpu.memory_space<vmem>>
      %dma_start3A_324 = arith.constant 0 : i32
      %dma_start3A_325 = tpu.memref_slice %arg7[%squeeze3A_312, %dma_start3A_324] : memref<1000001x32xf32, #tpu.memory_space<hbm>> -> memref<1x32xf32, #tpu.memory_space<hbm>>
      %dma_start3A_326 = tpu.memref_squeeze %dma_start3A_325 : memref<1x32xf32, #tpu.memory_space<hbm>> -> memref<32xf32, #tpu.memory_space<hbm>>
      tpu.enqueue_dma source(%dma_start3A_326 : memref<32xf32, #tpu.memory_space<hbm>>) target(%dma_start3A_323 : memref<32xf32, #tpu.memory_space<vmem>>) target_semaphore(%arg18 : memref<!tpu.dma_semaphore, #tpu.memory_space<semaphore_mem>>)
      %slice3A_327 = vector.extract_strided_slice %get3A_244 {offsets = [2], sizes = [1], strides = [1]} : vector<16xi32> to vector<1xi32>
      %squeeze3A_328 = vector.extract %slice3A_327[0] : i32 from vector<1xi32>
      %add3A_329 = arith.constant 2 : i32
      %add3A_330 = arith.addi %mul3A_248, %add3A_329 : i32
      %dma_start3A_331 = arith.constant 0 : i32
      %dma_start3A_332 = tpu.memref_slice %arg13[%add3A_330, %dma_start3A_331] : memref<256x32xf32, #tpu.memory_space<vmem>> -> memref<1x32xf32, #tpu.memory_space<vmem>>
      %dma_start3A_333 = tpu.memref_squeeze %dma_start3A_332 : memref<1x32xf32, #tpu.memory_space<vmem>> -> memref<32xf32, #tpu.memory_space<vmem>>
      %dma_start3A_334 = arith.constant 0 : i32
      %dma_start3A_335 = tpu.memref_slice %arg8[%squeeze3A_328, %dma_start3A_334] : memref<1000001x32xf32, #tpu.memory_space<hbm>> -> memref<1x32xf32, #tpu.memory_space<hbm>>
      %dma_start3A_336 = tpu.memref_squeeze %dma_start3A_335 : memref<1x32xf32, #tpu.memory_space<hbm>> -> memref<32xf32, #tpu.memory_space<hbm>>
      %dma_start3A_337 = arith.constant 0 : i32
      %dma_start3A_338 = tpu.memref_slice %arg13[%add3A_330, %dma_start3A_337] : memref<256x32xf32, #tpu.memory_space<vmem>> -> memref<1x32xf32, #tpu.memory_space<vmem>>
      %dma_start3A_339 = tpu.memref_squeeze %dma_start3A_338 : memref<1x32xf32, #tpu.memory_space<vmem>> -> memref<32xf32, #tpu.memory_space<vmem>>
      %dma_start3A_340 = arith.constant 0 : i32
      %dma_start3A_341 = tpu.memref_slice %arg8[%squeeze3A_328, %dma_start3A_340] : memref<1000001x32xf32, #tpu.memory_space<hbm>> -> memref<1x32xf32, #tpu.memory_space<hbm>>
      %dma_start3A_342 = tpu.memref_squeeze %dma_start3A_341 : memref<1x32xf32, #tpu.memory_space<hbm>> -> memref<32xf32, #tpu.memory_space<hbm>>
      tpu.enqueue_dma source(%dma_start3A_342 : memref<32xf32, #tpu.memory_space<hbm>>) target(%dma_start3A_339 : memref<32xf32, #tpu.memory_space<vmem>>) target_semaphore(%arg18 : memref<!tpu.dma_semaphore, #tpu.memory_space<semaphore_mem>>)
      %slice3A_343 = vector.extract_strided_slice %get3A_241 {offsets = [3], sizes = [1], strides = [1]} : vector<16xi32> to vector<1xi32>
      %squeeze3A_344 = vector.extract %slice3A_343[0] : i32 from vector<1xi32>
      %add3A_345 = arith.constant 3 : i32
      %add3A_346 = arith.addi %mul3A_248, %add3A_345 : i32
      %dma_start3A_347 = arith.constant 0 : i32
      %dma_start3A_348 = tpu.memref_slice %arg12[%add3A_346, %dma_start3A_347] : memref<256x32xf32, #tpu.memory_space<vmem>> -> memref<1x32xf32, #tpu.memory_space<vmem>>
      %dma_start3A_349 = tpu.memref_squeeze %dma_start3A_348 : memref<1x32xf32, #tpu.memory_space<vmem>> -> memref<32xf32, #tpu.memory_space<vmem>>
      %dma_start3A_350 = arith.constant 0 : i32
      %dma_start3A_351 = tpu.memref_slice %arg7[%squeeze3A_344, %dma_start3A_350] : memref<1000001x32xf32, #tpu.memory_space<hbm>> -> memref<1x32xf32, #tpu.memory_space<hbm>>
      %dma_start3A_352 = tpu.memref_squeeze %dma_start3A_351 : memref<1x32xf32, #tpu.memory_space<hbm>> -> memref<32xf32, #tpu.memory_space<hbm>>
      %dma_start3A_353 = arith.constant 0 : i32
      %dma_start3A_354 = tpu.memref_slice %arg12[%add3A_346, %dma_start3A_353] : memref<256x32xf32, #tpu.memory_space<vmem>> -> memref<1x32xf32, #tpu.memory_space<vmem>>
      %dma_start3A_355 = tpu.memref_squeeze %dma_start3A_354 : memref<1x32xf32, #tpu.memory_space<vmem>> -> memref<32xf32, #tpu.memory_space<vmem>>
      %dma_start3A_356 = arith.constant 0 : i32
      %dma_start3A_357 = tpu.memref_slice %arg7[%squeeze3A_344, %dma_start3A_356] : memref<1000001x32xf32, #tpu.memory_space<hbm>> -> memref<1x32xf32, #tpu.memory_space<hbm>>
      %dma_start3A_358 = tpu.memref_squeeze %dma_start3A_357 : memref<1x32xf32, #tpu.memory_space<hbm>> -> memref<32xf32, #tpu.memory_space<hbm>>
      tpu.enqueue_dma source(%dma_start3A_358 : memref<32xf32, #tpu.memory_space<hbm>>) target(%dma_start3A_355 : memref<32xf32, #tpu.memory_space<vmem>>) target_semaphore(%arg18 : memref<!tpu.dma_semaphore, #tpu.memory_space<semaphore_mem>>)
      %slice3A_359 = vector.extract_strided_slice %get3A_244 {offsets = [3], sizes = [1], strides = [1]} : vector<16xi32> to vector<1xi32>
      %squeeze3A_360 = vector.extract %slice3A_359[0] : i32 from vector<1xi32>
      %add3A_361 = arith.constant 3 : i32
      %add3A_362 = arith.addi %mul3A_248, %add3A_361 : i32
      %dma_start3A_363 = arith.constant 0 : i32
      %dma_start3A_364 = tpu.memref_slice %arg13[%add3A_362, %dma_start3A_363] : memref<256x32xf32, #tpu.memory_space<vmem>> -> memref<1x32xf32, #tpu.memory_space<vmem>>
      %dma_start3A_365 = tpu.memref_squeeze %dma_start3A_364 : memref<1x32xf32, #tpu.memory_space<vmem>> -> memref<32xf32, #tpu.memory_space<vmem>>
      %dma_start3A_366 = arith.constant 0 : i32
      %dma_start3A_367 = tpu.memref_slice %arg8[%squeeze3A_360, %dma_start3A_366] : memref<1000001x32xf32, #tpu.memory_space<hbm>> -> memref<1x32xf32, #tpu.memory_space<hbm>>
      %dma_start3A_368 = tpu.memref_squeeze %dma_start3A_367 : memref<1x32xf32, #tpu.memory_space<hbm>> -> memref<32xf32, #tpu.memory_space<hbm>>
      %dma_start3A_369 = arith.constant 0 : i32
      %dma_start3A_370 = tpu.memref_slice %arg13[%add3A_362, %dma_start3A_369] : memref<256x32xf32, #tpu.memory_space<vmem>> -> memref<1x32xf32, #tpu.memory_space<vmem>>
      %dma_start3A_371 = tpu.memref_squeeze %dma_start3A_370 : memref<1x32xf32, #tpu.memory_space<vmem>> -> memref<32xf32, #tpu.memory_space<vmem>>
      %dma_start3A_372 = arith.constant 0 : i32
      %dma_start3A_373 = tpu.memref_slice %arg8[%squeeze3A_360, %dma_start3A_372] : memref<1000001x32xf32, #tpu.memory_space<hbm>> -> memref<1x32xf32, #tpu.memory_space<hbm>>
      %dma_start3A_374 = tpu.memref_squeeze %dma_start3A_373 : memref<1x32xf32, #tpu.memory_space<hbm>> -> memref<32xf32, #tpu.memory_space<hbm>>
      tpu.enqueue_dma source(%dma_start3A_374 : memref<32xf32, #tpu.memory_space<hbm>>) target(%dma_start3A_371 : memref<32xf32, #tpu.memory_space<vmem>>) target_semaphore(%arg18 : memref<!tpu.dma_semaphore, #tpu.memory_space<semaphore_mem>>)
      %slice3A_375 = vector.extract_strided_slice %get3A_241 {offsets = [4], sizes = [1], strides = [1]} : vector<16xi32> to vector<1xi32>
      %squeeze3A_376 = vector.extract %slice3A_375[0] : i32 from vector<1xi32>
      %add3A_377 = arith.constant 4 : i32
      %add3A_378 = arith.addi %mul3A_248, %add3A_377 : i32
      %dma_start3A_379 = arith.constant 0 : i32
      %dma_start3A_380 = tpu.memref_slice %arg12[%add3A_378, %dma_start3A_379] : memref<256x32xf32, #tpu.memory_space<vmem>> -> memref<1x32xf32, #tpu.memory_space<vmem>>
      %dma_start3A_381 = tpu.memref_squeeze %dma_start3A_380 : memref<1x32xf32, #tpu.memory_space<vmem>> -> memref<32xf32, #tpu.memory_space<vmem>>
      %dma_start3A_382 = arith.constant 0 : i32
      %dma_start3A_383 = tpu.memref_slice %arg7[%squeeze3A_376, %dma_start3A_382] : memref<1000001x32xf32, #tpu.memory_space<hbm>> -> memref<1x32xf32, #tpu.memory_space<hbm>>
      %dma_start3A_384 = tpu.memref_squeeze %dma_start3A_383 : memref<1x32xf32, #tpu.memory_space<hbm>> -> memref<32xf32, #tpu.memory_space<hbm>>
      %dma_start3A_385 = arith.constant 0 : i32
      %dma_start3A_386 = tpu.memref_slice %arg12[%add3A_378, %dma_start3A_385] : memref<256x32xf32, #tpu.memory_space<vmem>> -> memref<1x32xf32, #tpu.memory_space<vmem>>
      %dma_start3A_387 = tpu.memref_squeeze %dma_start3A_386 : memref<1x32xf32, #tpu.memory_space<vmem>> -> memref<32xf32, #tpu.memory_space<vmem>>
      %dma_start3A_388 = arith.constant 0 : i32
      %dma_start3A_389 = tpu.memref_slice %arg7[%squeeze3A_376, %dma_start3A_388] : memref<1000001x32xf32, #tpu.memory_space<hbm>> -> memref<1x32xf32, #tpu.memory_space<hbm>>
      %dma_start3A_390 = tpu.memref_squeeze %dma_start3A_389 : memref<1x32xf32, #tpu.memory_space<hbm>> -> memref<32xf32, #tpu.memory_space<hbm>>
      tpu.enqueue_dma source(%dma_start3A_390 : memref<32xf32, #tpu.memory_space<hbm>>) target(%dma_start3A_387 : memref<32xf32, #tpu.memory_space<vmem>>) target_semaphore(%arg18 : memref<!tpu.dma_semaphore, #tpu.memory_space<semaphore_mem>>)
      %slice3A_391 = vector.extract_strided_slice %get3A_244 {offsets = [4], sizes = [1], strides = [1]} : vector<16xi32> to vector<1xi32>
      %squeeze3A_392 = vector.extract %slice3A_391[0] : i32 from vector<1xi32>
      %add3A_393 = arith.constant 4 : i32
      %add3A_394 = arith.addi %mul3A_248, %add3A_393 : i32
      %dma_start3A_395 = arith.constant 0 : i32
      %dma_start3A_396 = tpu.memref_slice %arg13[%add3A_394, %dma_start3A_395] : memref<256x32xf32, #tpu.memory_space<vmem>> -> memref<1x32xf32, #tpu.memory_space<vmem>>
      %dma_start3A_397 = tpu.memref_squeeze %dma_start3A_396 : memref<1x32xf32, #tpu.memory_space<vmem>> -> memref<32xf32, #tpu.memory_space<vmem>>
      %dma_start3A_398 = arith.constant 0 : i32
      %dma_start3A_399 = tpu.memref_slice %arg8[%squeeze3A_392, %dma_start3A_398] : memref<1000001x32xf32, #tpu.memory_space<hbm>> -> memref<1x32xf32, #tpu.memory_space<hbm>>
      %dma_start3A_400 = tpu.memref_squeeze %dma_start3A_399 : memref<1x32xf32, #tpu.memory_space<hbm>> -> memref<32xf32, #tpu.memory_space<hbm>>
      %dma_start3A_401 = arith.constant 0 : i32
      %dma_start3A_402 = tpu.memref_slice %arg13[%add3A_394, %dma_start3A_401] : memref<256x32xf32, #tpu.memory_space<vmem>> -> memref<1x32xf32, #tpu.memory_space<vmem>>
      %dma_start3A_403 = tpu.memref_squeeze %dma_start3A_402 : memref<1x32xf32, #tpu.memory_space<vmem>> -> memref<32xf32, #tpu.memory_space<vmem>>
      %dma_start3A_404 = arith.constant 0 : i32
      %dma_start3A_405 = tpu.memref_slice %arg8[%squeeze3A_392, %dma_start3A_404] : memref<1000001x32xf32, #tpu.memory_space<hbm>> -> memref<1x32xf32, #tpu.memory_space<hbm>>
      %dma_start3A_406 = tpu.memref_squeeze %dma_start3A_405 : memref<1x32xf32, #tpu.memory_space<hbm>> -> memref<32xf32, #tpu.memory_space<hbm>>
      tpu.enqueue_dma source(%dma_start3A_406 : memref<32xf32, #tpu.memory_space<hbm>>) target(%dma_start3A_403 : memref<32xf32, #tpu.memory_space<vmem>>) target_semaphore(%arg18 : memref<!tpu.dma_semaphore, #tpu.memory_space<semaphore_mem>>)
      %slice3A_407 = vector.extract_strided_slice %get3A_241 {offsets = [5], sizes = [1], strides = [1]} : vector<16xi32> to vector<1xi32>
      %squeeze3A_408 = vector.extract %slice3A_407[0] : i32 from vector<1xi32>
      %add3A_409 = arith.constant 5 : i32
      %add3A_410 = arith.addi %mul3A_248, %add3A_409 : i32
      %dma_start3A_411 = arith.constant 0 : i32
      %dma_start3A_412 = tpu.memref_slice %arg12[%add3A_410, %dma_start3A_411] : memref<256x32xf32, #tpu.memory_space<vmem>> -> memref<1x32xf32, #tpu.memory_space<vmem>>
      %dma_start3A_413 = tpu.memref_squeeze %dma_start3A_412 : memref<1x32xf32, #tpu.memory_space<vmem>> -> memref<32xf32, #tpu.memory_space<vmem>>
      %dma_start3A_414 = arith.constant 0 : i32
      %dma_start3A_415 = tpu.memref_slice %arg7[%squeeze3A_408, %dma_start3A_414] : memref<1000001x32xf32, #tpu.memory_space<hbm>> -> memref<1x32xf32, #tpu.memory_space<hbm>>
      %dma_start3A_416 = tpu.memref_squeeze %dma_start3A_415 : memref<1x32xf32, #tpu.memory_space<hbm>> -> memref<32xf32, #tpu.memory_space<hbm>>
      %dma_start3A_417 = arith.constant 0 : i32
      %dma_start3A_418 = tpu.memref_slice %arg12[%add3A_410, %dma_start3A_417] : memref<256x32xf32, #tpu.memory_space<vmem>> -> memref<1x32xf32, #tpu.memory_space<vmem>>
      %dma_start3A_419 = tpu.memref_squeeze %dma_start3A_418 : memref<1x32xf32, #tpu.memory_space<vmem>> -> memref<32xf32, #tpu.memory_space<vmem>>
      %dma_start3A_420 = arith.constant 0 : i32
      %dma_start3A_421 = tpu.memref_slice %arg7[%squeeze3A_408, %dma_start3A_420] : memref<1000001x32xf32, #tpu.memory_space<hbm>> -> memref<1x32xf32, #tpu.memory_space<hbm>>
      %dma_start3A_422 = tpu.memref_squeeze %dma_start3A_421 : memref<1x32xf32, #tpu.memory_space<hbm>> -> memref<32xf32, #tpu.memory_space<hbm>>
      tpu.enqueue_dma source(%dma_start3A_422 : memref<32xf32, #tpu.memory_space<hbm>>) target(%dma_start3A_419 : memref<32xf32, #tpu.memory_space<vmem>>) target_semaphore(%arg18 : memref<!tpu.dma_semaphore, #tpu.memory_space<semaphore_mem>>)
      %slice3A_423 = vector.extract_strided_slice %get3A_244 {offsets = [5], sizes = [1], strides = [1]} : vector<16xi32> to vector<1xi32>
      %squeeze3A_424 = vector.extract %slice3A_423[0] : i32 from vector<1xi32>
      %add3A_425 = arith.constant 5 : i32
      %add3A_426 = arith.addi %mul3A_248, %add3A_425 : i32
      %dma_start3A_427 = arith.constant 0 : i32
      %dma_start3A_428 = tpu.memref_slice %arg13[%add3A_426, %dma_start3A_427] : memref<256x32xf32, #tpu.memory_space<vmem>> -> memref<1x32xf32, #tpu.memory_space<vmem>>
      %dma_start3A_429 = tpu.memref_squeeze %dma_start3A_428 : memref<1x32xf32, #tpu.memory_space<vmem>> -> memref<32xf32, #tpu.memory_space<vmem>>
      %dma_start3A_430 = arith.constant 0 : i32
      %dma_start3A_431 = tpu.memref_slice %arg8[%squeeze3A_424, %dma_start3A_430] : memref<1000001x32xf32, #tpu.memory_space<hbm>> -> memref<1x32xf32, #tpu.memory_space<hbm>>
      %dma_start3A_432 = tpu.memref_squeeze %dma_start3A_431 : memref<1x32xf32, #tpu.memory_space<hbm>> -> memref<32xf32, #tpu.memory_space<hbm>>
      %dma_start3A_433 = arith.constant 0 : i32
      %dma_start3A_434 = tpu.memref_slice %arg13[%add3A_426, %dma_start3A_433] : memref<256x32xf32, #tpu.memory_space<vmem>> -> memref<1x32xf32, #tpu.memory_space<vmem>>
      %dma_start3A_435 = tpu.memref_squeeze %dma_start3A_434 : memref<1x32xf32, #tpu.memory_space<vmem>> -> memref<32xf32, #tpu.memory_space<vmem>>
      %dma_start3A_436 = arith.constant 0 : i32
      %dma_start3A_437 = tpu.memref_slice %arg8[%squeeze3A_424, %dma_start3A_436] : memref<1000001x32xf32, #tpu.memory_space<hbm>> -> memref<1x32xf32, #tpu.memory_space<hbm>>
      %dma_start3A_438 = tpu.memref_squeeze %dma_start3A_437 : memref<1x32xf32, #tpu.memory_space<hbm>> -> memref<32xf32, #tpu.memory_space<hbm>>
      tpu.enqueue_dma source(%dma_start3A_438 : memref<32xf32, #tpu.memory_space<hbm>>) target(%dma_start3A_435 : memref<32xf32, #tpu.memory_space<vmem>>) target_semaphore(%arg18 : memref<!tpu.dma_semaphore, #tpu.memory_space<semaphore_mem>>)
      %slice3A_439 = vector.extract_strided_slice %get3A_241 {offsets = [6], sizes = [1], strides = [1]} : vector<16xi32> to vector<1xi32>
      %squeeze3A_440 = vector.extract %slice3A_439[0] : i32 from vector<1xi32>
      %add3A_441 = arith.constant 6 : i32
      %add3A_442 = arith.addi %mul3A_248, %add3A_441 : i32
      %dma_start3A_443 = arith.constant 0 : i32
      %dma_start3A_444 = tpu.memref_slice %arg12[%add3A_442, %dma_start3A_443] : memref<256x32xf32, #tpu.memory_space<vmem>> -> memref<1x32xf32, #tpu.memory_space<vmem>>
      %dma_start3A_445 = tpu.memref_squeeze %dma_start3A_444 : memref<1x32xf32, #tpu.memory_space<vmem>> -> memref<32xf32, #tpu.memory_space<vmem>>
      %dma_start3A_446 = arith.constant 0 : i32
      %dma_start3A_447 = tpu.memref_slice %arg7[%squeeze3A_440, %dma_start3A_446] : memref<1000001x32xf32, #tpu.memory_space<hbm>> -> memref<1x32xf32, #tpu.memory_space<hbm>>
      %dma_start3A_448 = tpu.memref_squeeze %dma_start3A_447 : memref<1x32xf32, #tpu.memory_space<hbm>> -> memref<32xf32, #tpu.memory_space<hbm>>
      %dma_start3A_449 = arith.constant 0 : i32
      %dma_start3A_450 = tpu.memref_slice %arg12[%add3A_442, %dma_start3A_449] : memref<256x32xf32, #tpu.memory_space<vmem>> -> memref<1x32xf32, #tpu.memory_space<vmem>>
      %dma_start3A_451 = tpu.memref_squeeze %dma_start3A_450 : memref<1x32xf32, #tpu.memory_space<vmem>> -> memref<32xf32, #tpu.memory_space<vmem>>
      %dma_start3A_452 = arith.constant 0 : i32
      %dma_start3A_453 = tpu.memref_slice %arg7[%squeeze3A_440, %dma_start3A_452] : memref<1000001x32xf32, #tpu.memory_space<hbm>> -> memref<1x32xf32, #tpu.memory_space<hbm>>
      %dma_start3A_454 = tpu.memref_squeeze %dma_start3A_453 : memref<1x32xf32, #tpu.memory_space<hbm>> -> memref<32xf32, #tpu.memory_space<hbm>>
      tpu.enqueue_dma source(%dma_start3A_454 : memref<32xf32, #tpu.memory_space<hbm>>) target(%dma_start3A_451 : memref<32xf32, #tpu.memory_space<vmem>>) target_semaphore(%arg18 : memref<!tpu.dma_semaphore, #tpu.memory_space<semaphore_mem>>)
      %slice3A_455 = vector.extract_strided_slice %get3A_244 {offsets = [6], sizes = [1], strides = [1]} : vector<16xi32> to vector<1xi32>
      %squeeze3A_456 = vector.extract %slice3A_455[0] : i32 from vector<1xi32>
      %add3A_457 = arith.constant 6 : i32
      %add3A_458 = arith.addi %mul3A_248, %add3A_457 : i32
      %dma_start3A_459 = arith.constant 0 : i32
      %dma_start3A_460 = tpu.memref_slice %arg13[%add3A_458, %dma_start3A_459] : memref<256x32xf32, #tpu.memory_space<vmem>> -> memref<1x32xf32, #tpu.memory_space<vmem>>
      %dma_start3A_461 = tpu.memref_squeeze %dma_start3A_460 : memref<1x32xf32, #tpu.memory_space<vmem>> -> memref<32xf32, #tpu.memory_space<vmem>>
      %dma_start3A_462 = arith.constant 0 : i32
      %dma_start3A_463 = tpu.memref_slice %arg8[%squeeze3A_456, %dma_start3A_462] : memref<1000001x32xf32, #tpu.memory_space<hbm>> -> memref<1x32xf32, #tpu.memory_space<hbm>>
      %dma_start3A_464 = tpu.memref_squeeze %dma_start3A_463 : memref<1x32xf32, #tpu.memory_space<hbm>> -> memref<32xf32, #tpu.memory_space<hbm>>
      %dma_start3A_465 = arith.constant 0 : i32
      %dma_start3A_466 = tpu.memref_slice %arg13[%add3A_458, %dma_start3A_465] : memref<256x32xf32, #tpu.memory_space<vmem>> -> memref<1x32xf32, #tpu.memory_space<vmem>>
      %dma_start3A_467 = tpu.memref_squeeze %dma_start3A_466 : memref<1x32xf32, #tpu.memory_space<vmem>> -> memref<32xf32, #tpu.memory_space<vmem>>
      %dma_start3A_468 = arith.constant 0 : i32
      %dma_start3A_469 = tpu.memref_slice %arg8[%squeeze3A_456, %dma_start3A_468] : memref<1000001x32xf32, #tpu.memory_space<hbm>> -> memref<1x32xf32, #tpu.memory_space<hbm>>
      %dma_start3A_470 = tpu.memref_squeeze %dma_start3A_469 : memref<1x32xf32, #tpu.memory_space<hbm>> -> memref<32xf32, #tpu.memory_space<hbm>>
      tpu.enqueue_dma source(%dma_start3A_470 : memref<32xf32, #tpu.memory_space<hbm>>) target(%dma_start3A_467 : memref<32xf32, #tpu.memory_space<vmem>>) target_semaphore(%arg18 : memref<!tpu.dma_semaphore, #tpu.memory_space<semaphore_mem>>)
      %slice3A_471 = vector.extract_strided_slice %get3A_241 {offsets = [7], sizes = [1], strides = [1]} : vector<16xi32> to vector<1xi32>
      %squeeze3A_472 = vector.extract %slice3A_471[0] : i32 from vector<1xi32>
      %add3A_473 = arith.constant 7 : i32
      %add3A_474 = arith.addi %mul3A_248, %add3A_473 : i32
      %dma_start3A_475 = arith.constant 0 : i32
      %dma_start3A_476 = tpu.memref_slice %arg12[%add3A_474, %dma_start3A_475] : memref<256x32xf32, #tpu.memory_space<vmem>> -> memref<1x32xf32, #tpu.memory_space<vmem>>
      %dma_start3A_477 = tpu.memref_squeeze %dma_start3A_476 : memref<1x32xf32, #tpu.memory_space<vmem>> -> memref<32xf32, #tpu.memory_space<vmem>>
      %dma_start3A_478 = arith.constant 0 : i32
      %dma_start3A_479 = tpu.memref_slice %arg7[%squeeze3A_472, %dma_start3A_478] : memref<1000001x32xf32, #tpu.memory_space<hbm>> -> memref<1x32xf32, #tpu.memory_space<hbm>>
      %dma_start3A_480 = tpu.memref_squeeze %dma_start3A_479 : memref<1x32xf32, #tpu.memory_space<hbm>> -> memref<32xf32, #tpu.memory_space<hbm>>
      %dma_start3A_481 = arith.constant 0 : i32
      %dma_start3A_482 = tpu.memref_slice %arg12[%add3A_474, %dma_start3A_481] : memref<256x32xf32, #tpu.memory_space<vmem>> -> memref<1x32xf32, #tpu.memory_space<vmem>>
      %dma_start3A_483 = tpu.memref_squeeze %dma_start3A_482 : memref<1x32xf32, #tpu.memory_space<vmem>> -> memref<32xf32, #tpu.memory_space<vmem>>
      %dma_start3A_484 = arith.constant 0 : i32
      %dma_start3A_485 = tpu.memref_slice %arg7[%squeeze3A_472, %dma_start3A_484] : memref<1000001x32xf32, #tpu.memory_space<hbm>> -> memref<1x32xf32, #tpu.memory_space<hbm>>
      %dma_start3A_486 = tpu.memref_squeeze %dma_start3A_485 : memref<1x32xf32, #tpu.memory_space<hbm>> -> memref<32xf32, #tpu.memory_space<hbm>>
      tpu.enqueue_dma source(%dma_start3A_486 : memref<32xf32, #tpu.memory_space<hbm>>) target(%dma_start3A_483 : memref<32xf32, #tpu.memory_space<vmem>>) target_semaphore(%arg18 : memref<!tpu.dma_semaphore, #tpu.memory_space<semaphore_mem>>)
      %slice3A_487 = vector.extract_strided_slice %get3A_244 {offsets = [7], sizes = [1], strides = [1]} : vector<16xi32> to vector<1xi32>
      %squeeze3A_488 = vector.extract %slice3A_487[0] : i32 from vector<1xi32>
      %add3A_489 = arith.constant 7 : i32
      %add3A_490 = arith.addi %mul3A_248, %add3A_489 : i32
      %dma_start3A_491 = arith.constant 0 : i32
      %dma_start3A_492 = tpu.memref_slice %arg13[%add3A_490, %dma_start3A_491] : memref<256x32xf32, #tpu.memory_space<vmem>> -> memref<1x32xf32, #tpu.memory_space<vmem>>
      %dma_start3A_493 = tpu.memref_squeeze %dma_start3A_492 : memref<1x32xf32, #tpu.memory_space<vmem>> -> memref<32xf32, #tpu.memory_space<vmem>>
      %dma_start3A_494 = arith.constant 0 : i32
      %dma_start3A_495 = tpu.memref_slice %arg8[%squeeze3A_488, %dma_start3A_494] : memref<1000001x32xf32, #tpu.memory_space<hbm>> -> memref<1x32xf32, #tpu.memory_space<hbm>>
      %dma_start3A_496 = tpu.memref_squeeze %dma_start3A_495 : memref<1x32xf32, #tpu.memory_space<hbm>> -> memref<32xf32, #tpu.memory_space<hbm>>
      %dma_start3A_497 = arith.constant 0 : i32
      %dma_start3A_498 = tpu.memref_slice %arg13[%add3A_490, %dma_start3A_497] : memref<256x32xf32, #tpu.memory_space<vmem>> -> memref<1x32xf32, #tpu.memory_space<vmem>>
      %dma_start3A_499 = tpu.memref_squeeze %dma_start3A_498 : memref<1x32xf32, #tpu.memory_space<vmem>> -> memref<32xf32, #tpu.memory_space<vmem>>
      %dma_start3A_500 = arith.constant 0 : i32
      %dma_start3A_501 = tpu.memref_slice %arg8[%squeeze3A_488, %dma_start3A_500] : memref<1000001x32xf32, #tpu.memory_space<hbm>> -> memref<1x32xf32, #tpu.memory_space<hbm>>
      %dma_start3A_502 = tpu.memref_squeeze %dma_start3A_501 : memref<1x32xf32, #tpu.memory_space<hbm>> -> memref<32xf32, #tpu.memory_space<hbm>>
      tpu.enqueue_dma source(%dma_start3A_502 : memref<32xf32, #tpu.memory_space<hbm>>) target(%dma_start3A_499 : memref<32xf32, #tpu.memory_space<vmem>>) target_semaphore(%arg18 : memref<!tpu.dma_semaphore, #tpu.memory_space<semaphore_mem>>)
      %slice3A_503 = vector.extract_strided_slice %get3A_241 {offsets = [8], sizes = [1], strides = [1]} : vector<16xi32> to vector<1xi32>
      %squeeze3A_504 = vector.extract %slice3A_503[0] : i32 from vector<1xi32>
      %add3A_505 = arith.constant 8 : i32
      %add3A_506 = arith.addi %mul3A_248, %add3A_505 : i32
      %dma_start3A_507 = arith.constant 0 : i32
      %dma_start3A_508 = tpu.memref_slice %arg12[%add3A_506, %dma_start3A_507] : memref<256x32xf32, #tpu.memory_space<vmem>> -> memref<1x32xf32, #tpu.memory_space<vmem>>
      %dma_start3A_509 = tpu.memref_squeeze %dma_start3A_508 : memref<1x32xf32, #tpu.memory_space<vmem>> -> memref<32xf32, #tpu.memory_space<vmem>>
      %dma_start3A_510 = arith.constant 0 : i32
      %dma_start3A_511 = tpu.memref_slice %arg7[%squeeze3A_504, %dma_start3A_510] : memref<1000001x32xf32, #tpu.memory_space<hbm>> -> memref<1x32xf32, #tpu.memory_space<hbm>>
      %dma_start3A_512 = tpu.memref_squeeze %dma_start3A_511 : memref<1x32xf32, #tpu.memory_space<hbm>> -> memref<32xf32, #tpu.memory_space<hbm>>
      %dma_start3A_513 = arith.constant 0 : i32
      %dma_start3A_514 = tpu.memref_slice %arg12[%add3A_506, %dma_start3A_513] : memref<256x32xf32, #tpu.memory_space<vmem>> -> memref<1x32xf32, #tpu.memory_space<vmem>>
      %dma_start3A_515 = tpu.memref_squeeze %dma_start3A_514 : memref<1x32xf32, #tpu.memory_space<vmem>> -> memref<32xf32, #tpu.memory_space<vmem>>
      %dma_start3A_516 = arith.constant 0 : i32
      %dma_start3A_517 = tpu.memref_slice %arg7[%squeeze3A_504, %dma_start3A_516] : memref<1000001x32xf32, #tpu.memory_space<hbm>> -> memref<1x32xf32, #tpu.memory_space<hbm>>
      %dma_start3A_518 = tpu.memref_squeeze %dma_start3A_517 : memref<1x32xf32, #tpu.memory_space<hbm>> -> memref<32xf32, #tpu.memory_space<hbm>>
      tpu.enqueue_dma source(%dma_start3A_518 : memref<32xf32, #tpu.memory_space<hbm>>) target(%dma_start3A_515 : memref<32xf32, #tpu.memory_space<vmem>>) target_semaphore(%arg18 : memref<!tpu.dma_semaphore, #tpu.memory_space<semaphore_mem>>)
      %slice3A_519 = vector.extract_strided_slice %get3A_244 {offsets = [8], sizes = [1], strides = [1]} : vector<16xi32> to vector<1xi32>
      %squeeze3A_520 = vector.extract %slice3A_519[0] : i32 from vector<1xi32>
      %add3A_521 = arith.constant 8 : i32
      %add3A_522 = arith.addi %mul3A_248, %add3A_521 : i32
      %dma_start3A_523 = arith.constant 0 : i32
      %dma_start3A_524 = tpu.memref_slice %arg13[%add3A_522, %dma_start3A_523] : memref<256x32xf32, #tpu.memory_space<vmem>> -> memref<1x32xf32, #tpu.memory_space<vmem>>
      %dma_start3A_525 = tpu.memref_squeeze %dma_start3A_524 : memref<1x32xf32, #tpu.memory_space<vmem>> -> memref<32xf32, #tpu.memory_space<vmem>>
      %dma_start3A_526 = arith.constant 0 : i32
      %dma_start3A_527 = tpu.memref_slice %arg8[%squeeze3A_520, %dma_start3A_526] : memref<1000001x32xf32, #tpu.memory_space<hbm>> -> memref<1x32xf32, #tpu.memory_space<hbm>>
      %dma_start3A_528 = tpu.memref_squeeze %dma_start3A_527 : memref<1x32xf32, #tpu.memory_space<hbm>> -> memref<32xf32, #tpu.memory_space<hbm>>
      %dma_start3A_529 = arith.constant 0 : i32
      %dma_start3A_530 = tpu.memref_slice %arg13[%add3A_522, %dma_start3A_529] : memref<256x32xf32, #tpu.memory_space<vmem>> -> memref<1x32xf32, #tpu.memory_space<vmem>>
      %dma_start3A_531 = tpu.memref_squeeze %dma_start3A_530 : memref<1x32xf32, #tpu.memory_space<vmem>> -> memref<32xf32, #tpu.memory_space<vmem>>
      %dma_start3A_532 = arith.constant 0 : i32
      %dma_start3A_533 = tpu.memref_slice %arg8[%squeeze3A_520, %dma_start3A_532] : memref<1000001x32xf32, #tpu.memory_space<hbm>> -> memref<1x32xf32, #tpu.memory_space<hbm>>
      %dma_start3A_534 = tpu.memref_squeeze %dma_start3A_533 : memref<1x32xf32, #tpu.memory_space<hbm>> -> memref<32xf32, #tpu.memory_space<hbm>>
      tpu.enqueue_dma source(%dma_start3A_534 : memref<32xf32, #tpu.memory_space<hbm>>) target(%dma_start3A_531 : memref<32xf32, #tpu.memory_space<vmem>>) target_semaphore(%arg18 : memref<!tpu.dma_semaphore, #tpu.memory_space<semaphore_mem>>)
      %slice3A_535 = vector.extract_strided_slice %get3A_241 {offsets = [9], sizes = [1], strides = [1]} : vector<16xi32> to vector<1xi32>
      %squeeze3A_536 = vector.extract %slice3A_535[0] : i32 from vector<1xi32>
      %add3A_537 = arith.constant 9 : i32
      %add3A_538 = arith.addi %mul3A_248, %add3A_537 : i32
      %dma_start3A_539 = arith.constant 0 : i32
      %dma_start3A_540 = tpu.memref_slice %arg12[%add3A_538, %dma_start3A_539] : memref<256x32xf32, #tpu.memory_space<vmem>> -> memref<1x32xf32, #tpu.memory_space<vmem>>
      %dma_start3A_541 = tpu.memref_squeeze %dma_start3A_540 : memref<1x32xf32, #tpu.memory_space<vmem>> -> memref<32xf32, #tpu.memory_space<vmem>>
      %dma_start3A_542 = arith.constant 0 : i32
      %dma_start3A_543 = tpu.memref_slice %arg7[%squeeze3A_536, %dma_start3A_542] : memref<1000001x32xf32, #tpu.memory_space<hbm>> -> memref<1x32xf32, #tpu.memory_space<hbm>>
      %dma_start3A_544 = tpu.memref_squeeze %dma_start3A_543 : memref<1x32xf32, #tpu.memory_space<hbm>> -> memref<32xf32, #tpu.memory_space<hbm>>
      %dma_start3A_545 = arith.constant 0 : i32
      %dma_start3A_546 = tpu.memref_slice %arg12[%add3A_538, %dma_start3A_545] : memref<256x32xf32, #tpu.memory_space<vmem>> -> memref<1x32xf32, #tpu.memory_space<vmem>>
      %dma_start3A_547 = tpu.memref_squeeze %dma_start3A_546 : memref<1x32xf32, #tpu.memory_space<vmem>> -> memref<32xf32, #tpu.memory_space<vmem>>
      %dma_start3A_548 = arith.constant 0 : i32
      %dma_start3A_549 = tpu.memref_slice %arg7[%squeeze3A_536, %dma_start3A_548] : memref<1000001x32xf32, #tpu.memory_space<hbm>> -> memref<1x32xf32, #tpu.memory_space<hbm>>
      %dma_start3A_550 = tpu.memref_squeeze %dma_start3A_549 : memref<1x32xf32, #tpu.memory_space<hbm>> -> memref<32xf32, #tpu.memory_space<hbm>>
      tpu.enqueue_dma source(%dma_start3A_550 : memref<32xf32, #tpu.memory_space<hbm>>) target(%dma_start3A_547 : memref<32xf32, #tpu.memory_space<vmem>>) target_semaphore(%arg18 : memref<!tpu.dma_semaphore, #tpu.memory_space<semaphore_mem>>)
      %slice3A_551 = vector.extract_strided_slice %get3A_244 {offsets = [9], sizes = [1], strides = [1]} : vector<16xi32> to vector<1xi32>
      %squeeze3A_552 = vector.extract %slice3A_551[0] : i32 from vector<1xi32>
      %add3A_553 = arith.constant 9 : i32
      %add3A_554 = arith.addi %mul3A_248, %add3A_553 : i32
      %dma_start3A_555 = arith.constant 0 : i32
      %dma_start3A_556 = tpu.memref_slice %arg13[%add3A_554, %dma_start3A_555] : memref<256x32xf32, #tpu.memory_space<vmem>> -> memref<1x32xf32, #tpu.memory_space<vmem>>
      %dma_start3A_557 = tpu.memref_squeeze %dma_start3A_556 : memref<1x32xf32, #tpu.memory_space<vmem>> -> memref<32xf32, #tpu.memory_space<vmem>>
      %dma_start3A_558 = arith.constant 0 : i32
      %dma_start3A_559 = tpu.memref_slice %arg8[%squeeze3A_552, %dma_start3A_558] : memref<1000001x32xf32, #tpu.memory_space<hbm>> -> memref<1x32xf32, #tpu.memory_space<hbm>>
      %dma_start3A_560 = tpu.memref_squeeze %dma_start3A_559 : memref<1x32xf32, #tpu.memory_space<hbm>> -> memref<32xf32, #tpu.memory_space<hbm>>
      %dma_start3A_561 = arith.constant 0 : i32
      %dma_start3A_562 = tpu.memref_slice %arg13[%add3A_554, %dma_start3A_561] : memref<256x32xf32, #tpu.memory_space<vmem>> -> memref<1x32xf32, #tpu.memory_space<vmem>>
      %dma_start3A_563 = tpu.memref_squeeze %dma_start3A_562 : memref<1x32xf32, #tpu.memory_space<vmem>> -> memref<32xf32, #tpu.memory_space<vmem>>
      %dma_start3A_564 = arith.constant 0 : i32
      %dma_start3A_565 = tpu.memref_slice %arg8[%squeeze3A_552, %dma_start3A_564] : memref<1000001x32xf32, #tpu.memory_space<hbm>> -> memref<1x32xf32, #tpu.memory_space<hbm>>
      %dma_start3A_566 = tpu.memref_squeeze %dma_start3A_565 : memref<1x32xf32, #tpu.memory_space<hbm>> -> memref<32xf32, #tpu.memory_space<hbm>>
      tpu.enqueue_dma source(%dma_start3A_566 : memref<32xf32, #tpu.memory_space<hbm>>) target(%dma_start3A_563 : memref<32xf32, #tpu.memory_space<vmem>>) target_semaphore(%arg18 : memref<!tpu.dma_semaphore, #tpu.memory_space<semaphore_mem>>)
      %slice3A_567 = vector.extract_strided_slice %get3A_241 {offsets = [10], sizes = [1], strides = [1]} : vector<16xi32> to vector<1xi32>
      %squeeze3A_568 = vector.extract %slice3A_567[0] : i32 from vector<1xi32>
      %add3A_569 = arith.constant 10 : i32
      %add3A_570 = arith.addi %mul3A_248, %add3A_569 : i32
      %dma_start3A_571 = arith.constant 0 : i32
      %dma_start3A_572 = tpu.memref_slice %arg12[%add3A_570, %dma_start3A_571] : memref<256x32xf32, #tpu.memory_space<vmem>> -> memref<1x32xf32, #tpu.memory_space<vmem>>
      %dma_start3A_573 = tpu.memref_squeeze %dma_start3A_572 : memref<1x32xf32, #tpu.memory_space<vmem>> -> memref<32xf32, #tpu.memory_space<vmem>>
      %dma_start3A_574 = arith.constant 0 : i32
      %dma_start3A_575 = tpu.memref_slice %arg7[%squeeze3A_568, %dma_start3A_574] : memref<1000001x32xf32, #tpu.memory_space<hbm>> -> memref<1x32xf32, #tpu.memory_space<hbm>>
      %dma_start3A_576 = tpu.memref_squeeze %dma_start3A_575 : memref<1x32xf32, #tpu.memory_space<hbm>> -> memref<32xf32, #tpu.memory_space<hbm>>
      %dma_start3A_577 = arith.constant 0 : i32
      %dma_start3A_578 = tpu.memref_slice %arg12[%add3A_570, %dma_start3A_577] : memref<256x32xf32, #tpu.memory_space<vmem>> -> memref<1x32xf32, #tpu.memory_space<vmem>>
      %dma_start3A_579 = tpu.memref_squeeze %dma_start3A_578 : memref<1x32xf32, #tpu.memory_space<vmem>> -> memref<32xf32, #tpu.memory_space<vmem>>
      %dma_start3A_580 = arith.constant 0 : i32
      %dma_start3A_581 = tpu.memref_slice %arg7[%squeeze3A_568, %dma_start3A_580] : memref<1000001x32xf32, #tpu.memory_space<hbm>> -> memref<1x32xf32, #tpu.memory_space<hbm>>
      %dma_start3A_582 = tpu.memref_squeeze %dma_start3A_581 : memref<1x32xf32, #tpu.memory_space<hbm>> -> memref<32xf32, #tpu.memory_space<hbm>>
      tpu.enqueue_dma source(%dma_start3A_582 : memref<32xf32, #tpu.memory_space<hbm>>) target(%dma_start3A_579 : memref<32xf32, #tpu.memory_space<vmem>>) target_semaphore(%arg18 : memref<!tpu.dma_semaphore, #tpu.memory_space<semaphore_mem>>)
      %slice3A_583 = vector.extract_strided_slice %get3A_244 {offsets = [10], sizes = [1], strides = [1]} : vector<16xi32> to vector<1xi32>
      %squeeze3A_584 = vector.extract %slice3A_583[0] : i32 from vector<1xi32>
      %add3A_585 = arith.constant 10 : i32
      %add3A_586 = arith.addi %mul3A_248, %add3A_585 : i32
      %dma_start3A_587 = arith.constant 0 : i32
      %dma_start3A_588 = tpu.memref_slice %arg13[%add3A_586, %dma_start3A_587] : memref<256x32xf32, #tpu.memory_space<vmem>> -> memref<1x32xf32, #tpu.memory_space<vmem>>
      %dma_start3A_589 = tpu.memref_squeeze %dma_start3A_588 : memref<1x32xf32, #tpu.memory_space<vmem>> -> memref<32xf32, #tpu.memory_space<vmem>>
      %dma_start3A_590 = arith.constant 0 : i32
      %dma_start3A_591 = tpu.memref_slice %arg8[%squeeze3A_584, %dma_start3A_590] : memref<1000001x32xf32, #tpu.memory_space<hbm>> -> memref<1x32xf32, #tpu.memory_space<hbm>>
      %dma_start3A_592 = tpu.memref_squeeze %dma_start3A_591 : memref<1x32xf32, #tpu.memory_space<hbm>> -> memref<32xf32, #tpu.memory_space<hbm>>
      %dma_start3A_593 = arith.constant 0 : i32
      %dma_start3A_594 = tpu.memref_slice %arg13[%add3A_586, %dma_start3A_593] : memref<256x32xf32, #tpu.memory_space<vmem>> -> memref<1x32xf32, #tpu.memory_space<vmem>>
      %dma_start3A_595 = tpu.memref_squeeze %dma_start3A_594 : memref<1x32xf32, #tpu.memory_space<vmem>> -> memref<32xf32, #tpu.memory_space<vmem>>
      %dma_start3A_596 = arith.constant 0 : i32
      %dma_start3A_597 = tpu.memref_slice %arg8[%squeeze3A_584, %dma_start3A_596] : memref<1000001x32xf32, #tpu.memory_space<hbm>> -> memref<1x32xf32, #tpu.memory_space<hbm>>
      %dma_start3A_598 = tpu.memref_squeeze %dma_start3A_597 : memref<1x32xf32, #tpu.memory_space<hbm>> -> memref<32xf32, #tpu.memory_space<hbm>>
      tpu.enqueue_dma source(%dma_start3A_598 : memref<32xf32, #tpu.memory_space<hbm>>) target(%dma_start3A_595 : memref<32xf32, #tpu.memory_space<vmem>>) target_semaphore(%arg18 : memref<!tpu.dma_semaphore, #tpu.memory_space<semaphore_mem>>)
      %slice3A_599 = vector.extract_strided_slice %get3A_241 {offsets = [11], sizes = [1], strides = [1]} : vector<16xi32> to vector<1xi32>
      %squeeze3A_600 = vector.extract %slice3A_599[0] : i32 from vector<1xi32>
      %add3A_601 = arith.constant 11 : i32
      %add3A_602 = arith.addi %mul3A_248, %add3A_601 : i32
      %dma_start3A_603 = arith.constant 0 : i32
      %dma_start3A_604 = tpu.memref_slice %arg12[%add3A_602, %dma_start3A_603] : memref<256x32xf32, #tpu.memory_space<vmem>> -> memref<1x32xf32, #tpu.memory_space<vmem>>
      %dma_start3A_605 = tpu.memref_squeeze %dma_start3A_604 : memref<1x32xf32, #tpu.memory_space<vmem>> -> memref<32xf32, #tpu.memory_space<vmem>>
      %dma_start3A_606 = arith.constant 0 : i32
      %dma_start3A_607 = tpu.memref_slice %arg7[%squeeze3A_600, %dma_start3A_606] : memref<1000001x32xf32, #tpu.memory_space<hbm>> -> memref<1x32xf32, #tpu.memory_space<hbm>>
      %dma_start3A_608 = tpu.memref_squeeze %dma_start3A_607 : memref<1x32xf32, #tpu.memory_space<hbm>> -> memref<32xf32, #tpu.memory_space<hbm>>
      %dma_start3A_609 = arith.constant 0 : i32
      %dma_start3A_610 = tpu.memref_slice %arg12[%add3A_602, %dma_start3A_609] : memref<256x32xf32, #tpu.memory_space<vmem>> -> memref<1x32xf32, #tpu.memory_space<vmem>>
      %dma_start3A_611 = tpu.memref_squeeze %dma_start3A_610 : memref<1x32xf32, #tpu.memory_space<vmem>> -> memref<32xf32, #tpu.memory_space<vmem>>
      %dma_start3A_612 = arith.constant 0 : i32
      %dma_start3A_613 = tpu.memref_slice %arg7[%squeeze3A_600, %dma_start3A_612] : memref<1000001x32xf32, #tpu.memory_space<hbm>> -> memref<1x32xf32, #tpu.memory_space<hbm>>
      %dma_start3A_614 = tpu.memref_squeeze %dma_start3A_613 : memref<1x32xf32, #tpu.memory_space<hbm>> -> memref<32xf32, #tpu.memory_space<hbm>>
      tpu.enqueue_dma source(%dma_start3A_614 : memref<32xf32, #tpu.memory_space<hbm>>) target(%dma_start3A_611 : memref<32xf32, #tpu.memory_space<vmem>>) target_semaphore(%arg18 : memref<!tpu.dma_semaphore, #tpu.memory_space<semaphore_mem>>)
      %slice3A_615 = vector.extract_strided_slice %get3A_244 {offsets = [11], sizes = [1], strides = [1]} : vector<16xi32> to vector<1xi32>
      %squeeze3A_616 = vector.extract %slice3A_615[0] : i32 from vector<1xi32>
      %add3A_617 = arith.constant 11 : i32
      %add3A_618 = arith.addi %mul3A_248, %add3A_617 : i32
      %dma_start3A_619 = arith.constant 0 : i32
      %dma_start3A_620 = tpu.memref_slice %arg13[%add3A_618, %dma_start3A_619] : memref<256x32xf32, #tpu.memory_space<vmem>> -> memref<1x32xf32, #tpu.memory_space<vmem>>
      %dma_start3A_621 = tpu.memref_squeeze %dma_start3A_620 : memref<1x32xf32, #tpu.memory_space<vmem>> -> memref<32xf32, #tpu.memory_space<vmem>>
      %dma_start3A_622 = arith.constant 0 : i32
      %dma_start3A_623 = tpu.memref_slice %arg8[%squeeze3A_616, %dma_start3A_622] : memref<1000001x32xf32, #tpu.memory_space<hbm>> -> memref<1x32xf32, #tpu.memory_space<hbm>>
      %dma_start3A_624 = tpu.memref_squeeze %dma_start3A_623 : memref<1x32xf32, #tpu.memory_space<hbm>> -> memref<32xf32, #tpu.memory_space<hbm>>
      %dma_start3A_625 = arith.constant 0 : i32
      %dma_start3A_626 = tpu.memref_slice %arg13[%add3A_618, %dma_start3A_625] : memref<256x32xf32, #tpu.memory_space<vmem>> -> memref<1x32xf32, #tpu.memory_space<vmem>>
      %dma_start3A_627 = tpu.memref_squeeze %dma_start3A_626 : memref<1x32xf32, #tpu.memory_space<vmem>> -> memref<32xf32, #tpu.memory_space<vmem>>
      %dma_start3A_628 = arith.constant 0 : i32
      %dma_start3A_629 = tpu.memref_slice %arg8[%squeeze3A_616, %dma_start3A_628] : memref<1000001x32xf32, #tpu.memory_space<hbm>> -> memref<1x32xf32, #tpu.memory_space<hbm>>
      %dma_start3A_630 = tpu.memref_squeeze %dma_start3A_629 : memref<1x32xf32, #tpu.memory_space<hbm>> -> memref<32xf32, #tpu.memory_space<hbm>>
      tpu.enqueue_dma source(%dma_start3A_630 : memref<32xf32, #tpu.memory_space<hbm>>) target(%dma_start3A_627 : memref<32xf32, #tpu.memory_space<vmem>>) target_semaphore(%arg18 : memref<!tpu.dma_semaphore, #tpu.memory_space<semaphore_mem>>)
      %slice3A_631 = vector.extract_strided_slice %get3A_241 {offsets = [12], sizes = [1], strides = [1]} : vector<16xi32> to vector<1xi32>
      %squeeze3A_632 = vector.extract %slice3A_631[0] : i32 from vector<1xi32>
      %add3A_633 = arith.constant 12 : i32
      %add3A_634 = arith.addi %mul3A_248, %add3A_633 : i32
      %dma_start3A_635 = arith.constant 0 : i32
      %dma_start3A_636 = tpu.memref_slice %arg12[%add3A_634, %dma_start3A_635] : memref<256x32xf32, #tpu.memory_space<vmem>> -> memref<1x32xf32, #tpu.memory_space<vmem>>
      %dma_start3A_637 = tpu.memref_squeeze %dma_start3A_636 : memref<1x32xf32, #tpu.memory_space<vmem>> -> memref<32xf32, #tpu.memory_space<vmem>>
      %dma_start3A_638 = arith.constant 0 : i32
      %dma_start3A_639 = tpu.memref_slice %arg7[%squeeze3A_632, %dma_start3A_638] : memref<1000001x32xf32, #tpu.memory_space<hbm>> -> memref<1x32xf32, #tpu.memory_space<hbm>>
      %dma_start3A_640 = tpu.memref_squeeze %dma_start3A_639 : memref<1x32xf32, #tpu.memory_space<hbm>> -> memref<32xf32, #tpu.memory_space<hbm>>
      %dma_start3A_641 = arith.constant 0 : i32
      %dma_start3A_642 = tpu.memref_slice %arg12[%add3A_634, %dma_start3A_641] : memref<256x32xf32, #tpu.memory_space<vmem>> -> memref<1x32xf32, #tpu.memory_space<vmem>>
      %dma_start3A_643 = tpu.memref_squeeze %dma_start3A_642 : memref<1x32xf32, #tpu.memory_space<vmem>> -> memref<32xf32, #tpu.memory_space<vmem>>
      %dma_start3A_644 = arith.constant 0 : i32
      %dma_start3A_645 = tpu.memref_slice %arg7[%squeeze3A_632, %dma_start3A_644] : memref<1000001x32xf32, #tpu.memory_space<hbm>> -> memref<1x32xf32, #tpu.memory_space<hbm>>
      %dma_start3A_646 = tpu.memref_squeeze %dma_start3A_645 : memref<1x32xf32, #tpu.memory_space<hbm>> -> memref<32xf32, #tpu.memory_space<hbm>>
      tpu.enqueue_dma source(%dma_start3A_646 : memref<32xf32, #tpu.memory_space<hbm>>) target(%dma_start3A_643 : memref<32xf32, #tpu.memory_space<vmem>>) target_semaphore(%arg18 : memref<!tpu.dma_semaphore, #tpu.memory_space<semaphore_mem>>)
      %slice3A_647 = vector.extract_strided_slice %get3A_244 {offsets = [12], sizes = [1], strides = [1]} : vector<16xi32> to vector<1xi32>
      %squeeze3A_648 = vector.extract %slice3A_647[0] : i32 from vector<1xi32>
      %add3A_649 = arith.constant 12 : i32
      %add3A_650 = arith.addi %mul3A_248, %add3A_649 : i32
      %dma_start3A_651 = arith.constant 0 : i32
      %dma_start3A_652 = tpu.memref_slice %arg13[%add3A_650, %dma_start3A_651] : memref<256x32xf32, #tpu.memory_space<vmem>> -> memref<1x32xf32, #tpu.memory_space<vmem>>
      %dma_start3A_653 = tpu.memref_squeeze %dma_start3A_652 : memref<1x32xf32, #tpu.memory_space<vmem>> -> memref<32xf32, #tpu.memory_space<vmem>>
      %dma_start3A_654 = arith.constant 0 : i32
      %dma_start3A_655 = tpu.memref_slice %arg8[%squeeze3A_648, %dma_start3A_654] : memref<1000001x32xf32, #tpu.memory_space<hbm>> -> memref<1x32xf32, #tpu.memory_space<hbm>>
      %dma_start3A_656 = tpu.memref_squeeze %dma_start3A_655 : memref<1x32xf32, #tpu.memory_space<hbm>> -> memref<32xf32, #tpu.memory_space<hbm>>
      %dma_start3A_657 = arith.constant 0 : i32
      %dma_start3A_658 = tpu.memref_slice %arg13[%add3A_650, %dma_start3A_657] : memref<256x32xf32, #tpu.memory_space<vmem>> -> memref<1x32xf32, #tpu.memory_space<vmem>>
      %dma_start3A_659 = tpu.memref_squeeze %dma_start3A_658 : memref<1x32xf32, #tpu.memory_space<vmem>> -> memref<32xf32, #tpu.memory_space<vmem>>
      %dma_start3A_660 = arith.constant 0 : i32
      %dma_start3A_661 = tpu.memref_slice %arg8[%squeeze3A_648, %dma_start3A_660] : memref<1000001x32xf32, #tpu.memory_space<hbm>> -> memref<1x32xf32, #tpu.memory_space<hbm>>
      %dma_start3A_662 = tpu.memref_squeeze %dma_start3A_661 : memref<1x32xf32, #tpu.memory_space<hbm>> -> memref<32xf32, #tpu.memory_space<hbm>>
      tpu.enqueue_dma source(%dma_start3A_662 : memref<32xf32, #tpu.memory_space<hbm>>) target(%dma_start3A_659 : memref<32xf32, #tpu.memory_space<vmem>>) target_semaphore(%arg18 : memref<!tpu.dma_semaphore, #tpu.memory_space<semaphore_mem>>)
      %slice3A_663 = vector.extract_strided_slice %get3A_241 {offsets = [13], sizes = [1], strides = [1]} : vector<16xi32> to vector<1xi32>
      %squeeze3A_664 = vector.extract %slice3A_663[0] : i32 from vector<1xi32>
      %add3A_665 = arith.constant 13 : i32
      %add3A_666 = arith.addi %mul3A_248, %add3A_665 : i32
      %dma_start3A_667 = arith.constant 0 : i32
      %dma_start3A_668 = tpu.memref_slice %arg12[%add3A_666, %dma_start3A_667] : memref<256x32xf32, #tpu.memory_space<vmem>> -> memref<1x32xf32, #tpu.memory_space<vmem>>
      %dma_start3A_669 = tpu.memref_squeeze %dma_start3A_668 : memref<1x32xf32, #tpu.memory_space<vmem>> -> memref<32xf32, #tpu.memory_space<vmem>>
      %dma_start3A_670 = arith.constant 0 : i32
      %dma_start3A_671 = tpu.memref_slice %arg7[%squeeze3A_664, %dma_start3A_670] : memref<1000001x32xf32, #tpu.memory_space<hbm>> -> memref<1x32xf32, #tpu.memory_space<hbm>>
      %dma_start3A_672 = tpu.memref_squeeze %dma_start3A_671 : memref<1x32xf32, #tpu.memory_space<hbm>> -> memref<32xf32, #tpu.memory_space<hbm>>
      %dma_start3A_673 = arith.constant 0 : i32
      %dma_start3A_674 = tpu.memref_slice %arg12[%add3A_666, %dma_start3A_673] : memref<256x32xf32, #tpu.memory_space<vmem>> -> memref<1x32xf32, #tpu.memory_space<vmem>>
      %dma_start3A_675 = tpu.memref_squeeze %dma_start3A_674 : memref<1x32xf32, #tpu.memory_space<vmem>> -> memref<32xf32, #tpu.memory_space<vmem>>
      %dma_start3A_676 = arith.constant 0 : i32
      %dma_start3A_677 = tpu.memref_slice %arg7[%squeeze3A_664, %dma_start3A_676] : memref<1000001x32xf32, #tpu.memory_space<hbm>> -> memref<1x32xf32, #tpu.memory_space<hbm>>
      %dma_start3A_678 = tpu.memref_squeeze %dma_start3A_677 : memref<1x32xf32, #tpu.memory_space<hbm>> -> memref<32xf32, #tpu.memory_space<hbm>>
      tpu.enqueue_dma source(%dma_start3A_678 : memref<32xf32, #tpu.memory_space<hbm>>) target(%dma_start3A_675 : memref<32xf32, #tpu.memory_space<vmem>>) target_semaphore(%arg18 : memref<!tpu.dma_semaphore, #tpu.memory_space<semaphore_mem>>)
      %slice3A_679 = vector.extract_strided_slice %get3A_244 {offsets = [13], sizes = [1], strides = [1]} : vector<16xi32> to vector<1xi32>
      %squeeze3A_680 = vector.extract %slice3A_679[0] : i32 from vector<1xi32>
      %add3A_681 = arith.constant 13 : i32
      %add3A_682 = arith.addi %mul3A_248, %add3A_681 : i32
      %dma_start3A_683 = arith.constant 0 : i32
      %dma_start3A_684 = tpu.memref_slice %arg13[%add3A_682, %dma_start3A_683] : memref<256x32xf32, #tpu.memory_space<vmem>> -> memref<1x32xf32, #tpu.memory_space<vmem>>
      %dma_start3A_685 = tpu.memref_squeeze %dma_start3A_684 : memref<1x32xf32, #tpu.memory_space<vmem>> -> memref<32xf32, #tpu.memory_space<vmem>>
      %dma_start3A_686 = arith.constant 0 : i32
      %dma_start3A_687 = tpu.memref_slice %arg8[%squeeze3A_680, %dma_start3A_686] : memref<1000001x32xf32, #tpu.memory_space<hbm>> -> memref<1x32xf32, #tpu.memory_space<hbm>>
      %dma_start3A_688 = tpu.memref_squeeze %dma_start3A_687 : memref<1x32xf32, #tpu.memory_space<hbm>> -> memref<32xf32, #tpu.memory_space<hbm>>
      %dma_start3A_689 = arith.constant 0 : i32
      %dma_start3A_690 = tpu.memref_slice %arg13[%add3A_682, %dma_start3A_689] : memref<256x32xf32, #tpu.memory_space<vmem>> -> memref<1x32xf32, #tpu.memory_space<vmem>>
      %dma_start3A_691 = tpu.memref_squeeze %dma_start3A_690 : memref<1x32xf32, #tpu.memory_space<vmem>> -> memref<32xf32, #tpu.memory_space<vmem>>
      %dma_start3A_692 = arith.constant 0 : i32
      %dma_start3A_693 = tpu.memref_slice %arg8[%squeeze3A_680, %dma_start3A_692] : memref<1000001x32xf32, #tpu.memory_space<hbm>> -> memref<1x32xf32, #tpu.memory_space<hbm>>
      %dma_start3A_694 = tpu.memref_squeeze %dma_start3A_693 : memref<1x32xf32, #tpu.memory_space<hbm>> -> memref<32xf32, #tpu.memory_space<hbm>>
      tpu.enqueue_dma source(%dma_start3A_694 : memref<32xf32, #tpu.memory_space<hbm>>) target(%dma_start3A_691 : memref<32xf32, #tpu.memory_space<vmem>>) target_semaphore(%arg18 : memref<!tpu.dma_semaphore, #tpu.memory_space<semaphore_mem>>)
      %slice3A_695 = vector.extract_strided_slice %get3A_241 {offsets = [14], sizes = [1], strides = [1]} : vector<16xi32> to vector<1xi32>
      %squeeze3A_696 = vector.extract %slice3A_695[0] : i32 from vector<1xi32>
      %add3A_697 = arith.constant 14 : i32
      %add3A_698 = arith.addi %mul3A_248, %add3A_697 : i32
      %dma_start3A_699 = arith.constant 0 : i32
      %dma_start3A_700 = tpu.memref_slice %arg12[%add3A_698, %dma_start3A_699] : memref<256x32xf32, #tpu.memory_space<vmem>> -> memref<1x32xf32, #tpu.memory_space<vmem>>
      %dma_start3A_701 = tpu.memref_squeeze %dma_start3A_700 : memref<1x32xf32, #tpu.memory_space<vmem>> -> memref<32xf32, #tpu.memory_space<vmem>>
      %dma_start3A_702 = arith.constant 0 : i32
      %dma_start3A_703 = tpu.memref_slice %arg7[%squeeze3A_696, %dma_start3A_702] : memref<1000001x32xf32, #tpu.memory_space<hbm>> -> memref<1x32xf32, #tpu.memory_space<hbm>>
      %dma_start3A_704 = tpu.memref_squeeze %dma_start3A_703 : memref<1x32xf32, #tpu.memory_space<hbm>> -> memref<32xf32, #tpu.memory_space<hbm>>
      %dma_start3A_705 = arith.constant 0 : i32
      %dma_start3A_706 = tpu.memref_slice %arg12[%add3A_698, %dma_start3A_705] : memref<256x32xf32, #tpu.memory_space<vmem>> -> memref<1x32xf32, #tpu.memory_space<vmem>>
      %dma_start3A_707 = tpu.memref_squeeze %dma_start3A_706 : memref<1x32xf32, #tpu.memory_space<vmem>> -> memref<32xf32, #tpu.memory_space<vmem>>
      %dma_start3A_708 = arith.constant 0 : i32
      %dma_start3A_709 = tpu.memref_slice %arg7[%squeeze3A_696, %dma_start3A_708] : memref<1000001x32xf32, #tpu.memory_space<hbm>> -> memref<1x32xf32, #tpu.memory_space<hbm>>
      %dma_start3A_710 = tpu.memref_squeeze %dma_start3A_709 : memref<1x32xf32, #tpu.memory_space<hbm>> -> memref<32xf32, #tpu.memory_space<hbm>>
      tpu.enqueue_dma source(%dma_start3A_710 : memref<32xf32, #tpu.memory_space<hbm>>) target(%dma_start3A_707 : memref<32xf32, #tpu.memory_space<vmem>>) target_semaphore(%arg18 : memref<!tpu.dma_semaphore, #tpu.memory_space<semaphore_mem>>)
      %slice3A_711 = vector.extract_strided_slice %get3A_244 {offsets = [14], sizes = [1], strides = [1]} : vector<16xi32> to vector<1xi32>
      %squeeze3A_712 = vector.extract %slice3A_711[0] : i32 from vector<1xi32>
      %add3A_713 = arith.constant 14 : i32
      %add3A_714 = arith.addi %mul3A_248, %add3A_713 : i32
      %dma_start3A_715 = arith.constant 0 : i32
      %dma_start3A_716 = tpu.memref_slice %arg13[%add3A_714, %dma_start3A_715] : memref<256x32xf32, #tpu.memory_space<vmem>> -> memref<1x32xf32, #tpu.memory_space<vmem>>
      %dma_start3A_717 = tpu.memref_squeeze %dma_start3A_716 : memref<1x32xf32, #tpu.memory_space<vmem>> -> memref<32xf32, #tpu.memory_space<vmem>>
      %dma_start3A_718 = arith.constant 0 : i32
      %dma_start3A_719 = tpu.memref_slice %arg8[%squeeze3A_712, %dma_start3A_718] : memref<1000001x32xf32, #tpu.memory_space<hbm>> -> memref<1x32xf32, #tpu.memory_space<hbm>>
      %dma_start3A_720 = tpu.memref_squeeze %dma_start3A_719 : memref<1x32xf32, #tpu.memory_space<hbm>> -> memref<32xf32, #tpu.memory_space<hbm>>
      %dma_start3A_721 = arith.constant 0 : i32
      %dma_start3A_722 = tpu.memref_slice %arg13[%add3A_714, %dma_start3A_721] : memref<256x32xf32, #tpu.memory_space<vmem>> -> memref<1x32xf32, #tpu.memory_space<vmem>>
      %dma_start3A_723 = tpu.memref_squeeze %dma_start3A_722 : memref<1x32xf32, #tpu.memory_space<vmem>> -> memref<32xf32, #tpu.memory_space<vmem>>
      %dma_start3A_724 = arith.constant 0 : i32
      %dma_start3A_725 = tpu.memref_slice %arg8[%squeeze3A_712, %dma_start3A_724] : memref<1000001x32xf32, #tpu.memory_space<hbm>> -> memref<1x32xf32, #tpu.memory_space<hbm>>
      %dma_start3A_726 = tpu.memref_squeeze %dma_start3A_725 : memref<1x32xf32, #tpu.memory_space<hbm>> -> memref<32xf32, #tpu.memory_space<hbm>>
      tpu.enqueue_dma source(%dma_start3A_726 : memref<32xf32, #tpu.memory_space<hbm>>) target(%dma_start3A_723 : memref<32xf32, #tpu.memory_space<vmem>>) target_semaphore(%arg18 : memref<!tpu.dma_semaphore, #tpu.memory_space<semaphore_mem>>)
      %slice3A_727 = vector.extract_strided_slice %get3A_241 {offsets = [15], sizes = [1], strides = [1]} : vector<16xi32> to vector<1xi32>
      %squeeze3A_728 = vector.extract %slice3A_727[0] : i32 from vector<1xi32>
      %add3A_729 = arith.constant 15 : i32
      %add3A_730 = arith.addi %mul3A_248, %add3A_729 : i32
      %dma_start3A_731 = arith.constant 0 : i32
      %dma_start3A_732 = tpu.memref_slice %arg12[%add3A_730, %dma_start3A_731] : memref<256x32xf32, #tpu.memory_space<vmem>> -> memref<1x32xf32, #tpu.memory_space<vmem>>
      %dma_start3A_733 = tpu.memref_squeeze %dma_start3A_732 : memref<1x32xf32, #tpu.memory_space<vmem>> -> memref<32xf32, #tpu.memory_space<vmem>>
      %dma_start3A_734 = arith.constant 0 : i32
      %dma_start3A_735 = tpu.memref_slice %arg7[%squeeze3A_728, %dma_start3A_734] : memref<1000001x32xf32, #tpu.memory_space<hbm>> -> memref<1x32xf32, #tpu.memory_space<hbm>>
      %dma_start3A_736 = tpu.memref_squeeze %dma_start3A_735 : memref<1x32xf32, #tpu.memory_space<hbm>> -> memref<32xf32, #tpu.memory_space<hbm>>
      %dma_start3A_737 = arith.constant 0 : i32
      %dma_start3A_738 = tpu.memref_slice %arg12[%add3A_730, %dma_start3A_737] : memref<256x32xf32, #tpu.memory_space<vmem>> -> memref<1x32xf32, #tpu.memory_space<vmem>>
      %dma_start3A_739 = tpu.memref_squeeze %dma_start3A_738 : memref<1x32xf32, #tpu.memory_space<vmem>> -> memref<32xf32, #tpu.memory_space<vmem>>
      %dma_start3A_740 = arith.constant 0 : i32
      %dma_start3A_741 = tpu.memref_slice %arg7[%squeeze3A_728, %dma_start3A_740] : memref<1000001x32xf32, #tpu.memory_space<hbm>> -> memref<1x32xf32, #tpu.memory_space<hbm>>
      %dma_start3A_742 = tpu.memref_squeeze %dma_start3A_741 : memref<1x32xf32, #tpu.memory_space<hbm>> -> memref<32xf32, #tpu.memory_space<hbm>>
      tpu.enqueue_dma source(%dma_start3A_742 : memref<32xf32, #tpu.memory_space<hbm>>) target(%dma_start3A_739 : memref<32xf32, #tpu.memory_space<vmem>>) target_semaphore(%arg18 : memref<!tpu.dma_semaphore, #tpu.memory_space<semaphore_mem>>)
      %slice3A_743 = vector.extract_strided_slice %get3A_244 {offsets = [15], sizes = [1], strides = [1]} : vector<16xi32> to vector<1xi32>
      %squeeze3A_744 = vector.extract %slice3A_743[0] : i32 from vector<1xi32>
      %add3A_745 = arith.constant 15 : i32
      %add3A_746 = arith.addi %mul3A_248, %add3A_745 : i32
      %dma_start3A_747 = arith.constant 0 : i32
      %dma_start3A_748 = tpu.memref_slice %arg13[%add3A_746, %dma_start3A_747] : memref<256x32xf32, #tpu.memory_space<vmem>> -> memref<1x32xf32, #tpu.memory_space<vmem>>
      %dma_start3A_749 = tpu.memref_squeeze %dma_start3A_748 : memref<1x32xf32, #tpu.memory_space<vmem>> -> memref<32xf32, #tpu.memory_space<vmem>>
      %dma_start3A_750 = arith.constant 0 : i32
      %dma_start3A_751 = tpu.memref_slice %arg8[%squeeze3A_744, %dma_start3A_750] : memref<1000001x32xf32, #tpu.memory_space<hbm>> -> memref<1x32xf32, #tpu.memory_space<hbm>>
      %dma_start3A_752 = tpu.memref_squeeze %dma_start3A_751 : memref<1x32xf32, #tpu.memory_space<hbm>> -> memref<32xf32, #tpu.memory_space<hbm>>
      %dma_start3A_753 = arith.constant 0 : i32
      %dma_start3A_754 = tpu.memref_slice %arg13[%add3A_746, %dma_start3A_753] : memref<256x32xf32, #tpu.memory_space<vmem>> -> memref<1x32xf32, #tpu.memory_space<vmem>>
      %dma_start3A_755 = tpu.memref_squeeze %dma_start3A_754 : memref<1x32xf32, #tpu.memory_space<vmem>> -> memref<32xf32, #tpu.memory_space<vmem>>
      %dma_start3A_756 = arith.constant 0 : i32
      %dma_start3A_757 = tpu.memref_slice %arg8[%squeeze3A_744, %dma_start3A_756] : memref<1000001x32xf32, #tpu.memory_space<hbm>> -> memref<1x32xf32, #tpu.memory_space<hbm>>
      %dma_start3A_758 = tpu.memref_squeeze %dma_start3A_757 : memref<1x32xf32, #tpu.memory_space<hbm>> -> memref<32xf32, #tpu.memory_space<hbm>>
      tpu.enqueue_dma source(%dma_start3A_758 : memref<32xf32, #tpu.memory_space<hbm>>) target(%dma_start3A_755 : memref<32xf32, #tpu.memory_space<vmem>>) target_semaphore(%arg18 : memref<!tpu.dma_semaphore, #tpu.memory_space<semaphore_mem>>)
    }
    %scan3A_214 = arith.constant 16 : i32
    %dma_wait3A_215 = arith.constant 0 : i32
    %dma_wait3A_216 = arith.constant 0 : i32
    %dma_wait3A_217 = tpu.memref_slice %arg7[%dma_wait3A_215, %dma_wait3A_216] : memref<1000001x32xf32, #tpu.memory_space<hbm>> -> memref<256x32xf32, #tpu.memory_space<hbm>>
    %dma_wait3A_218 = arith.constant 0 : i32
    %dma_wait3A_219 = arith.constant 0 : i32
    %dma_wait3A_220 = tpu.memref_slice %arg7[%dma_wait3A_218, %dma_wait3A_219] : memref<1000001x32xf32, #tpu.memory_space<hbm>> -> memref<256x32xf32, #tpu.memory_space<hbm>>
    tpu.wait_dma2 semaphore(%arg18 : memref<!tpu.dma_semaphore, #tpu.memory_space<semaphore_mem>>) src(%dma_wait3A_220 : memref<256x32xf32, #tpu.memory_space<hbm>>) dst(%arg12 : memref<256x32xf32, #tpu.memory_space<vmem>>)
    %dma_wait3A_221 = arith.constant 0 : i32
    %dma_wait3A_222 = arith.constant 0 : i32
    %dma_wait3A_223 = tpu.memref_slice %arg8[%dma_wait3A_221, %dma_wait3A_222] : memref<1000001x32xf32, #tpu.memory_space<hbm>> -> memref<256x32xf32, #tpu.memory_space<hbm>>
    %dma_wait3A_224 = arith.constant 0 : i32
    %dma_wait3A_225 = arith.constant 0 : i32
    %dma_wait3A_226 = tpu.memref_slice %arg8[%dma_wait3A_224, %dma_wait3A_225] : memref<1000001x32xf32, #tpu.memory_space<hbm>> -> memref<256x32xf32, #tpu.memory_space<hbm>>
    tpu.wait_dma2 semaphore(%arg18 : memref<!tpu.dma_semaphore, #tpu.memory_space<semaphore_mem>>) src(%dma_wait3A_226 : memref<256x32xf32, #tpu.memory_space<hbm>>) dst(%arg13 : memref<256x32xf32, #tpu.memory_space<vmem>>)
    %scan3A_227 = arith.constant 0 : i32
    %scan3A_228 = arith.constant 16 : i32
    %scan3A_229 = arith.constant 16 : i32
    %scan3A_230 = arith.addi %scan3A_228, %scan3A_229 : i32
    %scan3A_231 = arith.constant 1 : i32
    scf.for %scan3A_233 = %scan3A_228 to %scan3A_230 step %scan3A_231  : i32 {
      %mul3A_234 = arith.constant 16 : i32
      %mul3A_235 = arith.muli %scan3A_233, %mul3A_234 : i32
      %and3A_236 = arith.constant 15 : i32
      %and3A_237 = arith.andi %scan3A_233, %and3A_236 : i32
      %mul3A_238 = arith.constant 16 : i32
      %mul3A_239 = arith.muli %and3A_237, %mul3A_238 : i32
      %add3A_240 = arith.constant 0 : i32
      %add3A_241 = arith.addi %mul3A_239, %add3A_240 : i32
      %get3A_242 = arith.index_cast %add3A_241 : i32 to index
      %get3A_243 = arith.constant 0 : index
      %get3A_244 = tpu.vector_load %arg12[%get3A_242, %get3A_243] {strides = array<i32>} : memref<256x32xf32, #tpu.memory_space<vmem>>, vector<16xf32>,
      %get3A_245 = arith.index_cast %add3A_241 : i32 to index
      %get3A_246 = arith.constant 16 : index
      %get3A_247 = tpu.vector_load %arg12[%get3A_245, %get3A_246] {strides = array<i32>} : memref<256x32xf32, #tpu.memory_space<vmem>>, vector<16xf32>,
      %get3A_248 = arith.index_cast %add3A_241 : i32 to index
      %get3A_249 = arith.constant 0 : index
      %get3A_250 = tpu.vector_load %arg13[%get3A_248, %get3A_249] {strides = array<i32>} : memref<256x32xf32, #tpu.memory_space<vmem>>, vector<16xf32>,
      %get3A_251 = arith.index_cast %add3A_241 : i32 to index
      %get3A_252 = arith.constant 16 : index
      %get3A_253 = tpu.vector_load %arg13[%get3A_251, %get3A_252] {strides = array<i32>} : memref<256x32xf32, #tpu.memory_space<vmem>>, vector<16xf32>,
      %mul3A_254 = arith.mulf %get3A_244, %get3A_250 : vector<16xf32>
      %mul3A_255 = arith.mulf %get3A_247, %get3A_253 : vector<16xf32>
      %add3A_256 = arith.addf %mul3A_254, %mul3A_255 : vector<16xf32>
      %add3A_257 = arith.constant 1 : i32
      %add3A_258 = arith.addi %mul3A_239, %add3A_257 : i32
      %get3A_259 = arith.index_cast %add3A_258 : i32 to index
      %get3A_260 = arith.constant 0 : index
      %get3A_261 = tpu.vector_load %arg12[%get3A_259, %get3A_260] {strides = array<i32>} : memref<256x32xf32, #tpu.memory_space<vmem>>, vector<16xf32>,
      %get3A_262 = arith.index_cast %add3A_258 : i32 to index
      %get3A_263 = arith.constant 16 : index
      %get3A_264 = tpu.vector_load %arg12[%get3A_262, %get3A_263] {strides = array<i32>} : memref<256x32xf32, #tpu.memory_space<vmem>>, vector<16xf32>,
      %get3A_265 = arith.index_cast %add3A_258 : i32 to index
      %get3A_266 = arith.constant 0 : index
      %get3A_267 = tpu.vector_load %arg13[%get3A_265, %get3A_266] {strides = array<i32>} : memref<256x32xf32, #tpu.memory_space<vmem>>, vector<16xf32>,
      %get3A_268 = arith.index_cast %add3A_258 : i32 to index
      %get3A_269 = arith.constant 16 : index
      %get3A_270 = tpu.vector_load %arg13[%get3A_268, %get3A_269] {strides = array<i32>} : memref<256x32xf32, #tpu.memory_space<vmem>>, vector<16xf32>,
      %mul3A_271 = arith.mulf %get3A_261, %get3A_267 : vector<16xf32>
      %mul3A_272 = arith.mulf %get3A_264, %get3A_270 : vector<16xf32>
      %add3A_273 = arith.addf %mul3A_271, %mul3A_272 : vector<16xf32>
      %add3A_274 = arith.constant 2 : i32
      %add3A_275 = arith.addi %mul3A_239, %add3A_274 : i32
      %get3A_276 = arith.index_cast %add3A_275 : i32 to index
      %get3A_277 = arith.constant 0 : index
      %get3A_278 = tpu.vector_load %arg12[%get3A_276, %get3A_277] {strides = array<i32>} : memref<256x32xf32, #tpu.memory_space<vmem>>, vector<16xf32>,
      %get3A_279 = arith.index_cast %add3A_275 : i32 to index
      %get3A_280 = arith.constant 16 : index
      %get3A_281 = tpu.vector_load %arg12[%get3A_279, %get3A_280] {strides = array<i32>} : memref<256x32xf32, #tpu.memory_space<vmem>>, vector<16xf32>,
      %get3A_282 = arith.index_cast %add3A_275 : i32 to index
      %get3A_283 = arith.constant 0 : index
      %get3A_284 = tpu.vector_load %arg13[%get3A_282, %get3A_283] {strides = array<i32>} : memref<256x32xf32, #tpu.memory_space<vmem>>, vector<16xf32>,
      %get3A_285 = arith.index_cast %add3A_275 : i32 to index
      %get3A_286 = arith.constant 16 : index
      %get3A_287 = tpu.vector_load %arg13[%get3A_285, %get3A_286] {strides = array<i32>} : memref<256x32xf32, #tpu.memory_space<vmem>>, vector<16xf32>,
      %mul3A_288 = arith.mulf %get3A_278, %get3A_284 : vector<16xf32>
      %mul3A_289 = arith.mulf %get3A_281, %get3A_287 : vector<16xf32>
      %add3A_290 = arith.addf %mul3A_288, %mul3A_289 : vector<16xf32>
      %add3A_291 = arith.constant 3 : i32
      %add3A_292 = arith.addi %mul3A_239, %add3A_291 : i32
      %get3A_293 = arith.index_cast %add3A_292 : i32 to index
      %get3A_294 = arith.constant 0 : index
      %get3A_295 = tpu.vector_load %arg12[%get3A_293, %get3A_294] {strides = array<i32>} : memref<256x32xf32, #tpu.memory_space<vmem>>, vector<16xf32>,
      %get3A_296 = arith.index_cast %add3A_292 : i32 to index
      %get3A_297 = arith.constant 16 : index
      %get3A_298 = tpu.vector_load %arg12[%get3A_296, %get3A_297] {strides = array<i32>} : memref<256x32xf32, #tpu.memory_space<vmem>>, vector<16xf32>,
      %get3A_299 = arith.index_cast %add3A_292 : i32 to index
      %get3A_300 = arith.constant 0 : index
      %get3A_301 = tpu.vector_load %arg13[%get3A_299, %get3A_300] {strides = array<i32>} : memref<256x32xf32, #tpu.memory_space<vmem>>, vector<16xf32>,
      %get3A_302 = arith.index_cast %add3A_292 : i32 to index
      %get3A_303 = arith.constant 16 : index
      %get3A_304 = tpu.vector_load %arg13[%get3A_302, %get3A_303] {strides = array<i32>} : memref<256x32xf32, #tpu.memory_space<vmem>>, vector<16xf32>,
      %mul3A_305 = arith.mulf %get3A_295, %get3A_301 : vector<16xf32>
      %mul3A_306 = arith.mulf %get3A_298, %get3A_304 : vector<16xf32>
      %add3A_307 = arith.addf %mul3A_305, %mul3A_306 : vector<16xf32>
      %add3A_308 = arith.constant 4 : i32
      %add3A_309 = arith.addi %mul3A_239, %add3A_308 : i32
      %get3A_310 = arith.index_cast %add3A_309 : i32 to index
      %get3A_311 = arith.constant 0 : index
      %get3A_312 = tpu.vector_load %arg12[%get3A_310, %get3A_311] {strides = array<i32>} : memref<256x32xf32, #tpu.memory_space<vmem>>, vector<16xf32>,
      %get3A_313 = arith.index_cast %add3A_309 : i32 to index
      %get3A_314 = arith.constant 16 : index
      %get3A_315 = tpu.vector_load %arg12[%get3A_313, %get3A_314] {strides = array<i32>} : memref<256x32xf32, #tpu.memory_space<vmem>>, vector<16xf32>,
      %get3A_316 = arith.index_cast %add3A_309 : i32 to index
      %get3A_317 = arith.constant 0 : index
      %get3A_318 = tpu.vector_load %arg13[%get3A_316, %get3A_317] {strides = array<i32>} : memref<256x32xf32, #tpu.memory_space<vmem>>, vector<16xf32>,
      %get3A_319 = arith.index_cast %add3A_309 : i32 to index
      %get3A_320 = arith.constant 16 : index
      %get3A_321 = tpu.vector_load %arg13[%get3A_319, %get3A_320] {strides = array<i32>} : memref<256x32xf32, #tpu.memory_space<vmem>>, vector<16xf32>,
      %mul3A_322 = arith.mulf %get3A_312, %get3A_318 : vector<16xf32>
      %mul3A_323 = arith.mulf %get3A_315, %get3A_321 : vector<16xf32>
      %add3A_324 = arith.addf %mul3A_322, %mul3A_323 : vector<16xf32>
      %add3A_325 = arith.constant 5 : i32
      %add3A_326 = arith.addi %mul3A_239, %add3A_325 : i32
      %get3A_327 = arith.index_cast %add3A_326 : i32 to index
      %get3A_328 = arith.constant 0 : index
      %get3A_329 = tpu.vector_load %arg12[%get3A_327, %get3A_328] {strides = array<i32>} : memref<256x32xf32, #tpu.memory_space<vmem>>, vector<16xf32>,
      %get3A_330 = arith.index_cast %add3A_326 : i32 to index
      %get3A_331 = arith.constant 16 : index
      %get3A_332 = tpu.vector_load %arg12[%get3A_330, %get3A_331] {strides = array<i32>} : memref<256x32xf32, #tpu.memory_space<vmem>>, vector<16xf32>,
      %get3A_333 = arith.index_cast %add3A_326 : i32 to index
      %get3A_334 = arith.constant 0 : index
      %get3A_335 = tpu.vector_load %arg13[%get3A_333, %get3A_334] {strides = array<i32>} : memref<256x32xf32, #tpu.memory_space<vmem>>, vector<16xf32>,
      %get3A_336 = arith.index_cast %add3A_326 : i32 to index
      %get3A_337 = arith.constant 16 : index
      %get3A_338 = tpu.vector_load %arg13[%get3A_336, %get3A_337] {strides = array<i32>} : memref<256x32xf32, #tpu.memory_space<vmem>>, vector<16xf32>,
      %mul3A_339 = arith.mulf %get3A_329, %get3A_335 : vector<16xf32>
      %mul3A_340 = arith.mulf %get3A_332, %get3A_338 : vector<16xf32>
      %add3A_341 = arith.addf %mul3A_339, %mul3A_340 : vector<16xf32>
      %add3A_342 = arith.constant 6 : i32
      %add3A_343 = arith.addi %mul3A_239, %add3A_342 : i32
      %get3A_344 = arith.index_cast %add3A_343 : i32 to index
      %get3A_345 = arith.constant 0 : index
      %get3A_346 = tpu.vector_load %arg12[%get3A_344, %get3A_345] {strides = array<i32>} : memref<256x32xf32, #tpu.memory_space<vmem>>, vector<16xf32>,
      %get3A_347 = arith.index_cast %add3A_343 : i32 to index
      %get3A_348 = arith.constant 16 : index
      %get3A_349 = tpu.vector_load %arg12[%get3A_347, %get3A_348] {strides = array<i32>} : memref<256x32xf32, #tpu.memory_space<vmem>>, vector<16xf32>,
      %get3A_350 = arith.index_cast %add3A_343 : i32 to index
      %get3A_351 = arith.constant 0 : index
      %get3A_352 = tpu.vector_load %arg13[%get3A_350, %get3A_351] {strides = array<i32>} : memref<256x32xf32, #tpu.memory_space<vmem>>, vector<16xf32>,
      %get3A_353 = arith.index_cast %add3A_343 : i32 to index
      %get3A_354 = arith.constant 16 : index
      %get3A_355 = tpu.vector_load %arg13[%get3A_353, %get3A_354] {strides = array<i32>} : memref<256x32xf32, #tpu.memory_space<vmem>>, vector<16xf32>,
      %mul3A_356 = arith.mulf %get3A_346, %get3A_352 : vector<16xf32>
      %mul3A_357 = arith.mulf %get3A_349, %get3A_355 : vector<16xf32>
      %add3A_358 = arith.addf %mul3A_356, %mul3A_357 : vector<16xf32>
      %add3A_359 = arith.constant 7 : i32
      %add3A_360 = arith.addi %mul3A_239, %add3A_359 : i32
      %get3A_361 = arith.index_cast %add3A_360 : i32 to index
      %get3A_362 = arith.constant 0 : index
      %get3A_363 = tpu.vector_load %arg12[%get3A_361, %get3A_362] {strides = array<i32>} : memref<256x32xf32, #tpu.memory_space<vmem>>, vector<16xf32>,
      %get3A_364 = arith.index_cast %add3A_360 : i32 to index
      %get3A_365 = arith.constant 16 : index
      %get3A_366 = tpu.vector_load %arg12[%get3A_364, %get3A_365] {strides = array<i32>} : memref<256x32xf32, #tpu.memory_space<vmem>>, vector<16xf32>,
      %get3A_367 = arith.index_cast %add3A_360 : i32 to index
      %get3A_368 = arith.constant 0 : index
      %get3A_369 = tpu.vector_load %arg13[%get3A_367, %get3A_368] {strides = array<i32>} : memref<256x32xf32, #tpu.memory_space<vmem>>, vector<16xf32>,
      %get3A_370 = arith.index_cast %add3A_360 : i32 to index
      %get3A_371 = arith.constant 16 : index
      %get3A_372 = tpu.vector_load %arg13[%get3A_370, %get3A_371] {strides = array<i32>} : memref<256x32xf32, #tpu.memory_space<vmem>>, vector<16xf32>,
      %mul3A_373 = arith.mulf %get3A_363, %get3A_369 : vector<16xf32>
      %mul3A_374 = arith.mulf %get3A_366, %get3A_372 : vector<16xf32>
      %add3A_375 = arith.addf %mul3A_373, %mul3A_374 : vector<16xf32>
      %add3A_376 = arith.constant 8 : i32
      %add3A_377 = arith.addi %mul3A_239, %add3A_376 : i32
      %get3A_378 = arith.index_cast %add3A_377 : i32 to index
      %get3A_379 = arith.constant 0 : index
      %get3A_380 = tpu.vector_load %arg12[%get3A_378, %get3A_379] {strides = array<i32>} : memref<256x32xf32, #tpu.memory_space<vmem>>, vector<16xf32>,
      %get3A_381 = arith.index_cast %add3A_377 : i32 to index
      %get3A_382 = arith.constant 16 : index
      %get3A_383 = tpu.vector_load %arg12[%get3A_381, %get3A_382] {strides = array<i32>} : memref<256x32xf32, #tpu.memory_space<vmem>>, vector<16xf32>,
      %get3A_384 = arith.index_cast %add3A_377 : i32 to index
      %get3A_385 = arith.constant 0 : index
      %get3A_386 = tpu.vector_load %arg13[%get3A_384, %get3A_385] {strides = array<i32>} : memref<256x32xf32, #tpu.memory_space<vmem>>, vector<16xf32>,
      %get3A_387 = arith.index_cast %add3A_377 : i32 to index
      %get3A_388 = arith.constant 16 : index
      %get3A_389 = tpu.vector_load %arg13[%get3A_387, %get3A_388] {strides = array<i32>} : memref<256x32xf32, #tpu.memory_space<vmem>>, vector<16xf32>,
      %mul3A_390 = arith.mulf %get3A_380, %get3A_386 : vector<16xf32>
      %mul3A_391 = arith.mulf %get3A_383, %get3A_389 : vector<16xf32>
      %add3A_392 = arith.addf %mul3A_390, %mul3A_391 : vector<16xf32>
      %add3A_393 = arith.constant 9 : i32
      %add3A_394 = arith.addi %mul3A_239, %add3A_393 : i32
      %get3A_395 = arith.index_cast %add3A_394 : i32 to index
      %get3A_396 = arith.constant 0 : index
      %get3A_397 = tpu.vector_load %arg12[%get3A_395, %get3A_396] {strides = array<i32>} : memref<256x32xf32, #tpu.memory_space<vmem>>, vector<16xf32>,
      %get3A_398 = arith.index_cast %add3A_394 : i32 to index
      %get3A_399 = arith.constant 16 : index
      %get3A_400 = tpu.vector_load %arg12[%get3A_398, %get3A_399] {strides = array<i32>} : memref<256x32xf32, #tpu.memory_space<vmem>>, vector<16xf32>,
      %get3A_401 = arith.index_cast %add3A_394 : i32 to index
      %get3A_402 = arith.constant 0 : index
      %get3A_403 = tpu.vector_load %arg13[%get3A_401, %get3A_402] {strides = array<i32>} : memref<256x32xf32, #tpu.memory_space<vmem>>, vector<16xf32>,
      %get3A_404 = arith.index_cast %add3A_394 : i32 to index
      %get3A_405 = arith.constant 16 : index
      %get3A_406 = tpu.vector_load %arg13[%get3A_404, %get3A_405] {strides = array<i32>} : memref<256x32xf32, #tpu.memory_space<vmem>>, vector<16xf32>,
      %mul3A_407 = arith.mulf %get3A_397, %get3A_403 : vector<16xf32>
      %mul3A_408 = arith.mulf %get3A_400, %get3A_406 : vector<16xf32>
      %add3A_409 = arith.addf %mul3A_407, %mul3A_408 : vector<16xf32>
      %add3A_410 = arith.constant 10 : i32
      %add3A_411 = arith.addi %mul3A_239, %add3A_410 : i32
      %get3A_412 = arith.index_cast %add3A_411 : i32 to index
      %get3A_413 = arith.constant 0 : index
      %get3A_414 = tpu.vector_load %arg12[%get3A_412, %get3A_413] {strides = array<i32>} : memref<256x32xf32, #tpu.memory_space<vmem>>, vector<16xf32>,
      %get3A_415 = arith.index_cast %add3A_411 : i32 to index
      %get3A_416 = arith.constant 16 : index
      %get3A_417 = tpu.vector_load %arg12[%get3A_415, %get3A_416] {strides = array<i32>} : memref<256x32xf32, #tpu.memory_space<vmem>>, vector<16xf32>,
      %get3A_418 = arith.index_cast %add3A_411 : i32 to index
      %get3A_419 = arith.constant 0 : index
      %get3A_420 = tpu.vector_load %arg13[%get3A_418, %get3A_419] {strides = array<i32>} : memref<256x32xf32, #tpu.memory_space<vmem>>, vector<16xf32>,
      %get3A_421 = arith.index_cast %add3A_411 : i32 to index
      %get3A_422 = arith.constant 16 : index
      %get3A_423 = tpu.vector_load %arg13[%get3A_421, %get3A_422] {strides = array<i32>} : memref<256x32xf32, #tpu.memory_space<vmem>>, vector<16xf32>,
      %mul3A_424 = arith.mulf %get3A_414, %get3A_420 : vector<16xf32>
      %mul3A_425 = arith.mulf %get3A_417, %get3A_423 : vector<16xf32>
      %add3A_426 = arith.addf %mul3A_424, %mul3A_425 : vector<16xf32>
      %add3A_427 = arith.constant 11 : i32
      %add3A_428 = arith.addi %mul3A_239, %add3A_427 : i32
      %get3A_429 = arith.index_cast %add3A_428 : i32 to index
      %get3A_430 = arith.constant 0 : index
      %get3A_431 = tpu.vector_load %arg12[%get3A_429, %get3A_430] {strides = array<i32>} : memref<256x32xf32, #tpu.memory_space<vmem>>, vector<16xf32>,
      %get3A_432 = arith.index_cast %add3A_428 : i32 to index
      %get3A_433 = arith.constant 16 : index
      %get3A_434 = tpu.vector_load %arg12[%get3A_432, %get3A_433] {strides = array<i32>} : memref<256x32xf32, #tpu.memory_space<vmem>>, vector<16xf32>,
      %get3A_435 = arith.index_cast %add3A_428 : i32 to index
      %get3A_436 = arith.constant 0 : index
      %get3A_437 = tpu.vector_load %arg13[%get3A_435, %get3A_436] {strides = array<i32>} : memref<256x32xf32, #tpu.memory_space<vmem>>, vector<16xf32>,
      %get3A_438 = arith.index_cast %add3A_428 : i32 to index
      %get3A_439 = arith.constant 16 : index
      %get3A_440 = tpu.vector_load %arg13[%get3A_438, %get3A_439] {strides = array<i32>} : memref<256x32xf32, #tpu.memory_space<vmem>>, vector<16xf32>,
      %mul3A_441 = arith.mulf %get3A_431, %get3A_437 : vector<16xf32>
      %mul3A_442 = arith.mulf %get3A_434, %get3A_440 : vector<16xf32>
      %add3A_443 = arith.addf %mul3A_441, %mul3A_442 : vector<16xf32>
      %add3A_444 = arith.constant 12 : i32
      %add3A_445 = arith.addi %mul3A_239, %add3A_444 : i32
      %get3A_446 = arith.index_cast %add3A_445 : i32 to index
      %get3A_447 = arith.constant 0 : index
      %get3A_448 = tpu.vector_load %arg12[%get3A_446, %get3A_447] {strides = array<i32>} : memref<256x32xf32, #tpu.memory_space<vmem>>, vector<16xf32>,
      %get3A_449 = arith.index_cast %add3A_445 : i32 to index
      %get3A_450 = arith.constant 16 : index
      %get3A_451 = tpu.vector_load %arg12[%get3A_449, %get3A_450] {strides = array<i32>} : memref<256x32xf32, #tpu.memory_space<vmem>>, vector<16xf32>,
      %get3A_452 = arith.index_cast %add3A_445 : i32 to index
      %get3A_453 = arith.constant 0 : index
      %get3A_454 = tpu.vector_load %arg13[%get3A_452, %get3A_453] {strides = array<i32>} : memref<256x32xf32, #tpu.memory_space<vmem>>, vector<16xf32>,
      %get3A_455 = arith.index_cast %add3A_445 : i32 to index
      %get3A_456 = arith.constant 16 : index
      %get3A_457 = tpu.vector_load %arg13[%get3A_455, %get3A_456] {strides = array<i32>} : memref<256x32xf32, #tpu.memory_space<vmem>>, vector<16xf32>,
      %mul3A_458 = arith.mulf %get3A_448, %get3A_454 : vector<16xf32>
      %mul3A_459 = arith.mulf %get3A_451, %get3A_457 : vector<16xf32>
      %add3A_460 = arith.addf %mul3A_458, %mul3A_459 : vector<16xf32>
      %add3A_461 = arith.constant 13 : i32
      %add3A_462 = arith.addi %mul3A_239, %add3A_461 : i32
      %get3A_463 = arith.index_cast %add3A_462 : i32 to index
      %get3A_464 = arith.constant 0 : index
      %get3A_465 = tpu.vector_load %arg12[%get3A_463, %get3A_464] {strides = array<i32>} : memref<256x32xf32, #tpu.memory_space<vmem>>, vector<16xf32>,
      %get3A_466 = arith.index_cast %add3A_462 : i32 to index
      %get3A_467 = arith.constant 16 : index
      %get3A_468 = tpu.vector_load %arg12[%get3A_466, %get3A_467] {strides = array<i32>} : memref<256x32xf32, #tpu.memory_space<vmem>>, vector<16xf32>,
      %get3A_469 = arith.index_cast %add3A_462 : i32 to index
      %get3A_470 = arith.constant 0 : index
      %get3A_471 = tpu.vector_load %arg13[%get3A_469, %get3A_470] {strides = array<i32>} : memref<256x32xf32, #tpu.memory_space<vmem>>, vector<16xf32>,
      %get3A_472 = arith.index_cast %add3A_462 : i32 to index
      %get3A_473 = arith.constant 16 : index
      %get3A_474 = tpu.vector_load %arg13[%get3A_472, %get3A_473] {strides = array<i32>} : memref<256x32xf32, #tpu.memory_space<vmem>>, vector<16xf32>,
      %mul3A_475 = arith.mulf %get3A_465, %get3A_471 : vector<16xf32>
      %mul3A_476 = arith.mulf %get3A_468, %get3A_474 : vector<16xf32>
      %add3A_477 = arith.addf %mul3A_475, %mul3A_476 : vector<16xf32>
      %add3A_478 = arith.constant 14 : i32
      %add3A_479 = arith.addi %mul3A_239, %add3A_478 : i32
      %get3A_480 = arith.index_cast %add3A_479 : i32 to index
      %get3A_481 = arith.constant 0 : index
      %get3A_482 = tpu.vector_load %arg12[%get3A_480, %get3A_481] {strides = array<i32>} : memref<256x32xf32, #tpu.memory_space<vmem>>, vector<16xf32>,
      %get3A_483 = arith.index_cast %add3A_479 : i32 to index
      %get3A_484 = arith.constant 16 : index
      %get3A_485 = tpu.vector_load %arg12[%get3A_483, %get3A_484] {strides = array<i32>} : memref<256x32xf32, #tpu.memory_space<vmem>>, vector<16xf32>,
      %get3A_486 = arith.index_cast %add3A_479 : i32 to index
      %get3A_487 = arith.constant 0 : index
      %get3A_488 = tpu.vector_load %arg13[%get3A_486, %get3A_487] {strides = array<i32>} : memref<256x32xf32, #tpu.memory_space<vmem>>, vector<16xf32>,
      %get3A_489 = arith.index_cast %add3A_479 : i32 to index
      %get3A_490 = arith.constant 16 : index
      %get3A_491 = tpu.vector_load %arg13[%get3A_489, %get3A_490] {strides = array<i32>} : memref<256x32xf32, #tpu.memory_space<vmem>>, vector<16xf32>,
      %mul3A_492 = arith.mulf %get3A_482, %get3A_488 : vector<16xf32>
      %mul3A_493 = arith.mulf %get3A_485, %get3A_491 : vector<16xf32>
      %add3A_494 = arith.addf %mul3A_492, %mul3A_493 : vector<16xf32>
      %add3A_495 = arith.constant 15 : i32
      %add3A_496 = arith.addi %mul3A_239, %add3A_495 : i32
      %get3A_497 = arith.index_cast %add3A_496 : i32 to index
      %get3A_498 = arith.constant 0 : index
      %get3A_499 = tpu.vector_load %arg12[%get3A_497, %get3A_498] {strides = array<i32>} : memref<256x32xf32, #tpu.memory_space<vmem>>, vector<16xf32>,
      %get3A_500 = arith.index_cast %add3A_496 : i32 to index
      %get3A_501 = arith.constant 16 : index
      %get3A_502 = tpu.vector_load %arg12[%get3A_500, %get3A_501] {strides = array<i32>} : memref<256x32xf32, #tpu.memory_space<vmem>>, vector<16xf32>,
      %get3A_503 = arith.index_cast %add3A_496 : i32 to index
      %get3A_504 = arith.constant 0 : index
      %get3A_505 = tpu.vector_load %arg13[%get3A_503, %get3A_504] {strides = array<i32>} : memref<256x32xf32, #tpu.memory_space<vmem>>, vector<16xf32>,
      %get3A_506 = arith.index_cast %add3A_496 : i32 to index
      %get3A_507 = arith.constant 16 : index
      %get3A_508 = tpu.vector_load %arg13[%get3A_506, %get3A_507] {strides = array<i32>} : memref<256x32xf32, #tpu.memory_space<vmem>>, vector<16xf32>,
      %mul3A_509 = arith.mulf %get3A_499, %get3A_505 : vector<16xf32>
      %mul3A_510 = arith.mulf %get3A_502, %get3A_508 : vector<16xf32>
      %add3A_511 = arith.addf %mul3A_509, %mul3A_510 : vector<16xf32>
      %lt3A = arith.constant 0 : i32
      %lt3A_512 = vector.broadcast %lt3A : i32 to vector<16xi32>
      %lt3A_513 = arith.cmpi slt, %xor3A_91, %lt3A_512 : vector<16xi32>
      %add3A_514 = arith.constant 16 : i32
      %add3A_515 = vector.broadcast %add3A_514 : i32 to vector<16xi32>
      %add3A_516 = arith.addi %xor3A_91, %add3A_515 : vector<16xi32>
      %select_n3A = arith.select %lt3A_513, %add3A_516, %xor3A_91 : vector<16xi1>, vector<16xi32>
      %broadcast_in_dim3A = vector.shape_cast %select_n3A : vector<16xi32> to vector<16x1xi32>
      %gather3A = vector.shape_cast %broadcast_in_dim3A : vector<16x1xi32> to vector<16xi32>
      %gather3A_517 = tpu.dynamic_gather %add3A_273[%gather3A] in [0] : vector<16xf32>, vector<16xi32> -> vector<16xf32>
      %select_n3A_518 = arith.select %eq3A_104, %add3A_256, %gather3A_517 : vector<16xi1>, vector<16xf32>
      %lt3A_519 = arith.constant 0 : i32
      %lt3A_520 = vector.broadcast %lt3A_519 : i32 to vector<16xi32>
      %lt3A_521 = arith.cmpi slt, %xor3A_91, %lt3A_520 : vector<16xi32>
      %add3A_522 = arith.constant 16 : i32
      %add3A_523 = vector.broadcast %add3A_522 : i32 to vector<16xi32>
      %add3A_524 = arith.addi %xor3A_91, %add3A_523 : vector<16xi32>
      %select_n3A_525 = arith.select %lt3A_521, %add3A_524, %xor3A_91 : vector<16xi1>, vector<16xi32>
      %broadcast_in_dim3A_526 = vector.shape_cast %select_n3A_525 : vector<16xi32> to vector<16x1xi32>
      %gather3A_527 = vector.shape_cast %broadcast_in_dim3A_526 : vector<16x1xi32> to vector<16xi32>
      %gather3A_528 = tpu.dynamic_gather %add3A_256[%gather3A_527] in [0] : vector<16xf32>, vector<16xi32> -> vector<16xf32>
      %select_n3A_529 = arith.select %eq3A_104, %gather3A_528, %add3A_273 : vector<16xi1>, vector<16xf32>
      %add3A_530 = arith.addf %select_n3A_518, %select_n3A_529 : vector<16xf32>
      %lt3A_531 = arith.constant 0 : i32
      %lt3A_532 = vector.broadcast %lt3A_531 : i32 to vector<16xi32>
      %lt3A_533 = arith.cmpi slt, %xor3A_91, %lt3A_532 : vector<16xi32>
      %add3A_534 = arith.constant 16 : i32
      %add3A_535 = vector.broadcast %add3A_534 : i32 to vector<16xi32>
      %add3A_536 = arith.addi %xor3A_91, %add3A_535 : vector<16xi32>
      %select_n3A_537 = arith.select %lt3A_533, %add3A_536, %xor3A_91 : vector<16xi1>, vector<16xi32>
      %broadcast_in_dim3A_538 = vector.shape_cast %select_n3A_537 : vector<16xi32> to vector<16x1xi32>
      %gather3A_539 = vector.shape_cast %broadcast_in_dim3A_538 : vector<16x1xi32> to vector<16xi32>
      %gather3A_540 = tpu.dynamic_gather %add3A_307[%gather3A_539] in [0] : vector<16xf32>, vector<16xi32> -> vector<16xf32>
      %select_n3A_541 = arith.select %eq3A_104, %add3A_290, %gather3A_540 : vector<16xi1>, vector<16xf32>
      %lt3A_542 = arith.constant 0 : i32
      %lt3A_543 = vector.broadcast %lt3A_542 : i32 to vector<16xi32>
      %lt3A_544 = arith.cmpi slt, %xor3A_91, %lt3A_543 : vector<16xi32>
      %add3A_545 = arith.constant 16 : i32
      %add3A_546 = vector.broadcast %add3A_545 : i32 to vector<16xi32>
      %add3A_547 = arith.addi %xor3A_91, %add3A_546 : vector<16xi32>
      %select_n3A_548 = arith.select %lt3A_544, %add3A_547, %xor3A_91 : vector<16xi1>, vector<16xi32>
      %broadcast_in_dim3A_549 = vector.shape_cast %select_n3A_548 : vector<16xi32> to vector<16x1xi32>
      %gather3A_550 = vector.shape_cast %broadcast_in_dim3A_549 : vector<16x1xi32> to vector<16xi32>
      %gather3A_551 = tpu.dynamic_gather %add3A_290[%gather3A_550] in [0] : vector<16xf32>, vector<16xi32> -> vector<16xf32>
      %select_n3A_552 = arith.select %eq3A_104, %gather3A_551, %add3A_307 : vector<16xi1>, vector<16xf32>
      %add3A_553 = arith.addf %select_n3A_541, %select_n3A_552 : vector<16xf32>
      %lt3A_554 = arith.constant 0 : i32
      %lt3A_555 = vector.broadcast %lt3A_554 : i32 to vector<16xi32>
      %lt3A_556 = arith.cmpi slt, %xor3A_91, %lt3A_555 : vector<16xi32>
      %add3A_557 = arith.constant 16 : i32
      %add3A_558 = vector.broadcast %add3A_557 : i32 to vector<16xi32>
      %add3A_559 = arith.addi %xor3A_91, %add3A_558 : vector<16xi32>
      %select_n3A_560 = arith.select %lt3A_556, %add3A_559, %xor3A_91 : vector<16xi1>, vector<16xi32>
      %broadcast_in_dim3A_561 = vector.shape_cast %select_n3A_560 : vector<16xi32> to vector<16x1xi32>
      %gather3A_562 = vector.shape_cast %broadcast_in_dim3A_561 : vector<16x1xi32> to vector<16xi32>
      %gather3A_563 = tpu.dynamic_gather %add3A_341[%gather3A_562] in [0] : vector<16xf32>, vector<16xi32> -> vector<16xf32>
      %select_n3A_564 = arith.select %eq3A_104, %add3A_324, %gather3A_563 : vector<16xi1>, vector<16xf32>
      %lt3A_565 = arith.constant 0 : i32
      %lt3A_566 = vector.broadcast %lt3A_565 : i32 to vector<16xi32>
      %lt3A_567 = arith.cmpi slt, %xor3A_91, %lt3A_566 : vector<16xi32>
      %add3A_568 = arith.constant 16 : i32
      %add3A_569 = vector.broadcast %add3A_568 : i32 to vector<16xi32>
      %add3A_570 = arith.addi %xor3A_91, %add3A_569 : vector<16xi32>
      %select_n3A_571 = arith.select %lt3A_567, %add3A_570, %xor3A_91 : vector<16xi1>, vector<16xi32>
      %broadcast_in_dim3A_572 = vector.shape_cast %select_n3A_571 : vector<16xi32> to vector<16x1xi32>
      %gather3A_573 = vector.shape_cast %broadcast_in_dim3A_572 : vector<16x1xi32> to vector<16xi32>
      %gather3A_574 = tpu.dynamic_gather %add3A_324[%gather3A_573] in [0] : vector<16xf32>, vector<16xi32> -> vector<16xf32>
      %select_n3A_575 = arith.select %eq3A_104, %gather3A_574, %add3A_341 : vector<16xi1>, vector<16xf32>
      %add3A_576 = arith.addf %select_n3A_564, %select_n3A_575 : vector<16xf32>
      %lt3A_577 = arith.constant 0 : i32
      %lt3A_578 = vector.broadcast %lt3A_577 : i32 to vector<16xi32>
      %lt3A_579 = arith.cmpi slt, %xor3A_91, %lt3A_578 : vector<16xi32>
      %add3A_580 = arith.constant 16 : i32
      %add3A_581 = vector.broadcast %add3A_580 : i32 to vector<16xi32>
      %add3A_582 = arith.addi %xor3A_91, %add3A_581 : vector<16xi32>
      %select_n3A_583 = arith.select %lt3A_579, %add3A_582, %xor3A_91 : vector<16xi1>, vector<16xi32>
      %broadcast_in_dim3A_584 = vector.shape_cast %select_n3A_583 : vector<16xi32> to vector<16x1xi32>
      %gather3A_585 = vector.shape_cast %broadcast_in_dim3A_584 : vector<16x1xi32> to vector<16xi32>
      %gather3A_586 = tpu.dynamic_gather %add3A_375[%gather3A_585] in [0] : vector<16xf32>, vector<16xi32> -> vector<16xf32>
      %select_n3A_587 = arith.select %eq3A_104, %add3A_358, %gather3A_586 : vector<16xi1>, vector<16xf32>
      %lt3A_588 = arith.constant 0 : i32
      %lt3A_589 = vector.broadcast %lt3A_588 : i32 to vector<16xi32>
      %lt3A_590 = arith.cmpi slt, %xor3A_91, %lt3A_589 : vector<16xi32>
      %add3A_591 = arith.constant 16 : i32
      %add3A_592 = vector.broadcast %add3A_591 : i32 to vector<16xi32>
      %add3A_593 = arith.addi %xor3A_91, %add3A_592 : vector<16xi32>
      %select_n3A_594 = arith.select %lt3A_590, %add3A_593, %xor3A_91 : vector<16xi1>, vector<16xi32>
      %broadcast_in_dim3A_595 = vector.shape_cast %select_n3A_594 : vector<16xi32> to vector<16x1xi32>
      %gather3A_596 = vector.shape_cast %broadcast_in_dim3A_595 : vector<16x1xi32> to vector<16xi32>
      %gather3A_597 = tpu.dynamic_gather %add3A_358[%gather3A_596] in [0] : vector<16xf32>, vector<16xi32> -> vector<16xf32>
      %select_n3A_598 = arith.select %eq3A_104, %gather3A_597, %add3A_375 : vector<16xi1>, vector<16xf32>
      %add3A_599 = arith.addf %select_n3A_587, %select_n3A_598 : vector<16xf32>
      %lt3A_600 = arith.constant 0 : i32
      %lt3A_601 = vector.broadcast %lt3A_600 : i32 to vector<16xi32>
      %lt3A_602 = arith.cmpi slt, %xor3A_91, %lt3A_601 : vector<16xi32>
      %add3A_603 = arith.constant 16 : i32
      %add3A_604 = vector.broadcast %add3A_603 : i32 to vector<16xi32>
      %add3A_605 = arith.addi %xor3A_91, %add3A_604 : vector<16xi32>
      %select_n3A_606 = arith.select %lt3A_602, %add3A_605, %xor3A_91 : vector<16xi1>, vector<16xi32>
      %broadcast_in_dim3A_607 = vector.shape_cast %select_n3A_606 : vector<16xi32> to vector<16x1xi32>
      %gather3A_608 = vector.shape_cast %broadcast_in_dim3A_607 : vector<16x1xi32> to vector<16xi32>
      %gather3A_609 = tpu.dynamic_gather %add3A_409[%gather3A_608] in [0] : vector<16xf32>, vector<16xi32> -> vector<16xf32>
      %select_n3A_610 = arith.select %eq3A_104, %add3A_392, %gather3A_609 : vector<16xi1>, vector<16xf32>
      %lt3A_611 = arith.constant 0 : i32
      %lt3A_612 = vector.broadcast %lt3A_611 : i32 to vector<16xi32>
      %lt3A_613 = arith.cmpi slt, %xor3A_91, %lt3A_612 : vector<16xi32>
      %add3A_614 = arith.constant 16 : i32
      %add3A_615 = vector.broadcast %add3A_614 : i32 to vector<16xi32>
      %add3A_616 = arith.addi %xor3A_91, %add3A_615 : vector<16xi32>
      %select_n3A_617 = arith.select %lt3A_613, %add3A_616, %xor3A_91 : vector<16xi1>, vector<16xi32>
      %broadcast_in_dim3A_618 = vector.shape_cast %select_n3A_617 : vector<16xi32> to vector<16x1xi32>
      %gather3A_619 = vector.shape_cast %broadcast_in_dim3A_618 : vector<16x1xi32> to vector<16xi32>
      %gather3A_620 = tpu.dynamic_gather %add3A_392[%gather3A_619] in [0] : vector<16xf32>, vector<16xi32> -> vector<16xf32>
      %select_n3A_621 = arith.select %eq3A_104, %gather3A_620, %add3A_409 : vector<16xi1>, vector<16xf32>
      %add3A_622 = arith.addf %select_n3A_610, %select_n3A_621 : vector<16xf32>
      %lt3A_623 = arith.constant 0 : i32
      %lt3A_624 = vector.broadcast %lt3A_623 : i32 to vector<16xi32>
      %lt3A_625 = arith.cmpi slt, %xor3A_91, %lt3A_624 : vector<16xi32>
      %add3A_626 = arith.constant 16 : i32
      %add3A_627 = vector.broadcast %add3A_626 : i32 to vector<16xi32>
      %add3A_628 = arith.addi %xor3A_91, %add3A_627 : vector<16xi32>
      %select_n3A_629 = arith.select %lt3A_625, %add3A_628, %xor3A_91 : vector<16xi1>, vector<16xi32>
      %broadcast_in_dim3A_630 = vector.shape_cast %select_n3A_629 : vector<16xi32> to vector<16x1xi32>
      %gather3A_631 = vector.shape_cast %broadcast_in_dim3A_630 : vector<16x1xi32> to vector<16xi32>
      %gather3A_632 = tpu.dynamic_gather %add3A_443[%gather3A_631] in [0] : vector<16xf32>, vector<16xi32> -> vector<16xf32>
      %select_n3A_633 = arith.select %eq3A_104, %add3A_426, %gather3A_632 : vector<16xi1>, vector<16xf32>
      %lt3A_634 = arith.constant 0 : i32
      %lt3A_635 = vector.broadcast %lt3A_634 : i32 to vector<16xi32>
      %lt3A_636 = arith.cmpi slt, %xor3A_91, %lt3A_635 : vector<16xi32>
      %add3A_637 = arith.constant 16 : i32
      %add3A_638 = vector.broadcast %add3A_637 : i32 to vector<16xi32>
      %add3A_639 = arith.addi %xor3A_91, %add3A_638 : vector<16xi32>
      %select_n3A_640 = arith.select %lt3A_636, %add3A_639, %xor3A_91 : vector<16xi1>, vector<16xi32>
      %broadcast_in_dim3A_641 = vector.shape_cast %select_n3A_640 : vector<16xi32> to vector<16x1xi32>
      %gather3A_642 = vector.shape_cast %broadcast_in_dim3A_641 : vector<16x1xi32> to vector<16xi32>
      %gather3A_643 = tpu.dynamic_gather %add3A_426[%gather3A_642] in [0] : vector<16xf32>, vector<16xi32> -> vector<16xf32>
      %select_n3A_644 = arith.select %eq3A_104, %gather3A_643, %add3A_443 : vector<16xi1>, vector<16xf32>
      %add3A_645 = arith.addf %select_n3A_633, %select_n3A_644 : vector<16xf32>
      %lt3A_646 = arith.constant 0 : i32
      %lt3A_647 = vector.broadcast %lt3A_646 : i32 to vector<16xi32>
      %lt3A_648 = arith.cmpi slt, %xor3A_91, %lt3A_647 : vector<16xi32>
      %add3A_649 = arith.constant 16 : i32
      %add3A_650 = vector.broadcast %add3A_649 : i32 to vector<16xi32>
      %add3A_651 = arith.addi %xor3A_91, %add3A_650 : vector<16xi32>
      %select_n3A_652 = arith.select %lt3A_648, %add3A_651, %xor3A_91 : vector<16xi1>, vector<16xi32>
      %broadcast_in_dim3A_653 = vector.shape_cast %select_n3A_652 : vector<16xi32> to vector<16x1xi32>
      %gather3A_654 = vector.shape_cast %broadcast_in_dim3A_653 : vector<16x1xi32> to vector<16xi32>
      %gather3A_655 = tpu.dynamic_gather %add3A_477[%gather3A_654] in [0] : vector<16xf32>, vector<16xi32> -> vector<16xf32>
      %select_n3A_656 = arith.select %eq3A_104, %add3A_460, %gather3A_655 : vector<16xi1>, vector<16xf32>
      %lt3A_657 = arith.constant 0 : i32
      %lt3A_658 = vector.broadcast %lt3A_657 : i32 to vector<16xi32>
      %lt3A_659 = arith.cmpi slt, %xor3A_91, %lt3A_658 : vector<16xi32>
      %add3A_660 = arith.constant 16 : i32
      %add3A_661 = vector.broadcast %add3A_660 : i32 to vector<16xi32>
      %add3A_662 = arith.addi %xor3A_91, %add3A_661 : vector<16xi32>
      %select_n3A_663 = arith.select %lt3A_659, %add3A_662, %xor3A_91 : vector<16xi1>, vector<16xi32>
      %broadcast_in_dim3A_664 = vector.shape_cast %select_n3A_663 : vector<16xi32> to vector<16x1xi32>
      %gather3A_665 = vector.shape_cast %broadcast_in_dim3A_664 : vector<16x1xi32> to vector<16xi32>
      %gather3A_666 = tpu.dynamic_gather %add3A_460[%gather3A_665] in [0] : vector<16xf32>, vector<16xi32> -> vector<16xf32>
      %select_n3A_667 = arith.select %eq3A_104, %gather3A_666, %add3A_477 : vector<16xi1>, vector<16xf32>
      %add3A_668 = arith.addf %select_n3A_656, %select_n3A_667 : vector<16xf32>
      %lt3A_669 = arith.constant 0 : i32
      %lt3A_670 = vector.broadcast %lt3A_669 : i32 to vector<16xi32>
      %lt3A_671 = arith.cmpi slt, %xor3A_91, %lt3A_670 : vector<16xi32>
      %add3A_672 = arith.constant 16 : i32
      %add3A_673 = vector.broadcast %add3A_672 : i32 to vector<16xi32>
      %add3A_674 = arith.addi %xor3A_91, %add3A_673 : vector<16xi32>
      %select_n3A_675 = arith.select %lt3A_671, %add3A_674, %xor3A_91 : vector<16xi1>, vector<16xi32>
      %broadcast_in_dim3A_676 = vector.shape_cast %select_n3A_675 : vector<16xi32> to vector<16x1xi32>
      %gather3A_677 = vector.shape_cast %broadcast_in_dim3A_676 : vector<16x1xi32> to vector<16xi32>
      %gather3A_678 = tpu.dynamic_gather %add3A_511[%gather3A_677] in [0] : vector<16xf32>, vector<16xi32> -> vector<16xf32>
      %select_n3A_679 = arith.select %eq3A_104, %add3A_494, %gather3A_678 : vector<16xi1>, vector<16xf32>
      %lt3A_680 = arith.constant 0 : i32
      %lt3A_681 = vector.broadcast %lt3A_680 : i32 to vector<16xi32>
      %lt3A_682 = arith.cmpi slt, %xor3A_91, %lt3A_681 : vector<16xi32>
      %add3A_683 = arith.constant 16 : i32
      %add3A_684 = vector.broadcast %add3A_683 : i32 to vector<16xi32>
      %add3A_685 = arith.addi %xor3A_91, %add3A_684 : vector<16xi32>
      %select_n3A_686 = arith.select %lt3A_682, %add3A_685, %xor3A_91 : vector<16xi1>, vector<16xi32>
      %broadcast_in_dim3A_687 = vector.shape_cast %select_n3A_686 : vector<16xi32> to vector<16x1xi32>
      %gather3A_688 = vector.shape_cast %broadcast_in_dim3A_687 : vector<16x1xi32> to vector<16xi32>
      %gather3A_689 = tpu.dynamic_gather %add3A_494[%gather3A_688] in [0] : vector<16xf32>, vector<16xi32> -> vector<16xf32>
      %select_n3A_690 = arith.select %eq3A_104, %gather3A_689, %add3A_511 : vector<16xi1>, vector<16xf32>
      %add3A_691 = arith.addf %select_n3A_679, %select_n3A_690 : vector<16xf32>
      %lt3A_692 = arith.constant 0 : i32
      %lt3A_693 = vector.broadcast %lt3A_692 : i32 to vector<16xi32>
      %lt3A_694 = arith.cmpi slt, %xor3A_94, %lt3A_693 : vector<16xi32>
      %add3A_695 = arith.constant 16 : i32
      %add3A_696 = vector.broadcast %add3A_695 : i32 to vector<16xi32>
      %add3A_697 = arith.addi %xor3A_94, %add3A_696 : vector<16xi32>
      %select_n3A_698 = arith.select %lt3A_694, %add3A_697, %xor3A_94 : vector<16xi1>, vector<16xi32>
      %broadcast_in_dim3A_699 = vector.shape_cast %select_n3A_698 : vector<16xi32> to vector<16x1xi32>
      %gather3A_700 = vector.shape_cast %broadcast_in_dim3A_699 : vector<16x1xi32> to vector<16xi32>
      %gather3A_701 = tpu.dynamic_gather %add3A_553[%gather3A_700] in [0] : vector<16xf32>, vector<16xi32> -> vector<16xf32>
      %select_n3A_702 = arith.select %eq3A_110, %add3A_530, %gather3A_701 : vector<16xi1>, vector<16xf32>
      %lt3A_703 = arith.constant 0 : i32
      %lt3A_704 = vector.broadcast %lt3A_703 : i32 to vector<16xi32>
      %lt3A_705 = arith.cmpi slt, %xor3A_94, %lt3A_704 : vector<16xi32>
      %add3A_706 = arith.constant 16 : i32
      %add3A_707 = vector.broadcast %add3A_706 : i32 to vector<16xi32>
      %add3A_708 = arith.addi %xor3A_94, %add3A_707 : vector<16xi32>
      %select_n3A_709 = arith.select %lt3A_705, %add3A_708, %xor3A_94 : vector<16xi1>, vector<16xi32>
      %broadcast_in_dim3A_710 = vector.shape_cast %select_n3A_709 : vector<16xi32> to vector<16x1xi32>
      %gather3A_711 = vector.shape_cast %broadcast_in_dim3A_710 : vector<16x1xi32> to vector<16xi32>
      %gather3A_712 = tpu.dynamic_gather %add3A_530[%gather3A_711] in [0] : vector<16xf32>, vector<16xi32> -> vector<16xf32>
      %select_n3A_713 = arith.select %eq3A_110, %gather3A_712, %add3A_553 : vector<16xi1>, vector<16xf32>
      %add3A_714 = arith.addf %select_n3A_702, %select_n3A_713 : vector<16xf32>
      %lt3A_715 = arith.constant 0 : i32
      %lt3A_716 = vector.broadcast %lt3A_715 : i32 to vector<16xi32>
      %lt3A_717 = arith.cmpi slt, %xor3A_94, %lt3A_716 : vector<16xi32>
      %add3A_718 = arith.constant 16 : i32
      %add3A_719 = vector.broadcast %add3A_718 : i32 to vector<16xi32>
      %add3A_720 = arith.addi %xor3A_94, %add3A_719 : vector<16xi32>
      %select_n3A_721 = arith.select %lt3A_717, %add3A_720, %xor3A_94 : vector<16xi1>, vector<16xi32>
      %broadcast_in_dim3A_722 = vector.shape_cast %select_n3A_721 : vector<16xi32> to vector<16x1xi32>
      %gather3A_723 = vector.shape_cast %broadcast_in_dim3A_722 : vector<16x1xi32> to vector<16xi32>
      %gather3A_724 = tpu.dynamic_gather %add3A_599[%gather3A_723] in [0] : vector<16xf32>, vector<16xi32> -> vector<16xf32>
      %select_n3A_725 = arith.select %eq3A_110, %add3A_576, %gather3A_724 : vector<16xi1>, vector<16xf32>
      %lt3A_726 = arith.constant 0 : i32
      %lt3A_727 = vector.broadcast %lt3A_726 : i32 to vector<16xi32>
      %lt3A_728 = arith.cmpi slt, %xor3A_94, %lt3A_727 : vector<16xi32>
      %add3A_729 = arith.constant 16 : i32
      %add3A_730 = vector.broadcast %add3A_729 : i32 to vector<16xi32>
      %add3A_731 = arith.addi %xor3A_94, %add3A_730 : vector<16xi32>
      %select_n3A_732 = arith.select %lt3A_728, %add3A_731, %xor3A_94 : vector<16xi1>, vector<16xi32>
      %broadcast_in_dim3A_733 = vector.shape_cast %select_n3A_732 : vector<16xi32> to vector<16x1xi32>
      %gather3A_734 = vector.shape_cast %broadcast_in_dim3A_733 : vector<16x1xi32> to vector<16xi32>
      %gather3A_735 = tpu.dynamic_gather %add3A_576[%gather3A_734] in [0] : vector<16xf32>, vector<16xi32> -> vector<16xf32>
      %select_n3A_736 = arith.select %eq3A_110, %gather3A_735, %add3A_599 : vector<16xi1>, vector<16xf32>
      %add3A_737 = arith.addf %select_n3A_725, %select_n3A_736 : vector<16xf32>
      %lt3A_738 = arith.constant 0 : i32
      %lt3A_739 = vector.broadcast %lt3A_738 : i32 to vector<16xi32>
      %lt3A_740 = arith.cmpi slt, %xor3A_94, %lt3A_739 : vector<16xi32>
      %add3A_741 = arith.constant 16 : i32
      %add3A_742 = vector.broadcast %add3A_741 : i32 to vector<16xi32>
      %add3A_743 = arith.addi %xor3A_94, %add3A_742 : vector<16xi32>
      %select_n3A_744 = arith.select %lt3A_740, %add3A_743, %xor3A_94 : vector<16xi1>, vector<16xi32>
      %broadcast_in_dim3A_745 = vector.shape_cast %select_n3A_744 : vector<16xi32> to vector<16x1xi32>
      %gather3A_746 = vector.shape_cast %broadcast_in_dim3A_745 : vector<16x1xi32> to vector<16xi32>
      %gather3A_747 = tpu.dynamic_gather %add3A_645[%gather3A_746] in [0] : vector<16xf32>, vector<16xi32> -> vector<16xf32>
      %select_n3A_748 = arith.select %eq3A_110, %add3A_622, %gather3A_747 : vector<16xi1>, vector<16xf32>
      %lt3A_749 = arith.constant 0 : i32
      %lt3A_750 = vector.broadcast %lt3A_749 : i32 to vector<16xi32>
      %lt3A_751 = arith.cmpi slt, %xor3A_94, %lt3A_750 : vector<16xi32>
      %add3A_752 = arith.constant 16 : i32
      %add3A_753 = vector.broadcast %add3A_752 : i32 to vector<16xi32>
      %add3A_754 = arith.addi %xor3A_94, %add3A_753 : vector<16xi32>
      %select_n3A_755 = arith.select %lt3A_751, %add3A_754, %xor3A_94 : vector<16xi1>, vector<16xi32>
      %broadcast_in_dim3A_756 = vector.shape_cast %select_n3A_755 : vector<16xi32> to vector<16x1xi32>
      %gather3A_757 = vector.shape_cast %broadcast_in_dim3A_756 : vector<16x1xi32> to vector<16xi32>
      %gather3A_758 = tpu.dynamic_gather %add3A_622[%gather3A_757] in [0] : vector<16xf32>, vector<16xi32> -> vector<16xf32>
      %select_n3A_759 = arith.select %eq3A_110, %gather3A_758, %add3A_645 : vector<16xi1>, vector<16xf32>
      %add3A_760 = arith.addf %select_n3A_748, %select_n3A_759 : vector<16xf32>
      %lt3A_761 = arith.constant 0 : i32
      %lt3A_762 = vector.broadcast %lt3A_761 : i32 to vector<16xi32>
      %lt3A_763 = arith.cmpi slt, %xor3A_94, %lt3A_762 : vector<16xi32>
      %add3A_764 = arith.constant 16 : i32
      %add3A_765 = vector.broadcast %add3A_764 : i32 to vector<16xi32>
      %add3A_766 = arith.addi %xor3A_94, %add3A_765 : vector<16xi32>
      %select_n3A_767 = arith.select %lt3A_763, %add3A_766, %xor3A_94 : vector<16xi1>, vector<16xi32>
      %broadcast_in_dim3A_768 = vector.shape_cast %select_n3A_767 : vector<16xi32> to vector<16x1xi32>
      %gather3A_769 = vector.shape_cast %broadcast_in_dim3A_768 : vector<16x1xi32> to vector<16xi32>
      %gather3A_770 = tpu.dynamic_gather %add3A_691[%gather3A_769] in [0] : vector<16xf32>, vector<16xi32> -> vector<16xf32>
      %select_n3A_771 = arith.select %eq3A_110, %add3A_668, %gather3A_770 : vector<16xi1>, vector<16xf32>
      %lt3A_772 = arith.constant 0 : i32
      %lt3A_773 = vector.broadcast %lt3A_772 : i32 to vector<16xi32>
      %lt3A_774 = arith.cmpi slt, %xor3A_94, %lt3A_773 : vector<16xi32>
      %add3A_775 = arith.constant 16 : i32
      %add3A_776 = vector.broadcast %add3A_775 : i32 to vector<16xi32>
      %add3A_777 = arith.addi %xor3A_94, %add3A_776 : vector<16xi32>
      %select_n3A_778 = arith.select %lt3A_774, %add3A_777, %xor3A_94 : vector<16xi1>, vector<16xi32>
      %broadcast_in_dim3A_779 = vector.shape_cast %select_n3A_778 : vector<16xi32> to vector<16x1xi32>
      %gather3A_780 = vector.shape_cast %broadcast_in_dim3A_779 : vector<16x1xi32> to vector<16xi32>
      %gather3A_781 = tpu.dynamic_gather %add3A_668[%gather3A_780] in [0] : vector<16xf32>, vector<16xi32> -> vector<16xf32>
      %select_n3A_782 = arith.select %eq3A_110, %gather3A_781, %add3A_691 : vector<16xi1>, vector<16xf32>
      %add3A_783 = arith.addf %select_n3A_771, %select_n3A_782 : vector<16xf32>
      %lt3A_784 = arith.constant 0 : i32
      %lt3A_785 = vector.broadcast %lt3A_784 : i32 to vector<16xi32>
      %lt3A_786 = arith.cmpi slt, %xor3A_97, %lt3A_785 : vector<16xi32>
      %add3A_787 = arith.constant 16 : i32
      %add3A_788 = vector.broadcast %add3A_787 : i32 to vector<16xi32>
      %add3A_789 = arith.addi %xor3A_97, %add3A_788 : vector<16xi32>
      %select_n3A_790 = arith.select %lt3A_786, %add3A_789, %xor3A_97 : vector<16xi1>, vector<16xi32>
      %broadcast_in_dim3A_791 = vector.shape_cast %select_n3A_790 : vector<16xi32> to vector<16x1xi32>
      %gather3A_792 = vector.shape_cast %broadcast_in_dim3A_791 : vector<16x1xi32> to vector<16xi32>
      %gather3A_793 = tpu.dynamic_gather %add3A_737[%gather3A_792] in [0] : vector<16xf32>, vector<16xi32> -> vector<16xf32>
      %select_n3A_794 = arith.select %eq3A_116, %add3A_714, %gather3A_793 : vector<16xi1>, vector<16xf32>
      %lt3A_795 = arith.constant 0 : i32
      %lt3A_796 = vector.broadcast %lt3A_795 : i32 to vector<16xi32>
      %lt3A_797 = arith.cmpi slt, %xor3A_97, %lt3A_796 : vector<16xi32>
      %add3A_798 = arith.constant 16 : i32
      %add3A_799 = vector.broadcast %add3A_798 : i32 to vector<16xi32>
      %add3A_800 = arith.addi %xor3A_97, %add3A_799 : vector<16xi32>
      %select_n3A_801 = arith.select %lt3A_797, %add3A_800, %xor3A_97 : vector<16xi1>, vector<16xi32>
      %broadcast_in_dim3A_802 = vector.shape_cast %select_n3A_801 : vector<16xi32> to vector<16x1xi32>
      %gather3A_803 = vector.shape_cast %broadcast_in_dim3A_802 : vector<16x1xi32> to vector<16xi32>
      %gather3A_804 = tpu.dynamic_gather %add3A_714[%gather3A_803] in [0] : vector<16xf32>, vector<16xi32> -> vector<16xf32>
      %select_n3A_805 = arith.select %eq3A_116, %gather3A_804, %add3A_737 : vector<16xi1>, vector<16xf32>
      %add3A_806 = arith.addf %select_n3A_794, %select_n3A_805 : vector<16xf32>
      %lt3A_807 = arith.constant 0 : i32
      %lt3A_808 = vector.broadcast %lt3A_807 : i32 to vector<16xi32>
      %lt3A_809 = arith.cmpi slt, %xor3A_97, %lt3A_808 : vector<16xi32>
      %add3A_810 = arith.constant 16 : i32
      %add3A_811 = vector.broadcast %add3A_810 : i32 to vector<16xi32>
      %add3A_812 = arith.addi %xor3A_97, %add3A_811 : vector<16xi32>
      %select_n3A_813 = arith.select %lt3A_809, %add3A_812, %xor3A_97 : vector<16xi1>, vector<16xi32>
      %broadcast_in_dim3A_814 = vector.shape_cast %select_n3A_813 : vector<16xi32> to vector<16x1xi32>
      %gather3A_815 = vector.shape_cast %broadcast_in_dim3A_814 : vector<16x1xi32> to vector<16xi32>
      %gather3A_816 = tpu.dynamic_gather %add3A_783[%gather3A_815] in [0] : vector<16xf32>, vector<16xi32> -> vector<16xf32>
      %select_n3A_817 = arith.select %eq3A_116, %add3A_760, %gather3A_816 : vector<16xi1>, vector<16xf32>
      %lt3A_818 = arith.constant 0 : i32
      %lt3A_819 = vector.broadcast %lt3A_818 : i32 to vector<16xi32>
      %lt3A_820 = arith.cmpi slt, %xor3A_97, %lt3A_819 : vector<16xi32>
      %add3A_821 = arith.constant 16 : i32
      %add3A_822 = vector.broadcast %add3A_821 : i32 to vector<16xi32>
      %add3A_823 = arith.addi %xor3A_97, %add3A_822 : vector<16xi32>
      %select_n3A_824 = arith.select %lt3A_820, %add3A_823, %xor3A_97 : vector<16xi1>, vector<16xi32>
      %broadcast_in_dim3A_825 = vector.shape_cast %select_n3A_824 : vector<16xi32> to vector<16x1xi32>
      %gather3A_826 = vector.shape_cast %broadcast_in_dim3A_825 : vector<16x1xi32> to vector<16xi32>
      %gather3A_827 = tpu.dynamic_gather %add3A_760[%gather3A_826] in [0] : vector<16xf32>, vector<16xi32> -> vector<16xf32>
      %select_n3A_828 = arith.select %eq3A_116, %gather3A_827, %add3A_783 : vector<16xi1>, vector<16xf32>
      %add3A_829 = arith.addf %select_n3A_817, %select_n3A_828 : vector<16xf32>
      %lt3A_830 = arith.constant 0 : i32
      %lt3A_831 = vector.broadcast %lt3A_830 : i32 to vector<16xi32>
      %lt3A_832 = arith.cmpi slt, %xor3A_100, %lt3A_831 : vector<16xi32>
      %add3A_833 = arith.constant 16 : i32
      %add3A_834 = vector.broadcast %add3A_833 : i32 to vector<16xi32>
      %add3A_835 = arith.addi %xor3A_100, %add3A_834 : vector<16xi32>
      %select_n3A_836 = arith.select %lt3A_832, %add3A_835, %xor3A_100 : vector<16xi1>, vector<16xi32>
      %broadcast_in_dim3A_837 = vector.shape_cast %select_n3A_836 : vector<16xi32> to vector<16x1xi32>
      %gather3A_838 = vector.shape_cast %broadcast_in_dim3A_837 : vector<16x1xi32> to vector<16xi32>
      %gather3A_839 = tpu.dynamic_gather %add3A_829[%gather3A_838] in [0] : vector<16xf32>, vector<16xi32> -> vector<16xf32>
      %select_n3A_840 = arith.select %eq3A_122, %add3A_806, %gather3A_839 : vector<16xi1>, vector<16xf32>
      %lt3A_841 = arith.constant 0 : i32
      %lt3A_842 = vector.broadcast %lt3A_841 : i32 to vector<16xi32>
      %lt3A_843 = arith.cmpi slt, %xor3A_100, %lt3A_842 : vector<16xi32>
      %add3A_844 = arith.constant 16 : i32
      %add3A_845 = vector.broadcast %add3A_844 : i32 to vector<16xi32>
      %add3A_846 = arith.addi %xor3A_100, %add3A_845 : vector<16xi32>
      %select_n3A_847 = arith.select %lt3A_843, %add3A_846, %xor3A_100 : vector<16xi1>, vector<16xi32>
      %broadcast_in_dim3A_848 = vector.shape_cast %select_n3A_847 : vector<16xi32> to vector<16x1xi32>
      %gather3A_849 = vector.shape_cast %broadcast_in_dim3A_848 : vector<16x1xi32> to vector<16xi32>
      %gather3A_850 = tpu.dynamic_gather %add3A_806[%gather3A_849] in [0] : vector<16xf32>, vector<16xi32> -> vector<16xf32>
      %select_n3A_851 = arith.select %eq3A_122, %gather3A_850, %add3A_829 : vector<16xi1>, vector<16xf32>
      %add3A_852 = arith.addf %select_n3A_840, %select_n3A_851 : vector<16xf32>
      %get3A_853 = arith.index_cast %mul3A_235 : i32 to index
      %get3A_854 = tpu.vector_load %arg14[%get3A_853] {strides = array<i32>} : memref<512xf32, #tpu.memory_space<vmem>>, vector<16xf32>,
      %add3A_855 = arith.addf %add3A_852, %get3A_854 : vector<16xf32>
      %get3A_856 = arith.index_cast %mul3A_235 : i32 to index
      %get3A_857 = tpu.vector_load %arg15[%get3A_856] {strides = array<i32>} : memref<512xf32, #tpu.memory_space<vmem>>, vector<16xf32>,
      %add3A_858 = arith.addf %add3A_855, %get3A_857 : vector<16xf32>
      %add3A_859 = arith.addf %add3A_858, %get3A_89 : vector<16xf32>
      %swap3A = arith.index_cast %mul3A_235 : i32 to index
      %swap3A_860 = tpu.vector_load %arg17[%swap3A] {strides = array<i32>} : memref<512xf32, #tpu.memory_space<vmem>>, vector<16xf32>,
      tpu.vector_store %arg17[%swap3A], %add3A_859 {strides = array<i32>} : memref<512xf32, #tpu.memory_space<vmem>>, vector<16xf32>,
    }
    %scan3A_232 = arith.constant 16 : i32
    "tpu.region"() ({
      %run_scoped3A_233 = tpu.sem_alloc : memref<!tpu.dma_semaphore, #tpu.memory_space<semaphore_mem>>
      %dma_start3A_234 = tpu.memref_slice %arg9[%mul3A_2] : memref<16384xf32, #tpu.memory_space<hbm>> -> memref<512xf32, #tpu.memory_space<hbm>>
      %dma_start3A_235 = tpu.memref_slice %arg9[%mul3A_2] : memref<16384xf32, #tpu.memory_space<hbm>> -> memref<512xf32, #tpu.memory_space<hbm>>
      tpu.enqueue_dma source(%arg17 : memref<512xf32, #tpu.memory_space<vmem>>) target(%dma_start3A_235 : memref<512xf32, #tpu.memory_space<hbm>>) target_semaphore(%run_scoped3A_233 : memref<!tpu.dma_semaphore, #tpu.memory_space<semaphore_mem>>)
      %dma_wait3A_236 = tpu.memref_slice %arg9[%mul3A_2] : memref<16384xf32, #tpu.memory_space<hbm>> -> memref<512xf32, #tpu.memory_space<hbm>>
      %dma_wait3A_237 = tpu.memref_slice %arg9[%mul3A_2] : memref<16384xf32, #tpu.memory_space<hbm>> -> memref<512xf32, #tpu.memory_space<hbm>>
      tpu.wait_dma2 semaphore(%run_scoped3A_233 : memref<!tpu.dma_semaphore, #tpu.memory_space<semaphore_mem>>) src(%arg17 : memref<512xf32, #tpu.memory_space<vmem>>) dst(%dma_wait3A_237 : memref<512xf32, #tpu.memory_space<hbm>>)
      tpu.yield
    }) : () -> ()
    return
  }
}

</mosaic_0001>

<sc_bundles>
// kernel: kernel.3.cloned.1.call-start
scs
__scs_entry_jumppad:
0x0: {  	(pc) =	sbr.rel $0x88, $3  }
0x1: {  	(tag) =	ssettag $0x0;
	lr =	simm.s32 $0x1  }
0x2: {  	[smem:$0x3F9A] =	sst lr;
	_ =	strace $0xD0000000  }
0x3: {  	_ = 	snop  }
0x4: {  	_ = 	snop  }
0x5: {  	_ = 	snop  }
0x6: {  	_ = 	snop  }
0x7: {  	_ = 	snop  }
__scs_overlays_trampoline_lowered:
0x8: {  	[smem:$0x3FA9] =	sst s0  }
0x9: {  	[smem:$0x3FAA] =	sst s1  }
0xa: {  	[smem:$0x3FAB] =	sst s2  }
0xb: {  	[smem:$0x3FAC] =	sst s3  }
0xc: {  	[smem:$0x3FAD] =	sst s4  }
0xd: {  	[smem:$0x3FAE] =	sst s5  }
0xe: {  	[smem:$0x3FAF] =	sst s6  }
0xf: {  	[smem:$0x3FB0] =	sst s7  }
0x10: {  	[smem:$0x3FB1] =	sst s8  }
0x11: {  	[smem:$0x3FB2] =	sst s9;
	s0 =	simm.s32 @!p0 $0x0  }
0x12: {  	s1 =	sld [smem:$0x3F98];
	s0 =	simm.s32 @p0 $0x1  }
0x13: {  	[smem:$0x3FB3] =	sst s0;
	s0 =	simm.s32 @!p1 $0x0  }
0x14: {  	s2 =	sld [smem:$0x3F97];
	s0 =	simm.s32 @p1 $0x1  }
0x15: {  	[smem:$0x3FB4] =	sst s0;
	s0 =	simm.s32 @!p2 $0x0  }
0x16: {  	s3 =	sld [smem:$0x3FDB];
	s0 =	simm.s32 @p2 $0x1  }
0x17: {  	s4 =	simm.s32 $0x1BF5;
	[smem:$0x3FB6] =	sst s0  }
0x18: {  	s0 =	sld [smem:$0x3F99];
	_ =	swait.ge [sflag:s4], $0x0  }
0x19: {  	s7 =	sld [smem:$0x3F9A]  }
0x1a: {  	s8 =	sadd.s32 $0xFFFFE003, lr  }
0x1b: {  	s9 =	sadd.s32 $0xFFFFFEF7, lr;
	s5 =	simm.s32 $0xFFFFFFFF;
	p2 =	slt.u32 s8, $0xFFFFF086  }
0x1c: {  	p1 =	slt.u32 s9, $0xF7A;
	s5 =	simm.s32 @!p2 $0x0  }
0x1d: {  	s5 =	simm.s32 @p1 $0x1;
	p0 =	seq.s32 s7, s2  }
0x1e: {  	s7 =	smul.u32 @!p0 $0xF7A, s2;
	p2 =	seq.s32 @!p0 s5, $0x0  }
0x1f: {  	s9 =	smul.u32 $0xF7A, s1;
	s8 =	simm.s32 @!p0 $0x1BF5;
	p2 =	por !p2, p0  }
0x20: {  	[sflag:s8] =	ssyncset.s32 @!p0 $0xFFFFF086;
	s6 =	sadd.s32 @!p0 s3, s7;
	s7 =	simm.s32 @!p0 $0x108  }
0x21: {  	s3 =	sadd.s32 s3, s9;
	s6 =	sadd.s32 @!p0 $0x88, s6;
	s7 =	simm.s32 @p2 $0x1082  }
0x22: {  	[simem:s7], [sflag:s8] =	dma.local @!p0 [hbm:s6], $0xF7A  }
0x23: {  	s9 =	sor.u32 $0xD0000000, s2;
	s6 =	simm.s32 $0x108;
	_ =	swait.ge @!p0 [sflag:s8], $0x0  }
0x24: {  	s3 =	sadd.s32 $0x88, s3;
	s6 =	simm.s32 @!p1 $0x1082;
	[sflag:s4] =	ssyncset.s32 $0xFFFFF086  }
0x25: {  	[simem:s6], [sflag:s4] =	dma.local [hbm:s3], $0xF7A  }
0x26: {  	[smem:$0x3F9A] =	sst s1;
	(tag) =	ssettag s2;
	_ =	strace s9  }
0x27: {  	s1 =	sld [smem:$0x3FAA]  }
0x28: {  	s2 =	sld [smem:$0x3FAB]  }
0x29: {  	s4 =	sld [smem:$0x3FAD]  }
0x2a: {  	p0 =	seq.s32 s5, $0x0;
	s5 =	sld [smem:$0x3FAE]  }
0x2b: {  	s6 =	sld [smem:$0x3FAF]  }
0x2c: {  	s7 =	sld [smem:$0x3FB0]  }
0x2d: {  	s3 =	simm.s32 $0x108;
	s8 =	sld [smem:$0x3FB1]  }
0x2e: {  	s3 =	simm.s32 @!p0 $0x1082;
	s9 =	sld [smem:$0x3FB2]  }
0x2f: {  	lr =	sadd.s32 s0, s3;
	s0 =	sld [smem:$0x3FA9]  }
0x30: {  	s3 =	sld [smem:$0x3FAC]  }
0x31: {  	[smem:$0x3FB5] =	sst s10  }
0x32: {  	s10 =	sld [smem:$0x3FB3];
	_ =	sdelay $0x3  }
0x33: {  	p0 =	seq.s32 s10, $0x1;
	s10 =	sld [smem:$0x3FB5];
	_ =	sdelay $0x3  }
0x34: {  	[smem:$0x3FB5] =	sst s10  }
0x35: {  	s10 =	sld [smem:$0x3FB4];
	_ =	sdelay $0x3  }
0x36: {  	p1 =	seq.s32 s10, $0x1;
	s10 =	sld [smem:$0x3FB5];
	_ =	sdelay $0x3  }
0x37: {  	[smem:$0x3FB5] =	sst s10  }
0x38: {  	s10 =	sld [smem:$0x3FB6]  }
0x39: {  	_ = 	snop;
	(pc) =	sbr.ind lr, $3  }
0x3a: {  	_ = 	snop  }
0x3b: {  	_ = 	snop  }
0x3c: {  	p2 =	seq.s32 s10, $0x1;
	s10 =	sld [smem:$0x3FB5]  }
0x3d: {  	_ =	shalt  }
0x3e: {  	_ =	shalt  }
0x3f: {  	_ =	shalt  }
0x40: {  	_ =	shalt  }
0x41: {  	_ =	shalt  }
0x42: {  	_ =	shalt  }
0x43: {  	_ =	shalt  }
0x44: {  	_ =	shalt  }
0x45: {  	_ =	shalt  }
0x46: {  	_ =	shalt  }
0x47: {  	_ =	shalt  }
0x48: {  	_ =	shalt  }
0x49: {  	_ =	shalt  }
0x4a: {  	_ =	shalt  }
0x4b: {  	_ =	shalt  }
0x4c: {  	_ =	shalt  }
0x4d: {  	_ =	shalt  }
0x4e: {  	_ =	shalt  }
0x4f: {  	_ =	shalt  }
0x50: {  	_ =	shalt  }
0x51: {  	_ =	shalt  }
0x52: {  	_ =	shalt  }
0x53: {  	_ =	shalt  }
0x54: {  	_ =	shalt  }
0x55: {  	_ =	shalt  }
0x56: {  	_ =	shalt  }
0x57: {  	_ =	shalt  }
0x58: {  	_ =	shalt  }
0x59: {  	_ =	shalt  }
0x5a: {  	_ =	shalt  }
0x5b: {  	_ =	shalt  }
0x5c: {  	_ =	shalt  }
0x5d: {  	_ =	shalt  }
0x5e: {  	_ =	shalt  }
0x5f: {  	_ =	shalt  }
0x60: {  	_ =	shalt  }
0x61: {  	_ =	shalt  }
0x62: {  	_ =	shalt  }
0x63: {  	_ =	shalt  }
0x64: {  	_ =	shalt  }
0x65: {  	_ =	shalt  }
0x66: {  	_ =	shalt  }
0x67: {  	_ =	shalt  }
0x68: {  	_ =	shalt  }
0x69: {  	_ =	shalt  }
0x6a: {  	_ =	shalt  }
0x6b: {  	_ =	shalt  }
0x6c: {  	_ =	shalt  }
0x6d: {  	_ =	shalt  }
0x6e: {  	_ =	shalt  }
0x6f: {  	_ =	shalt  }
0x70: {  	_ =	shalt  }
0x71: {  	_ =	shalt  }
0x72: {  	_ =	shalt  }
0x73: {  	_ =	shalt  }
0x74: {  	_ =	shalt  }
0x75: {  	_ =	shalt  }
0x76: {  	_ =	shalt  }
0x77: {  	_ =	shalt  }
0x78: {  	_ =	shalt  }
0x79: {  	_ =	shalt  }
0x7a: {  	_ =	shalt  }
0x7b: {  	_ =	shalt  }
0x7c: {  	_ =	shalt  }
0x7d: {  	_ =	shalt  }
0x7e: {  	_ =	shalt  }
0x7f: {  	_ =	shalt  }
0x80: {  	_ =	shalt  }
0x81: {  	_ =	shalt  }
0x82: {  	_ =	shalt  }
0x83: {  	_ =	shalt  }
0x84: {  	_ =	shalt  }
0x85: {  	_ =	shalt  }
0x86: {  	_ =	shalt  }
0x87: {  	_ =	shalt  }
.Lfunc_end0:
.L_simem_size_0:
called_computation_lowered:
.L_overlay_start_0:
0x88: {  	s2 =	sld [smem:$0x3FD9]  }
0x89: {  	s3 =	sld [smem:$0x3FFE];
	_ =	sdelay $0x1  }
0x8a: {  	s1 =	srdreg.scid  }
0x8b: {  	s0 =	sand.u32 $0x1, s1  }
0x8c: {  	s17 =	sshll.u32 s0, $0xA;
	s2 =	sadd.s32 s3, s2  }
0x8d: {  	s2 =	sadd.s32 s2, s17  }
0x8e: {  	[smem:$0x3FC1] =	sst s2  }
0x8f: {  	_ = 	snop  }
0x90: {  	s2 =	sld [smem:$0x3FC9]  }
0x91: {  	s18 =	sld [smem:$0x3FC8]  }
0x92: {  	s4 =	sld [smem:$0x3FC7]  }
0x93: {  	s5 =	sld [smem:$0x3FC6]  }
0x94: {  	s6 =	sld [smem:$0x3FD0];
	(tm) =	ssettm $0x1  }
0x95: {  	s7 =	sld [smem:$0x3FFB];
	_ =	sdelay $0x3  }
0x96: {  	_ =	strace s7  }
0x97: {  	s7 =	sld [smem:$0x3FFC];
	_ =	sdelay $0x3  }
0x98: {  	_ =	strace s7  }
0x99: {  	s7 =	sld [smem:$0x3FFD];
	_ =	sdelay $0x3  }
0x9a: {  	_ =	strace s7  }
0x9b: {  	_ =	strace $0x8FFFFFFF  }
0x9c: {  	s19 =	sld [smem:$0x3FDB];
	_ =	sdelay $0x1  }
0x9d: {  	s8 =	simm.s32 $_scs_section_size  }
0x9e: {  	s9 =	simm.s32 $_size__tile_overlayer_lowered;
	s10 =	simm.s32 $_tile_overlayer_lowered  }
0x9f: {  	s22 =	simm.s32 $0x1BFF;
	s21 =	sshll.u32 s10, $0x1;
	s7 =	sadd.s32 s8, s19  }
0xa0: {  	s11 =	simm.s32 $0x0;
	s20 =	sshll.u32 s9, $0x1;
	s9 =	sadd.s32 s21, s7  }
0xa1: {  	[timem:s11], [sflag:s22] =	dma.local [hbm:s9], s20  }
0xa2: {  	_ =	swait.ge [sflag:s22], s20  }
0xa3: {  	s8 =	ssub.s32 $0x0, s20;
	[sflag:s22] =	ssyncset.done $0x0  }
0xa4: {  	[sflag:s22] =	ssyncadd.s32 s8;
	_ =	sdelay $0x1  }
0xa5: {  	s23 =	simm.s32 $0x1B8B  }
0xa6: {  	_ =	swait.ge [sflag:s23], $0x1  }
0xa7: {  	[sflag:s23] =	ssyncset.done $0x0  }
0xa8: {  	s25 =	simm.s32 $0x1B8E;
	s24 =	sld [smem:$0x3FFE];
	[sflag:s23] =	ssyncadd.s32 $0xFFFFFFFF  }
0xa9: {  	s26 =	simm.s32 $execute0_lowered;
	[smem:$0x3FD2] =	sst s25  }
0xaa: {  	s9 =	sshll.u32 s26, $0x1;
	_ =	strace $0x80000046;
	[dreg:$0x1] =	wrdreg $0xFFFFFFFF  }
0xab: {  	s28 =	simm.s32 $_size_execute0_lowered;
	s7 =	sadd.s32 s7, s9;
	[dreg:$0x0] =	wrdreg $0x0  }
0xac: {  	s9 =	sshll.u32 s28, $0x1;
	[dreg:$0x2] =	wrdreg s7  }
0xad: {  	[dreg:$0x3] =	wrdreg s9  }
0xae: {  	[dreg:$0x4] =	wrdreg $0xC0  }
0xaf: {  	_ =	task [dreg:s11], $0x5FFFF  }
0xb0: {  	[dreg:$0x1] =	wrdreg $0xFFFFFFFF  }
0xb1: {  	[dreg:$0x0] =	wrdreg $0x60  }
0xb2: {  	[dreg:$0x2] =	wrdreg s2  }
0xb3: {  	[dreg:$0x3] =	wrdreg s18  }
0xb4: {  	[dreg:$0x4] =	wrdreg s4  }
0xb5: {  	[dreg:$0x5] =	wrdreg s5  }
0xb6: {  	[dreg:$0x6] =	wrdreg s24  }
0xb7: {  	[dreg:$0x7] =	wrdreg s6  }
0xb8: {  	[dreg:$0x8] =	wrdreg $0x9  }
0xb9: {  	_ =	task.clear_ibuf [dreg:s11], $0x9FFFF;
	_ =	strace $0x90000046  }
0xba: {  	s29 =	simm.s32 $0x9;
	_ =	strace $0x80000048  }
0xbb: {  	_ =	swait.ge [sflag:s29], $0x1  }
0xbc: {  	[sflag:s29] =	ssyncadd.s32 $0xFFFFFFFF  }
0xbd: {  	_ =	strace $0x90000048  }
0xbe: {  	_ =	sfence  }
0xbf: {  	s30 =	sld [smem:$0x0];
	_ =	sdelay $0x2  }
0xc0: {  	s31 =	sshll.u32 s1, $0xD;
	s1 =	sshrl.u32 s1, $0x2  }
0xc1: {  	s3 =	sand.u32 $0x4000, s31;
	s1 =	sadd.s32 s1, s30  }
0xc2: {  	s0 =	sor.u32 s3, s0;
	s1 =	sshll.u32 s1, $0x11  }
0xc3: {  	s0 =	sor.u32 s1, s0  }
0xc4: {  	s0 =	sadd.s32 $0x8F2B, s0  }
0xc5: {  	[sflag:s0] =	ssyncadd.remote.s32 $0x1  }
0xc6: {  	_ =	sfence.sel $0xFFFF  }
0xc7: {  	[dreg:$0x0] =	wrdreg $0xFFFFFFFF;
	(pc) =	sbr.abs _section_cstart, $3  }
0xc8: {  	[dreg:$0x1] =	wrdreg $0xFFFFFFFF  }
0xc9: {  	_ =	task.clear_ibuf [dreg:s11], $0x2FFFF;
	_ =	strace $0x9FFFFFFF  }
0xca: {  	(tm) =	ssettm $0x7FFFFFFF  }
0xcb: {  	_ =	shalt  }
tec
execute0_lowered:
.L_overlay_start_1:
0x0: {  	(tag) =	ssettag $0x1  }
0x1: {  	v0 =	vimm.s32 $0xEFCDAB89  }
0x2: {  	vm0 =	vcmask $0xB08;
	vm1 =	vcmask $0x300;
	v1 =	vimm.s32 $0x67452301  }
0x3: {  	s0 =	rddreg [dreg:$0x0];
	v2 =	vimm.s32 $0xDCFE98BA;
	v3 =	vimm.s32 $0x54761032;
	vm2 =	vcmask $0x700  }
0x4: {  	s1 =	rddreg [dreg:$0x1];
	vm3 =	vcmask $0x3B38;
	v4 =	vimm.s32 $0xFEDCBA98;
	v5 =	vimm.s32 $0x76543210  }
0x5: {  	s2 =	rddreg [dreg:$0x4];
	v0 =	vunpack.c.l.s4.s8 v0;
	vm0 =	vmor vm1, vm0;
	vm1 =	vcmask $0x1310  }
0x6: {  	s4 =	rddreg [dreg:$0x5];
	s5 =	srdreg.scid;
	v1 =	vunpack.c.l.s4.s8 v1;
	v2 =	vunpack.c.l.s4.s8 v2;
	v3 =	vunpack.c.l.s4.s8 v3  }
0x7: {  	s3 =	simm.s32 $0x0;
	s7 =	stileid.u32;
	s5 =	sand.u32 $0x1, s5;
	v4 =	vunpack.c.l.s4.s8 v4;
	vm0 =	vmor vm0, vm1;
	vm1 =	vcmask $0x1B18  }
0x8: {  	s10 =	sshll.u32 s7, $0x7;
	s8 =	ssub.s32 $0x2, s5;
	s5 =	sshll.u32 s5, $0x6;
	v0 =	vunpack.c.0.s8.s32 v0;
	vm0 =	vmor vm0, vm1;
	vm1 =	vcmask $0x2320  }
0x9: {  	[smem:$0x7FF] =	sst s3;
	s6 =	sadd.s32 $0x1E85000, s2;
	v1 =	vunpack.c.0.s8.s32 v1;
	s5 =	sor.u32 s5, s10;
	vm0 =	vmor vm0, vm1;
	vm1 =	vcmask $0x2B28  }
0xa: {  	_ =	strace $0x80000047;
	[dreg:$0x19] =	wrdreg s6;
	v4 =	vunpack.c.0.s8.s32 v4;
	s21 =	sadd.s32 s0, s5;
	vm0 =	vmor vm0, vm1;
	vm1 =	vcmask $0x3330  }
0xb: {  	s9 =	sshrl.u32 s8, $0x1;
	s22 =	sadd.s32 s1, s5;
	v0 =	vcombine.low v1, v0;
	v1 =	vunpack.c.0.s8.s32 v2;
	[dreg:$0x1a] =	wrdreg s21;
	v2 =	vunpack.c.0.s8.s32 v3  }
0xc: {  	s23 =	sor.u32 $0x10, s5;
	s30 =	sadd.s32 s4, s5;
	[dreg:$0x1b] =	wrdreg s22;
	v3 =	vimm.s32 $0x32107654;
	vm0 =	vmor vm0, vm1;
	vm1 =	vcmask $0x1710  }
0xd: {  	s20 =	ssub.s32 s8, s9;
	s24 =	sadd.s32 s0, s23;
	[smem:$0x7FC] =	sst s30;
	v3 =	vunpack.c.l.s4.s8 v3;
	v1 =	vcombine.low v2, v1;
	v2 =	vimm.s32 $0xBA98FEDC  }
0xe: {  	s25 =	sor.u32 $0x20, s5;
	s8 =	sadd.s32 s1, s23;
	[dreg:$0x1c] =	wrdreg s24;
	vm1 =	vmor vm2, vm1;
	vm2 =	vcmask $0x2720;
	v2 =	vunpack.c.l.s4.s8 v2  }
0xf: {  	v5 =	vunpack.c.l.s4.s8 v5;
	s28 =	sor.u32 $0x30, s5;
	s26 =	sadd.s32 s0, s25;
	v4 =	vand.u32 $0xF, v4;
	[dreg:$0x1d] =	wrdreg s8;
	vm1 =	vmor vm1, vm2  }
0x10: {  	s0 =	sadd.s32 s0, s28;
	[dreg:$0x1e] =	wrdreg s26;
	vm2 =	vcmask $0x3730;
	v3 =	vunpack.c.0.s8.s32 v3;
	v2 =	vunpack.c.0.s8.s32 v2  }
0x11: {  	s29 =	sadd.s32 s1, s28;
	[smem:$0x7FA] =	sst s0;
	vm0 =	vmor vm0, vm3;
	vm3 =	vcmask $0xF00;
	vm1 =	vmor vm1, vm2  }
0x12: {  	s7 =	sadd.s32 $0xF42A00, s2;
	s31 =	smax.u32 s20, $0x1;
	[smem:$0x7FB] =	sst s29;
	vm2 =	vcmask $0x2F20;
	v2 =	vcombine.low v3, v2;
	v3 =	vunpack.c.0.s8.s32 v5  }
0x13: {  	s6 =	sadd.s32 $0x400, s2;
	s8 =	sadd.s32 s1, s25;
	[smem:$0x7FD] =	sst s31;
	v0 =	vand.u32 $0xF, v0;
	v1 =	vand.u32 $0xF, v1;
	vm2 =	vmor vm3, vm2  }
0x14: {  	s2 =	simm.s32 $0x3;
	s1 =	simm.s32 $0x0;
	[dreg:$0x1f] =	wrdreg s8;
	vm3 =	vmmov $0xff;
	v2 =	vand.u32 $0xF, v2;
	v3 =	vcombine.low v4, v3  }
.LBB2_1:
0x15: {  	[smem:$0x7F9] =	sst s1  }
0x16: {  	s0 =	rddreg [dreg:$0x1a]  }
0x17: {  	[tilespmem:s3], [sflag:$0x3] =	stream.linear.gather [hbm4b:s0+s3], $0x80, $0x38;
	[tilespmem:$0x10A80] =	vst v63  }
0x18: {  	_ =	swait.ge [sflag:s2], $0x80  }
0x19: {  	[sflag:s2] =	ssyncset.done $0x0  }
0x1a: {  	s0 =	simm.s32 $0x200;
	s19 =	rddreg [dreg:$0x1b];
	[sflag:s2] =	ssyncadd.s32 $0xFFFFFF80  }
0x1b: {  	[tilespmem:s0], [sflag:$0x3] =	stream.linear.gather [hbm4b:s19+s3], $0x80, $0x38;
	[tilespmem:$0x10A80] =	vst v63  }
0x1c: {  	_ =	swait.ge [sflag:s2], $0x80  }
0x1d: {  	[sflag:s2] =	ssyncset.done $0x0  }
0x1e: {  	s4 =	simm.s32 $0x80;
	s20 =	rddreg [dreg:$0x1c];
	[sflag:s2] =	ssyncadd.s32 $0xFFFFFF80  }
0x1f: {  	[tilespmem:s4], [sflag:$0x3] =	stream.linear.gather [hbm4b:s20+s3], $0x80, $0x38;
	[tilespmem:$0x10A80] =	vst v63  }
0x20: {  	_ =	swait.ge [sflag:s2], $0x80  }
0x21: {  	[sflag:s2] =	ssyncset.done $0x0  }
0x22: {  	s5 =	simm.s32 $0x280;
	s21 =	rddreg [dreg:$0x1d];
	[sflag:s2] =	ssyncadd.s32 $0xFFFFFF80  }
0x23: {  	[tilespmem:s5], [sflag:$0x3] =	stream.linear.gather [hbm4b:s21+s3], $0x80, $0x38;
	[tilespmem:$0x10A80] =	vst v63  }
0x24: {  	_ =	swait.ge [sflag:s2], $0x80  }
0x25: {  	[sflag:s2] =	ssyncset.done $0x0  }
0x26: {  	s8 =	simm.s32 $0x100;
	s22 =	rddreg [dreg:$0x1e];
	[sflag:s2] =	ssyncadd.s32 $0xFFFFFF80  }
0x27: {  	[tilespmem:s8], [sflag:$0x3] =	stream.linear.gather [hbm4b:s22+s3], $0x80, $0x38;
	[tilespmem:$0x10A80] =	vst v63  }
0x28: {  	_ =	swait.ge [sflag:s2], $0x80  }
0x29: {  	[sflag:s2] =	ssyncset.done $0x0  }
0x2a: {  	s9 =	simm.s32 $0x300;
	s23 =	rddreg [dreg:$0x1f];
	[sflag:s2] =	ssyncadd.s32 $0xFFFFFF80  }
0x2b: {  	[tilespmem:s9], [sflag:$0x3] =	stream.linear.gather [hbm4b:s23+s3], $0x80, $0x38;
	[tilespmem:$0x10A80] =	vst v63  }
0x2c: {  	_ =	swait.ge [sflag:s2], $0x80  }
0x2d: {  	s24 =	sld [smem:$0x7FA]  }
0x2e: {  	[sflag:s2] =	ssyncset.done $0x0  }
0x2f: {  	s10 =	simm.s32 $0x180;
	[sflag:s2] =	ssyncadd.s32 $0xFFFFFF80  }
0x30: {  	[tilespmem:s10], [sflag:$0x3] =	stream.linear.gather [hbm4b:s24+s3], $0x80, $0x38;
	[tilespmem:$0x10A80] =	vst v63  }
0x31: {  	_ =	swait.ge [sflag:s2], $0x80  }
0x32: {  	s25 =	sld [smem:$0x7FB]  }
0x33: {  	[sflag:s2] =	ssyncset.done $0x0  }
0x34: {  	s11 =	simm.s32 $0x380;
	[sflag:s2] =	ssyncadd.s32 $0xFFFFFF80  }
0x35: {  	[tilespmem:s11], [sflag:$0x3] =	stream.linear.gather [hbm4b:s25+s3], $0x80, $0x38;
	[tilespmem:$0x10A80] =	vst v63  }
0x36: {  	_ =	swait.ge [sflag:s2], $0x80  }
0x37: {  	[sflag:s2] =	ssyncset.done $0x0  }
0x38: {  	s12 =	simm.s32 $0x10800;
	s26 =	rddreg [dreg:$0x19];
	[sflag:s2] =	ssyncadd.s32 $0xFFFFFF80  }
0x39: {  	[tilespmem:s12], [sflag:$0x3] =	stream.linear.gather [hbm4b:s26+s3], $0x80, $0x38;
	[tilespmem:$0x10A80] =	vst v63  }
0x3a: {  	_ =	swait.ge [sflag:s2], $0x80  }
0x3b: {  	[sflag:s2] =	ssyncset.done $0x0  }
0x3c: {  	[sflag:s2] =	ssyncadd.s32 $0xFFFFFF80  }
0x3d: {  	s29 =	simm.s32 $0x10400;
	s28 =	rddreg [dreg:$0x2]  }
0x3e: {  	[tilespmem:s29], [sflag:$0x2] =	stream.indirect.gather [hbm4b:s28+s4], $0x1, s3, s4, $0xb8;
	[tilespmem:$0x10A80] =	vst v63  }
0x3f: {  	s13 =	simm.s32 $0x10600;
	s30 =	rddreg [dreg:$0x3]  }
0x40: {  	[tilespmem:s13], [sflag:$0x2] =	stream.indirect.gather [hbm4b:s30+s4], $0x1, s0, s4, $0xb8;
	[tilespmem:$0x10A80] =	vst v63  }
0x41: {  	s14 =	simm.s32 $0x10480  }
0x42: {  	[tilespmem:s14], [sflag:$0x2] =	stream.indirect.gather [hbm4b:s28+s4], $0x1, s4, s4, $0xb8;
	[tilespmem:$0x10A80] =	vst v63  }
0x43: {  	s15 =	simm.s32 $0x10680  }
0x44: {  	[tilespmem:s15], [sflag:$0x2] =	stream.indirect.gather [hbm4b:s30+s4], $0x1, s5, s4, $0xb8;
	[tilespmem:$0x10A80] =	vst v63  }
0x45: {  	s16 =	simm.s32 $0x10500  }
0x46: {  	[tilespmem:s16], [sflag:$0x2] =	stream.indirect.gather [hbm4b:s28+s4], $0x1, s8, s4, $0xb8;
	[tilespmem:$0x10A80] =	vst v63  }
0x47: {  	s17 =	simm.s32 $0x10700  }
0x48: {  	[tilespmem:s17], [sflag:$0x2] =	stream.indirect.gather [hbm4b:s30+s4], $0x1, s9, s4, $0xb8;
	[tilespmem:$0x10A80] =	vst v63  }
0x49: {  	s18 =	simm.s32 $0x10580  }
0x4a: {  	[tilespmem:s18], [sflag:$0x2] =	stream.indirect.gather [hbm4b:s28+s4], $0x1, s10, s4, $0xb8;
	[tilespmem:$0x10A80] =	vst v63  }
0x4b: {  	s19 =	simm.s32 $0x10780  }
0x4c: {  	[tilespmem:s19], [sflag:$0x2] =	stream.indirect.gather [hbm4b:s30+s4], $0x1, s11, s4, $0xb8;
	[tilespmem:$0x10A80] =	vst v63  }
0x4d: {  	v4 =	vld [tilespmem:s3+$0x0]  }
0x4e: {  	v5 =	vld [tilespmem:s0+$0x0];
	_ =	sdelay $0x3  }
0x4f: {  	v6 =	vshll.u32 v4, $0x4  }
0x50: {  	v5 =	vshll.u32 v5, $0x4;
	(v2sf) =	vpush v6, $0x0  }
0x51: {  	(v2sf) =	vpush v5, $0x0  }
0x52: {  	(v2sf) =	vpush v6, $0x1;
	_ =	sdelay $0x1  }
0x53: {  	(v2sf) =	vpush v5, $0x1;
	_ =	sdelay $0x2  }
0x54: {  	(v2sf) =	vpush v6, $0x2;
	_ =	sdelay $0x1  }
0x55: {  	(v2sf) =	vpush v5, $0x2;
	_ =	sdelay $0x1  }
0x56: {  	s31 =	simm.s32 $0x2000;
	(v2sf) =	vpush v6, $0x3  }
0x57: {  	s1 =	simm.s32 $0x680;
	s20 =	simm.s32 $0x8400;
	s21 =	simm.s32 $0x400  }
0x58: {  	s23 =	simm.s32 $0x580;
	s12 =	simm.s32 $0x8480;
	s2 =	simm.s32 $0x0  }
0x59: {  	s14 =	simm.s32 $0x600;
	s15 =	simm.s32 $0x500;
	s8 =	simm.s32 $0x8580  }
0x5a: {  	s28 =	simm.s32 $0x480;
	s18 =	simm.s32 $0x8500;
	s22 =	spop (v2sf);
	(v2sf) =	vpush v5, $0x3  }
0x5b: {  	s4 =	simm.s32 $0x8900;
	s9 =	sand.u32 $0x1FFFFFF0, s22;
	s24 =	spop (v2sf)  }
0x5c: {  	s0 =	simm.s32 $0x880;
	(v2sf) =	vpush v6, $0x4;
	s9 =	sadd.s32 s6, s9;
	s26 =	spop (v2sf)  }
0x5d: {  	v4 =	vld [tilespmem:$0x10800];
	(v2sf) =	vpush v5, $0x4;
	[tilespmem:s21], [sflag:$0x1] =	stream.linear.gather [hbm4b:s9+s3], $0x80, $0x38  }
0x5e: {  	s22 =	simm.s32 $0x8600;
	s25 =	sand.u32 $0x1FFFFFF0, s24;
	s13 =	spop (v2sf)  }
0x5f: {  	s9 =	sadd.s32 s7, s25;
	s10 =	sand.u32 $0x1FFFFFF0, s26;
	(v2sf) =	vpush v6, $0x5;
	s30 =	sand.u32 $0x1FFFFFF0, s13  }
0x60: {  	(v2sf) =	vpush v5, $0x5;
	[tilespmem:s20], [sflag:$0x1] =	stream.linear.gather [hbm4b:s9+s3], $0x80, $0x38;
	[tilespmem:$0x10A80] =	vst v63  }
0x61: {  	s29 =	sadd.s32 s6, s10;
	s13 =	spop (v2sf);
	s10 =	sadd.s32 s7, s30  }
0x62: {  	[tilespmem:s28], [sflag:$0x1] =	stream.linear.gather [hbm4b:s29+s3], $0x80, $0x38;
	[tilespmem:$0x10A80] =	vst v63  }
0x63: {  	s9 =	sand.u32 $0x1FFFFFF0, s13;
	s16 =	spop (v2sf);
	s30 =	simm.s32 $0x700  }
0x64: {  	(v2sf) =	vpush v6, $0x6;
	[tilespmem:s12], [sflag:$0x1] =	stream.linear.gather [hbm4b:s10+s3], $0x80, $0x38;
	[tilespmem:$0x10A80] =	vst v63  }
0x65: {  	s9 =	sadd.s32 s6, s9;
	s17 =	spop (v2sf);
	s10 =	sand.u32 $0x1FFFFFF0, s16  }
0x66: {  	(v2sf) =	vpush v5, $0x6;
	[tilespmem:s15], [sflag:$0x1] =	stream.linear.gather [hbm4b:s9+s3], $0x80, $0x38;
	[tilespmem:$0x10A80] =	vst v63  }
0x67: {  	s13 =	sand.u32 $0x1FFFFFF0, s17;
	s28 =	simm.s32 $0x8680;
	s19 =	sadd.s32 s7, s10  }
0x68: {  	[tilespmem:s18], [sflag:$0x1] =	stream.linear.gather [hbm4b:s19+s3], $0x80, $0x38;
	[tilespmem:$0x10A80] =	vst v63  }
0x69: {  	s21 =	sadd.s32 s6, s13;
	s12 =	simm.s32 $0x8A00;
	s20 =	spop (v2sf)  }
0x6a: {  	(v2sf) =	vpush v6, $0x7;
	[tilespmem:s23], [sflag:$0x1] =	stream.linear.gather [hbm4b:s21+s3], $0x80, $0x38;
	[tilespmem:$0x10A80] =	vst v63  }
0x6b: {  	s15 =	simm.s32 $0xA80;
	s5 =	sand.u32 $0x1FFFFFF0, s20;
	s23 =	spop (v2sf)  }
0x6c: {  	(v2sf) =	vpush v5, $0x7;
	s5 =	sadd.s32 s7, s5;
	s10 =	sand.u32 $0x1FFFFFF0, s23;
	s24 =	spop (v2sf)  }
0x6d: {  	(v2sf) =	vpush v6, $0x8;
	[tilespmem:s8], [sflag:$0x1] =	stream.linear.gather [hbm4b:s5+s3], $0x80, $0x38;
	[tilespmem:$0x10A80] =	vst v63  }
0x6e: {  	s19 =	simm.s32 $0x8700;
	s25 =	sadd.s32 s6, s10;
	s29 =	spop (v2sf)  }
0x6f: {  	s26 =	sand.u32 $0x1FFFFFF0, s24;
	(v2sf) =	vpush v5, $0x8;
	s10 =	sand.u32 $0x1FFFFFF0, s29;
	s11 =	spop (v2sf)  }
0x70: {  	(v2sf) =	vpush v6, $0x9;
	[tilespmem:s14], [sflag:$0x1] =	stream.linear.gather [hbm4b:s25+s3], $0x80, $0x38;
	[tilespmem:$0x10A80] =	vst v63  }
0x71: {  	s8 =	sadd.s32 s7, s26;
	s9 =	sadd.s32 s6, s10;
	s10 =	sand.u32 $0x1FFFFFF0, s11  }
0x72: {  	(v2sf) =	vpush v5, $0x9;
	[tilespmem:s22], [sflag:$0x1] =	stream.linear.gather [hbm4b:s8+s3], $0x80, $0x38;
	[tilespmem:$0x10A80] =	vst v63  }
0x73: {  	s13 =	spop (v2sf);
	s11 =	simm.s32 $0x8A80;
	s25 =	simm.s32 $0x8780;
	(v2sf) =	vpush v6, $0xA  }
0x74: {  	[tilespmem:s1], [sflag:$0x1] =	stream.linear.gather [hbm4b:s9+s3], $0x80, $0x38;
	[tilespmem:$0x10A80] =	vst v63  }
0x75: {  	s14 =	sadd.s32 s7, s10;
	s16 =	sand.u32 $0x1FFFFFF0, s13;
	s17 =	spop (v2sf);
	(v2sf) =	vpush v5, $0xA  }
0x76: {  	[tilespmem:s28], [sflag:$0x1] =	stream.linear.gather [hbm4b:s14+s3], $0x80, $0x38;
	[tilespmem:$0x10A80] =	vst v63  }
0x77: {  	s13 =	simm.s32 $0x8880;
	s18 =	sadd.s32 s6, s16;
	s5 =	sand.u32 $0x1FFFFFF0, s17  }
0x78: {  	[tilespmem:s30], [sflag:$0x1] =	stream.linear.gather [hbm4b:s18+s3], $0x80, $0x38;
	[tilespmem:$0x10A80] =	vst v63  }
0x79: {  	s22 =	simm.s32 $0x780;
	s5 =	sadd.s32 s7, s5;
	s20 =	spop (v2sf)  }
0x7a: {  	[tilespmem:s19], [sflag:$0x1] =	stream.linear.gather [hbm4b:s5+s3], $0x80, $0x38;
	[tilespmem:$0x10A80] =	vst v63  }
0x7b: {  	s16 =	simm.s32 $0x900;
	(v2sf) =	vpush v6, $0xB;
	s9 =	sand.u32 $0x1FFFFFF0, s20;
	s21 =	spop (v2sf)  }
0x7c: {  	s1 =	simm.s32 $0x8980;
	s23 =	sadd.s32 s6, s9;
	s26 =	spop (v2sf)  }
0x7d: {  	(v2sf) =	vpush v5, $0xB;
	[tilespmem:s22], [sflag:$0x1] =	stream.linear.gather [hbm4b:s23+s3], $0x80, $0x38;
	[tilespmem:$0x10A80] =	vst v63  }
0x7e: {  	s28 =	simm.s32 $0x800;
	s24 =	sand.u32 $0x1FFFFFF0, s21;
	s29 =	spop (v2sf)  }
0x7f: {  	s9 =	sadd.s32 s7, s24;
	s8 =	sand.u32 $0x1FFFFFF0, s26;
	s30 =	spop (v2sf)  }
0x80: {  	[tilespmem:s25], [sflag:$0x1] =	stream.linear.gather [hbm4b:s9+s3], $0x80, $0x38;
	[tilespmem:$0x10A80] =	vst v63  }
0x81: {  	(v2sf) =	vpush v6, $0xC;
	s8 =	sadd.s32 s6, s8;
	s9 =	sand.u32 $0x1FFFFFF0, s29;
	s14 =	spop (v2sf)  }
0x82: {  	s10 =	sand.u32 $0x1FFFFFF0, s30;
	s25 =	simm.s32 $0x980;
	s17 =	spop (v2sf)  }
0x83: {  	(v2sf) =	vpush v5, $0xC;
	[tilespmem:s28], [sflag:$0x1] =	stream.linear.gather [hbm4b:s8+s3], $0x80, $0x38;
	[tilespmem:$0x10A80] =	vst v63  }
0x84: {  	s9 =	sadd.s32 s7, s9;
	s8 =	simm.s32 $0x8800;
	s18 =	spop (v2sf)  }
0x85: {  	[tilespmem:s8], [sflag:$0x1] =	stream.linear.gather [hbm4b:s9+s3], $0x80, $0x38;
	[tilespmem:$0x10A80] =	vst v63  }
0x86: {  	s20 =	sand.u32 $0x1FFFFFF0, s18;
	s9 =	sadd.s32 s6, s10;
	s8 =	sand.u32 $0x1FFFFFF0, s14  }
0x87: {  	[tilespmem:s0], [sflag:$0x1] =	stream.linear.gather [hbm4b:s9+s3], $0x80, $0x38;
	[tilespmem:$0x10A80] =	vst v63  }
0x88: {  	s22 =	sadd.s32 s7, s20;
	s8 =	sadd.s32 s7, s8;
	s9 =	sand.u32 $0x1FFFFFF0, s17  }
0x89: {  	[tilespmem:s13], [sflag:$0x1] =	stream.linear.gather [hbm4b:s8+s3], $0x80, $0x38;
	[tilespmem:$0x10A80] =	vst v63  }
0x8a: {  	s20 =	simm.s32 $0x210;
	s19 =	sadd.s32 s6, s9;
	s21 =	spop (v2sf)  }
0x8b: {  	[tilespmem:s16], [sflag:$0x1] =	stream.linear.gather [hbm4b:s19+s3], $0x80, $0x38;
	[tilespmem:$0x10A80] =	vst v63  }
0x8c: {  	s8 =	simm.s32 $0xA00;
	s23 =	sand.u32 $0x1FFFFFF0, s21;
	s24 =	spop (v2sf)  }
0x8d: {  	(v2sf) =	vpush v6, $0xD;
	[tilespmem:s4], [sflag:$0x1] =	stream.linear.gather [hbm4b:s22+s3], $0x80, $0x38;
	[tilespmem:$0x10A80] =	vst v63  }
0x8e: {  	(v2sf) =	vpush v5, $0xD;
	s21 =	simm.s32 $0x8B00;
	s26 =	sadd.s32 s6, s23;
	s28 =	sand.u32 $0x1FFFFFF0, s24  }
0x8f: {  	(v2sf) =	vpush v6, $0xE;
	[tilespmem:s25], [sflag:$0x1] =	stream.linear.gather [hbm4b:s26+s3], $0x80, $0x38;
	[tilespmem:$0x10A80] =	vst v63  }
0x90: {  	s4 =	simm.s32 $0x10;
	s29 =	sadd.s32 s7, s28;
	(v2sf) =	vpush v5, $0xE;
	s30 =	spop (v2sf)  }
0x91: {  	(v2sf) =	vpush v6, $0xF;
	[tilespmem:s1], [sflag:$0x1] =	stream.linear.gather [hbm4b:s29+s3], $0x80, $0x38;
	[tilespmem:$0x10A80] =	vst v63  }
0x92: {  	s22 =	simm.s32 $0xB00;
	s0 =	sand.u32 $0x1FFFFFF0, s30;
	(v2sf) =	vpush v5, $0xF;
	s1 =	spop (v2sf)  }
.LBB2_2:
0x93: {  	_ =	sdelay $0x4  }
0x94: {  	s0 =	sadd.s32 s6, s0;
	s1 =	sand.u32 $0x1FFFFFF0, s1  }
0x95: {  	[tilespmem:s8], [sflag:$0x1] =	stream.linear.gather [hbm4b:s0+s3], $0x80, $0x38;
	[tilespmem:$0x10A80] =	vst v63  }
0x96: {  	s9 =	sadd.s32 s7, s1  }
0x97: {  	[tilespmem:s12], [sflag:$0x1] =	stream.linear.gather [hbm4b:s9+s3], $0x80, $0x38;
	[tilespmem:$0x10A80] =	vst v63  }
0x98: {  	s5 =	spop (v2sf)  }
0x99: {  	s10 =	sand.u32 $0x1FFFFFF0, s5;
	s13 =	spop (v2sf)  }
0x9a: {  	s14 =	sadd.s32 s6, s10;
	s16 =	sand.u32 $0x1FFFFFF0, s13;
	s17 =	spop (v2sf)  }
0x9b: {  	[tilespmem:s15], [sflag:$0x1] =	stream.linear.gather [hbm4b:s14+s3], $0x80, $0x38;
	[tilespmem:$0x10A80] =	vst v63  }
0x9c: {  	s18 =	sadd.s32 s7, s16;
	s19 =	sand.u32 $0x1FFFFFF0, s17;
	s23 =	spop (v2sf)  }
0x9d: {  	[tilespmem:s11], [sflag:$0x1] =	stream.linear.gather [hbm4b:s18+s3], $0x80, $0x38;
	[tilespmem:$0x10A80] =	vst v63  }
0x9e: {  	s24 =	sadd.s32 s6, s19;
	s25 =	sand.u32 $0x1FFFFFF0, s23;
	s26 =	spop (v2sf)  }
0x9f: {  	[tilespmem:s22], [sflag:$0x1] =	stream.linear.gather [hbm4b:s24+s3], $0x80, $0x38;
	[tilespmem:$0x10A80] =	vst v63  }
0xa0: {  	s28 =	sadd.s32 s7, s25;
	s29 =	sand.u32 $0x1FFFFFF0, s26;
	s30 =	spop (v2sf)  }
0xa1: {  	[tilespmem:s21], [sflag:$0x1] =	stream.linear.gather [hbm4b:s28+s3], $0x80, $0x38;
	[tilespmem:$0x10A80] =	vst v63  }
0xa2: {  	s8 =	sadd.s32 $0xB80, s2;
	s1 =	sadd.s32 s6, s29;
	s5 =	sand.u32 $0x1FFFFFF0, s30  }
0xa3: {  	[tilespmem:s8], [sflag:$0x1] =	stream.linear.gather [hbm4b:s1+s3], $0x80, $0x38;
	[tilespmem:$0x10A80] =	vst v63  }
0xa4: {  	s9 =	sadd.s32 $0x8B80, s2;
	s10 =	sadd.s32 s7, s5  }
0xa5: {  	[tilespmem:s9], [sflag:$0x1] =	stream.linear.gather [hbm4b:s10+s3], $0x80, $0x38;
	[tilespmem:$0x10A80] =	vst v63  }
0xa6: {  	v5 =	vld [tilespmem:s4+$0x0];
	_ =	sdelay $0x1  }
0xa7: {  	v7 =	vld [tilespmem:s20+$0x0];
	_ =	sdelay $0x2  }
0xa8: {  	v6 =	vshll.u32 v5, $0x4  }
0xa9: {  	(v2sf) =	vpush v6, $0x0  }
0xaa: {  	v5 =	vshll.u32 v7, $0x4  }
0xab: {  	s11 =	smov.u32 s31;
	(v2sf) =	vpush v5, $0x0  }
0xac: {  	p0 =	sne.s32 s31, $0x1E000;
	s2 =	sshra.s32 s11, $0x2;
	(v2sf) =	vpush v6, $0x1  }
0xad: {  	s31 =	sadd.s32 $0x2000, s31;
	s23 =	sadd.s32 $0x8400, s2;
	s0 =	sadd.s32 $0x680, s2  }
0xae: {  	s12 =	sadd.s32 $0x880, s2;
	s26 =	sadd.s32 $0x600, s2;
	s13 =	sadd.s32 $0x8900, s2;
	(v2sf) =	vpush v5, $0x1  }
0xaf: {  	s18 =	sadd.s32 $0x580, s2;
	s30 =	sadd.s32 $0x8600, s2;
	s15 =	sadd.s32 $0xA80, s2  }
0xb0: {  	s24 =	sadd.s32 $0x8480, s2;
	s5 =	sadd.s32 $0x8500, s2;
	[dreg:$0x17] =	wrdreg s0;
	(v2sf) =	vpush v6, $0x2  }
0xb1: {  	s19 =	sadd.s32 $0x8680, s2;
	s14 =	sadd.s32 $0x8980, s2;
	[dreg:$0xb] =	wrdreg s12;
	(v2sf) =	vpush v5, $0x2  }
0xb2: {  	s16 =	sadd.s32 $0x8880, s2;
	s17 =	sadd.s32 $0x900, s2;
	[dreg:$0x7] =	wrdreg s13  }
0xb3: {  	s11 =	sadd.s32 $0x480, s2;
	s22 =	sadd.s32 $0x800, s2;
	[dreg:$0x9] =	wrdreg s14;
	(v2sf) =	vpush v6, $0x3  }
0xb4: {  	s13 =	sadd.s32 $0x8A00, s2;
	s0 =	sadd.s32 $0x8A80, s2;
	[dreg:$0xf] =	wrdreg s16  }
0xb5: {  	s14 =	sadd.s32 $0x8700, s2;
	[dreg:$0xd] =	wrdreg s17;
	s17 =	sadd.s32 $0x780, s2  }
0xb6: {  	s16 =	sadd.s32 $0x8780, s2;
	[dreg:$0x15] =	wrdreg s22;
	s21 =	sadd.s32 $0x8800, s2  }
0xb7: {  	s22 =	sadd.s32 $0xB00, s2;
	s28 =	sadd.s32 $0x8580, s2;
	[dreg:$0x13] =	wrdreg s21;
	(v2sf) =	vpush v5, $0x3  }
0xb8: {  	s21 =	sadd.s32 $0x8B00, s2;
	s1 =	sadd.s32 $0x700, s2;
	s25 =	spop (v2sf)  }
0xb9: {  	s8 =	sadd.s32 $0xA00, s2;
	(v2sf) =	vpush v6, $0x4;
	s12 =	sand.u32 $0x1FFFFFF0, s25;
	s25 =	sadd.s32 $0x980, s2  }
0xba: {  	s10 =	sadd.s32 $0x400, s2;
	s29 =	spop (v2sf);
	[dreg:$0x11] =	wrdreg s25  }
0xbb: {  	(v2sf) =	vpush v5, $0x4;
	s12 =	sadd.s32 s6, s12;
	s25 =	sand.u32 $0x1FFFFFF0, s29;
	s29 =	spop (v2sf)  }
0xbc: {  	[tilespmem:s10], [sflag:$0x1] =	stream.linear.gather [hbm4b:s12+s3], $0x80, $0x38;
	[tilespmem:$0x10A80] =	vst v63  }
0xbd: {  	(v2sf) =	vpush v6, $0x5;
	s12 =	sadd.s32 s7, s25;
	s25 =	sand.u32 $0x1FFFFFF0, s29;
	s29 =	spop (v2sf)  }
0xbe: {  	[tilespmem:s23], [sflag:$0x1] =	stream.linear.gather [hbm4b:s12+s3], $0x80, $0x38;
	[tilespmem:$0x10A80] =	vst v63  }
0xbf: {  	s23 =	sadd.s32 s6, s25;
	s25 =	sand.u32 $0x1FFFFFF0, s29;
	s29 =	spop (v2sf)  }
0xc0: {  	(v2sf) =	vpush v5, $0x5;
	s12 =	sadd.s32 s7, s25;
	s25 =	sand.u32 $0x1FFFFFF0, s29;
	s29 =	spop (v2sf)  }
0xc1: {  	(v2sf) =	vpush v6, $0x6;
	[tilespmem:s11], [sflag:$0x1] =	stream.linear.gather [hbm4b:s23+s3], $0x80, $0x38;
	[tilespmem:$0x10A80] =	vst v63  }
0xc2: {  	s9 =	sadd.s32 $0x500, s2;
	s4 =	sadd.s32 $0x10, s4;
	s23 =	spop (v2sf)  }
0xc3: {  	(v2sf) =	vpush v5, $0x6;
	[tilespmem:s24], [sflag:$0x1] =	stream.linear.gather [hbm4b:s12+s3], $0x80, $0x38;
	[tilespmem:$0x10A80] =	vst v63  }
0xc4: {  	s11 =	sadd.s32 s6, s25;
	s25 =	sand.u32 $0x1FFFFFF0, s23;
	s12 =	sand.u32 $0x1FFFFFF0, s29  }
0xc5: {  	(v2sf) =	vpush v6, $0x7;
	[tilespmem:s9], [sflag:$0x1] =	stream.linear.gather [hbm4b:s11+s3], $0x80, $0x38;
	[tilespmem:$0x10A80] =	vst v63  }
0xc6: {  	s29 =	spop (v2sf);
	s24 =	sadd.s32 s7, s12;
	s12 =	smov.u32 s13  }
0xc7: {  	(v2sf) =	vpush v5, $0x7;
	[tilespmem:s5], [sflag:$0x1] =	stream.linear.gather [hbm4b:s24+s3], $0x80, $0x38;
	[tilespmem:$0x10A80] =	vst v63  }
0xc8: {  	s10 =	sand.u32 $0x1FFFFFF0, s29;
	s13 =	spop (v2sf);
	s9 =	sadd.s32 s6, s25  }
0xc9: {  	(v2sf) =	vpush v6, $0x8;
	[tilespmem:s18], [sflag:$0x1] =	stream.linear.gather [hbm4b:s9+s3], $0x80, $0x38;
	[tilespmem:$0x10A80] =	vst v63  }
0xca: {  	s20 =	sadd.s32 $0x10, s20;
	s23 =	sadd.s32 s7, s10;
	s25 =	spop (v2sf)  }
0xcb: {  	[tilespmem:s28], [sflag:$0x1] =	stream.linear.gather [hbm4b:s23+s3], $0x80, $0x38;
	[tilespmem:$0x10A80] =	vst v63  }
0xcc: {  	s11 =	smov.u32 s0;
	s24 =	sand.u32 $0x1FFFFFF0, s13;
	s0 =	spop (v2sf)  }
0xcd: {  	(v2sf) =	vpush v5, $0x8;
	s28 =	sadd.s32 s6, s24;
	s29 =	sand.u32 $0x1FFFFFF0, s25;
	s18 =	sand.u32 $0x1FFFFFF0, s0  }
0xce: {  	(v2sf) =	vpush v6, $0x9;
	[tilespmem:s26], [sflag:$0x1] =	stream.linear.gather [hbm4b:s28+s3], $0x80, $0x38;
	[tilespmem:$0x10A80] =	vst v63  }
0xcf: {  	s13 =	sadd.s32 s7, s29;
	s23 =	spop (v2sf);
	s24 =	sadd.s32 s6, s18  }
0xd0: {  	(v2sf) =	vpush v5, $0x9;
	s25 =	sand.u32 $0x1FFFFFF0, s23;
	s28 =	rddreg [dreg:$0x17];
	s26 =	spop (v2sf)  }
0xd1: {  	[tilespmem:s30], [sflag:$0x1] =	stream.linear.gather [hbm4b:s13+s3], $0x80, $0x38;
	[tilespmem:$0x10A80] =	vst v63  }
0xd2: {  	s29 =	sadd.s32 s7, s25;
	s30 =	sand.u32 $0x1FFFFFF0, s26;
	s0 =	spop (v2sf)  }
0xd3: {  	[tilespmem:s28], [sflag:$0x1] =	stream.linear.gather [hbm4b:s24+s3], $0x80, $0x38;
	[tilespmem:$0x10A80] =	vst v63  }
0xd4: {  	(v2sf) =	vpush v6, $0xA;
	s9 =	sadd.s32 s6, s30;
	s10 =	sand.u32 $0x1FFFFFF0, s0;
	s13 =	spop (v2sf)  }
0xd5: {  	[tilespmem:s19], [sflag:$0x1] =	stream.linear.gather [hbm4b:s29+s3], $0x80, $0x38;
	[tilespmem:$0x10A80] =	vst v63  }
0xd6: {  	(v2sf) =	vpush v5, $0xA;
	s18 =	sadd.s32 s7, s10;
	s23 =	spop (v2sf);
	s19 =	sand.u32 $0x1FFFFFF0, s13  }
0xd7: {  	[tilespmem:s1], [sflag:$0x1] =	stream.linear.gather [hbm4b:s9+s3], $0x80, $0x38;
	[tilespmem:$0x10A80] =	vst v63  }
0xd8: {  	(v2sf) =	vpush v6, $0xB;
	s25 =	sand.u32 $0x1FFFFFF0, s23;
	s26 =	spop (v2sf);
	s13 =	rddreg [dreg:$0x15]  }
0xd9: {  	[tilespmem:s14], [sflag:$0x1] =	stream.linear.gather [hbm4b:s18+s3], $0x80, $0x38;
	[tilespmem:$0x10A80] =	vst v63  }
0xda: {  	(v2sf) =	vpush v5, $0xB;
	s24 =	sadd.s32 s6, s19;
	s28 =	sadd.s32 s7, s25;
	s29 =	sand.u32 $0x1FFFFFF0, s26  }
0xdb: {  	[tilespmem:s17], [sflag:$0x1] =	stream.linear.gather [hbm4b:s24+s3], $0x80, $0x38;
	[tilespmem:$0x10A80] =	vst v63  }
0xdc: {  	s25 =	rddreg [dreg:$0xb];
	s1 =	sadd.s32 s6, s29;
	s30 =	spop (v2sf)  }
0xdd: {  	(v2sf) =	vpush v6, $0xC;
	s18 =	rddreg [dreg:$0x13];
	s5 =	sand.u32 $0x1FFFFFF0, s30;
	s10 =	spop (v2sf)  }
0xde: {  	[tilespmem:s16], [sflag:$0x1] =	stream.linear.gather [hbm4b:s28+s3], $0x80, $0x38;
	[tilespmem:$0x10A80] =	vst v63  }
0xdf: {  	(v2sf) =	vpush v5, $0xC;
	s30 =	rddreg [dreg:$0xf];
	s16 =	sand.u32 $0x1FFFFFF0, s10;
	s17 =	spop (v2sf)  }
0xe0: {  	[tilespmem:s13], [sflag:$0x1] =	stream.linear.gather [hbm4b:s1+s3], $0x80, $0x38;
	[tilespmem:$0x10A80] =	vst v63  }
0xe1: {  	s14 =	sadd.s32 s7, s5;
	s19 =	sadd.s32 s6, s16;
	s23 =	sand.u32 $0x1FFFFFF0, s17  }
0xe2: {  	[tilespmem:s18], [sflag:$0x1] =	stream.linear.gather [hbm4b:s14+s3], $0x80, $0x38;
	[tilespmem:$0x10A80] =	vst v63  }
0xe3: {  	s16 =	rddreg [dreg:$0xd];
	s24 =	spop (v2sf);
	s26 =	sadd.s32 s7, s23  }
0xe4: {  	[tilespmem:s25], [sflag:$0x1] =	stream.linear.gather [hbm4b:s19+s3], $0x80, $0x38;
	[tilespmem:$0x10A80] =	vst v63  }
0xe5: {  	s23 =	rddreg [dreg:$0x7];
	s28 =	sand.u32 $0x1FFFFFF0, s24;
	s29 =	spop (v2sf)  }
0xe6: {  	[tilespmem:s30], [sflag:$0x1] =	stream.linear.gather [hbm4b:s26+s3], $0x80, $0x38;
	[tilespmem:$0x10A80] =	vst v63  }
0xe7: {  	s10 =	sadd.s32 s6, s28;
	s13 =	sand.u32 $0x1FFFFFF0, s29;
	s14 =	spop (v2sf)  }
0xe8: {  	[tilespmem:s16], [sflag:$0x1] =	stream.linear.gather [hbm4b:s10+s3], $0x80, $0x38;
	[tilespmem:$0x10A80] =	vst v63  }
0xe9: {  	s28 =	rddreg [dreg:$0x11];
	s17 =	sadd.s32 s7, s13;
	s19 =	spop (v2sf)  }
0xea: {  	(v2sf) =	vpush v6, $0xD;
	[tilespmem:s23], [sflag:$0x1] =	stream.linear.gather [hbm4b:s17+s3], $0x80, $0x38;
	[tilespmem:$0x10A80] =	vst v63  }
.Ltmp0:
0xeb: {  	(v2sf) =	vpush v5, $0xD;
	s18 =	sand.u32 $0x1FFFFFF0, s14;
	s25 =	sand.u32 $0x1FFFFFF0, s19;
	(pc) =	sbr.rel @p0 .LBB2_2-.Ltmp0, $4  }
0xec: {  	(v2sf) =	vpush v6, $0xE;
	s24 =	sadd.s32 s6, s18;
	s26 =	spop (v2sf);
	s29 =	sadd.s32 s7, s25  }
0xed: {  	(v2sf) =	vpush v5, $0xE;
	[tilespmem:s28], [sflag:$0x1] =	stream.linear.gather [hbm4b:s24+s3], $0x80, $0x38;
	[tilespmem:$0x10A80] =	vst v63  }
0xee: {  	(v2sf) =	vpush v6, $0xF;
	s30 =	rddreg [dreg:$0x9];
	s0 =	sand.u32 $0x1FFFFFF0, s26;
	s1 =	spop (v2sf)  }
0xef: {  	(v2sf) =	vpush v5, $0xF;
	[tilespmem:s30], [sflag:$0x1] =	stream.linear.gather [hbm4b:s29+s3], $0x80, $0x38;
	[tilespmem:$0x10A80] =	vst v63  }
0xf0: {  	_ =	sdelay $0x4  }
0xf1: {  	s0 =	sadd.s32 s6, s0;
	s1 =	sand.u32 $0x1FFFFFF0, s1  }
0xf2: {  	[tilespmem:s8], [sflag:$0x1] =	stream.linear.gather [hbm4b:s0+s3], $0x80, $0x38;
	[tilespmem:$0x10A80] =	vst v63  }
0xf3: {  	s8 =	sadd.s32 s7, s1  }
0xf4: {  	[tilespmem:s12], [sflag:$0x1] =	stream.linear.gather [hbm4b:s8+s3], $0x80, $0x38;
	[tilespmem:$0x10A80] =	vst v63  }
0xf5: {  	s4 =	spop (v2sf)  }
0xf6: {  	s9 =	sand.u32 $0x1FFFFFF0, s4;
	s10 =	spop (v2sf)  }
0xf7: {  	s12 =	sadd.s32 s6, s9;
	s13 =	sand.u32 $0x1FFFFFF0, s10;
	s14 =	spop (v2sf)  }
0xf8: {  	[tilespmem:s15], [sflag:$0x1] =	stream.linear.gather [hbm4b:s12+s3], $0x80, $0x38;
	[tilespmem:$0x10A80] =	vst v63  }
0xf9: {  	s15 =	sadd.s32 s7, s13;
	s16 =	sand.u32 $0x1FFFFFF0, s14;
	s17 =	spop (v2sf)  }
0xfa: {  	[tilespmem:s11], [sflag:$0x1] =	stream.linear.gather [hbm4b:s15+s3], $0x80, $0x38;
	[tilespmem:$0x10A80] =	vst v63  }
0xfb: {  	s18 =	sadd.s32 s6, s16;
	s19 =	sand.u32 $0x1FFFFFF0, s17;
	s20 =	spop (v2sf)  }
0xfc: {  	[tilespmem:s22], [sflag:$0x1] =	stream.linear.gather [hbm4b:s18+s3], $0x80, $0x38;
	[tilespmem:$0x10A80] =	vst v63  }
0xfd: {  	s23 =	sand.u32 $0x1FFFFFF0, s20;
	s24 =	spop (v2sf);
	s22 =	sadd.s32 s7, s19  }
0xfe: {  	[tilespmem:s21], [sflag:$0x1] =	stream.linear.gather [hbm4b:s22+s3], $0x80, $0x38;
	[tilespmem:$0x10A80] =	vst v63  }
0xff: {  	s25 =	sadd.s32 $0xB80, s2;
	s1 =	sadd.s32 s6, s23;
	s4 =	sand.u32 $0x1FFFFFF0, s24  }
0x100: {  	[tilespmem:s25], [sflag:$0x1] =	stream.linear.gather [hbm4b:s1+s3], $0x80, $0x38;
	[tilespmem:$0x10A80] =	vst v63  }
0x101: {  	s26 =	sadd.s32 $0x8B80, s2;
	s29 =	simm.s32 $0x1;
	s28 =	sadd.s32 s7, s4  }
0x102: {  	[tilespmem:s26], [sflag:$0x1] =	stream.linear.gather [hbm4b:s28+s3], $0x80, $0x38;
	[tilespmem:$0x10A80] =	vst v63  }
0x103: {  	_ =	swait.ge [sflag:s29], $0x8000  }
0x104: {  	[sflag:s29] =	ssyncset.done $0x0  }
0x105: {  	[sflag:s29] =	ssyncadd.s32 $0xFFFF8000  }
0x106: {  	_ =	swait.ge [sflag:s29], $0x8000  }
0x107: {  	[sflag:s29] =	ssyncset.done $0x0  }
0x108: {  	s30 =	simm.s32 $0x2;
	[sflag:s29] =	ssyncadd.s32 $0xFFFF8000  }
0x109: {  	_ =	swait.ge [sflag:s30], $0x80  }
0x10a: {  	[sflag:s30] =	ssyncset.done $0x0  }
0x10b: {  	[sflag:s30] =	ssyncadd.s32 $0xFFFFFF80  }
0x10c: {  	_ =	swait.ge [sflag:s30], $0x80  }
0x10d: {  	[sflag:s30] =	ssyncset.done $0x0  }
0x10e: {  	[sflag:s30] =	ssyncadd.s32 $0xFFFFFF80  }
0x10f: {  	_ =	swait.ge [sflag:s30], $0x80  }
0x110: {  	[sflag:s30] =	ssyncset.done $0x0  }
0x111: {  	[sflag:s30] =	ssyncadd.s32 $0xFFFFFF80  }
0x112: {  	_ =	swait.ge [sflag:s30], $0x80  }
0x113: {  	[sflag:s30] =	ssyncset.done $0x0  }
0x114: {  	[sflag:s30] =	ssyncadd.s32 $0xFFFFFF80  }
0x115: {  	_ =	swait.ge [sflag:s30], $0x80  }
0x116: {  	[sflag:s30] =	ssyncset.done $0x0  }
0x117: {  	[sflag:s30] =	ssyncadd.s32 $0xFFFFFF80  }
0x118: {  	_ =	swait.ge [sflag:s30], $0x80  }
0x119: {  	[sflag:s30] =	ssyncset.done $0x0  }
0x11a: {  	[sflag:s30] =	ssyncadd.s32 $0xFFFFFF80  }
0x11b: {  	_ =	swait.ge [sflag:s30], $0x80  }
0x11c: {  	[sflag:s30] =	ssyncset.done $0x0  }
0x11d: {  	[sflag:s30] =	ssyncadd.s32 $0xFFFFFF80  }
0x11e: {  	_ =	swait.ge [sflag:s30], $0x80  }
0x11f: {  	[sflag:s30] =	ssyncset.done $0x0  }
0x120: {  	s31 =	simm.s32 $0x8800;
	[sflag:s30] =	ssyncadd.s32 $0xFFFFFF80  }
0x121: {  	v6 =	vld [tilespmem:s31+$0xFFFFFC00]  }
0x122: {  	s2 =	simm.s32 $0x800;
	v5 =	vld [tilespmem:s31+$0xFFFFFC10]  }
0x123: {  	v7 =	vld [tilespmem:s2+$0xFFFFFC80]  }
0x124: {  	v8 =	vld [tilespmem:s2+$0xFFFFFC90]  }
0x125: {  	v9 =	vld [tilespmem:s31+$0xFFFFFC80]  }
0x126: {  	v10 =	vld [tilespmem:s31+$0xFFFFFC90]  }
0x127: {  	v12 =	vld [tilespmem:s2+$0xFFFFFD10]  }
0x128: {  	v13 =	vld [tilespmem:s2+$0xFFFFFC00]  }
0x129: {  	v14 =	vld [tilespmem:s31+$0x390]  }
0x12a: {  	v15 =	vld [tilespmem:s31+$0x380]  }
0x12b: {  	v16 =	vld [tilespmem:s2+$0x390]  }
0x12c: {  	v17 =	vld [tilespmem:s2+$0x380]  }
0x12d: {  	v18 =	vld [tilespmem:s31+$0x300]  }
0x12e: {  	v19 =	vld [tilespmem:s31+$0x310]  }
0x12f: {  	v20 =	vld [tilespmem:s2+$0x310]  }
0x130: {  	v21 =	vld [tilespmem:s2+$0x300]  }
0x131: {  	v22 =	vld [tilespmem:s31+$0x290]  }
0x132: {  	v23 =	vld [tilespmem:s31+$0x280]  }
0x133: {  	v24 =	vld [tilespmem:s2+$0x290]  }
0x134: {  	v25 =	vld [tilespmem:s2+$0x280]  }
0x135: {  	v26 =	vld [tilespmem:s31+$0x210]  }
0x136: {  	v27 =	vld [tilespmem:s31+$0x200]  }
0x137: {  	v28 =	vld [tilespmem:s2+$0x210]  }
0x138: {  	v29 =	vld [tilespmem:s2+$0x200]  }
0x139: {  	v30 =	vld [tilespmem:s31+$0x190]  }
0x13a: {  	v31 =	vld [tilespmem:s31+$0x180]  }
0x13b: {  	v32 =	vld [tilespmem:s2+$0x190]  }
0x13c: {  	v33 =	vld [tilespmem:s2+$0x180]  }
0x13d: {  	v34 =	vld [tilespmem:s31+$0x110]  }
0x13e: {  	v35 =	vld [tilespmem:s31+$0x100]  }
0x13f: {  	v36 =	vld [tilespmem:s2+$0x110]  }
0x140: {  	v37 =	vld [tilespmem:s2+$0x100]  }
0x141: {  	v38 =	vld [tilespmem:s31+$0x90]  }
0x142: {  	v39 =	vld [tilespmem:s31+$0x80]  }
0x143: {  	v40 =	vld [tilespmem:s2+$0x90]  }
0x144: {  	v41 =	vld [tilespmem:s2+$0x80]  }
0x145: {  	v42 =	vld [tilespmem:s31+$0x10]  }
0x146: {  	v43 =	vld [tilespmem:s31+$0x0]  }
0x147: {  	v44 =	vld [tilespmem:s2+$0x10]  }
0x148: {  	v45 =	vld [tilespmem:s2+$0x0]  }
0x149: {  	v46 =	vld [tilespmem:s31+$0xFFFFFF90]  }
0x14a: {  	v47 =	vld [tilespmem:s31+$0xFFFFFF80]  }
0x14b: {  	v7 =	vmul.f32 v9, v7;
	v9 =	vld [tilespmem:s2+$0xFFFFFF90]  }
0x14c: {  	v52 =	vmul.f32 v23, v25;
	v23 =	vld [tilespmem:s2+$0xFFFFFF80]  }
0x14d: {  	v8 =	vmul.f32 v10, v8;
	v53 =	vmul.f32 v26, v28;
	v26 =	vld [tilespmem:s31+$0xFFFFFF10]  }
0x14e: {  	v51 =	vmul.f32 v22, v24;
	v19 =	vmul.f32 v19, v20;
	v20 =	vld [tilespmem:s31+$0xFFFFFF00]  }
0x14f: {  	v54 =	vmul.f32 v27, v29;
	v15 =	vmul.f32 v15, v17;
	v17 =	vld [tilespmem:s2+$0xFFFFFF10]  }
0x150: {  	v18 =	vmul.f32 v18, v21;
	v14 =	vmul.f32 v14, v16;
	v22 =	vld [tilespmem:s31+$0xFFFFFE90]  }
0x151: {  	v6 =	vmul.f32 v6, v13;
	v58 =	vmul.f32 v30, v32;
	v27 =	vld [tilespmem:s31+$0xFFFFFE80]  }
0x152: {  	v61 =	vmul.f32 v31, v33;
	v63 =	vmul.f32 v34, v36;
	v36 =	vld [tilespmem:s2+$0xFFFFFE80]  }
0x153: {  	v37 =	vmul.f32 v35, v37;
	v34 =	vld [tilespmem:s31+$0xFFFFFD10];
	v10 =	vadd.f32 v51, v52;
	v55 =	vadd.f32 v53, v54  }
0x154: {  	v49 =	vmul.f32 v39, v41;
	v56 =	vadd.f32 v19, v18;
	v19 =	vld [tilespmem:s2+$0xFFFFFF00];
	v14 =	vadd.f32 v14, v15  }
0x155: {  	v18 =	vld [tilespmem:s2+$0xFFFFFE90];
	v21 =	vadd.f32 v58, v61;
	v52 =	vmul.f32 v38, v40;
	v57 =	vperm.xlane v10, v0  }
0x156: {  	v15 =	vld [tilespmem:s31+$0xFFFFFE10];
	v59 =	vperm.xlane v55, v0;
	v60 =	vperm.xlane v56, v0  }
0x157: {  	v53 =	vld [tilespmem:s2+$0xFFFFFE10];
	v24 =	vadd.f32 v63, v37;
	v62 =	vperm.xlane v14, v0;
	v51 =	vperm.xlane v21, v0  }
0x158: {  	v58 =	vld [tilespmem:s31+$0xFFFFFD90];
	v7 =	vadd.f32 v8, v7;
	v9 =	vmul.f32 v46, v9;
	v23 =	vmul.f32 v47, v23  }
0x159: {  	v61 =	vld [tilespmem:s2+$0xFFFFFD90];
	v28 =	vadd.f32 v52, v49;
	v17 =	vmul.f32 v26, v17;
	v12 =	vmul.f32 v34, v12  }
0x15a: {  	v38 =	vld [tilespmem:s2+$0xFFFFFC10];
	v16 =	vsel vm0, v55, v57;
	v10 =	vsel vm0, v59, v10;
	v14 =	vsel vm0, v60, v14  }
0x15b: {  	v13 =	vsel vm0, v56, v62;
	v56 =	vmul.f32 v42, v44;
	v57 =	vmul.f32 v43, v45  }
0x15c: {  	v50 =	vld [tilespmem:s31+$0xFFFFFE00];
	v30 =	vsel vm0, v24, v51;
	v24 =	vperm.xlane v24, v0;
	v60 =	vperm.xlane v28, v0  }
0x15d: {  	v55 =	vld [tilespmem:s2+$0xFFFFFE00];
	v10 =	vadd.f32 v10, v16;
	v19 =	vmul.f32 v20, v19;
	v18 =	vmul.f32 v22, v18  }
0x15e: {  	v59 =	vld [tilespmem:s31+$0xFFFFFD80];
	v13 =	vadd.f32 v14, v13;
	v16 =	vmul.f32 v27, v36;
	v15 =	vmul.f32 v15, v53  }
0x15f: {  	v62 =	vld [tilespmem:s2+$0xFFFFFD80];
	v9 =	vadd.f32 v9, v23;
	v40 =	vmul.f32 v58, v61;
	v5 =	vmul.f32 v5, v38  }
0x160: {  	v11 =	vld [tilespmem:s2+$0xFFFFFD00];
	v33 =	vadd.f32 v56, v57;
	v21 =	vsel vm0, v24, v21;
	v48 =	vperm.xlane v10, v1  }
0x161: {  	v36 =	vld [tilespmem:s31+$0xFFFFFD00];
	v54 =	vperm.xlane v13, v1;
	v21 =	vadd.f32 v21, v30;
	v17 =	vadd.f32 v17, v19  }
0x162: {  	v16 =	vadd.f32 v18, v16;
	v63 =	vsel vm0, v33, v60;
	v33 =	vperm.xlane v33, v0  }
0x163: {  	v5 =	vadd.f32 v5, v6;
	v14 =	vmul.f32 v50, v55;
	v39 =	vperm.xlane v21, v1  }
0x164: {  	v13 =	vsel vm1, v48, v13;
	v41 =	vperm.xlane v17, v0;
	v24 =	vmul.f32 v59, v62  }
0x165: {  	v10 =	vsel vm1, v10, v54;
	v42 =	vperm.xlane v16, v0;
	v50 =	vperm.xlane v7, v0  }
0x166: {  	v51 =	vperm.xlane v5, v0;
	v37 =	vsel vm0, v33, v28;
	v11 =	vmul.f32 v36, v11  }
0x167: {  	v26 =	vadd.f32 v37, v63;
	v14 =	vadd.f32 v15, v14;
	v43 =	vsel vm0, v41, v9  }
0x168: {  	v9 =	vperm.xlane v9, v0;
	v45 =	vadd.f32 v40, v24;
	v11 =	vadd.f32 v12, v11  }
0x169: {  	v5 =	vsel vm0, v5, v50;
	v7 =	vsel vm0, v51, v7;
	v44 =	vperm.xlane v14, v0  }
0x16a: {  	v6 =	vsel vm0, v17, v9;
	v47 =	vperm.xlane v45, v0;
	v48 =	vperm.xlane v11, v0  }
0x16b: {  	v5 =	vadd.f32 v7, v5;
	v46 =	vsel vm0, v14, v42;
	v6 =	vadd.f32 v43, v6  }
0x16c: {  	v49 =	vsel vm0, v44, v16;
	v8 =	vsel vm0, v11, v47;
	v9 =	vsel vm0, v48, v45  }
0x16d: {  	v52 =	vperm.xlane v26, v1;
	v12 =	vadd.f32 v49, v46;
	v8 =	vadd.f32 v9, v8  }
0x16e: {  	v7 =	vsel vm1, v26, v39;
	v55 =	vperm.xlane v5, v1;
	v56 =	vperm.xlane v6, v1  }
0x16f: {  	v9 =	vsel vm1, v52, v21;
	v53 =	vperm.xlane v12, v1;
	v54 =	vperm.xlane v8, v1  }
0x170: {  	v10 =	vadd.f32 v13, v10;
	v7 =	vadd.f32 v9, v7;
	v57 =	vsel vm1, v12, v56  }
0x171: {  	v8 =	vsel vm1, v55, v8;
	v6 =	vsel vm1, v53, v6;
	v5 =	vsel vm1, v5, v54  }
0x172: {  	v6 =	vadd.f32 v6, v57;
	v5 =	vadd.f32 v8, v5  }
0x173: {  	v59 =	vperm.xlane v10, v2;
	v58 =	vperm.xlane v7, v2  }
0x174: {  	v60 =	vperm.xlane v6, v2;
	v61 =	vperm.xlane v5, v2  }
0x175: {  	v7 =	vsel vm2, v7, v59  }
0x176: {  	v8 =	vsel vm2, v58, v10;
	v5 =	vsel vm2, v5, v60;
	v6 =	vsel vm2, v61, v6  }
0x177: {  	v5 =	vadd.f32 v6, v5;
	v6 =	vadd.f32 v8, v7  }
0x178: {  	s0 =	simm.s32 $0x0  }
0x179: {  	v63 =	vld [tilespmem:s0+$0x10400];
	v7 =	vperm.xlane v6, v3;
	v62 =	vperm.xlane v5, v3;
	_ =	sdelay $0x1  }
0x17a: {  	v5 =	vsel vm3, v5, v7;
	v6 =	vsel vm3, v62, v6;
	v7 =	vld [tilespmem:s0+$0x10600]  }
0x17b: {  	v5 =	vadd.f32 v6, v5;
	_ =	sdelay $0x1  }
0x17c: {  	v5 =	vadd.f32 v5, v63;
	_ =	sdelay $0x1  }
0x17d: {  	v5 =	vadd.f32 v5, v7;
	_ =	sdelay $0x1  }
0x17e: {  	s4 =	simm.s32 $0x40;
	v5 =	vadd.f32 v5, v4  }
.LBB2_4:
0x17f: {  	_ = 	snop  }
0x180: {  	p0 =	sne.s32 s4, $0x3C0;
	s2 =	sadd.s32 $0x800, s2;
	s31 =	sadd.s32 $0x800, s31;
	[tilespmem:s0+$0x10880] =	vst v5  }
0x181: {  	s5 =	smov.u32 s4;
	s4 =	sadd.s32 $0x40, s4;
	v8 =	vld [tilespmem:s31+$0xFFFFFC00]  }
0x182: {  	v5 =	vld [tilespmem:s31+$0xFFFFFC10]  }
0x183: {  	v7 =	vld [tilespmem:s2+$0xFFFFFC80]  }
0x184: {  	v9 =	vld [tilespmem:s2+$0xFFFFFC90]  }
0x185: {  	v11 =	vld [tilespmem:s31+$0xFFFFFC80]  }
0x186: {  	v12 =	vld [tilespmem:s31+$0xFFFFFC90]  }
0x187: {  	v6 =	vld [tilespmem:s2+$0xFFFFFD00]  }
0x188: {  	v10 =	vld [tilespmem:s2+$0xFFFFFD10]  }
0x189: {  	v13 =	vld [tilespmem:s2+$0xFFFFFC00]  }
0x18a: {  	v7 =	vmul.f32 v11, v7;
	v11 =	vld [tilespmem:s31+$0x390]  }
0x18b: {  	v9 =	vmul.f32 v12, v9;
	v12 =	vld [tilespmem:s31+$0x380]  }
0x18c: {  	v14 =	vld [tilespmem:s2+$0x390]  }
0x18d: {  	v15 =	vld [tilespmem:s2+$0x380]  }
0x18e: {  	v8 =	vmul.f32 v8, v13;
	v13 =	vld [tilespmem:s31+$0x300]  }
0x18f: {  	v16 =	vld [tilespmem:s31+$0x310]  }
0x190: {  	v17 =	vld [tilespmem:s2+$0x310]  }
0x191: {  	v18 =	vld [tilespmem:s2+$0x300]  }
0x192: {  	v19 =	vld [tilespmem:s31+$0x290];
	v12 =	vmul.f32 v12, v15  }
0x193: {  	v15 =	vld [tilespmem:s31+$0x280]  }
0x194: {  	v20 =	vld [tilespmem:s2+$0x290]  }
0x195: {  	v21 =	vld [tilespmem:s2+$0x280];
	v16 =	vmul.f32 v16, v17  }
0x196: {  	v17 =	vld [tilespmem:s31+$0x210];
	v13 =	vmul.f32 v13, v18  }
0x197: {  	v18 =	vld [tilespmem:s31+$0x200]  }
0x198: {  	v22 =	vld [tilespmem:s2+$0x210];
	v13 =	vadd.f32 v16, v13  }
0x199: {  	v16 =	vld [tilespmem:s2+$0x200];
	v19 =	vmul.f32 v19, v20  }
0x19a: {  	v20 =	vld [tilespmem:s31+$0x190];
	v15 =	vmul.f32 v15, v21;
	v21 =	vperm.xlane v13, v0  }
0x19b: {  	v23 =	vld [tilespmem:s31+$0x180]  }
0x19c: {  	v24 =	vld [tilespmem:s2+$0x190];
	v15 =	vadd.f32 v19, v15  }
0x19d: {  	v19 =	vld [tilespmem:s2+$0x180];
	v17 =	vmul.f32 v17, v22  }
0x19e: {  	v22 =	vld [tilespmem:s31+$0x110];
	v16 =	vmul.f32 v18, v16  }
0x19f: {  	v11 =	vmul.f32 v11, v14;
	v18 =	vld [tilespmem:s31+$0x100]  }
0x1a0: {  	v14 =	vld [tilespmem:s2+$0x110];
	v16 =	vadd.f32 v17, v16;
	v17 =	vperm.xlane v15, v0  }
0x1a1: {  	v11 =	vadd.f32 v11, v12;
	v25 =	vld [tilespmem:s2+$0x100];
	v20 =	vmul.f32 v20, v24  }
0x1a2: {  	v12 =	vld [tilespmem:s31+$0x90];
	v19 =	vmul.f32 v23, v19;
	v17 =	vsel vm0, v16, v17;
	v16 =	vperm.xlane v16, v0  }
0x1a3: {  	v23 =	vld [tilespmem:s31+$0x80]  }
0x1a4: {  	v24 =	vld [tilespmem:s2+$0x90];
	v19 =	vadd.f32 v20, v19;
	v15 =	vsel vm0, v16, v15;
	v16 =	vperm.xlane v11, v0  }
0x1a5: {  	v11 =	vsel vm0, v21, v11;
	v20 =	vld [tilespmem:s2+$0x80];
	v14 =	vmul.f32 v22, v14;
	v15 =	vadd.f32 v15, v17  }
0x1a6: {  	v17 =	vld [tilespmem:s31+$0x10];
	v18 =	vmul.f32 v18, v25;
	v21 =	vperm.xlane v19, v0;
	v13 =	vsel vm0, v13, v16  }
0x1a7: {  	v16 =	vld [tilespmem:s31+$0x0];
	v11 =	vadd.f32 v11, v13;
	v13 =	vperm.xlane v15, v1  }
0x1a8: {  	v22 =	vld [tilespmem:s2+$0x10];
	v14 =	vadd.f32 v14, v18  }
0x1a9: {  	v18 =	vld [tilespmem:s2+$0x0];
	v25 =	vperm.xlane v11, v1;
	v11 =	vsel vm1, v13, v11  }
0x1aa: {  	v13 =	vld [tilespmem:s31+$0xFFFFFF90];
	v20 =	vmul.f32 v23, v20;
	v21 =	vsel vm0, v14, v21;
	v14 =	vperm.xlane v14, v0  }
0x1ab: {  	v23 =	vld [tilespmem:s31+$0xFFFFFF80];
	v15 =	vsel vm1, v15, v25  }
0x1ac: {  	v25 =	vld [tilespmem:s2+$0xFFFFFF90];
	v14 =	vsel vm0, v14, v19;
	v11 =	vadd.f32 v11, v15  }
0x1ad: {  	v15 =	vld [tilespmem:s2+$0xFFFFFF80];
	v17 =	vmul.f32 v17, v22  }
0x1ae: {  	v12 =	vmul.f32 v12, v24;
	v19 =	vld [tilespmem:s31+$0xFFFFFF10];
	v16 =	vmul.f32 v16, v18  }
0x1af: {  	v18 =	vld [tilespmem:s31+$0xFFFFFF00]  }
0x1b0: {  	v12 =	vadd.f32 v12, v20;
	v22 =	vld [tilespmem:s2+$0xFFFFFF10];
	v16 =	vadd.f32 v17, v16  }
0x1b1: {  	v17 =	vld [tilespmem:s2+$0xFFFFFF00];
	v13 =	vmul.f32 v13, v25  }
0x1b2: {  	v24 =	vperm.xlane v12, v0;
	v20 =	vld [tilespmem:s31+$0xFFFFFE90];
	v25 =	vperm.xlane v16, v0  }
0x1b3: {  	v15 =	vmul.f32 v23, v15;
	v26 =	vld [tilespmem:s31+$0xFFFFFE80]  }
0x1b4: {  	v14 =	vadd.f32 v14, v21;
	v16 =	vsel vm0, v16, v24;
	v23 =	vld [tilespmem:s2+$0xFFFFFE90];
	v12 =	vsel vm0, v25, v12  }
0x1b5: {  	v13 =	vadd.f32 v13, v15;
	v21 =	vld [tilespmem:s2+$0xFFFFFE80];
	v19 =	vmul.f32 v19, v22;
	v12 =	vadd.f32 v12, v16  }
0x1b6: {  	v15 =	vld [tilespmem:s31+$0xFFFFFE10];
	v16 =	vmul.f32 v18, v17  }
0x1b7: {  	v18 =	vperm.xlane v14, v1;
	v17 =	vld [tilespmem:s31+$0xFFFFFE00];
	v22 =	vperm.xlane v12, v1  }
0x1b8: {  	v24 =	vld [tilespmem:s2+$0xFFFFFE10];
	v16 =	vadd.f32 v19, v16  }
0x1b9: {  	v12 =	vsel vm1, v12, v18;
	v19 =	vld [tilespmem:s2+$0xFFFFFE00];
	v20 =	vmul.f32 v20, v23;
	v14 =	vsel vm1, v22, v14  }
0x1ba: {  	v18 =	vld [tilespmem:s31+$0xFFFFFD90];
	v21 =	vmul.f32 v26, v21;
	v12 =	vadd.f32 v14, v12  }
0x1bb: {  	v22 =	vperm.xlane v16, v0;
	v14 =	vld [tilespmem:s31+$0xFFFFFD80]  }
0x1bc: {  	v23 =	vld [tilespmem:s2+$0xFFFFFD90];
	v20 =	vadd.f32 v20, v21;
	v21 =	vperm.xlane v12, v2  }
0x1bd: {  	v22 =	vsel vm0, v22, v13;
	v25 =	vld [tilespmem:s2+$0xFFFFFD80];
	v15 =	vmul.f32 v15, v24  }
0x1be: {  	v24 =	vld [tilespmem:s31+$0xFFFFFD10];
	v17 =	vmul.f32 v17, v19;
	v19 =	vperm.xlane v20, v0  }
0x1bf: {  	v26 =	vld [tilespmem:s31+$0xFFFFFD00]  }
0x1c0: {  	v27 =	vld [tilespmem:s2+$0xFFFFFC10];
	v15 =	vadd.f32 v15, v17  }
0x1c1: {  	v13 =	vperm.xlane v13, v0;
	v17 =	vmul.f32 v18, v23  }
0x1c2: {  	v14 =	vmul.f32 v14, v25;
	v18 =	vperm.xlane v15, v0  }
0x1c3: {  	v13 =	vsel vm0, v16, v13;
	v15 =	vsel vm0, v15, v19;
	v10 =	vmul.f32 v24, v10  }
0x1c4: {  	v6 =	vmul.f32 v26, v6;
	v14 =	vadd.f32 v17, v14;
	v16 =	vsel vm0, v18, v20  }
0x1c5: {  	v7 =	vadd.f32 v9, v7;
	v5 =	vmul.f32 v5, v27;
	v9 =	vadd.f32 v16, v15  }
0x1c6: {  	v13 =	vadd.f32 v22, v13;
	v6 =	vadd.f32 v10, v6;
	v10 =	vperm.xlane v14, v0  }
0x1c7: {  	v5 =	vadd.f32 v5, v8;
	v8 =	vperm.xlane v7, v0;
	v15 =	vperm.xlane v9, v1  }
0x1c8: {  	v10 =	vsel vm0, v6, v10;
	v6 =	vperm.xlane v6, v0  }
0x1c9: {  	v8 =	vsel vm0, v5, v8;
	v5 =	vperm.xlane v5, v0;
	v15 =	vsel vm1, v15, v13  }
0x1ca: {  	v6 =	vsel vm0, v6, v14  }
0x1cb: {  	v5 =	vsel vm0, v5, v7;
	v6 =	vadd.f32 v6, v10  }
0x1cc: {  	v5 =	vadd.f32 v5, v8  }
0x1cd: {  	v7 =	vperm.xlane v6, v1  }
0x1ce: {  	v10 =	vperm.xlane v13, v1;
	v8 =	vperm.xlane v5, v1  }
0x1cf: {  	v5 =	vsel vm1, v5, v7  }
0x1d0: {  	v7 =	vsel vm1, v9, v10;
	v6 =	vsel vm1, v8, v6  }
0x1d1: {  	v5 =	vadd.f32 v6, v5;
	v6 =	vadd.f32 v15, v7  }
0x1d2: {  	v7 =	vperm.xlane v11, v2  }
0x1d3: {  	v8 =	vperm.xlane v6, v2;
	v9 =	vperm.xlane v5, v2  }
0x1d4: {  	v7 =	vsel vm2, v12, v7  }
0x1d5: {  	v5 =	vsel vm2, v5, v8;
	v6 =	vsel vm2, v9, v6;
	v8 =	vsel vm2, v21, v11  }
0x1d6: {  	v5 =	vadd.f32 v6, v5;
	v6 =	vadd.f32 v8, v7  }
0x1d7: {  	s0 =	sshra.s32 s5, $0x2  }
0x1d8: {  	v7 =	vperm.xlane v6, v3;
	v8 =	vperm.xlane v5, v3;
	v9 =	vld [tilespmem:s0+$0x10400];
	_ =	sdelay $0x1  }
0x1d9: {  	v5 =	vsel vm3, v5, v7;
	v6 =	vsel vm3, v8, v6;
	v7 =	vld [tilespmem:s0+$0x10600]  }
0x1da: {  	v5 =	vadd.f32 v6, v5;
	_ =	sdelay $0x1  }
.Ltmp1:
0x1db: {  	v5 =	vadd.f32 v5, v9;
	(pc) =	sbr.rel @p0 .LBB2_4-.Ltmp1, $3  }
0x1dc: {  	_ = 	snop  }
0x1dd: {  	v5 =	vadd.f32 v5, v7;
	_ =	sdelay $0x1  }
0x1de: {  	v5 =	vadd.f32 v5, v4  }
0x1df: {  	_ = 	snop  }
0x1e0: {  	s23 =	simm.s32 $0x100;
	[tilespmem:s0+$0x10880] =	vst v5  }
0x1e1: {  	s24 =	simm.s32 $0x300;
	v5 =	vld [tilespmem:s23+$0x0]  }
0x1e2: {  	v7 =	vld [tilespmem:s24+$0x0];
	_ =	sdelay $0x3  }
0x1e3: {  	v6 =	vshll.u32 v5, $0x4  }
0x1e4: {  	v5 =	vshll.u32 v7, $0x4;
	(v2sf) =	vpush v6, $0x0  }
0x1e5: {  	(v2sf) =	vpush v5, $0x0  }
0x1e6: {  	(v2sf) =	vpush v6, $0x1;
	_ =	sdelay $0x1  }
0x1e7: {  	(v2sf) =	vpush v5, $0x1;
	_ =	sdelay $0x2  }
0x1e8: {  	(v2sf) =	vpush v6, $0x2;
	_ =	sdelay $0x1  }
0x1e9: {  	(v2sf) =	vpush v5, $0x2;
	_ =	sdelay $0x1  }
0x1ea: {  	s31 =	simm.s32 $0x2000;
	(v2sf) =	vpush v6, $0x3  }
0x1eb: {  	s2 =	simm.s32 $0x0;
	s5 =	simm.s32 $0x8400;
	s1 =	simm.s32 $0x680  }
0x1ec: {  	s8 =	simm.s32 $0x400;
	s14 =	simm.s32 $0x600;
	s4 =	simm.s32 $0x8900  }
0x1ed: {  	s11 =	simm.s32 $0x580;
	s28 =	simm.s32 $0x480;
	s12 =	simm.s32 $0x8480  }
0x1ee: {  	s15 =	simm.s32 $0x500;
	s18 =	simm.s32 $0x8500;
	s9 =	spop (v2sf);
	(v2sf) =	vpush v5, $0x3  }
0x1ef: {  	s22 =	simm.s32 $0x8600;
	s9 =	sand.u32 $0x1FFFFFF0, s9;
	s10 =	spop (v2sf)  }
0x1f0: {  	s0 =	simm.s32 $0x880;
	(v2sf) =	vpush v6, $0x4;
	s9 =	sadd.s32 s6, s9;
	s26 =	spop (v2sf)  }
0x1f1: {  	(v2sf) =	vpush v5, $0x4;
	[tilespmem:s8], [sflag:$0x1] =	stream.linear.gather [hbm4b:s9+s3], $0x80, $0x38;
	[tilespmem:$0x10A80] =	vst v63  }
0x1f2: {  	s25 =	sand.u32 $0x1FFFFFF0, s10;
	s8 =	simm.s32 $0x8580;
	s13 =	spop (v2sf)  }
0x1f3: {  	s9 =	sadd.s32 s7, s25;
	s10 =	sand.u32 $0x1FFFFFF0, s26;
	(v2sf) =	vpush v6, $0x5;
	s30 =	sand.u32 $0x1FFFFFF0, s13  }
0x1f4: {  	(v2sf) =	vpush v5, $0x5;
	[tilespmem:s5], [sflag:$0x1] =	stream.linear.gather [hbm4b:s9+s3], $0x80, $0x38;
	[tilespmem:$0x10A80] =	vst v63  }
0x1f5: {  	s29 =	sadd.s32 s6, s10;
	s13 =	spop (v2sf);
	s10 =	sadd.s32 s7, s30  }
0x1f6: {  	[tilespmem:s28], [sflag:$0x1] =	stream.linear.gather [hbm4b:s29+s3], $0x80, $0x38;
	[tilespmem:$0x10A80] =	vst v63  }
0x1f7: {  	s9 =	sand.u32 $0x1FFFFFF0, s13;
	s16 =	spop (v2sf);
	s30 =	simm.s32 $0x700  }
0x1f8: {  	(v2sf) =	vpush v6, $0x6;
	[tilespmem:s12], [sflag:$0x1] =	stream.linear.gather [hbm4b:s10+s3], $0x80, $0x38;
	[tilespmem:$0x10A80] =	vst v63  }
0x1f9: {  	s9 =	sadd.s32 s6, s9;
	s17 =	spop (v2sf);
	s10 =	sand.u32 $0x1FFFFFF0, s16  }
0x1fa: {  	(v2sf) =	vpush v5, $0x6;
	[tilespmem:s15], [sflag:$0x1] =	stream.linear.gather [hbm4b:s9+s3], $0x80, $0x38;
	[tilespmem:$0x10A80] =	vst v63  }
0x1fb: {  	s13 =	sand.u32 $0x1FFFFFF0, s17;
	s28 =	simm.s32 $0x8680;
	s19 =	sadd.s32 s7, s10  }
0x1fc: {  	[tilespmem:s18], [sflag:$0x1] =	stream.linear.gather [hbm4b:s19+s3], $0x80, $0x38;
	[tilespmem:$0x10A80] =	vst v63  }
0x1fd: {  	s21 =	sadd.s32 s6, s13;
	s12 =	simm.s32 $0x8A00;
	s20 =	spop (v2sf)  }
0x1fe: {  	(v2sf) =	vpush v6, $0x7;
	[tilespmem:s11], [sflag:$0x1] =	stream.linear.gather [hbm4b:s21+s3], $0x80, $0x38;
	[tilespmem:$0x10A80] =	vst v63  }
0x1ff: {  	s15 =	simm.s32 $0xA80;
	s5 =	sand.u32 $0x1FFFFFF0, s20;
	s23 =	spop (v2sf)  }
0x200: {  	(v2sf) =	vpush v5, $0x7;
	s5 =	sadd.s32 s7, s5;
	s10 =	sand.u32 $0x1FFFFFF0, s23;
	s24 =	spop (v2sf)  }
0x201: {  	(v2sf) =	vpush v6, $0x8;
	[tilespmem:s8], [sflag:$0x1] =	stream.linear.gather [hbm4b:s5+s3], $0x80, $0x38;
	[tilespmem:$0x10A80] =	vst v63  }
0x202: {  	s19 =	simm.s32 $0x8700;
	s25 =	sadd.s32 s6, s10;
	s29 =	spop (v2sf)  }
0x203: {  	s26 =	sand.u32 $0x1FFFFFF0, s24;
	(v2sf) =	vpush v5, $0x8;
	s10 =	sand.u32 $0x1FFFFFF0, s29;
	s11 =	spop (v2sf)  }
0x204: {  	(v2sf) =	vpush v6, $0x9;
	[tilespmem:s14], [sflag:$0x1] =	stream.linear.gather [hbm4b:s25+s3], $0x80, $0x38;
	[tilespmem:$0x10A80] =	vst v63  }
0x205: {  	s8 =	sadd.s32 s7, s26;
	s9 =	sadd.s32 s6, s10;
	s10 =	sand.u32 $0x1FFFFFF0, s11  }
0x206: {  	(v2sf) =	vpush v5, $0x9;
	[tilespmem:s22], [sflag:$0x1] =	stream.linear.gather [hbm4b:s8+s3], $0x80, $0x38;
	[tilespmem:$0x10A80] =	vst v63  }
0x207: {  	s13 =	spop (v2sf);
	s11 =	simm.s32 $0x8A80;
	s25 =	simm.s32 $0x8780;
	(v2sf) =	vpush v6, $0xA  }
0x208: {  	[tilespmem:s1], [sflag:$0x1] =	stream.linear.gather [hbm4b:s9+s3], $0x80, $0x38;
	[tilespmem:$0x10A80] =	vst v63  }
0x209: {  	s14 =	sadd.s32 s7, s10;
	s16 =	sand.u32 $0x1FFFFFF0, s13;
	s17 =	spop (v2sf);
	(v2sf) =	vpush v5, $0xA  }
0x20a: {  	[tilespmem:s28], [sflag:$0x1] =	stream.linear.gather [hbm4b:s14+s3], $0x80, $0x38;
	[tilespmem:$0x10A80] =	vst v63  }
0x20b: {  	s13 =	simm.s32 $0x8880;
	s18 =	sadd.s32 s6, s16;
	s5 =	sand.u32 $0x1FFFFFF0, s17  }
0x20c: {  	[tilespmem:s30], [sflag:$0x1] =	stream.linear.gather [hbm4b:s18+s3], $0x80, $0x38;
	[tilespmem:$0x10A80] =	vst v63  }
0x20d: {  	s22 =	simm.s32 $0x780;
	s5 =	sadd.s32 s7, s5;
	s20 =	spop (v2sf)  }
0x20e: {  	[tilespmem:s19], [sflag:$0x1] =	stream.linear.gather [hbm4b:s5+s3], $0x80, $0x38;
	[tilespmem:$0x10A80] =	vst v63  }
0x20f: {  	s16 =	simm.s32 $0x900;
	(v2sf) =	vpush v6, $0xB;
	s9 =	sand.u32 $0x1FFFFFF0, s20;
	s21 =	spop (v2sf)  }
0x210: {  	s1 =	simm.s32 $0x8980;
	s23 =	sadd.s32 s6, s9;
	s26 =	spop (v2sf)  }
0x211: {  	(v2sf) =	vpush v5, $0xB;
	[tilespmem:s22], [sflag:$0x1] =	stream.linear.gather [hbm4b:s23+s3], $0x80, $0x38;
	[tilespmem:$0x10A80] =	vst v63  }
0x212: {  	s28 =	simm.s32 $0x800;
	s24 =	sand.u32 $0x1FFFFFF0, s21;
	s29 =	spop (v2sf)  }
0x213: {  	s9 =	sadd.s32 s7, s24;
	s8 =	sand.u32 $0x1FFFFFF0, s26;
	s30 =	spop (v2sf)  }
0x214: {  	[tilespmem:s25], [sflag:$0x1] =	stream.linear.gather [hbm4b:s9+s3], $0x80, $0x38;
	[tilespmem:$0x10A80] =	vst v63  }
0x215: {  	(v2sf) =	vpush v6, $0xC;
	s8 =	sadd.s32 s6, s8;
	s9 =	sand.u32 $0x1FFFFFF0, s29;
	s14 =	spop (v2sf)  }
0x216: {  	s10 =	sand.u32 $0x1FFFFFF0, s30;
	s25 =	simm.s32 $0x980;
	s17 =	spop (v2sf)  }
0x217: {  	(v2sf) =	vpush v5, $0xC;
	[tilespmem:s28], [sflag:$0x1] =	stream.linear.gather [hbm4b:s8+s3], $0x80, $0x38;
	[tilespmem:$0x10A80] =	vst v63  }
0x218: {  	s9 =	sadd.s32 s7, s9;
	s8 =	simm.s32 $0x8800;
	s18 =	spop (v2sf)  }
0x219: {  	[tilespmem:s8], [sflag:$0x1] =	stream.linear.gather [hbm4b:s9+s3], $0x80, $0x38;
	[tilespmem:$0x10A80] =	vst v63  }
0x21a: {  	s20 =	sand.u32 $0x1FFFFFF0, s18;
	s9 =	sadd.s32 s6, s10;
	s8 =	sand.u32 $0x1FFFFFF0, s14  }
0x21b: {  	[tilespmem:s0], [sflag:$0x1] =	stream.linear.gather [hbm4b:s9+s3], $0x80, $0x38;
	[tilespmem:$0x10A80] =	vst v63  }
0x21c: {  	s22 =	sadd.s32 s7, s20;
	s8 =	sadd.s32 s7, s8;
	s9 =	sand.u32 $0x1FFFFFF0, s17  }
0x21d: {  	[tilespmem:s13], [sflag:$0x1] =	stream.linear.gather [hbm4b:s8+s3], $0x80, $0x38;
	[tilespmem:$0x10A80] =	vst v63  }
0x21e: {  	s20 =	simm.s32 $0x310;
	s19 =	sadd.s32 s6, s9;
	s21 =	spop (v2sf)  }
0x21f: {  	[tilespmem:s16], [sflag:$0x1] =	stream.linear.gather [hbm4b:s19+s3], $0x80, $0x38;
	[tilespmem:$0x10A80] =	vst v63  }
0x220: {  	s8 =	simm.s32 $0xA00;
	s23 =	sand.u32 $0x1FFFFFF0, s21;
	s24 =	spop (v2sf)  }
0x221: {  	(v2sf) =	vpush v6, $0xD;
	[tilespmem:s4], [sflag:$0x1] =	stream.linear.gather [hbm4b:s22+s3], $0x80, $0x38;
	[tilespmem:$0x10A80] =	vst v63  }
0x222: {  	(v2sf) =	vpush v5, $0xD;
	s21 =	simm.s32 $0x8B00;
	s26 =	sadd.s32 s6, s23;
	s28 =	sand.u32 $0x1FFFFFF0, s24  }
0x223: {  	(v2sf) =	vpush v6, $0xE;
	[tilespmem:s25], [sflag:$0x1] =	stream.linear.gather [hbm4b:s26+s3], $0x80, $0x38;
	[tilespmem:$0x10A80] =	vst v63  }
0x224: {  	s4 =	simm.s32 $0x110;
	s29 =	sadd.s32 s7, s28;
	(v2sf) =	vpush v5, $0xE;
	s30 =	spop (v2sf)  }
0x225: {  	(v2sf) =	vpush v6, $0xF;
	[tilespmem:s1], [sflag:$0x1] =	stream.linear.gather [hbm4b:s29+s3], $0x80, $0x38;
	[tilespmem:$0x10A80] =	vst v63  }
0x226: {  	s22 =	simm.s32 $0xB00;
	s0 =	sand.u32 $0x1FFFFFF0, s30;
	(v2sf) =	vpush v5, $0xF;
	s1 =	spop (v2sf)  }
.LBB2_6:
0x227: {  	_ =	sdelay $0x4  }
0x228: {  	s0 =	sadd.s32 s6, s0;
	s1 =	sand.u32 $0x1FFFFFF0, s1  }
0x229: {  	[tilespmem:s8], [sflag:$0x1] =	stream.linear.gather [hbm4b:s0+s3], $0x80, $0x38;
	[tilespmem:$0x10A80] =	vst v63  }
0x22a: {  	s9 =	sadd.s32 s7, s1  }
0x22b: {  	[tilespmem:s12], [sflag:$0x1] =	stream.linear.gather [hbm4b:s9+s3], $0x80, $0x38;
	[tilespmem:$0x10A80] =	vst v63  }
0x22c: {  	s5 =	spop (v2sf)  }
0x22d: {  	s10 =	sand.u32 $0x1FFFFFF0, s5;
	s13 =	spop (v2sf)  }
0x22e: {  	s14 =	sadd.s32 s6, s10;
	s16 =	sand.u32 $0x1FFFFFF0, s13;
	s17 =	spop (v2sf)  }
0x22f: {  	[tilespmem:s15], [sflag:$0x1] =	stream.linear.gather [hbm4b:s14+s3], $0x80, $0x38;
	[tilespmem:$0x10A80] =	vst v63  }
0x230: {  	s18 =	sadd.s32 s7, s16;
	s19 =	sand.u32 $0x1FFFFFF0, s17;
	s23 =	spop (v2sf)  }
0x231: {  	[tilespmem:s11], [sflag:$0x1] =	stream.linear.gather [hbm4b:s18+s3], $0x80, $0x38;
	[tilespmem:$0x10A80] =	vst v63  }
0x232: {  	s24 =	sadd.s32 s6, s19;
	s25 =	sand.u32 $0x1FFFFFF0, s23;
	s26 =	spop (v2sf)  }
0x233: {  	[tilespmem:s22], [sflag:$0x1] =	stream.linear.gather [hbm4b:s24+s3], $0x80, $0x38;
	[tilespmem:$0x10A80] =	vst v63  }
0x234: {  	s28 =	sadd.s32 s7, s25;
	s29 =	sand.u32 $0x1FFFFFF0, s26;
	s30 =	spop (v2sf)  }
0x235: {  	[tilespmem:s21], [sflag:$0x1] =	stream.linear.gather [hbm4b:s28+s3], $0x80, $0x38;
	[tilespmem:$0x10A80] =	vst v63  }
0x236: {  	s8 =	sadd.s32 $0xB80, s2;
	s1 =	sadd.s32 s6, s29;
	s5 =	sand.u32 $0x1FFFFFF0, s30  }
0x237: {  	[tilespmem:s8], [sflag:$0x1] =	stream.linear.gather [hbm4b:s1+s3], $0x80, $0x38;
	[tilespmem:$0x10A80] =	vst v63  }
0x238: {  	s9 =	sadd.s32 $0x8B80, s2;
	s10 =	sadd.s32 s7, s5  }
0x239: {  	[tilespmem:s9], [sflag:$0x1] =	stream.linear.gather [hbm4b:s10+s3], $0x80, $0x38;
	[tilespmem:$0x10A80] =	vst v63  }
0x23a: {  	v5 =	vld [tilespmem:s4+$0x0];
	_ =	sdelay $0x1  }
0x23b: {  	v7 =	vld [tilespmem:s20+$0x0];
	_ =	sdelay $0x2  }
0x23c: {  	v6 =	vshll.u32 v5, $0x4  }
0x23d: {  	(v2sf) =	vpush v6, $0x0  }
0x23e: {  	v5 =	vshll.u32 v7, $0x4  }
0x23f: {  	s11 =	smov.u32 s31;
	(v2sf) =	vpush v5, $0x0  }
0x240: {  	p0 =	sne.s32 s31, $0x1E000;
	s2 =	sshra.s32 s11, $0x2;
	(v2sf) =	vpush v6, $0x1  }
0x241: {  	s31 =	sadd.s32 $0x2000, s31;
	s23 =	sadd.s32 $0x8400, s2;
	s0 =	sadd.s32 $0x680, s2  }
0x242: {  	s12 =	sadd.s32 $0x880, s2;
	s26 =	sadd.s32 $0x600, s2;
	s13 =	sadd.s32 $0x8900, s2;
	(v2sf) =	vpush v5, $0x1  }
0x243: {  	s18 =	sadd.s32 $0x580, s2;
	s30 =	sadd.s32 $0x8600, s2;
	s15 =	sadd.s32 $0xA80, s2  }
0x244: {  	s24 =	sadd.s32 $0x8480, s2;
	s5 =	sadd.s32 $0x8500, s2;
	[dreg:$0x18] =	wrdreg s0;
	(v2sf) =	vpush v6, $0x2  }
0x245: {  	s19 =	sadd.s32 $0x8680, s2;
	s14 =	sadd.s32 $0x8980, s2;
	[dreg:$0xc] =	wrdreg s12;
	(v2sf) =	vpush v5, $0x2  }
0x246: {  	s16 =	sadd.s32 $0x8880, s2;
	s17 =	sadd.s32 $0x900, s2;
	[dreg:$0x8] =	wrdreg s13  }
0x247: {  	s11 =	sadd.s32 $0x480, s2;
	s22 =	sadd.s32 $0x800, s2;
	[dreg:$0xa] =	wrdreg s14;
	(v2sf) =	vpush v6, $0x3  }
0x248: {  	s13 =	sadd.s32 $0x8A00, s2;
	s0 =	sadd.s32 $0x8A80, s2;
	[dreg:$0x10] =	wrdreg s16  }
0x249: {  	s14 =	sadd.s32 $0x8700, s2;
	[dreg:$0xe] =	wrdreg s17;
	s17 =	sadd.s32 $0x780, s2  }
0x24a: {  	s16 =	sadd.s32 $0x8780, s2;
	[dreg:$0x16] =	wrdreg s22;
	s21 =	sadd.s32 $0x8800, s2  }
0x24b: {  	s22 =	sadd.s32 $0xB00, s2;
	s28 =	sadd.s32 $0x8580, s2;
	[dreg:$0x14] =	wrdreg s21;
	(v2sf) =	vpush v5, $0x3  }
0x24c: {  	s21 =	sadd.s32 $0x8B00, s2;
	s1 =	sadd.s32 $0x700, s2;
	s25 =	spop (v2sf)  }
0x24d: {  	s8 =	sadd.s32 $0xA00, s2;
	(v2sf) =	vpush v6, $0x4;
	s12 =	sand.u32 $0x1FFFFFF0, s25;
	s25 =	sadd.s32 $0x980, s2  }
0x24e: {  	s10 =	sadd.s32 $0x400, s2;
	s29 =	spop (v2sf);
	[dreg:$0x12] =	wrdreg s25  }
0x24f: {  	(v2sf) =	vpush v5, $0x4;
	s12 =	sadd.s32 s6, s12;
	s25 =	sand.u32 $0x1FFFFFF0, s29;
	s29 =	spop (v2sf)  }
0x250: {  	[tilespmem:s10], [sflag:$0x1] =	stream.linear.gather [hbm4b:s12+s3], $0x80, $0x38;
	[tilespmem:$0x10A80] =	vst v63  }
0x251: {  	(v2sf) =	vpush v6, $0x5;
	s12 =	sadd.s32 s7, s25;
	s25 =	sand.u32 $0x1FFFFFF0, s29;
	s29 =	spop (v2sf)  }
0x252: {  	[tilespmem:s23], [sflag:$0x1] =	stream.linear.gather [hbm4b:s12+s3], $0x80, $0x38;
	[tilespmem:$0x10A80] =	vst v63  }
0x253: {  	s23 =	sadd.s32 s6, s25;
	s25 =	sand.u32 $0x1FFFFFF0, s29;
	s29 =	spop (v2sf)  }
0x254: {  	(v2sf) =	vpush v5, $0x5;
	s12 =	sadd.s32 s7, s25;
	s25 =	sand.u32 $0x1FFFFFF0, s29;
	s29 =	spop (v2sf)  }
0x255: {  	(v2sf) =	vpush v6, $0x6;
	[tilespmem:s11], [sflag:$0x1] =	stream.linear.gather [hbm4b:s23+s3], $0x80, $0x38;
	[tilespmem:$0x10A80] =	vst v63  }
0x256: {  	s9 =	sadd.s32 $0x500, s2;
	s4 =	sadd.s32 $0x10, s4;
	s23 =	spop (v2sf)  }
0x257: {  	(v2sf) =	vpush v5, $0x6;
	[tilespmem:s24], [sflag:$0x1] =	stream.linear.gather [hbm4b:s12+s3], $0x80, $0x38;
	[tilespmem:$0x10A80] =	vst v63  }
0x258: {  	s11 =	sadd.s32 s6, s25;
	s25 =	sand.u32 $0x1FFFFFF0, s23;
	s12 =	sand.u32 $0x1FFFFFF0, s29  }
0x259: {  	(v2sf) =	vpush v6, $0x7;
	[tilespmem:s9], [sflag:$0x1] =	stream.linear.gather [hbm4b:s11+s3], $0x80, $0x38;
	[tilespmem:$0x10A80] =	vst v63  }
0x25a: {  	s29 =	spop (v2sf);
	s24 =	sadd.s32 s7, s12;
	s12 =	smov.u32 s13  }
0x25b: {  	(v2sf) =	vpush v5, $0x7;
	[tilespmem:s5], [sflag:$0x1] =	stream.linear.gather [hbm4b:s24+s3], $0x80, $0x38;
	[tilespmem:$0x10A80] =	vst v63  }
0x25c: {  	s10 =	sand.u32 $0x1FFFFFF0, s29;
	s13 =	spop (v2sf);
	s9 =	sadd.s32 s6, s25  }
0x25d: {  	(v2sf) =	vpush v6, $0x8;
	[tilespmem:s18], [sflag:$0x1] =	stream.linear.gather [hbm4b:s9+s3], $0x80, $0x38;
	[tilespmem:$0x10A80] =	vst v63  }
0x25e: {  	s20 =	sadd.s32 $0x10, s20;
	s23 =	sadd.s32 s7, s10;
	s25 =	spop (v2sf)  }
0x25f: {  	[tilespmem:s28], [sflag:$0x1] =	stream.linear.gather [hbm4b:s23+s3], $0x80, $0x38;
	[tilespmem:$0x10A80] =	vst v63  }
0x260: {  	s11 =	smov.u32 s0;
	s24 =	sand.u32 $0x1FFFFFF0, s13;
	s0 =	spop (v2sf)  }
0x261: {  	(v2sf) =	vpush v5, $0x8;
	s28 =	sadd.s32 s6, s24;
	s29 =	sand.u32 $0x1FFFFFF0, s25;
	s18 =	sand.u32 $0x1FFFFFF0, s0  }
0x262: {  	(v2sf) =	vpush v6, $0x9;
	[tilespmem:s26], [sflag:$0x1] =	stream.linear.gather [hbm4b:s28+s3], $0x80, $0x38;
	[tilespmem:$0x10A80] =	vst v63  }
0x263: {  	s13 =	sadd.s32 s7, s29;
	s23 =	spop (v2sf);
	s24 =	sadd.s32 s6, s18  }
0x264: {  	(v2sf) =	vpush v5, $0x9;
	s25 =	sand.u32 $0x1FFFFFF0, s23;
	s28 =	rddreg [dreg:$0x18];
	s26 =	spop (v2sf)  }
0x265: {  	[tilespmem:s30], [sflag:$0x1] =	stream.linear.gather [hbm4b:s13+s3], $0x80, $0x38;
	[tilespmem:$0x10A80] =	vst v63  }
0x266: {  	s29 =	sadd.s32 s7, s25;
	s30 =	sand.u32 $0x1FFFFFF0, s26;
	s0 =	spop (v2sf)  }
0x267: {  	[tilespmem:s28], [sflag:$0x1] =	stream.linear.gather [hbm4b:s24+s3], $0x80, $0x38;
	[tilespmem:$0x10A80] =	vst v63  }
0x268: {  	(v2sf) =	vpush v6, $0xA;
	s9 =	sadd.s32 s6, s30;
	s10 =	sand.u32 $0x1FFFFFF0, s0;
	s13 =	spop (v2sf)  }
0x269: {  	[tilespmem:s19], [sflag:$0x1] =	stream.linear.gather [hbm4b:s29+s3], $0x80, $0x38;
	[tilespmem:$0x10A80] =	vst v63  }
0x26a: {  	(v2sf) =	vpush v5, $0xA;
	s18 =	sadd.s32 s7, s10;
	s23 =	spop (v2sf);
	s19 =	sand.u32 $0x1FFFFFF0, s13  }
0x26b: {  	[tilespmem:s1], [sflag:$0x1] =	stream.linear.gather [hbm4b:s9+s3], $0x80, $0x38;
	[tilespmem:$0x10A80] =	vst v63  }
0x26c: {  	(v2sf) =	vpush v6, $0xB;
	s25 =	sand.u32 $0x1FFFFFF0, s23;
	s26 =	spop (v2sf);
	s13 =	rddreg [dreg:$0x16]  }
0x26d: {  	[tilespmem:s14], [sflag:$0x1] =	stream.linear.gather [hbm4b:s18+s3], $0x80, $0x38;
	[tilespmem:$0x10A80] =	vst v63  }
0x26e: {  	(v2sf) =	vpush v5, $0xB;
	s24 =	sadd.s32 s6, s19;
	s28 =	sadd.s32 s7, s25;
	s29 =	sand.u32 $0x1FFFFFF0, s26  }
0x26f: {  	[tilespmem:s17], [sflag:$0x1] =	stream.linear.gather [hbm4b:s24+s3], $0x80, $0x38;
	[tilespmem:$0x10A80] =	vst v63  }
0x270: {  	s25 =	rddreg [dreg:$0xc];
	s1 =	sadd.s32 s6, s29;
	s30 =	spop (v2sf)  }
0x271: {  	(v2sf) =	vpush v6, $0xC;
	s18 =	rddreg [dreg:$0x14];
	s5 =	sand.u32 $0x1FFFFFF0, s30;
	s10 =	spop (v2sf)  }
0x272: {  	[tilespmem:s16], [sflag:$0x1] =	stream.linear.gather [hbm4b:s28+s3], $0x80, $0x38;
	[tilespmem:$0x10A80] =	vst v63  }
0x273: {  	(v2sf) =	vpush v5, $0xC;
	s30 =	rddreg [dreg:$0x10];
	s16 =	sand.u32 $0x1FFFFFF0, s10;
	s17 =	spop (v2sf)  }
0x274: {  	[tilespmem:s13], [sflag:$0x1] =	stream.linear.gather [hbm4b:s1+s3], $0x80, $0x38;
	[tilespmem:$0x10A80] =	vst v63  }
0x275: {  	s14 =	sadd.s32 s7, s5;
	s19 =	sadd.s32 s6, s16;
	s23 =	sand.u32 $0x1FFFFFF0, s17  }
0x276: {  	[tilespmem:s18], [sflag:$0x1] =	stream.linear.gather [hbm4b:s14+s3], $0x80, $0x38;
	[tilespmem:$0x10A80] =	vst v63  }
0x277: {  	s16 =	rddreg [dreg:$0xe];
	s24 =	spop (v2sf);
	s26 =	sadd.s32 s7, s23  }
0x278: {  	[tilespmem:s25], [sflag:$0x1] =	stream.linear.gather [hbm4b:s19+s3], $0x80, $0x38;
	[tilespmem:$0x10A80] =	vst v63  }
0x279: {  	s23 =	rddreg [dreg:$0x8];
	s28 =	sand.u32 $0x1FFFFFF0, s24;
	s29 =	spop (v2sf)  }
0x27a: {  	[tilespmem:s30], [sflag:$0x1] =	stream.linear.gather [hbm4b:s26+s3], $0x80, $0x38;
	[tilespmem:$0x10A80] =	vst v63  }
0x27b: {  	s10 =	sadd.s32 s6, s28;
	s13 =	sand.u32 $0x1FFFFFF0, s29;
	s14 =	spop (v2sf)  }
0x27c: {  	[tilespmem:s16], [sflag:$0x1] =	stream.linear.gather [hbm4b:s10+s3], $0x80, $0x38;
	[tilespmem:$0x10A80] =	vst v63  }
0x27d: {  	s28 =	rddreg [dreg:$0x12];
	s17 =	sadd.s32 s7, s13;
	s19 =	spop (v2sf)  }
0x27e: {  	(v2sf) =	vpush v6, $0xD;
	[tilespmem:s23], [sflag:$0x1] =	stream.linear.gather [hbm4b:s17+s3], $0x80, $0x38;
	[tilespmem:$0x10A80] =	vst v63  }
.Ltmp2:
0x27f: {  	(v2sf) =	vpush v5, $0xD;
	s18 =	sand.u32 $0x1FFFFFF0, s14;
	s25 =	sand.u32 $0x1FFFFFF0, s19;
	(pc) =	sbr.rel @p0 .LBB2_6-.Ltmp2, $4  }
0x280: {  	(v2sf) =	vpush v6, $0xE;
	s24 =	sadd.s32 s6, s18;
	s26 =	spop (v2sf);
	s29 =	sadd.s32 s7, s25  }
0x281: {  	(v2sf) =	vpush v5, $0xE;
	[tilespmem:s28], [sflag:$0x1] =	stream.linear.gather [hbm4b:s24+s3], $0x80, $0x38;
	[tilespmem:$0x10A80] =	vst v63  }
0x282: {  	(v2sf) =	vpush v6, $0xF;
	s30 =	rddreg [dreg:$0xa];
	s0 =	sand.u32 $0x1FFFFFF0, s26;
	s1 =	spop (v2sf)  }
0x283: {  	(v2sf) =	vpush v5, $0xF;
	[tilespmem:s30], [sflag:$0x1] =	stream.linear.gather [hbm4b:s29+s3], $0x80, $0x38;
	[tilespmem:$0x10A80] =	vst v63  }
0x284: {  	_ =	sdelay $0x4  }
0x285: {  	s0 =	sadd.s32 s6, s0;
	s1 =	sand.u32 $0x1FFFFFF0, s1  }
0x286: {  	[tilespmem:s8], [sflag:$0x1] =	stream.linear.gather [hbm4b:s0+s3], $0x80, $0x38;
	[tilespmem:$0x10A80] =	vst v63  }
0x287: {  	s8 =	sadd.s32 s7, s1  }
0x288: {  	[tilespmem:s12], [sflag:$0x1] =	stream.linear.gather [hbm4b:s8+s3], $0x80, $0x38;
	[tilespmem:$0x10A80] =	vst v63  }
0x289: {  	s4 =	spop (v2sf)  }
0x28a: {  	s9 =	sand.u32 $0x1FFFFFF0, s4;
	s10 =	spop (v2sf)  }
0x28b: {  	s12 =	sadd.s32 s6, s9;
	s13 =	sand.u32 $0x1FFFFFF0, s10;
	s14 =	spop (v2sf)  }
0x28c: {  	[tilespmem:s15], [sflag:$0x1] =	stream.linear.gather [hbm4b:s12+s3], $0x80, $0x38;
	[tilespmem:$0x10A80] =	vst v63  }
0x28d: {  	s15 =	sadd.s32 s7, s13;
	s16 =	sand.u32 $0x1FFFFFF0, s14;
	s17 =	spop (v2sf)  }
0x28e: {  	[tilespmem:s11], [sflag:$0x1] =	stream.linear.gather [hbm4b:s15+s3], $0x80, $0x38;
	[tilespmem:$0x10A80] =	vst v63  }
0x28f: {  	s18 =	sadd.s32 s6, s16;
	s19 =	sand.u32 $0x1FFFFFF0, s17;
	s20 =	spop (v2sf)  }
0x290: {  	[tilespmem:s22], [sflag:$0x1] =	stream.linear.gather [hbm4b:s18+s3], $0x80, $0x38;
	[tilespmem:$0x10A80] =	vst v63  }
0x291: {  	s23 =	sadd.s32 s7, s19;
	s24 =	sand.u32 $0x1FFFFFF0, s20;
	s25 =	spop (v2sf)  }
0x292: {  	[tilespmem:s21], [sflag:$0x1] =	stream.linear.gather [hbm4b:s23+s3], $0x80, $0x38;
	[tilespmem:$0x10A80] =	vst v63  }
0x293: {  	s26 =	sadd.s32 $0xB80, s2;
	s1 =	sadd.s32 s6, s24;
	s4 =	sand.u32 $0x1FFFFFF0, s25  }
0x294: {  	[tilespmem:s26], [sflag:$0x1] =	stream.linear.gather [hbm4b:s1+s3], $0x80, $0x38;
	[tilespmem:$0x10A80] =	vst v63  }
0x295: {  	s28 =	sadd.s32 $0x8B80, s2;
	s30 =	simm.s32 $0x1;
	s29 =	sadd.s32 s7, s4  }
0x296: {  	[tilespmem:s28], [sflag:$0x1] =	stream.linear.gather [hbm4b:s29+s3], $0x80, $0x38;
	[tilespmem:$0x10A80] =	vst v63  }
0x297: {  	_ =	swait.ge [sflag:s30], $0x8000  }
0x298: {  	[sflag:s30] =	ssyncset.done $0x0  }
0x299: {  	[sflag:s30] =	ssyncadd.s32 $0xFFFF8000  }
0x29a: {  	_ =	swait.ge [sflag:s30], $0x8000  }
0x29b: {  	[sflag:s30] =	ssyncset.done $0x0  }
0x29c: {  	s31 =	simm.s32 $0x8800;
	[sflag:s30] =	ssyncadd.s32 $0xFFFF8000  }
0x29d: {  	v6 =	vld [tilespmem:s31+$0xFFFFFC00]  }
0x29e: {  	s2 =	simm.s32 $0x800;
	v5 =	vld [tilespmem:s31+$0xFFFFFC10]  }
0x29f: {  	v7 =	vld [tilespmem:s2+$0xFFFFFC80]  }
0x2a0: {  	v8 =	vld [tilespmem:s2+$0xFFFFFC90]  }
0x2a1: {  	v9 =	vld [tilespmem:s31+$0xFFFFFC80]  }
0x2a2: {  	v10 =	vld [tilespmem:s31+$0xFFFFFC90]  }
0x2a3: {  	v12 =	vld [tilespmem:s2+$0xFFFFFD10]  }
0x2a4: {  	v13 =	vld [tilespmem:s2+$0xFFFFFC00]  }
0x2a5: {  	v14 =	vld [tilespmem:s31+$0x390]  }
0x2a6: {  	v15 =	vld [tilespmem:s31+$0x380]  }
0x2a7: {  	v16 =	vld [tilespmem:s2+$0x390]  }
0x2a8: {  	v17 =	vld [tilespmem:s2+$0x380]  }
0x2a9: {  	v18 =	vld [tilespmem:s31+$0x300]  }
0x2aa: {  	v19 =	vld [tilespmem:s31+$0x310]  }
0x2ab: {  	v20 =	vld [tilespmem:s2+$0x310]  }
0x2ac: {  	v21 =	vld [tilespmem:s2+$0x300]  }
0x2ad: {  	v22 =	vld [tilespmem:s31+$0x290]  }
0x2ae: {  	v23 =	vld [tilespmem:s31+$0x280]  }
0x2af: {  	v24 =	vld [tilespmem:s2+$0x290]  }
0x2b0: {  	v25 =	vld [tilespmem:s2+$0x280]  }
0x2b1: {  	v26 =	vld [tilespmem:s31+$0x210]  }
0x2b2: {  	v27 =	vld [tilespmem:s31+$0x200]  }
0x2b3: {  	v28 =	vld [tilespmem:s2+$0x210]  }
0x2b4: {  	v29 =	vld [tilespmem:s2+$0x200]  }
0x2b5: {  	v30 =	vld [tilespmem:s31+$0x190]  }
0x2b6: {  	v31 =	vld [tilespmem:s31+$0x180]  }
0x2b7: {  	v32 =	vld [tilespmem:s2+$0x190]  }
0x2b8: {  	v33 =	vld [tilespmem:s2+$0x180]  }
0x2b9: {  	v34 =	vld [tilespmem:s31+$0x110]  }
0x2ba: {  	v35 =	vld [tilespmem:s31+$0x100]  }
0x2bb: {  	v36 =	vld [tilespmem:s2+$0x110]  }
0x2bc: {  	v37 =	vld [tilespmem:s2+$0x100]  }
0x2bd: {  	v38 =	vld [tilespmem:s31+$0x90]  }
0x2be: {  	v39 =	vld [tilespmem:s31+$0x80]  }
0x2bf: {  	v40 =	vld [tilespmem:s2+$0x90]  }
0x2c0: {  	v41 =	vld [tilespmem:s2+$0x80]  }
0x2c1: {  	v42 =	vld [tilespmem:s31+$0x10]  }
0x2c2: {  	v43 =	vld [tilespmem:s31+$0x0]  }
0x2c3: {  	v44 =	vld [tilespmem:s2+$0x10]  }
0x2c4: {  	v45 =	vld [tilespmem:s2+$0x0]  }
0x2c5: {  	v46 =	vld [tilespmem:s31+$0xFFFFFF90]  }
0x2c6: {  	v47 =	vld [tilespmem:s31+$0xFFFFFF80]  }
0x2c7: {  	v7 =	vmul.f32 v9, v7;
	v9 =	vld [tilespmem:s2+$0xFFFFFF90]  }
0x2c8: {  	v52 =	vmul.f32 v23, v25;
	v23 =	vld [tilespmem:s2+$0xFFFFFF80]  }
0x2c9: {  	v8 =	vmul.f32 v10, v8;
	v53 =	vmul.f32 v26, v28;
	v26 =	vld [tilespmem:s31+$0xFFFFFF10]  }
0x2ca: {  	v51 =	vmul.f32 v22, v24;
	v19 =	vmul.f32 v19, v20;
	v20 =	vld [tilespmem:s31+$0xFFFFFF00]  }
0x2cb: {  	v54 =	vmul.f32 v27, v29;
	v15 =	vmul.f32 v15, v17;
	v17 =	vld [tilespmem:s2+$0xFFFFFF10]  }
0x2cc: {  	v18 =	vmul.f32 v18, v21;
	v14 =	vmul.f32 v14, v16;
	v22 =	vld [tilespmem:s31+$0xFFFFFE90]  }
0x2cd: {  	v6 =	vmul.f32 v6, v13;
	v58 =	vmul.f32 v30, v32;
	v27 =	vld [tilespmem:s31+$0xFFFFFE80]  }
0x2ce: {  	v61 =	vmul.f32 v31, v33;
	v63 =	vmul.f32 v34, v36;
	v36 =	vld [tilespmem:s2+$0xFFFFFE80]  }
0x2cf: {  	v37 =	vmul.f32 v35, v37;
	v34 =	vld [tilespmem:s31+$0xFFFFFD10];
	v10 =	vadd.f32 v51, v52;
	v55 =	vadd.f32 v53, v54  }
0x2d0: {  	v49 =	vmul.f32 v39, v41;
	v56 =	vadd.f32 v19, v18;
	v19 =	vld [tilespmem:s2+$0xFFFFFF00];
	v14 =	vadd.f32 v14, v15  }
0x2d1: {  	v18 =	vld [tilespmem:s2+$0xFFFFFE90];
	v21 =	vadd.f32 v58, v61;
	v52 =	vmul.f32 v38, v40;
	v57 =	vperm.xlane v10, v0  }
0x2d2: {  	v15 =	vld [tilespmem:s31+$0xFFFFFE10];
	v59 =	vperm.xlane v55, v0;
	v60 =	vperm.xlane v56, v0  }
0x2d3: {  	v53 =	vld [tilespmem:s2+$0xFFFFFE10];
	v24 =	vadd.f32 v63, v37;
	v62 =	vperm.xlane v14, v0;
	v51 =	vperm.xlane v21, v0  }
0x2d4: {  	v58 =	vld [tilespmem:s31+$0xFFFFFD90];
	v7 =	vadd.f32 v8, v7;
	v9 =	vmul.f32 v46, v9;
	v23 =	vmul.f32 v47, v23  }
0x2d5: {  	v61 =	vld [tilespmem:s2+$0xFFFFFD90];
	v28 =	vadd.f32 v52, v49;
	v17 =	vmul.f32 v26, v17;
	v12 =	vmul.f32 v34, v12  }
0x2d6: {  	v38 =	vld [tilespmem:s2+$0xFFFFFC10];
	v16 =	vsel vm0, v55, v57;
	v10 =	vsel vm0, v59, v10;
	v14 =	vsel vm0, v60, v14  }
0x2d7: {  	v13 =	vsel vm0, v56, v62;
	v56 =	vmul.f32 v42, v44;
	v57 =	vmul.f32 v43, v45  }
0x2d8: {  	v50 =	vld [tilespmem:s31+$0xFFFFFE00];
	v30 =	vsel vm0, v24, v51;
	v24 =	vperm.xlane v24, v0;
	v60 =	vperm.xlane v28, v0  }
0x2d9: {  	v55 =	vld [tilespmem:s2+$0xFFFFFE00];
	v10 =	vadd.f32 v10, v16;
	v19 =	vmul.f32 v20, v19;
	v18 =	vmul.f32 v22, v18  }
0x2da: {  	v59 =	vld [tilespmem:s31+$0xFFFFFD80];
	v13 =	vadd.f32 v14, v13;
	v16 =	vmul.f32 v27, v36;
	v15 =	vmul.f32 v15, v53  }
0x2db: {  	v62 =	vld [tilespmem:s2+$0xFFFFFD80];
	v9 =	vadd.f32 v9, v23;
	v40 =	vmul.f32 v58, v61;
	v5 =	vmul.f32 v5, v38  }
0x2dc: {  	v11 =	vld [tilespmem:s2+$0xFFFFFD00];
	v33 =	vadd.f32 v56, v57;
	v21 =	vsel vm0, v24, v21;
	v48 =	vperm.xlane v10, v1  }
0x2dd: {  	v36 =	vld [tilespmem:s31+$0xFFFFFD00];
	v54 =	vperm.xlane v13, v1;
	v21 =	vadd.f32 v21, v30;
	v17 =	vadd.f32 v17, v19  }
0x2de: {  	v16 =	vadd.f32 v18, v16;
	v63 =	vsel vm0, v33, v60;
	v33 =	vperm.xlane v33, v0  }
0x2df: {  	v5 =	vadd.f32 v5, v6;
	v14 =	vmul.f32 v50, v55;
	v39 =	vperm.xlane v21, v1  }
0x2e0: {  	v13 =	vsel vm1, v48, v13;
	v41 =	vperm.xlane v17, v0;
	v24 =	vmul.f32 v59, v62  }
0x2e1: {  	v10 =	vsel vm1, v10, v54;
	v42 =	vperm.xlane v16, v0;
	v50 =	vperm.xlane v7, v0  }
0x2e2: {  	v51 =	vperm.xlane v5, v0;
	v37 =	vsel vm0, v33, v28;
	v11 =	vmul.f32 v36, v11  }
0x2e3: {  	v26 =	vadd.f32 v37, v63;
	v14 =	vadd.f32 v15, v14;
	v43 =	vsel vm0, v41, v9  }
0x2e4: {  	v9 =	vperm.xlane v9, v0;
	v45 =	vadd.f32 v40, v24;
	v11 =	vadd.f32 v12, v11  }
0x2e5: {  	v5 =	vsel vm0, v5, v50;
	v7 =	vsel vm0, v51, v7;
	v44 =	vperm.xlane v14, v0  }
0x2e6: {  	v6 =	vsel vm0, v17, v9;
	v47 =	vperm.xlane v45, v0;
	v48 =	vperm.xlane v11, v0  }
0x2e7: {  	v5 =	vadd.f32 v7, v5;
	v46 =	vsel vm0, v14, v42;
	v6 =	vadd.f32 v43, v6  }
0x2e8: {  	v49 =	vsel vm0, v44, v16;
	v8 =	vsel vm0, v11, v47;
	v9 =	vsel vm0, v48, v45  }
0x2e9: {  	v52 =	vperm.xlane v26, v1;
	v12 =	vadd.f32 v49, v46;
	v8 =	vadd.f32 v9, v8  }
0x2ea: {  	v7 =	vsel vm1, v26, v39;
	v55 =	vperm.xlane v5, v1;
	v56 =	vperm.xlane v6, v1  }
0x2eb: {  	v9 =	vsel vm1, v52, v21;
	v53 =	vperm.xlane v12, v1;
	v54 =	vperm.xlane v8, v1  }
0x2ec: {  	v10 =	vadd.f32 v13, v10;
	v7 =	vadd.f32 v9, v7;
	v57 =	vsel vm1, v12, v56  }
0x2ed: {  	v8 =	vsel vm1, v55, v8;
	v6 =	vsel vm1, v53, v6;
	v5 =	vsel vm1, v5, v54  }
0x2ee: {  	v6 =	vadd.f32 v6, v57;
	v5 =	vadd.f32 v8, v5  }
0x2ef: {  	v59 =	vperm.xlane v10, v2;
	v58 =	vperm.xlane v7, v2  }
0x2f0: {  	v60 =	vperm.xlane v6, v2;
	v61 =	vperm.xlane v5, v2  }
0x2f1: {  	v7 =	vsel vm2, v7, v59  }
0x2f2: {  	v8 =	vsel vm2, v58, v10;
	v5 =	vsel vm2, v5, v60;
	v6 =	vsel vm2, v61, v6  }
0x2f3: {  	v5 =	vadd.f32 v6, v5;
	v6 =	vadd.f32 v8, v7  }
0x2f4: {  	s0 =	simm.s32 $0x0  }
0x2f5: {  	v63 =	vld [tilespmem:s0+$0x10500];
	v7 =	vperm.xlane v6, v3;
	v62 =	vperm.xlane v5, v3;
	_ =	sdelay $0x1  }
0x2f6: {  	v5 =	vsel vm3, v5, v7;
	v6 =	vsel vm3, v62, v6;
	v7 =	vld [tilespmem:s0+$0x10700]  }
0x2f7: {  	v5 =	vadd.f32 v6, v5;
	_ =	sdelay $0x1  }
0x2f8: {  	v5 =	vadd.f32 v5, v63;
	_ =	sdelay $0x1  }
0x2f9: {  	v5 =	vadd.f32 v5, v7;
	_ =	sdelay $0x1  }
0x2fa: {  	s4 =	simm.s32 $0x40;
	v5 =	vadd.f32 v5, v4  }
.LBB2_8:
0x2fb: {  	_ = 	snop  }
0x2fc: {  	p0 =	sne.s32 s4, $0x3C0;
	s31 =	sadd.s32 $0x800, s31;
	s2 =	sadd.s32 $0x800, s2;
	[tilespmem:s0+$0x10980] =	vst v5  }
0x2fd: {  	s5 =	smov.u32 s4;
	s4 =	sadd.s32 $0x40, s4;
	v8 =	vld [tilespmem:s31+$0xFFFFFC00]  }
0x2fe: {  	v5 =	vld [tilespmem:s31+$0xFFFFFC10]  }
0x2ff: {  	v7 =	vld [tilespmem:s2+$0xFFFFFC80]  }
0x300: {  	v9 =	vld [tilespmem:s2+$0xFFFFFC90]  }
0x301: {  	v11 =	vld [tilespmem:s31+$0xFFFFFC80]  }
0x302: {  	v12 =	vld [tilespmem:s31+$0xFFFFFC90]  }
0x303: {  	v6 =	vld [tilespmem:s2+$0xFFFFFD00]  }
0x304: {  	v10 =	vld [tilespmem:s2+$0xFFFFFD10]  }
0x305: {  	v13 =	vld [tilespmem:s2+$0xFFFFFC00]  }
0x306: {  	v7 =	vmul.f32 v11, v7;
	v11 =	vld [tilespmem:s31+$0x390]  }
0x307: {  	v9 =	vmul.f32 v12, v9;
	v12 =	vld [tilespmem:s31+$0x380]  }
0x308: {  	v14 =	vld [tilespmem:s2+$0x390]  }
0x309: {  	v15 =	vld [tilespmem:s2+$0x380]  }
0x30a: {  	v8 =	vmul.f32 v8, v13;
	v13 =	vld [tilespmem:s31+$0x300]  }
0x30b: {  	v16 =	vld [tilespmem:s31+$0x310]  }
0x30c: {  	v17 =	vld [tilespmem:s2+$0x310]  }
0x30d: {  	v18 =	vld [tilespmem:s2+$0x300]  }
0x30e: {  	v19 =	vld [tilespmem:s31+$0x290];
	v12 =	vmul.f32 v12, v15  }
0x30f: {  	v15 =	vld [tilespmem:s31+$0x280]  }
0x310: {  	v20 =	vld [tilespmem:s2+$0x290]  }
0x311: {  	v21 =	vld [tilespmem:s2+$0x280];
	v16 =	vmul.f32 v16, v17  }
0x312: {  	v17 =	vld [tilespmem:s31+$0x210];
	v13 =	vmul.f32 v13, v18  }
0x313: {  	v18 =	vld [tilespmem:s31+$0x200]  }
0x314: {  	v22 =	vld [tilespmem:s2+$0x210];
	v13 =	vadd.f32 v16, v13  }
0x315: {  	v16 =	vld [tilespmem:s2+$0x200];
	v19 =	vmul.f32 v19, v20  }
0x316: {  	v20 =	vld [tilespmem:s31+$0x190];
	v15 =	vmul.f32 v15, v21;
	v21 =	vperm.xlane v13, v0  }
0x317: {  	v23 =	vld [tilespmem:s31+$0x180]  }
0x318: {  	v24 =	vld [tilespmem:s2+$0x190];
	v15 =	vadd.f32 v19, v15  }
0x319: {  	v19 =	vld [tilespmem:s2+$0x180];
	v17 =	vmul.f32 v17, v22  }
0x31a: {  	v22 =	vld [tilespmem:s31+$0x110];
	v16 =	vmul.f32 v18, v16  }
0x31b: {  	v11 =	vmul.f32 v11, v14;
	v18 =	vld [tilespmem:s31+$0x100]  }
0x31c: {  	v14 =	vld [tilespmem:s2+$0x110];
	v16 =	vadd.f32 v17, v16;
	v17 =	vperm.xlane v15, v0  }
0x31d: {  	v11 =	vadd.f32 v11, v12;
	v25 =	vld [tilespmem:s2+$0x100];
	v20 =	vmul.f32 v20, v24  }
0x31e: {  	v12 =	vld [tilespmem:s31+$0x90];
	v19 =	vmul.f32 v23, v19;
	v17 =	vsel vm0, v16, v17;
	v16 =	vperm.xlane v16, v0  }
0x31f: {  	v23 =	vld [tilespmem:s31+$0x80]  }
0x320: {  	v24 =	vld [tilespmem:s2+$0x90];
	v19 =	vadd.f32 v20, v19;
	v15 =	vsel vm0, v16, v15;
	v16 =	vperm.xlane v11, v0  }
0x321: {  	v11 =	vsel vm0, v21, v11;
	v20 =	vld [tilespmem:s2+$0x80];
	v14 =	vmul.f32 v22, v14;
	v15 =	vadd.f32 v15, v17  }
0x322: {  	v17 =	vld [tilespmem:s31+$0x10];
	v18 =	vmul.f32 v18, v25;
	v21 =	vperm.xlane v19, v0;
	v13 =	vsel vm0, v13, v16  }
0x323: {  	v16 =	vld [tilespmem:s31+$0x0];
	v11 =	vadd.f32 v11, v13;
	v13 =	vperm.xlane v15, v1  }
0x324: {  	v22 =	vld [tilespmem:s2+$0x10];
	v14 =	vadd.f32 v14, v18  }
0x325: {  	v18 =	vld [tilespmem:s2+$0x0];
	v25 =	vperm.xlane v11, v1;
	v11 =	vsel vm1, v13, v11  }
0x326: {  	v13 =	vld [tilespmem:s31+$0xFFFFFF90];
	v20 =	vmul.f32 v23, v20;
	v21 =	vsel vm0, v14, v21;
	v14 =	vperm.xlane v14, v0  }
0x327: {  	v23 =	vld [tilespmem:s31+$0xFFFFFF80];
	v15 =	vsel vm1, v15, v25  }
0x328: {  	v25 =	vld [tilespmem:s2+$0xFFFFFF90];
	v14 =	vsel vm0, v14, v19;
	v11 =	vadd.f32 v11, v15  }
0x329: {  	v15 =	vld [tilespmem:s2+$0xFFFFFF80];
	v17 =	vmul.f32 v17, v22  }
0x32a: {  	v12 =	vmul.f32 v12, v24;
	v19 =	vld [tilespmem:s31+$0xFFFFFF10];
	v16 =	vmul.f32 v16, v18  }
0x32b: {  	v18 =	vld [tilespmem:s31+$0xFFFFFF00]  }
0x32c: {  	v12 =	vadd.f32 v12, v20;
	v22 =	vld [tilespmem:s2+$0xFFFFFF10];
	v16 =	vadd.f32 v17, v16  }
0x32d: {  	v17 =	vld [tilespmem:s2+$0xFFFFFF00];
	v13 =	vmul.f32 v13, v25  }
0x32e: {  	v24 =	vperm.xlane v12, v0;
	v20 =	vld [tilespmem:s31+$0xFFFFFE90];
	v25 =	vperm.xlane v16, v0  }
0x32f: {  	v15 =	vmul.f32 v23, v15;
	v26 =	vld [tilespmem:s31+$0xFFFFFE80]  }
0x330: {  	v14 =	vadd.f32 v14, v21;
	v16 =	vsel vm0, v16, v24;
	v23 =	vld [tilespmem:s2+$0xFFFFFE90];
	v12 =	vsel vm0, v25, v12  }
0x331: {  	v13 =	vadd.f32 v13, v15;
	v21 =	vld [tilespmem:s2+$0xFFFFFE80];
	v19 =	vmul.f32 v19, v22;
	v12 =	vadd.f32 v12, v16  }
0x332: {  	v15 =	vld [tilespmem:s31+$0xFFFFFE10];
	v16 =	vmul.f32 v18, v17  }
0x333: {  	v18 =	vperm.xlane v14, v1;
	v17 =	vld [tilespmem:s31+$0xFFFFFE00];
	v22 =	vperm.xlane v12, v1  }
0x334: {  	v24 =	vld [tilespmem:s2+$0xFFFFFE10];
	v16 =	vadd.f32 v19, v16  }
0x335: {  	v12 =	vsel vm1, v12, v18;
	v19 =	vld [tilespmem:s2+$0xFFFFFE00];
	v20 =	vmul.f32 v20, v23;
	v14 =	vsel vm1, v22, v14  }
0x336: {  	v18 =	vld [tilespmem:s31+$0xFFFFFD90];
	v21 =	vmul.f32 v26, v21;
	v12 =	vadd.f32 v14, v12  }
0x337: {  	v22 =	vperm.xlane v16, v0;
	v14 =	vld [tilespmem:s31+$0xFFFFFD80]  }
0x338: {  	v23 =	vld [tilespmem:s2+$0xFFFFFD90];
	v20 =	vadd.f32 v20, v21;
	v21 =	vperm.xlane v12, v2  }
0x339: {  	v22 =	vsel vm0, v22, v13;
	v25 =	vld [tilespmem:s2+$0xFFFFFD80];
	v15 =	vmul.f32 v15, v24  }
0x33a: {  	v24 =	vld [tilespmem:s31+$0xFFFFFD10];
	v17 =	vmul.f32 v17, v19;
	v19 =	vperm.xlane v20, v0  }
0x33b: {  	v26 =	vld [tilespmem:s31+$0xFFFFFD00]  }
0x33c: {  	v27 =	vld [tilespmem:s2+$0xFFFFFC10];
	v15 =	vadd.f32 v15, v17  }
0x33d: {  	v13 =	vperm.xlane v13, v0;
	v17 =	vmul.f32 v18, v23  }
0x33e: {  	v14 =	vmul.f32 v14, v25;
	v18 =	vperm.xlane v15, v0  }
0x33f: {  	v13 =	vsel vm0, v16, v13;
	v15 =	vsel vm0, v15, v19;
	v10 =	vmul.f32 v24, v10  }
0x340: {  	v6 =	vmul.f32 v26, v6;
	v14 =	vadd.f32 v17, v14;
	v16 =	vsel vm0, v18, v20  }
0x341: {  	v7 =	vadd.f32 v9, v7;
	v5 =	vmul.f32 v5, v27;
	v9 =	vadd.f32 v16, v15  }
0x342: {  	v13 =	vadd.f32 v22, v13;
	v6 =	vadd.f32 v10, v6;
	v10 =	vperm.xlane v14, v0  }
0x343: {  	v5 =	vadd.f32 v5, v8;
	v8 =	vperm.xlane v7, v0;
	v15 =	vperm.xlane v9, v1  }
0x344: {  	v10 =	vsel vm0, v6, v10;
	v6 =	vperm.xlane v6, v0  }
0x345: {  	v8 =	vsel vm0, v5, v8;
	v5 =	vperm.xlane v5, v0;
	v15 =	vsel vm1, v15, v13  }
0x346: {  	v6 =	vsel vm0, v6, v14  }
0x347: {  	v5 =	vsel vm0, v5, v7;
	v6 =	vadd.f32 v6, v10  }
0x348: {  	v5 =	vadd.f32 v5, v8  }
0x349: {  	v7 =	vperm.xlane v6, v1  }
0x34a: {  	v10 =	vperm.xlane v13, v1;
	v8 =	vperm.xlane v5, v1  }
0x34b: {  	v5 =	vsel vm1, v5, v7  }
0x34c: {  	v7 =	vsel vm1, v9, v10;
	v6 =	vsel vm1, v8, v6  }
0x34d: {  	v5 =	vadd.f32 v6, v5;
	v6 =	vadd.f32 v15, v7  }
0x34e: {  	v7 =	vperm.xlane v11, v2  }
0x34f: {  	v8 =	vperm.xlane v6, v2;
	v9 =	vperm.xlane v5, v2  }
0x350: {  	v7 =	vsel vm2, v12, v7  }
0x351: {  	v5 =	vsel vm2, v5, v8;
	v6 =	vsel vm2, v9, v6;
	v8 =	vsel vm2, v21, v11  }
0x352: {  	v5 =	vadd.f32 v6, v5;
	v6 =	vadd.f32 v8, v7  }
0x353: {  	s0 =	sshra.s32 s5, $0x2  }
0x354: {  	v7 =	vperm.xlane v6, v3;
	v8 =	vperm.xlane v5, v3;
	v9 =	vld [tilespmem:s0+$0x10500];
	_ =	sdelay $0x1  }
0x355: {  	v5 =	vsel vm3, v5, v7;
	v6 =	vsel vm3, v8, v6;
	v7 =	vld [tilespmem:s0+$0x10700]  }
0x356: {  	v5 =	vadd.f32 v6, v5;
	_ =	sdelay $0x1  }
.Ltmp3:
0x357: {  	v5 =	vadd.f32 v5, v9;
	(pc) =	sbr.rel @p0 .LBB2_8-.Ltmp3, $3  }
0x358: {  	_ = 	snop  }
0x359: {  	v5 =	vadd.f32 v5, v7;
	_ =	sdelay $0x1  }
0x35a: {  	v5 =	vadd.f32 v5, v4  }
0x35b: {  	s29 =	sld [smem:$0x7FC];
	_ =	sdelay $0x1  }
0x35c: {  	s1 =	simm.s32 $0x10880;
	s2 =	simm.s32 $0x3;
	[tilespmem:s0+$0x10980] =	vst v5  }
0x35d: {  	[hbm4b:s29+s3] =	stream.linear.scatter [tilespmem:s1], [sflag:$0x3], $0x200, $0x38;
	[tilespmem:$0x10A80] =	vst v63  }
0x35e: {  	_ =	swait.ge [sflag:s2], $0x200  }
0x35f: {  	s30 =	sld [smem:$0x7F9]  }
0x360: {  	s31 =	sld [smem:$0x7FD];
	_ =	sdelay $0x1  }
0x361: {  	s1 =	sadd.s32 $0x1, s30  }
0x362: {  	p0 =	sne.s32 s1, s31  }
.Ltmp4:
0x363: {  	_ = 	snop;
	(pc) =	sbr.rel @p0 .LBB2_1-.Ltmp4, $3  }
0x364: {  	_ =	sdelay $0x1  }
0x365: {  	[sflag:s2] =	ssyncset.done $0x0  }
0x366: {  	[sflag:s2] =	ssyncadd.s32 $0xFFFFFE00  }
0x367: {  	_ =	sfence.sel $0x180000  }
0x368: {  	[bflag:$0x0] =	sbarrier.arrive $0xFFFF  }
0x369: {  	_ =	strace $0x90000047  }
0x36a: {  	s0 =	stileid.u32;
	[bflag:$0x2] =	sbarrier.arrive $0xFFFF  }
0x36b: {  	p0 =	sne.s32 s0, $0x0;
	s0 =	rddreg [dreg:$0x6]  }
0x36c: {  	s0 =	sadd.s32 @!p0 $0x100000, s0  }
0x36d: {  	[sflag:s0] =	ssyncadd.tile.s32 @!p0 $0x1;
	_ =	shalt  }
.Lfunc_end2:
_tile_overlayer_lowered:
.L_overlay_start_2:
0x36e: {  	(tag) =	ssettag $0x2  }
0x36f: {  	s0 =	rddreg [dreg:$0x0];
	s2 =	stileid.u32  }
0x370: {  	s1 =	rddreg [dreg:$0x1];
	p0 =	sne.s32 s2, $0x0  }
0x371: {  	s3 =	rddreg [dreg:$0x2];
	[bflag:$0x3] =	sbarrier.arrive $0xFFFF;
	s2 =	simm.s32 @!p0 $0x1C03  }
0x372: {  	[timem:s3], [sflag:s2] =	dma.local @!p0 [hbm:s0], s1  }
0x373: {  	s0 =	simm.s32 @!p0 $0x3  }
0x374: {  	_ =	swait.ge @!p0 [sflag:s0], s1  }
0x375: {  	s1 =	ssub.s32 @!p0 $0x0, s1;
	[sflag:s0] =	ssyncset.done @!p0 $0x0  }
0x376: {  	[sflag:s0] =	ssyncadd.s32 @!p0 s1  }
0x377: {  	[bflag:$0x3] =	sbarrier.arrive $0xFFFF  }
0x378: {  	_ =	shalt  }

</sc_bundles>
